<compile_context>
chip_gen: v7x
topology: tpu7x:2x2x1
jax: 0.10.2.dev20260603
libtpu: 0.0.44.dev20260713+nightly
codegen_flags: <defaults>
</compile_context>

<pallas_src>
import functools
import jax
import jax.numpy as jnp
from jax import lax
from jax.experimental import pallas as pl
from jax.experimental.pallas import tpu as pltpu
import jax.experimental.pallas.tpu_sc as plsc

H = 8
HP = 16
HID = 16
OUTC = 128
NG = 128
NC = 2
NS = 16
NW = NC * NS
C = 80
C2 = 32

f32 = jnp.float32


def _lrelu(v):
    return jnp.maximum(v, 0.2 * v)


def _elu(v):
    return jnp.where(v > 0, v, jnp.exp(v) - 1.0)


def _copy_shared_out(sh_ref, out_ref, c, s, N):
    nm = (N // NS) & ~7
    tail = N - NS * nm
    off = s * nm
    pltpu.sync_copy(sh_ref.at[pl.ds(off, nm)], out_ref.at[c, pl.ds(off, nm)])
    if tail:
        @pl.when(s == NS - 1)
        def _():
            pltpu.sync_copy(sh_ref.at[pl.ds(NS * nm, tail)],
                            out_ref.at[c, pl.ds(NS * nm, tail)])


def _k0_body(x_ref, w1_ref, a1s_ref, a1d_ref, h1p_ref, as1_ref, ad1_ref):
    h = jnp.dot(x_ref[...], w1_ref[...], preferred_element_type=f32)
    h1p_ref[...] = h
    as1_ref[...] = jnp.dot(h, a1s_ref[...], preferred_element_type=f32)
    ad1_ref[...] = jnp.dot(h, a1d_ref[...], preferred_element_type=f32)


def _k1_body(s1_ref, d1_ref, h1p_ref, as1_ref, ad1_ref, b1_ref, w2_ref,
             ws2_ref, wd2_ref, rep_ref, h2p_ref, as2_ref, ad2_ref):
    wl1 = jnp.exp(_lrelu((as1_ref[...] + ad1_ref[...])[:, :H]))
    den8 = d1_ref[0][:, :H] + d1_ref[1][:, :H] + wl1
    den = jnp.dot(den8, rep_ref[...], preferred_element_type=f32)
    num = s1_ref[0] + s1_ref[1] + jnp.dot(
        wl1, rep_ref[...], preferred_element_type=f32) * h1p_ref[...]
    h1 = _elu(num / den + b1_ref[...])
    h2p_ref[...] = jnp.dot(h1, w2_ref[...], preferred_element_type=f32)
    as2_ref[...] = jnp.dot(h1, ws2_ref[...], preferred_element_type=f32)
    ad2_ref[...] = jnp.dot(h1, wd2_ref[...], preferred_element_type=f32)


def _k2_body(as2_ref, ad2_ref, d2_ref, dt_ref):
    wl2 = jnp.exp(_lrelu(as2_ref[...] + ad2_ref[...]))
    dsum = d2_ref[0] + d2_ref[1]
    pad = jnp.zeros((dsum.shape[0], wl2.shape[1] - HP), f32)
    dt_ref[...] = wl2 + jnp.concatenate([dsum, pad], axis=1)


def _k3_body(s2_ref, h2p_ref, as2_ref, ad2_ref, dt_ref, b2_ref, batch_ref,
             rep2_ref, sum2_ref, out_ref, cnt_ref):
    i = pl.program_id(0)
    wl2 = jnp.exp(_lrelu((as2_ref[...] + ad2_ref[...])[:, :H]))
    coef = wl2 / (8.0 * dt_ref[...][:, :H])
    scaled = h2p_ref[...] * jnp.dot(coef, rep2_ref[...],
                                    preferred_element_type=f32)
    self2 = jnp.dot(scaled, sum2_ref[...], preferred_element_type=f32)
    hout = _elu(s2_ref[0] + s2_ref[1] + self2 + b2_ref[...])
    bm = batch_ref[0]
    g = lax.broadcasted_iota(jnp.int32, (NG, bm.shape[1]), 0)
    oh = (bm == g).astype(f32)
    part = jnp.dot(oh, hout, preferred_element_type=f32)
    pc = jnp.sum(oh, axis=1, keepdims=True)

    @pl.when(i == 0)
    def _():
        out_ref[...] = jnp.zeros_like(out_ref)
        cnt_ref[...] = jnp.zeros_like(cnt_ref)

    out_ref[...] += part
    cnt_ref[...] += jnp.broadcast_to(pc, cnt_ref.shape)

    @pl.when(i == pl.num_programs(0) - 1)
    def _():
        out_ref[...] = out_ref[...] / jnp.maximum(cnt_ref[...], 1.0)


def _sc_att_body(N, E, src_ref, dst_ref, as2_ref, ad2_ref, z16_ref, d2_out,
                 w2_out, idx_s, idx_d, asb, adb, wb, den_sh, sem0, sem1):
    c = lax.axis_index("c")
    s = lax.axis_index("s")
    wid = c * NS + s
    epw = E // NW

    @pl.when(s == 0)
    def _():
        pltpu.sync_copy(z16_ref, den_sh)

    plsc.subcore_barrier()

    base0 = wid * epw

    def chunk(i, carry):
        be = base0 + i * C
        pltpu.sync_copy(src_ref.at[pl.ds(be, C)], idx_s)
        pltpu.sync_copy(dst_ref.at[pl.ds(be, C)], idx_d)
        cp0 = pltpu.async_copy(as2_ref.at[idx_s], asb, sem0)
        cp1 = pltpu.async_copy(ad2_ref.at[idx_d], adb, sem1)
        cp0.wait()
        cp1.wait()

        @plsc.parallel_loop(0, C, unroll=4)
        def eloop(cc):
            e = asb[cc, pl.ds(0, HP)] + adb[cc, pl.ds(0, HP)]
            wb[cc, :] = jnp.exp(jnp.maximum(e, 0.2 * e))

        pltpu.sync_copy(wb, den_sh.at[idx_d], add=True)
        pltpu.sync_copy(wb, w2_out.at[pl.ds(be, C)])
        return carry

    lax.fori_loop(0, epw // C, chunk, 0)

    plsc.subcore_barrier()
    _copy_shared_out(den_sh, d2_out, c, s, N)


def _sc_agg1_body(N, E, src_ref, dst_ref, w1_ref, h1p_ref, z128_ref,
                  s1_out, idx_s, idx_d, wb, hb, mb, agg_sh, sem0):
    c = lax.axis_index("c")
    s = lax.axis_index("s")
    wid = c * NS + s
    epw = E // NW

    @pl.when(s == 0)
    def _():
        pltpu.sync_copy(z128_ref, agg_sh)

    plsc.subcore_barrier()

    base0 = wid * epw

    def chunk(i, carry):
        be = base0 + i * C
        pltpu.sync_copy(src_ref.at[pl.ds(be, C)], idx_s)
        pltpu.sync_copy(dst_ref.at[pl.ds(be, C)], idx_d)
        pltpu.sync_copy(w1_ref.at[pl.ds(be, C)], wb)
        cp0 = pltpu.async_copy(h1p_ref.at[idx_s], hb, sem0)
        cp0.wait()

        @plsc.parallel_loop(0, C, unroll=2)
        def mloop(cc):
            wrow = wb[cc, :]
            for hh in range(H):
                mb[cc, pl.ds(hh * HID, HID)] = (
                    wrow[hh] * hb[cc, pl.ds(hh * HID, HID)])

        pltpu.sync_copy(mb, agg_sh.at[idx_d], add=True)
        return carry

    lax.fori_loop(0, epw // C, chunk, 0)

    plsc.subcore_barrier()
    _copy_shared_out(agg_sh, s1_out, c, s, N)


def _sc_agg2_body(N, E, src_ref, dst_ref, w2_ref, dt_ref, h2p_ref,
                  z128_ref, s2_out, idx_s, idx_d, bb, dtb, hb, yb, agg_sh,
                  sem0, sem1):
    c = lax.axis_index("c")
    s = lax.axis_index("s")
    wid = c * NS + s
    epw = E // NW

    @pl.when(s == 0)
    def _():
        pltpu.sync_copy(z128_ref, agg_sh)

    plsc.subcore_barrier()

    base0 = wid * epw

    def do_chunk(be, sz):
        isl = idx_s.at[pl.ds(0, sz)]
        idl = idx_d.at[pl.ds(0, sz)]
        pltpu.sync_copy(src_ref.at[pl.ds(be, sz)], isl)
        pltpu.sync_copy(dst_ref.at[pl.ds(be, sz)], idl)
        pltpu.sync_copy(w2_ref.at[pl.ds(be, sz)], bb.at[pl.ds(0, sz)])
        cp0 = pltpu.async_copy(dt_ref.at[idl], dtb.at[pl.ds(0, sz)], sem1)
        cp1 = pltpu.async_copy(h2p_ref.at[isl], hb.at[pl.ds(0, sz)], sem0)
        cp0.wait()
        cp1.wait()

        @plsc.parallel_loop(0, sz, unroll=2)
        def yloop(cc):
            brow = bb[cc, :] / (8.0 * dtb[cc, pl.ds(0, HP)])
            bs = [brow[hh] for hh in range(H)]
            for j in range(H):
                acc = bs[0] * hb[cc, pl.ds(j * 16, 16)]
                for hh in range(1, H):
                    acc = acc + bs[hh] * hb[cc, pl.ds(hh * OUTC + j * 16, 16)]
                yb[cc, pl.ds(j * 16, 16)] = acc

        pltpu.sync_copy(yb.at[pl.ds(0, sz)], agg_sh.at[idl], add=True)

    nfull = epw // C2
    rem = epw - nfull * C2

    def chunk(i, carry):
        do_chunk(base0 + i * C2, C2)
        return carry

    lax.fori_loop(0, nfull, chunk, 0)
    if rem:
        do_chunk(base0 + nfull * C2, rem)

    plsc.subcore_barrier()
    _copy_shared_out(agg_sh, s2_out, c, s, N)


def kernel(x, edge_index, batch, W1, a_src1, a_dst1, b1, W2, a_src2, a_dst2,
           b2):
    N, IN = x.shape
    E = edge_index.shape[1]
    F1 = H * HID
    F2 = H * OUTC
    assert E % (NW * C) == 0 and N % NS == 0

    src = edge_index[0].astype(jnp.int32)
    dst = edge_index[1].astype(jnp.int32)

    FW = 128

    def padh(m):
        return jnp.pad(m, ((0, 0), (0, FW - H)))

    A1s = padh((jnp.eye(H, dtype=f32)[:, None, :] *
                a_src1[:, :, None]).reshape(F1, H))
    A1d = padh((jnp.eye(H, dtype=f32)[:, None, :] *
                a_dst1[:, :, None]).reshape(F1, H))
    W2r = W2.reshape(F1, H, OUTC)
    Ws2 = padh(jnp.einsum('khj,hj->kh', W2r, a_src2))
    Wd2 = padh(jnp.einsum('khj,hj->kh', W2r, a_dst2))
    hh = jnp.arange(H, dtype=jnp.int32)
    REP = (hh[:, None] == (jnp.arange(F1) // HID)[None, :]).astype(f32)
    REP2 = (hh[:, None] == (jnp.arange(F2) // OUTC)[None, :]).astype(f32)
    SUM2 = ((jnp.arange(F2) % OUTC)[:, None] ==
            jnp.arange(OUTC)[None, :]).astype(f32)
    b1m = b1.reshape(1, F1)
    b2m = b2.reshape(1, OUTC)
    z16 = jnp.zeros((N, HP), f32)
    z128 = jnp.zeros((N, OUTC), f32)

    BN = 1000
    GB = N // BN
    batch3 = batch.astype(jnp.int32).reshape(GB, 1, BN)

    h1p, as1, ad1 = pl.pallas_call(
        _k0_body,
        grid=(GB,),
        in_specs=[
            pl.BlockSpec((BN, IN), lambda i: (i, 0)),
            pl.BlockSpec((IN, F1), lambda i: (0, 0)),
            pl.BlockSpec((F1, FW), lambda i: (0, 0)),
            pl.BlockSpec((F1, FW), lambda i: (0, 0)),
        ],
        out_specs=[
            pl.BlockSpec((BN, F1), lambda i: (i, 0)),
            pl.BlockSpec((BN, FW), lambda i: (i, 0)),
            pl.BlockSpec((BN, FW), lambda i: (i, 0)),
        ],
        out_shape=[
            jax.ShapeDtypeStruct((N, F1), f32),
            jax.ShapeDtypeStruct((N, FW), f32),
            jax.ShapeDtypeStruct((N, FW), f32),
        ],
    )(x, W1, A1s, A1d)

    mesh = plsc.VectorSubcoreMesh(core_axis_name="c", subcore_axis_name="s")
    att_scratch = [
        pltpu.VMEM((C,), jnp.int32),
        pltpu.VMEM((C,), jnp.int32),
        pltpu.VMEM((C, FW), f32),
        pltpu.VMEM((C, FW), f32),
        pltpu.VMEM((C, HP), f32),
        pltpu.VMEM_SHARED((N, HP), f32),
        pltpu.SemaphoreType.DMA,
        pltpu.SemaphoreType.DMA,
    ]
    att_out = [
        jax.ShapeDtypeStruct((NC, N, HP), f32),
        jax.ShapeDtypeStruct((E, HP), f32),
    ]
    d1, w1 = pl.kernel(
        functools.partial(_sc_att_body, N, E),
        out_type=att_out,
        mesh=mesh,
        scratch_types=att_scratch,
    )(src, dst, as1, ad1, z16)

    s1 = pl.kernel(
        functools.partial(_sc_agg1_body, N, E),
        out_type=jax.ShapeDtypeStruct((NC, N, F1), f32),
        mesh=mesh,
        scratch_types=[
            pltpu.VMEM((C,), jnp.int32),
            pltpu.VMEM((C,), jnp.int32),
            pltpu.VMEM((C, HP), f32),
            pltpu.VMEM((C, F1), f32),
            pltpu.VMEM((C, F1), f32),
            pltpu.VMEM_SHARED((N, F1), f32),
            pltpu.SemaphoreType.DMA,
        ],
    )(src, dst, w1, h1p, z128)

    h2p, as2, ad2 = pl.pallas_call(
        _k1_body,
        grid=(GB,),
        in_specs=[
            pl.BlockSpec((NC, BN, F1), lambda i: (0, i, 0)),
            pl.BlockSpec((NC, BN, HP), lambda i: (0, i, 0)),
            pl.BlockSpec((BN, F1), lambda i: (i, 0)),
            pl.BlockSpec((BN, FW), lambda i: (i, 0)),
            pl.BlockSpec((BN, FW), lambda i: (i, 0)),
            pl.BlockSpec((1, F1), lambda i: (0, 0)),
            pl.BlockSpec((F1, F2), lambda i: (0, 0)),
            pl.BlockSpec((F1, FW), lambda i: (0, 0)),
            pl.BlockSpec((F1, FW), lambda i: (0, 0)),
            pl.BlockSpec((H, F1), lambda i: (0, 0)),
        ],
        out_specs=[
            pl.BlockSpec((BN, F2), lambda i: (i, 0)),
            pl.BlockSpec((BN, FW), lambda i: (i, 0)),
            pl.BlockSpec((BN, FW), lambda i: (i, 0)),
        ],
        out_shape=[
            jax.ShapeDtypeStruct((N, F2), f32),
            jax.ShapeDtypeStruct((N, FW), f32),
            jax.ShapeDtypeStruct((N, FW), f32),
        ],
    )(s1, d1, h1p, as1, ad1, b1m, W2, Ws2, Wd2, REP)

    d2, w2 = pl.kernel(
        functools.partial(_sc_att_body, N, E),
        out_type=att_out,
        mesh=mesh,
        scratch_types=att_scratch,
    )(src, dst, as2, ad2, z16)

    dt = pl.pallas_call(
        _k2_body,
        out_shape=jax.ShapeDtypeStruct((N, FW), f32),
    )(as2, ad2, d2)

    s2 = pl.kernel(
        functools.partial(_sc_agg2_body, N, E),
        out_type=jax.ShapeDtypeStruct((NC, N, OUTC), f32),
        mesh=mesh,
        scratch_types=[
            pltpu.VMEM((C2,), jnp.int32),
            pltpu.VMEM((C2,), jnp.int32),
            pltpu.VMEM((C2, HP), f32),
            pltpu.VMEM((C2, FW), f32),
            pltpu.VMEM((C2, F2), f32),
            pltpu.VMEM((C2, OUTC), f32),
            pltpu.VMEM_SHARED((N, OUTC), f32),
            pltpu.SemaphoreType.DMA,
            pltpu.SemaphoreType.DMA,
        ],
    )(src, dst, w2, dt, h2p, z128)

    out = pl.pallas_call(
        _k3_body,
        grid=(GB,),
        in_specs=[
            pl.BlockSpec((NC, BN, OUTC), lambda i: (0, i, 0)),
            pl.BlockSpec((BN, F2), lambda i: (i, 0)),
            pl.BlockSpec((BN, FW), lambda i: (i, 0)),
            pl.BlockSpec((BN, FW), lambda i: (i, 0)),
            pl.BlockSpec((BN, FW), lambda i: (i, 0)),
            pl.BlockSpec((1, OUTC), lambda i: (0, 0)),
            pl.BlockSpec((1, 1, BN), lambda i: (i, 0, 0)),
            pl.BlockSpec((H, F2), lambda i: (0, 0)),
            pl.BlockSpec((F2, OUTC), lambda i: (0, 0)),
        ],
        out_specs=pl.BlockSpec((NG, OUTC), lambda i: (0, 0)),
        out_shape=jax.ShapeDtypeStruct((NG, OUTC), f32),
        scratch_shapes=[pltpu.VMEM((NG, OUTC), f32)],
    )(s2, h2p, as2, ad2, dt, b2m, batch3, REP2, SUM2)

    return out

# --- scband reference (transcript-rebuilt; emitter-appended) ---
"""Pipeline reference for scband-gatencoder-47321949667561 (READ-ONLY COPY).

The authoritative reference and input builder live on the scoring server;
editing this copy changes nothing except your own understanding.
"""

import jax, jax.numpy as jnp
import numpy as np

HEADS = 8
N_NODES = 10000
NUM_GRAPHS = 128


def gat_conv(x, edge_index, W, a_src, a_dst, b, heads, out_dim, concat):
    N = x.shape[0]
    loops = jnp.arange(N, dtype=edge_index.dtype)
    src = jnp.concatenate([edge_index[0], loops])
    dst = jnp.concatenate([edge_index[1], loops])
    h = (x @ W).reshape(N, heads, out_dim)
    alpha_s = (h * a_src[None, :, :]).sum(-1)  # [N, H]
    alpha_d = (h * a_dst[None, :, :]).sum(-1)  # [N, H]
    e = alpha_s[src] + alpha_d[dst]            # [E, H]
    e = jax.nn.leaky_relu(e, 0.2)
    e_max = jax.ops.segment_max(e, dst, num_segments=N)
    e = jnp.exp(e - jax.lax.stop_gradient(e_max)[dst])
    denom = jax.ops.segment_sum(e, dst, num_segments=N)
    alpha = e / (denom[dst] + 1e-16)           # softmax over incoming edges per dst
    msg = h[src] * alpha[:, :, None]           # [E, H, C]
    out = jax.ops.segment_sum(msg, dst, num_segments=N)  # [N, H, C]
    if concat:
        out = out.reshape(N, heads * out_dim)
    else:
        out = out.mean(axis=1)
    return out + b


def global_mean_pool(x, batch, num_graphs):
    s = jax.ops.segment_sum(x, batch, num_segments=num_graphs)
    cnt = jax.ops.segment_sum(jnp.ones((x.shape[0], 1), dtype=x.dtype), batch, num_segments=num_graphs)
    return s / jnp.maximum(cnt, 1.0)


def setup_inputs(seed: int = 0) -> dict:
    key = jax.random.key(seed)
    ks = jax.random.split(key, 12)
    in_ch, hid, out_ch = 128, 16, 128
    N, E = N_NODES, 320000
    x = jax.random.normal(ks[0], (N, in_ch), dtype=jnp.float32)
    edge_index = jax.random.randint(ks[1], (2, E), 0, N, dtype=jnp.int64)
    batch = jnp.sort(jax.random.randint(ks[2], (N,), 0, NUM_GRAPHS, dtype=jnp.int64))
    def glorot(k, shape, fan_in):
        return jax.random.normal(k, shape, dtype=jnp.float32) * (1.0 / np.sqrt(fan_in))
    W1 = glorot(ks[3], (in_ch, HEADS * hid), in_ch)
    a_src1 = glorot(ks[4], (HEADS, hid), hid)
    a_dst1 = glorot(ks[5], (HEADS, hid), hid)
    b1 = jnp.zeros((HEADS * hid,), dtype=jnp.float32)
    W2 = glorot(ks[6], (HEADS * hid, HEADS * out_ch), HEADS * hid)
    a_src2 = glorot(ks[7], (HEADS, out_ch), out_ch)
    a_dst2 = glorot(ks[8], (HEADS, out_ch), out_ch)
    b2 = jnp.zeros((out_ch,), dtype=jnp.float32)
    return {"x": x, "edge_index": edge_index, "batch": batch,
            "W1": W1, "a_src1": a_src1, "a_dst1": a_dst1, "b1": b1,
            "W2": W2, "a_src2": a_src2, "a_dst2": a_dst2, "b2": b2}


def reference(x, edge_index, batch, W1, a_src1, a_dst1, b1, W2, a_src2, a_dst2, b2):
    hid, out_ch = 16, 128
    h = gat_conv(x, edge_index, W1, a_src1, a_dst1, b1, HEADS, hid, True)
    h = jax.nn.elu(h)
    h = gat_conv(h, edge_index, W2, a_src2, a_dst2, b2, HEADS, out_ch, False)
    h = jax.nn.elu(h)
    return global_mean_pool(h, batch, NUM_GRAPHS)

if __name__ == "__main__":
    import jax
    _d = setup_inputs()
    print(jax.jit(kernel)(*tuple(_d.values())))

</pallas_src>

<mosaic_0001>
#map = affine_map<(d0, d1) -> (0)>
#map1 = affine_map<(d0, d1) -> (0, 0)>
#map2 = affine_map<(d0, d1) -> (0, 0, 0)>
module attributes {stable_mosaic.version = 14 : i64} {
  func.func @_sc_att_body(%arg0: i32, %arg1: i32, %arg2: memref<320000xi32, #tpu.memory_space<hbm>>, %arg3: memref<320000xi32, #tpu.memory_space<hbm>>, %arg4: memref<10000x128xf32, #tpu.memory_space<hbm>>, %arg5: memref<10000x128xf32, #tpu.memory_space<hbm>>, %arg6: memref<10000x16xf32, #tpu.memory_space<hbm>>, %arg7: memref<2x10000x16xf32, #tpu.memory_space<hbm>>, %arg8: memref<320000x16xf32, #tpu.memory_space<hbm>>, %arg9: memref<80xi32, #tpu.memory_space<vmem>>, %arg10: memref<80xi32, #tpu.memory_space<vmem>>, %arg11: memref<80x128xf32, #tpu.memory_space<vmem>>, %arg12: memref<80x128xf32, #tpu.memory_space<vmem>>, %arg13: memref<80x16xf32, #tpu.memory_space<vmem>>, %arg14: memref<10000x16xf32, #tpu.memory_space<vmem_shared>>, %arg15: memref<!tpu.dma_semaphore, #tpu.memory_space<semaphore_mem>>, %arg16: memref<!tpu.dma_semaphore, #tpu.memory_space<semaphore_mem>>) attributes {dimension_semantics = [#tpu.dimension_semantics<core_parallel>, #tpu.dimension_semantics<subcore_parallel>], iteration_bounds = array<i64: 2, 16>, scalar_prefetch = 0 : i64, scratch_operands = 8 : i64, tpu.core_type = #tpu.core_type<sc_vector_subcore>, window_params = [{transform_indices = #map}, {transform_indices = #map}, {transform_indices = #map1}, {transform_indices = #map1}, {transform_indices = #map1}, {transform_indices = #map2}, {transform_indices = #map1}]} {
    %mul3A = arith.constant 16 : i32
    %mul3A_0 = arith.muli %arg0, %mul3A : i32
    %add3A = arith.addi %mul3A_0, %arg1 : i32
    %eq3A = arith.constant 0 : i32
    %eq3A_1 = arith.cmpi eq, %arg1, %eq3A : i32
    %convert_element_type3A = arith.extui %eq3A_1 : i1 to i32
    %cond3A = arith.constant 0 : i32
    %cond3A_2 = arith.cmpi ne, %convert_element_type3A, %cond3A : i32
    scf.if %cond3A_2 {
      "tpu.region"() ({
        %run_scoped3A = tpu.sem_alloc : memref<!tpu.dma_semaphore, #tpu.memory_space<semaphore_mem>>
        tpu.enqueue_dma source(%arg6 : memref<10000x16xf32, #tpu.memory_space<hbm>>) target(%arg14 : memref<10000x16xf32, #tpu.memory_space<vmem_shared>>) target_semaphore(%run_scoped3A : memref<!tpu.dma_semaphore, #tpu.memory_space<semaphore_mem>>)
        tpu.wait_dma2 semaphore(%run_scoped3A : memref<!tpu.dma_semaphore, #tpu.memory_space<semaphore_mem>>) src(%arg6 : memref<10000x16xf32, #tpu.memory_space<hbm>>) dst(%arg14 : memref<10000x16xf32, #tpu.memory_space<vmem_shared>>)
        tpu.yield
      }) : () -> ()
    } else {
    }
    %barrier3A = arith.constant 0 : index
    tpu.barrier barrier_id(%barrier3A)
    %mul3A_3 = arith.constant 10000 : i32
    %mul3A_4 = arith.muli %add3A, %mul3A_3 : i32
    %scan3A = arith.constant 0 : i32
    %scan3A_5 = arith.constant 0 : i32
    %scan3A_6 = arith.constant 125 : i32
    %scan3A_7 = arith.addi %scan3A_5, %scan3A_6 : i32
    %scan3A_8 = arith.constant 1 : i32
    scf.for %scan3A_18 = %scan3A_5 to %scan3A_7 step %scan3A_8  : i32 {
      %mul3A_19 = arith.constant 80 : i32
      %mul3A_20 = arith.muli %scan3A_18, %mul3A_19 : i32
      %add3A_21 = arith.addi %mul3A_4, %mul3A_20 : i32
      "tpu.region"() ({
        %run_scoped3A = tpu.sem_alloc : memref<!tpu.dma_semaphore, #tpu.memory_space<semaphore_mem>>
        %dma_start3A_34 = tpu.memref_slice %arg2[%add3A_21] : memref<320000xi32, #tpu.memory_space<hbm>> -> memref<80xi32, #tpu.memory_space<hbm>>
        %dma_start3A_35 = tpu.memref_slice %arg2[%add3A_21] : memref<320000xi32, #tpu.memory_space<hbm>> -> memref<80xi32, #tpu.memory_space<hbm>>
        tpu.enqueue_dma source(%dma_start3A_35 : memref<80xi32, #tpu.memory_space<hbm>>) target(%arg9 : memref<80xi32, #tpu.memory_space<vmem>>) target_semaphore(%run_scoped3A : memref<!tpu.dma_semaphore, #tpu.memory_space<semaphore_mem>>)
        %dma_wait3A_36 = tpu.memref_slice %arg2[%add3A_21] : memref<320000xi32, #tpu.memory_space<hbm>> -> memref<80xi32, #tpu.memory_space<hbm>>
        %dma_wait3A_37 = tpu.memref_slice %arg2[%add3A_21] : memref<320000xi32, #tpu.memory_space<hbm>> -> memref<80xi32, #tpu.memory_space<hbm>>
        tpu.wait_dma2 semaphore(%run_scoped3A : memref<!tpu.dma_semaphore, #tpu.memory_space<semaphore_mem>>) src(%dma_wait3A_37 : memref<80xi32, #tpu.memory_space<hbm>>) dst(%arg9 : memref<80xi32, #tpu.memory_space<vmem>>)
        tpu.yield
      }) : () -> ()
      "tpu.region"() ({
        %run_scoped3A = tpu.sem_alloc : memref<!tpu.dma_semaphore, #tpu.memory_space<semaphore_mem>>
        %dma_start3A_34 = tpu.memref_slice %arg3[%add3A_21] : memref<320000xi32, #tpu.memory_space<hbm>> -> memref<80xi32, #tpu.memory_space<hbm>>
        %dma_start3A_35 = tpu.memref_slice %arg3[%add3A_21] : memref<320000xi32, #tpu.memory_space<hbm>> -> memref<80xi32, #tpu.memory_space<hbm>>
        tpu.enqueue_dma source(%dma_start3A_35 : memref<80xi32, #tpu.memory_space<hbm>>) target(%arg10 : memref<80xi32, #tpu.memory_space<vmem>>) target_semaphore(%run_scoped3A : memref<!tpu.dma_semaphore, #tpu.memory_space<semaphore_mem>>)
        %dma_wait3A_36 = tpu.memref_slice %arg3[%add3A_21] : memref<320000xi32, #tpu.memory_space<hbm>> -> memref<80xi32, #tpu.memory_space<hbm>>
        %dma_wait3A_37 = tpu.memref_slice %arg3[%add3A_21] : memref<320000xi32, #tpu.memory_space<hbm>> -> memref<80xi32, #tpu.memory_space<hbm>>
        tpu.wait_dma2 semaphore(%run_scoped3A : memref<!tpu.dma_semaphore, #tpu.memory_space<semaphore_mem>>) src(%dma_wait3A_37 : memref<80xi32, #tpu.memory_space<hbm>>) dst(%arg10 : memref<80xi32, #tpu.memory_space<vmem>>)
        tpu.yield
      }) : () -> ()
      %dma_start3A = arith.constant 0 : i32
      %dma_start3A_22 = arith.constant 0 : i32
      %dma_start3A_23 = tpu.memref_slice %arg4[%dma_start3A, %dma_start3A_22] : memref<10000x128xf32, #tpu.memory_space<hbm>> -> memref<10000x128xf32, #tpu.memory_space<hbm>>
      tpu.enqueue_indirect_dma source(%dma_start3A_23 : memref<10000x128xf32, #tpu.memory_space<hbm>>) target(%arg11 : memref<80x128xf32, #tpu.memory_space<vmem>>) offsets(%arg9 : memref<80xi32, #tpu.memory_space<vmem>>) semaphore(%arg15 : memref<!tpu.dma_semaphore, #tpu.memory_space<semaphore_mem>>)
      %dma_start3A_24 = arith.constant 0 : i32
      %dma_start3A_25 = arith.constant 0 : i32
      %dma_start3A_26 = tpu.memref_slice %arg5[%dma_start3A_24, %dma_start3A_25] : memref<10000x128xf32, #tpu.memory_space<hbm>> -> memref<10000x128xf32, #tpu.memory_space<hbm>>
      tpu.enqueue_indirect_dma source(%dma_start3A_26 : memref<10000x128xf32, #tpu.memory_space<hbm>>) target(%arg12 : memref<80x128xf32, #tpu.memory_space<vmem>>) offsets(%arg10 : memref<80xi32, #tpu.memory_space<vmem>>) semaphore(%arg16 : memref<!tpu.dma_semaphore, #tpu.memory_space<semaphore_mem>>)
      %dma_wait3A = arith.constant 0 : i32
      %dma_wait3A_27 = arith.constant 0 : i32
      %dma_wait3A_28 = tpu.memref_slice %arg4[%dma_wait3A, %dma_wait3A_27] : memref<10000x128xf32, #tpu.memory_space<hbm>> -> memref<10000x128xf32, #tpu.memory_space<hbm>>
      tpu.wait_indirect_dma semaphore(%arg15 : memref<!tpu.dma_semaphore, #tpu.memory_space<semaphore_mem>>) src(%dma_wait3A_28 : memref<10000x128xf32, #tpu.memory_space<hbm>>) dst(%arg11 : memref<80x128xf32, #tpu.memory_space<vmem>>)
      %dma_wait3A_29 = arith.constant 0 : i32
      %dma_wait3A_30 = arith.constant 0 : i32
      %dma_wait3A_31 = tpu.memref_slice %arg5[%dma_wait3A_29, %dma_wait3A_30] : memref<10000x128xf32, #tpu.memory_space<hbm>> -> memref<10000x128xf32, #tpu.memory_space<hbm>>
      tpu.wait_indirect_dma semaphore(%arg16 : memref<!tpu.dma_semaphore, #tpu.memory_space<semaphore_mem>>) src(%dma_wait3A_31 : memref<10000x128xf32, #tpu.memory_space<hbm>>) dst(%arg12 : memref<80x128xf32, #tpu.memory_space<vmem>>)
      %parallel_loop3A = arith.constant 0 : i32
      %parallel_loop3A_32 = arith.constant 80 : i32
      %parallel_loop3A_33 = arith.constant 1 : i32
      scf.for %parallel_loop3A_34 = %parallel_loop3A to %parallel_loop3A_32 step %parallel_loop3A_33  : i32 {
        %parallel_loop3A_35 = arith.index_cast %parallel_loop3A_34 : i32 to index
        %parallel_loop3A_36 = arith.constant 0 : index
        %parallel_loop3A_37 = tpu.vector_load %arg11[%parallel_loop3A_35, %parallel_loop3A_36] {strides = array<i32>} : memref<80x128xf32, #tpu.memory_space<vmem>>, vector<1x16xf32>,
        %parallel_loop3A_38 = vector.shape_cast %parallel_loop3A_37 : vector<1x16xf32> to vector<16xf32>
        %parallel_loop3A_39 = arith.index_cast %parallel_loop3A_34 : i32 to index
        %parallel_loop3A_40 = arith.constant 0 : index
        %parallel_loop3A_41 = tpu.vector_load %arg12[%parallel_loop3A_39, %parallel_loop3A_40] {strides = array<i32>} : memref<80x128xf32, #tpu.memory_space<vmem>>, vector<1x16xf32>,
        %parallel_loop3A_42 = vector.shape_cast %parallel_loop3A_41 : vector<1x16xf32> to vector<16xf32>
        %parallel_loop3A_43 = arith.addf %parallel_loop3A_38, %parallel_loop3A_42 : vector<16xf32>
        %parallel_loop3A_44 = arith.constant 2.000000e-01 : f32
        %parallel_loop3A_45 = vector.broadcast %parallel_loop3A_44 : f32 to vector<16xf32>
        %parallel_loop3A_46 = arith.mulf %parallel_loop3A_45, %parallel_loop3A_43 : vector<16xf32>
        %parallel_loop3A_47 = arith.maximumf %parallel_loop3A_43, %parallel_loop3A_46 : vector<16xf32>
        %parallel_loop3A_48 = math.exp %parallel_loop3A_47 : vector<16xf32>
        %parallel_loop3A_49 = arith.index_cast %parallel_loop3A_34 : i32 to index
        %parallel_loop3A_50 = arith.constant 0 : index
        %parallel_loop3A_51 = tpu.vector_load %arg13[%parallel_loop3A_49, %parallel_loop3A_50] {strides = array<i32>} : memref<80x16xf32, #tpu.memory_space<vmem>>, vector<1x16xf32>,
        %parallel_loop3A_52 = vector.shape_cast %parallel_loop3A_51 : vector<1x16xf32> to vector<16xf32>
        %parallel_loop3A_53 = vector.shape_cast %parallel_loop3A_48 : vector<16xf32> to vector<1x16xf32>
        tpu.vector_store %arg13[%parallel_loop3A_49, %parallel_loop3A_50], %parallel_loop3A_53 {strides = array<i32>} : memref<80x16xf32, #tpu.memory_space<vmem>>, vector<1x16xf32>,
      } {sc.loop_unroll_factor = 4 : i64, sc.parallel_access}
      "tpu.region"() ({
        %run_scoped3A = tpu.sem_alloc : memref<!tpu.dma_semaphore, #tpu.memory_space<semaphore_mem>>
        %dma_start3A_34 = arith.constant 0 : i32
        %dma_start3A_35 = arith.constant 0 : i32
        %dma_start3A_36 = tpu.memref_slice %arg14[%dma_start3A_34, %dma_start3A_35] : memref<10000x16xf32, #tpu.memory_space<vmem_shared>> -> memref<10000x16xf32, #tpu.memory_space<vmem_shared>>
        tpu.enqueue_indirect_dma source(%arg13 : memref<80x16xf32, #tpu.memory_space<vmem>>) target(%dma_start3A_36 : memref<10000x16xf32, #tpu.memory_space<vmem_shared>>) offsets(%arg10 : memref<80xi32, #tpu.memory_space<vmem>>) semaphore(%run_scoped3A : memref<!tpu.dma_semaphore, #tpu.memory_space<semaphore_mem>>) {add = true}
        %dma_wait3A_37 = arith.constant 0 : i32
        %dma_wait3A_38 = arith.constant 0 : i32
        %dma_wait3A_39 = tpu.memref_slice %arg14[%dma_wait3A_37, %dma_wait3A_38] : memref<10000x16xf32, #tpu.memory_space<vmem_shared>> -> memref<10000x16xf32, #tpu.memory_space<vmem_shared>>
        tpu.wait_indirect_dma semaphore(%run_scoped3A : memref<!tpu.dma_semaphore, #tpu.memory_space<semaphore_mem>>) src(%arg13 : memref<80x16xf32, #tpu.memory_space<vmem>>) dst(%dma_wait3A_39 : memref<10000x16xf32, #tpu.memory_space<vmem_shared>>)
        tpu.yield
      }) : () -> ()
      "tpu.region"() ({
        %run_scoped3A = tpu.sem_alloc : memref<!tpu.dma_semaphore, #tpu.memory_space<semaphore_mem>>
        %dma_start3A_34 = arith.constant 0 : i32
        %dma_start3A_35 = tpu.memref_slice %arg8[%add3A_21, %dma_start3A_34] : memref<320000x16xf32, #tpu.memory_space<hbm>> -> memref<80x16xf32, #tpu.memory_space<hbm>>
        %dma_start3A_36 = arith.constant 0 : i32
        %dma_start3A_37 = tpu.memref_slice %arg8[%add3A_21, %dma_start3A_36] : memref<320000x16xf32, #tpu.memory_space<hbm>> -> memref<80x16xf32, #tpu.memory_space<hbm>>
        tpu.enqueue_dma source(%arg13 : memref<80x16xf32, #tpu.memory_space<vmem>>) target(%dma_start3A_37 : memref<80x16xf32, #tpu.memory_space<hbm>>) target_semaphore(%run_scoped3A : memref<!tpu.dma_semaphore, #tpu.memory_space<semaphore_mem>>)
        %dma_wait3A_38 = arith.constant 0 : i32
        %dma_wait3A_39 = tpu.memref_slice %arg8[%add3A_21, %dma_wait3A_38] : memref<320000x16xf32, #tpu.memory_space<hbm>> -> memref<80x16xf32, #tpu.memory_space<hbm>>
        %dma_wait3A_40 = arith.constant 0 : i32
        %dma_wait3A_41 = tpu.memref_slice %arg8[%add3A_21, %dma_wait3A_40] : memref<320000x16xf32, #tpu.memory_space<hbm>> -> memref<80x16xf32, #tpu.memory_space<hbm>>
        tpu.wait_dma2 semaphore(%run_scoped3A : memref<!tpu.dma_semaphore, #tpu.memory_space<semaphore_mem>>) src(%arg13 : memref<80x16xf32, #tpu.memory_space<vmem>>) dst(%dma_wait3A_41 : memref<80x16xf32, #tpu.memory_space<hbm>>)
        tpu.yield
      }) : () -> ()
    }
    %scan3A_9 = arith.constant 125 : i32
    %barrier3A_10 = arith.constant 0 : index
    tpu.barrier barrier_id(%barrier3A_10)
    %mul3A_11 = arith.constant 624 : i32
    %mul3A_12 = arith.muli %arg1, %mul3A_11 : i32
    "tpu.region"() ({
      %run_scoped3A = tpu.sem_alloc : memref<!tpu.dma_semaphore, #tpu.memory_space<semaphore_mem>>
      %dma_start3A = arith.constant 0 : i32
      %dma_start3A_18 = tpu.memref_slice %arg7[%arg0, %mul3A_12, %dma_start3A] : memref<2x10000x16xf32, #tpu.memory_space<hbm>> -> memref<1x624x16xf32, #tpu.memory_space<hbm>>
      %dma_start3A_19 = tpu.memref_squeeze %dma_start3A_18 : memref<1x624x16xf32, #tpu.memory_space<hbm>> -> memref<624x16xf32, #tpu.memory_space<hbm>>
      %dma_start3A_20 = arith.constant 0 : i32
      %dma_start3A_21 = tpu.memref_slice %arg14[%mul3A_12, %dma_start3A_20] : memref<10000x16xf32, #tpu.memory_space<vmem_shared>> -> memref<624x16xf32, #tpu.memory_space<vmem_shared>>
      tpu.enqueue_dma source(%dma_start3A_21 : memref<624x16xf32, #tpu.memory_space<vmem_shared>>) target(%dma_start3A_19 : memref<624x16xf32, #tpu.memory_space<hbm>>) target_semaphore(%run_scoped3A : memref<!tpu.dma_semaphore, #tpu.memory_space<semaphore_mem>>)
      %dma_wait3A = arith.constant 0 : i32
      %dma_wait3A_22 = tpu.memref_slice %arg7[%arg0, %mul3A_12, %dma_wait3A] : memref<2x10000x16xf32, #tpu.memory_space<hbm>> -> memref<1x624x16xf32, #tpu.memory_space<hbm>>
      %dma_wait3A_23 = tpu.memref_squeeze %dma_wait3A_22 : memref<1x624x16xf32, #tpu.memory_space<hbm>> -> memref<624x16xf32, #tpu.memory_space<hbm>>
      %dma_wait3A_24 = arith.constant 0 : i32
      %dma_wait3A_25 = tpu.memref_slice %arg14[%mul3A_12, %dma_wait3A_24] : memref<10000x16xf32, #tpu.memory_space<vmem_shared>> -> memref<624x16xf32, #tpu.memory_space<vmem_shared>>
      tpu.wait_dma2 semaphore(%run_scoped3A : memref<!tpu.dma_semaphore, #tpu.memory_space<semaphore_mem>>) src(%dma_wait3A_25 : memref<624x16xf32, #tpu.memory_space<vmem_shared>>) dst(%dma_wait3A_23 : memref<624x16xf32, #tpu.memory_space<hbm>>)
      tpu.yield
    }) : () -> ()
    %eq3A_13 = arith.constant 15 : i32
    %eq3A_14 = arith.cmpi eq, %arg1, %eq3A_13 : i32
    %convert_element_type3A_15 = arith.extui %eq3A_14 : i1 to i32
    %cond3A_16 = arith.constant 0 : i32
    %cond3A_17 = arith.cmpi ne, %convert_element_type3A_15, %cond3A_16 : i32
    scf.if %cond3A_17 {
      "tpu.region"() ({
        %run_scoped3A = tpu.sem_alloc : memref<!tpu.dma_semaphore, #tpu.memory_space<semaphore_mem>>
        %dma_start3A = arith.constant 9984 : i32
        %dma_start3A_18 = arith.constant 0 : i32
        %dma_start3A_19 = tpu.memref_slice %arg7[%arg0, %dma_start3A, %dma_start3A_18] : memref<2x10000x16xf32, #tpu.memory_space<hbm>> -> memref<1x16x16xf32, #tpu.memory_space<hbm>>
        %dma_start3A_20 = tpu.memref_squeeze %dma_start3A_19 : memref<1x16x16xf32, #tpu.memory_space<hbm>> -> memref<16x16xf32, #tpu.memory_space<hbm>>
        %dma_start3A_21 = arith.constant 9984 : i32
        %dma_start3A_22 = arith.constant 0 : i32
        %dma_start3A_23 = tpu.memref_slice %arg14[%dma_start3A_21, %dma_start3A_22] : memref<10000x16xf32, #tpu.memory_space<vmem_shared>> -> memref<16x16xf32, #tpu.memory_space<vmem_shared>>
        tpu.enqueue_dma source(%dma_start3A_23 : memref<16x16xf32, #tpu.memory_space<vmem_shared>>) target(%dma_start3A_20 : memref<16x16xf32, #tpu.memory_space<hbm>>) target_semaphore(%run_scoped3A : memref<!tpu.dma_semaphore, #tpu.memory_space<semaphore_mem>>)
        %dma_wait3A = arith.constant 9984 : i32
        %dma_wait3A_24 = arith.constant 0 : i32
        %dma_wait3A_25 = tpu.memref_slice %arg7[%arg0, %dma_wait3A, %dma_wait3A_24] : memref<2x10000x16xf32, #tpu.memory_space<hbm>> -> memref<1x16x16xf32, #tpu.memory_space<hbm>>
        %dma_wait3A_26 = tpu.memref_squeeze %dma_wait3A_25 : memref<1x16x16xf32, #tpu.memory_space<hbm>> -> memref<16x16xf32, #tpu.memory_space<hbm>>
        %dma_wait3A_27 = arith.constant 9984 : i32
        %dma_wait3A_28 = arith.constant 0 : i32
        %dma_wait3A_29 = tpu.memref_slice %arg14[%dma_wait3A_27, %dma_wait3A_28] : memref<10000x16xf32, #tpu.memory_space<vmem_shared>> -> memref<16x16xf32, #tpu.memory_space<vmem_shared>>
        tpu.wait_dma2 semaphore(%run_scoped3A : memref<!tpu.dma_semaphore, #tpu.memory_space<semaphore_mem>>) src(%dma_wait3A_29 : memref<16x16xf32, #tpu.memory_space<vmem_shared>>) dst(%dma_wait3A_26 : memref<16x16xf32, #tpu.memory_space<hbm>>)
        tpu.yield
      }) : () -> ()
    } else {
    }
    return
  }
}

#map = affine_map<(d0, d1) -> (0)>
#map1 = affine_map<(d0, d1) -> (0, 0)>
#map2 = affine_map<(d0, d1) -> (0, 0, 0)>
module attributes {stable_mosaic.version = 14 : i64} {
  func.func @_sc_agg1_body(%arg0: i32, %arg1: i32, %arg2: memref<320000xi32, #tpu.memory_space<hbm>>, %arg3: memref<320000xi32, #tpu.memory_space<hbm>>, %arg4: memref<320000x16xf32, #tpu.memory_space<hbm>>, %arg5: memref<10000x128xf32, #tpu.memory_space<hbm>>, %arg6: memref<10000x128xf32, #tpu.memory_space<hbm>>, %arg7: memref<2x10000x128xf32, #tpu.memory_space<hbm>>, %arg8: memref<80xi32, #tpu.memory_space<vmem>>, %arg9: memref<80xi32, #tpu.memory_space<vmem>>, %arg10: memref<80x16xf32, #tpu.memory_space<vmem>>, %arg11: memref<80x128xf32, #tpu.memory_space<vmem>>, %arg12: memref<80x128xf32, #tpu.memory_space<vmem>>, %arg13: memref<10000x128xf32, #tpu.memory_space<vmem_shared>>, %arg14: memref<!tpu.dma_semaphore, #tpu.memory_space<semaphore_mem>>) attributes {dimension_semantics = [#tpu.dimension_semantics<core_parallel>, #tpu.dimension_semantics<subcore_parallel>], iteration_bounds = array<i64: 2, 16>, scalar_prefetch = 0 : i64, scratch_operands = 7 : i64, tpu.core_type = #tpu.core_type<sc_vector_subcore>, window_params = [{transform_indices = #map}, {transform_indices = #map}, {transform_indices = #map1}, {transform_indices = #map1}, {transform_indices = #map1}, {transform_indices = #map2}]} {
    %mul3A = arith.constant 16 : i32
    %mul3A_0 = arith.muli %arg0, %mul3A : i32
    %add3A = arith.addi %mul3A_0, %arg1 : i32
    %eq3A = arith.constant 0 : i32
    %eq3A_1 = arith.cmpi eq, %arg1, %eq3A : i32
    %convert_element_type3A = arith.extui %eq3A_1 : i1 to i32
    %cond3A = arith.constant 0 : i32
    %cond3A_2 = arith.cmpi ne, %convert_element_type3A, %cond3A : i32
    scf.if %cond3A_2 {
      "tpu.region"() ({
        %run_scoped3A = tpu.sem_alloc : memref<!tpu.dma_semaphore, #tpu.memory_space<semaphore_mem>>
        tpu.enqueue_dma source(%arg6 : memref<10000x128xf32, #tpu.memory_space<hbm>>) target(%arg13 : memref<10000x128xf32, #tpu.memory_space<vmem_shared>>) target_semaphore(%run_scoped3A : memref<!tpu.dma_semaphore, #tpu.memory_space<semaphore_mem>>)
        tpu.wait_dma2 semaphore(%run_scoped3A : memref<!tpu.dma_semaphore, #tpu.memory_space<semaphore_mem>>) src(%arg6 : memref<10000x128xf32, #tpu.memory_space<hbm>>) dst(%arg13 : memref<10000x128xf32, #tpu.memory_space<vmem_shared>>)
        tpu.yield
      }) : () -> ()
    } else {
    }
    %barrier3A = arith.constant 0 : index
    tpu.barrier barrier_id(%barrier3A)
    %mul3A_3 = arith.constant 10000 : i32
    %mul3A_4 = arith.muli %add3A, %mul3A_3 : i32
    %scan3A = arith.constant 0 : i32
    %scan3A_5 = arith.constant 0 : i32
    %scan3A_6 = arith.constant 125 : i32
    %scan3A_7 = arith.addi %scan3A_5, %scan3A_6 : i32
    %scan3A_8 = arith.constant 1 : i32
    scf.for %scan3A_18 = %scan3A_5 to %scan3A_7 step %scan3A_8  : i32 {
      %mul3A_19 = arith.constant 80 : i32
      %mul3A_20 = arith.muli %scan3A_18, %mul3A_19 : i32
      %add3A_21 = arith.addi %mul3A_4, %mul3A_20 : i32
      "tpu.region"() ({
        %run_scoped3A = tpu.sem_alloc : memref<!tpu.dma_semaphore, #tpu.memory_space<semaphore_mem>>
        %dma_start3A_28 = tpu.memref_slice %arg2[%add3A_21] : memref<320000xi32, #tpu.memory_space<hbm>> -> memref<80xi32, #tpu.memory_space<hbm>>
        %dma_start3A_29 = tpu.memref_slice %arg2[%add3A_21] : memref<320000xi32, #tpu.memory_space<hbm>> -> memref<80xi32, #tpu.memory_space<hbm>>
        tpu.enqueue_dma source(%dma_start3A_29 : memref<80xi32, #tpu.memory_space<hbm>>) target(%arg8 : memref<80xi32, #tpu.memory_space<vmem>>) target_semaphore(%run_scoped3A : memref<!tpu.dma_semaphore, #tpu.memory_space<semaphore_mem>>)
        %dma_wait3A_30 = tpu.memref_slice %arg2[%add3A_21] : memref<320000xi32, #tpu.memory_space<hbm>> -> memref<80xi32, #tpu.memory_space<hbm>>
        %dma_wait3A_31 = tpu.memref_slice %arg2[%add3A_21] : memref<320000xi32, #tpu.memory_space<hbm>> -> memref<80xi32, #tpu.memory_space<hbm>>
        tpu.wait_dma2 semaphore(%run_scoped3A : memref<!tpu.dma_semaphore, #tpu.memory_space<semaphore_mem>>) src(%dma_wait3A_31 : memref<80xi32, #tpu.memory_space<hbm>>) dst(%arg8 : memref<80xi32, #tpu.memory_space<vmem>>)
        tpu.yield
      }) : () -> ()
      "tpu.region"() ({
        %run_scoped3A = tpu.sem_alloc : memref<!tpu.dma_semaphore, #tpu.memory_space<semaphore_mem>>
        %dma_start3A_28 = tpu.memref_slice %arg3[%add3A_21] : memref<320000xi32, #tpu.memory_space<hbm>> -> memref<80xi32, #tpu.memory_space<hbm>>
        %dma_start3A_29 = tpu.memref_slice %arg3[%add3A_21] : memref<320000xi32, #tpu.memory_space<hbm>> -> memref<80xi32, #tpu.memory_space<hbm>>
        tpu.enqueue_dma source(%dma_start3A_29 : memref<80xi32, #tpu.memory_space<hbm>>) target(%arg9 : memref<80xi32, #tpu.memory_space<vmem>>) target_semaphore(%run_scoped3A : memref<!tpu.dma_semaphore, #tpu.memory_space<semaphore_mem>>)
        %dma_wait3A_30 = tpu.memref_slice %arg3[%add3A_21] : memref<320000xi32, #tpu.memory_space<hbm>> -> memref<80xi32, #tpu.memory_space<hbm>>
        %dma_wait3A_31 = tpu.memref_slice %arg3[%add3A_21] : memref<320000xi32, #tpu.memory_space<hbm>> -> memref<80xi32, #tpu.memory_space<hbm>>
        tpu.wait_dma2 semaphore(%run_scoped3A : memref<!tpu.dma_semaphore, #tpu.memory_space<semaphore_mem>>) src(%dma_wait3A_31 : memref<80xi32, #tpu.memory_space<hbm>>) dst(%arg9 : memref<80xi32, #tpu.memory_space<vmem>>)
        tpu.yield
      }) : () -> ()
      "tpu.region"() ({
        %run_scoped3A = tpu.sem_alloc : memref<!tpu.dma_semaphore, #tpu.memory_space<semaphore_mem>>
        %dma_start3A_28 = arith.constant 0 : i32
        %dma_start3A_29 = tpu.memref_slice %arg4[%add3A_21, %dma_start3A_28] : memref<320000x16xf32, #tpu.memory_space<hbm>> -> memref<80x16xf32, #tpu.memory_space<hbm>>
        %dma_start3A_30 = arith.constant 0 : i32
        %dma_start3A_31 = tpu.memref_slice %arg4[%add3A_21, %dma_start3A_30] : memref<320000x16xf32, #tpu.memory_space<hbm>> -> memref<80x16xf32, #tpu.memory_space<hbm>>
        tpu.enqueue_dma source(%dma_start3A_31 : memref<80x16xf32, #tpu.memory_space<hbm>>) target(%arg10 : memref<80x16xf32, #tpu.memory_space<vmem>>) target_semaphore(%run_scoped3A : memref<!tpu.dma_semaphore, #tpu.memory_space<semaphore_mem>>)
        %dma_wait3A_32 = arith.constant 0 : i32
        %dma_wait3A_33 = tpu.memref_slice %arg4[%add3A_21, %dma_wait3A_32] : memref<320000x16xf32, #tpu.memory_space<hbm>> -> memref<80x16xf32, #tpu.memory_space<hbm>>
        %dma_wait3A_34 = arith.constant 0 : i32
        %dma_wait3A_35 = tpu.memref_slice %arg4[%add3A_21, %dma_wait3A_34] : memref<320000x16xf32, #tpu.memory_space<hbm>> -> memref<80x16xf32, #tpu.memory_space<hbm>>
        tpu.wait_dma2 semaphore(%run_scoped3A : memref<!tpu.dma_semaphore, #tpu.memory_space<semaphore_mem>>) src(%dma_wait3A_35 : memref<80x16xf32, #tpu.memory_space<hbm>>) dst(%arg10 : memref<80x16xf32, #tpu.memory_space<vmem>>)
        tpu.yield
      }) : () -> ()
      %dma_start3A = arith.constant 0 : i32
      %dma_start3A_22 = arith.constant 0 : i32
      %dma_start3A_23 = tpu.memref_slice %arg5[%dma_start3A, %dma_start3A_22] : memref<10000x128xf32, #tpu.memory_space<hbm>> -> memref<10000x128xf32, #tpu.memory_space<hbm>>
      tpu.enqueue_indirect_dma source(%dma_start3A_23 : memref<10000x128xf32, #tpu.memory_space<hbm>>) target(%arg11 : memref<80x128xf32, #tpu.memory_space<vmem>>) offsets(%arg8 : memref<80xi32, #tpu.memory_space<vmem>>) semaphore(%arg14 : memref<!tpu.dma_semaphore, #tpu.memory_space<semaphore_mem>>)
      %dma_wait3A = arith.constant 0 : i32
      %dma_wait3A_24 = arith.constant 0 : i32
      %dma_wait3A_25 = tpu.memref_slice %arg5[%dma_wait3A, %dma_wait3A_24] : memref<10000x128xf32, #tpu.memory_space<hbm>> -> memref<10000x128xf32, #tpu.memory_space<hbm>>
      tpu.wait_indirect_dma semaphore(%arg14 : memref<!tpu.dma_semaphore, #tpu.memory_space<semaphore_mem>>) src(%dma_wait3A_25 : memref<10000x128xf32, #tpu.memory_space<hbm>>) dst(%arg11 : memref<80x128xf32, #tpu.memory_space<vmem>>)
      %parallel_loop3A = arith.constant 0 : i32
      %parallel_loop3A_26 = arith.constant 80 : i32
      %parallel_loop3A_27 = arith.constant 1 : i32
      scf.for %parallel_loop3A_28 = %parallel_loop3A to %parallel_loop3A_26 step %parallel_loop3A_27  : i32 {
        %parallel_loop3A_29 = arith.index_cast %parallel_loop3A_28 : i32 to index
        %parallel_loop3A_30 = arith.constant 0 : index
        %parallel_loop3A_31 = tpu.vector_load %arg10[%parallel_loop3A_29, %parallel_loop3A_30] {strides = array<i32>} : memref<80x16xf32, #tpu.memory_space<vmem>>, vector<1x16xf32>,
        %parallel_loop3A_32 = vector.shape_cast %parallel_loop3A_31 : vector<1x16xf32> to vector<16xf32>
        %parallel_loop3A_33 = vector.extract_strided_slice %parallel_loop3A_32 {offsets = [0], sizes = [1], strides = [1]} : vector<16xf32> to vector<1xf32>
        %parallel_loop3A_34 = vector.extract %parallel_loop3A_33[0] : f32 from vector<1xf32>
        %parallel_loop3A_35 = arith.index_cast %parallel_loop3A_28 : i32 to index
        %parallel_loop3A_36 = arith.constant 0 : index
        %parallel_loop3A_37 = tpu.vector_load %arg11[%parallel_loop3A_35, %parallel_loop3A_36] {strides = array<i32>} : memref<80x128xf32, #tpu.memory_space<vmem>>, vector<1x16xf32>,
        %parallel_loop3A_38 = vector.shape_cast %parallel_loop3A_37 : vector<1x16xf32> to vector<16xf32>
        %parallel_loop3A_39 = vector.broadcast %parallel_loop3A_34 : f32 to vector<16xf32>
        %parallel_loop3A_40 = arith.mulf %parallel_loop3A_39, %parallel_loop3A_38 : vector<16xf32>
        %parallel_loop3A_41 = arith.index_cast %parallel_loop3A_28 : i32 to index
        %parallel_loop3A_42 = arith.constant 0 : index
        %parallel_loop3A_43 = tpu.vector_load %arg12[%parallel_loop3A_41, %parallel_loop3A_42] {strides = array<i32>} : memref<80x128xf32, #tpu.memory_space<vmem>>, vector<1x16xf32>,
        %parallel_loop3A_44 = vector.shape_cast %parallel_loop3A_43 : vector<1x16xf32> to vector<16xf32>
        %parallel_loop3A_45 = vector.shape_cast %parallel_loop3A_40 : vector<16xf32> to vector<1x16xf32>
        tpu.vector_store %arg12[%parallel_loop3A_41, %parallel_loop3A_42], %parallel_loop3A_45 {strides = array<i32>} : memref<80x128xf32, #tpu.memory_space<vmem>>, vector<1x16xf32>,
        %parallel_loop3A_46 = vector.extract_strided_slice %parallel_loop3A_32 {offsets = [1], sizes = [1], strides = [1]} : vector<16xf32> to vector<1xf32>
        %parallel_loop3A_47 = vector.extract %parallel_loop3A_46[0] : f32 from vector<1xf32>
        %parallel_loop3A_48 = arith.index_cast %parallel_loop3A_28 : i32 to index
        %parallel_loop3A_49 = arith.constant 16 : index
        %parallel_loop3A_50 = tpu.vector_load %arg11[%parallel_loop3A_48, %parallel_loop3A_49] {strides = array<i32>} : memref<80x128xf32, #tpu.memory_space<vmem>>, vector<1x16xf32>,
        %parallel_loop3A_51 = vector.shape_cast %parallel_loop3A_50 : vector<1x16xf32> to vector<16xf32>
        %parallel_loop3A_52 = vector.broadcast %parallel_loop3A_47 : f32 to vector<16xf32>
        %parallel_loop3A_53 = arith.mulf %parallel_loop3A_52, %parallel_loop3A_51 : vector<16xf32>
        %parallel_loop3A_54 = arith.index_cast %parallel_loop3A_28 : i32 to index
        %parallel_loop3A_55 = arith.constant 16 : index
        %parallel_loop3A_56 = tpu.vector_load %arg12[%parallel_loop3A_54, %parallel_loop3A_55] {strides = array<i32>} : memref<80x128xf32, #tpu.memory_space<vmem>>, vector<1x16xf32>,
        %parallel_loop3A_57 = vector.shape_cast %parallel_loop3A_56 : vector<1x16xf32> to vector<16xf32>
        %parallel_loop3A_58 = vector.shape_cast %parallel_loop3A_53 : vector<16xf32> to vector<1x16xf32>
        tpu.vector_store %arg12[%parallel_loop3A_54, %parallel_loop3A_55], %parallel_loop3A_58 {strides = array<i32>} : memref<80x128xf32, #tpu.memory_space<vmem>>, vector<1x16xf32>,
        %parallel_loop3A_59 = vector.extract_strided_slice %parallel_loop3A_32 {offsets = [2], sizes = [1], strides = [1]} : vector<16xf32> to vector<1xf32>
        %parallel_loop3A_60 = vector.extract %parallel_loop3A_59[0] : f32 from vector<1xf32>
        %parallel_loop3A_61 = arith.index_cast %parallel_loop3A_28 : i32 to index
        %parallel_loop3A_62 = arith.constant 32 : index
        %parallel_loop3A_63 = tpu.vector_load %arg11[%parallel_loop3A_61, %parallel_loop3A_62] {strides = array<i32>} : memref<80x128xf32, #tpu.memory_space<vmem>>, vector<1x16xf32>,
        %parallel_loop3A_64 = vector.shape_cast %parallel_loop3A_63 : vector<1x16xf32> to vector<16xf32>
        %parallel_loop3A_65 = vector.broadcast %parallel_loop3A_60 : f32 to vector<16xf32>
        %parallel_loop3A_66 = arith.mulf %parallel_loop3A_65, %parallel_loop3A_64 : vector<16xf32>
        %parallel_loop3A_67 = arith.index_cast %parallel_loop3A_28 : i32 to index
        %parallel_loop3A_68 = arith.constant 32 : index
        %parallel_loop3A_69 = tpu.vector_load %arg12[%parallel_loop3A_67, %parallel_loop3A_68] {strides = array<i32>} : memref<80x128xf32, #tpu.memory_space<vmem>>, vector<1x16xf32>,
        %parallel_loop3A_70 = vector.shape_cast %parallel_loop3A_69 : vector<1x16xf32> to vector<16xf32>
        %parallel_loop3A_71 = vector.shape_cast %parallel_loop3A_66 : vector<16xf32> to vector<1x16xf32>
        tpu.vector_store %arg12[%parallel_loop3A_67, %parallel_loop3A_68], %parallel_loop3A_71 {strides = array<i32>} : memref<80x128xf32, #tpu.memory_space<vmem>>, vector<1x16xf32>,
        %parallel_loop3A_72 = vector.extract_strided_slice %parallel_loop3A_32 {offsets = [3], sizes = [1], strides = [1]} : vector<16xf32> to vector<1xf32>
        %parallel_loop3A_73 = vector.extract %parallel_loop3A_72[0] : f32 from vector<1xf32>
        %parallel_loop3A_74 = arith.index_cast %parallel_loop3A_28 : i32 to index
        %parallel_loop3A_75 = arith.constant 48 : index
        %parallel_loop3A_76 = tpu.vector_load %arg11[%parallel_loop3A_74, %parallel_loop3A_75] {strides = array<i32>} : memref<80x128xf32, #tpu.memory_space<vmem>>, vector<1x16xf32>,
        %parallel_loop3A_77 = vector.shape_cast %parallel_loop3A_76 : vector<1x16xf32> to vector<16xf32>
        %parallel_loop3A_78 = vector.broadcast %parallel_loop3A_73 : f32 to vector<16xf32>
        %parallel_loop3A_79 = arith.mulf %parallel_loop3A_78, %parallel_loop3A_77 : vector<16xf32>
        %parallel_loop3A_80 = arith.index_cast %parallel_loop3A_28 : i32 to index
        %parallel_loop3A_81 = arith.constant 48 : index
        %parallel_loop3A_82 = tpu.vector_load %arg12[%parallel_loop3A_80, %parallel_loop3A_81] {strides = array<i32>} : memref<80x128xf32, #tpu.memory_space<vmem>>, vector<1x16xf32>,
        %parallel_loop3A_83 = vector.shape_cast %parallel_loop3A_82 : vector<1x16xf32> to vector<16xf32>
        %parallel_loop3A_84 = vector.shape_cast %parallel_loop3A_79 : vector<16xf32> to vector<1x16xf32>
        tpu.vector_store %arg12[%parallel_loop3A_80, %parallel_loop3A_81], %parallel_loop3A_84 {strides = array<i32>} : memref<80x128xf32, #tpu.memory_space<vmem>>, vector<1x16xf32>,
        %parallel_loop3A_85 = vector.extract_strided_slice %parallel_loop3A_32 {offsets = [4], sizes = [1], strides = [1]} : vector<16xf32> to vector<1xf32>
        %parallel_loop3A_86 = vector.extract %parallel_loop3A_85[0] : f32 from vector<1xf32>
        %parallel_loop3A_87 = arith.index_cast %parallel_loop3A_28 : i32 to index
        %parallel_loop3A_88 = arith.constant 64 : index
        %parallel_loop3A_89 = tpu.vector_load %arg11[%parallel_loop3A_87, %parallel_loop3A_88] {strides = array<i32>} : memref<80x128xf32, #tpu.memory_space<vmem>>, vector<1x16xf32>,
        %parallel_loop3A_90 = vector.shape_cast %parallel_loop3A_89 : vector<1x16xf32> to vector<16xf32>
        %parallel_loop3A_91 = vector.broadcast %parallel_loop3A_86 : f32 to vector<16xf32>
        %parallel_loop3A_92 = arith.mulf %parallel_loop3A_91, %parallel_loop3A_90 : vector<16xf32>
        %parallel_loop3A_93 = arith.index_cast %parallel_loop3A_28 : i32 to index
        %parallel_loop3A_94 = arith.constant 64 : index
        %parallel_loop3A_95 = tpu.vector_load %arg12[%parallel_loop3A_93, %parallel_loop3A_94] {strides = array<i32>} : memref<80x128xf32, #tpu.memory_space<vmem>>, vector<1x16xf32>,
        %parallel_loop3A_96 = vector.shape_cast %parallel_loop3A_95 : vector<1x16xf32> to vector<16xf32>
        %parallel_loop3A_97 = vector.shape_cast %parallel_loop3A_92 : vector<16xf32> to vector<1x16xf32>
        tpu.vector_store %arg12[%parallel_loop3A_93, %parallel_loop3A_94], %parallel_loop3A_97 {strides = array<i32>} : memref<80x128xf32, #tpu.memory_space<vmem>>, vector<1x16xf32>,
        %parallel_loop3A_98 = vector.extract_strided_slice %parallel_loop3A_32 {offsets = [5], sizes = [1], strides = [1]} : vector<16xf32> to vector<1xf32>
        %parallel_loop3A_99 = vector.extract %parallel_loop3A_98[0] : f32 from vector<1xf32>
        %parallel_loop3A_100 = arith.index_cast %parallel_loop3A_28 : i32 to index
        %parallel_loop3A_101 = arith.constant 80 : index
        %parallel_loop3A_102 = tpu.vector_load %arg11[%parallel_loop3A_100, %parallel_loop3A_101] {strides = array<i32>} : memref<80x128xf32, #tpu.memory_space<vmem>>, vector<1x16xf32>,
        %parallel_loop3A_103 = vector.shape_cast %parallel_loop3A_102 : vector<1x16xf32> to vector<16xf32>
        %parallel_loop3A_104 = vector.broadcast %parallel_loop3A_99 : f32 to vector<16xf32>
        %parallel_loop3A_105 = arith.mulf %parallel_loop3A_104, %parallel_loop3A_103 : vector<16xf32>
        %parallel_loop3A_106 = arith.index_cast %parallel_loop3A_28 : i32 to index
        %parallel_loop3A_107 = arith.constant 80 : index
        %parallel_loop3A_108 = tpu.vector_load %arg12[%parallel_loop3A_106, %parallel_loop3A_107] {strides = array<i32>} : memref<80x128xf32, #tpu.memory_space<vmem>>, vector<1x16xf32>,
        %parallel_loop3A_109 = vector.shape_cast %parallel_loop3A_108 : vector<1x16xf32> to vector<16xf32>
        %parallel_loop3A_110 = vector.shape_cast %parallel_loop3A_105 : vector<16xf32> to vector<1x16xf32>
        tpu.vector_store %arg12[%parallel_loop3A_106, %parallel_loop3A_107], %parallel_loop3A_110 {strides = array<i32>} : memref<80x128xf32, #tpu.memory_space<vmem>>, vector<1x16xf32>,
        %parallel_loop3A_111 = vector.extract_strided_slice %parallel_loop3A_32 {offsets = [6], sizes = [1], strides = [1]} : vector<16xf32> to vector<1xf32>
        %parallel_loop3A_112 = vector.extract %parallel_loop3A_111[0] : f32 from vector<1xf32>
        %parallel_loop3A_113 = arith.index_cast %parallel_loop3A_28 : i32 to index
        %parallel_loop3A_114 = arith.constant 96 : index
        %parallel_loop3A_115 = tpu.vector_load %arg11[%parallel_loop3A_113, %parallel_loop3A_114] {strides = array<i32>} : memref<80x128xf32, #tpu.memory_space<vmem>>, vector<1x16xf32>,
        %parallel_loop3A_116 = vector.shape_cast %parallel_loop3A_115 : vector<1x16xf32> to vector<16xf32>
        %parallel_loop3A_117 = vector.broadcast %parallel_loop3A_112 : f32 to vector<16xf32>
        %parallel_loop3A_118 = arith.mulf %parallel_loop3A_117, %parallel_loop3A_116 : vector<16xf32>
        %parallel_loop3A_119 = arith.index_cast %parallel_loop3A_28 : i32 to index
        %parallel_loop3A_120 = arith.constant 96 : index
        %parallel_loop3A_121 = tpu.vector_load %arg12[%parallel_loop3A_119, %parallel_loop3A_120] {strides = array<i32>} : memref<80x128xf32, #tpu.memory_space<vmem>>, vector<1x16xf32>,
        %parallel_loop3A_122 = vector.shape_cast %parallel_loop3A_121 : vector<1x16xf32> to vector<16xf32>
        %parallel_loop3A_123 = vector.shape_cast %parallel_loop3A_118 : vector<16xf32> to vector<1x16xf32>
        tpu.vector_store %arg12[%parallel_loop3A_119, %parallel_loop3A_120], %parallel_loop3A_123 {strides = array<i32>} : memref<80x128xf32, #tpu.memory_space<vmem>>, vector<1x16xf32>,
        %parallel_loop3A_124 = vector.extract_strided_slice %parallel_loop3A_32 {offsets = [7], sizes = [1], strides = [1]} : vector<16xf32> to vector<1xf32>
        %parallel_loop3A_125 = vector.extract %parallel_loop3A_124[0] : f32 from vector<1xf32>
        %parallel_loop3A_126 = arith.index_cast %parallel_loop3A_28 : i32 to index
        %parallel_loop3A_127 = arith.constant 112 : index
        %parallel_loop3A_128 = tpu.vector_load %arg11[%parallel_loop3A_126, %parallel_loop3A_127] {strides = array<i32>} : memref<80x128xf32, #tpu.memory_space<vmem>>, vector<1x16xf32>,
        %parallel_loop3A_129 = vector.shape_cast %parallel_loop3A_128 : vector<1x16xf32> to vector<16xf32>
        %parallel_loop3A_130 = vector.broadcast %parallel_loop3A_125 : f32 to vector<16xf32>
        %parallel_loop3A_131 = arith.mulf %parallel_loop3A_130, %parallel_loop3A_129 : vector<16xf32>
        %parallel_loop3A_132 = arith.index_cast %parallel_loop3A_28 : i32 to index
        %parallel_loop3A_133 = arith.constant 112 : index
        %parallel_loop3A_134 = tpu.vector_load %arg12[%parallel_loop3A_132, %parallel_loop3A_133] {strides = array<i32>} : memref<80x128xf32, #tpu.memory_space<vmem>>, vector<1x16xf32>,
        %parallel_loop3A_135 = vector.shape_cast %parallel_loop3A_134 : vector<1x16xf32> to vector<16xf32>
        %parallel_loop3A_136 = vector.shape_cast %parallel_loop3A_131 : vector<16xf32> to vector<1x16xf32>
        tpu.vector_store %arg12[%parallel_loop3A_132, %parallel_loop3A_133], %parallel_loop3A_136 {strides = array<i32>} : memref<80x128xf32, #tpu.memory_space<vmem>>, vector<1x16xf32>,
      } {sc.loop_unroll_factor = 2 : i64, sc.parallel_access}
      "tpu.region"() ({
        %run_scoped3A = tpu.sem_alloc : memref<!tpu.dma_semaphore, #tpu.memory_space<semaphore_mem>>
        %dma_start3A_28 = arith.constant 0 : i32
        %dma_start3A_29 = arith.constant 0 : i32
        %dma_start3A_30 = tpu.memref_slice %arg13[%dma_start3A_28, %dma_start3A_29] : memref<10000x128xf32, #tpu.memory_space<vmem_shared>> -> memref<10000x128xf32, #tpu.memory_space<vmem_shared>>
        tpu.enqueue_indirect_dma source(%arg12 : memref<80x128xf32, #tpu.memory_space<vmem>>) target(%dma_start3A_30 : memref<10000x128xf32, #tpu.memory_space<vmem_shared>>) offsets(%arg9 : memref<80xi32, #tpu.memory_space<vmem>>) semaphore(%run_scoped3A : memref<!tpu.dma_semaphore, #tpu.memory_space<semaphore_mem>>) {add = true}
        %dma_wait3A_31 = arith.constant 0 : i32
        %dma_wait3A_32 = arith.constant 0 : i32
        %dma_wait3A_33 = tpu.memref_slice %arg13[%dma_wait3A_31, %dma_wait3A_32] : memref<10000x128xf32, #tpu.memory_space<vmem_shared>> -> memref<10000x128xf32, #tpu.memory_space<vmem_shared>>
        tpu.wait_indirect_dma semaphore(%run_scoped3A : memref<!tpu.dma_semaphore, #tpu.memory_space<semaphore_mem>>) src(%arg12 : memref<80x128xf32, #tpu.memory_space<vmem>>) dst(%dma_wait3A_33 : memref<10000x128xf32, #tpu.memory_space<vmem_shared>>)
        tpu.yield
      }) : () -> ()
    }
    %scan3A_9 = arith.constant 125 : i32
    %barrier3A_10 = arith.constant 0 : index
    tpu.barrier barrier_id(%barrier3A_10)
    %mul3A_11 = arith.constant 624 : i32
    %mul3A_12 = arith.muli %arg1, %mul3A_11 : i32
    "tpu.region"() ({
      %run_scoped3A = tpu.sem_alloc : memref<!tpu.dma_semaphore, #tpu.memory_space<semaphore_mem>>
      %dma_start3A = arith.constant 0 : i32
      %dma_start3A_18 = tpu.memref_slice %arg7[%arg0, %mul3A_12, %dma_start3A] : memref<2x10000x128xf32, #tpu.memory_space<hbm>> -> memref<1x624x128xf32, #tpu.memory_space<hbm>>
      %dma_start3A_19 = tpu.memref_squeeze %dma_start3A_18 : memref<1x624x128xf32, #tpu.memory_space<hbm>> -> memref<624x128xf32, #tpu.memory_space<hbm>>
      %dma_start3A_20 = arith.constant 0 : i32
      %dma_start3A_21 = tpu.memref_slice %arg13[%mul3A_12, %dma_start3A_20] : memref<10000x128xf32, #tpu.memory_space<vmem_shared>> -> memref<624x128xf32, #tpu.memory_space<vmem_shared>>
      tpu.enqueue_dma source(%dma_start3A_21 : memref<624x128xf32, #tpu.memory_space<vmem_shared>>) target(%dma_start3A_19 : memref<624x128xf32, #tpu.memory_space<hbm>>) target_semaphore(%run_scoped3A : memref<!tpu.dma_semaphore, #tpu.memory_space<semaphore_mem>>)
      %dma_wait3A = arith.constant 0 : i32
      %dma_wait3A_22 = tpu.memref_slice %arg7[%arg0, %mul3A_12, %dma_wait3A] : memref<2x10000x128xf32, #tpu.memory_space<hbm>> -> memref<1x624x128xf32, #tpu.memory_space<hbm>>
      %dma_wait3A_23 = tpu.memref_squeeze %dma_wait3A_22 : memref<1x624x128xf32, #tpu.memory_space<hbm>> -> memref<624x128xf32, #tpu.memory_space<hbm>>
      %dma_wait3A_24 = arith.constant 0 : i32
      %dma_wait3A_25 = tpu.memref_slice %arg13[%mul3A_12, %dma_wait3A_24] : memref<10000x128xf32, #tpu.memory_space<vmem_shared>> -> memref<624x128xf32, #tpu.memory_space<vmem_shared>>
      tpu.wait_dma2 semaphore(%run_scoped3A : memref<!tpu.dma_semaphore, #tpu.memory_space<semaphore_mem>>) src(%dma_wait3A_25 : memref<624x128xf32, #tpu.memory_space<vmem_shared>>) dst(%dma_wait3A_23 : memref<624x128xf32, #tpu.memory_space<hbm>>)
      tpu.yield
    }) : () -> ()
    %eq3A_13 = arith.constant 15 : i32
    %eq3A_14 = arith.cmpi eq, %arg1, %eq3A_13 : i32
    %convert_element_type3A_15 = arith.extui %eq3A_14 : i1 to i32
    %cond3A_16 = arith.constant 0 : i32
    %cond3A_17 = arith.cmpi ne, %convert_element_type3A_15, %cond3A_16 : i32
    scf.if %cond3A_17 {
      "tpu.region"() ({
        %run_scoped3A = tpu.sem_alloc : memref<!tpu.dma_semaphore, #tpu.memory_space<semaphore_mem>>
        %dma_start3A = arith.constant 9984 : i32
        %dma_start3A_18 = arith.constant 0 : i32
        %dma_start3A_19 = tpu.memref_slice %arg7[%arg0, %dma_start3A, %dma_start3A_18] : memref<2x10000x128xf32, #tpu.memory_space<hbm>> -> memref<1x16x128xf32, #tpu.memory_space<hbm>>
        %dma_start3A_20 = tpu.memref_squeeze %dma_start3A_19 : memref<1x16x128xf32, #tpu.memory_space<hbm>> -> memref<16x128xf32, #tpu.memory_space<hbm>>
        %dma_start3A_21 = arith.constant 9984 : i32
        %dma_start3A_22 = arith.constant 0 : i32
        %dma_start3A_23 = tpu.memref_slice %arg13[%dma_start3A_21, %dma_start3A_22] : memref<10000x128xf32, #tpu.memory_space<vmem_shared>> -> memref<16x128xf32, #tpu.memory_space<vmem_shared>>
        tpu.enqueue_dma source(%dma_start3A_23 : memref<16x128xf32, #tpu.memory_space<vmem_shared>>) target(%dma_start3A_20 : memref<16x128xf32, #tpu.memory_space<hbm>>) target_semaphore(%run_scoped3A : memref<!tpu.dma_semaphore, #tpu.memory_space<semaphore_mem>>)
        %dma_wait3A = arith.constant 9984 : i32
        %dma_wait3A_24 = arith.constant 0 : i32
        %dma_wait3A_25 = tpu.memref_slice %arg7[%arg0, %dma_wait3A, %dma_wait3A_24] : memref<2x10000x128xf32, #tpu.memory_space<hbm>> -> memref<1x16x128xf32, #tpu.memory_space<hbm>>
        %dma_wait3A_26 = tpu.memref_squeeze %dma_wait3A_25 : memref<1x16x128xf32, #tpu.memory_space<hbm>> -> memref<16x128xf32, #tpu.memory_space<hbm>>
        %dma_wait3A_27 = arith.constant 9984 : i32
        %dma_wait3A_28 = arith.constant 0 : i32
        %dma_wait3A_29 = tpu.memref_slice %arg13[%dma_wait3A_27, %dma_wait3A_28] : memref<10000x128xf32, #tpu.memory_space<vmem_shared>> -> memref<16x128xf32, #tpu.memory_space<vmem_shared>>
        tpu.wait_dma2 semaphore(%run_scoped3A : memref<!tpu.dma_semaphore, #tpu.memory_space<semaphore_mem>>) src(%dma_wait3A_29 : memref<16x128xf32, #tpu.memory_space<vmem_shared>>) dst(%dma_wait3A_26 : memref<16x128xf32, #tpu.memory_space<hbm>>)
        tpu.yield
      }) : () -> ()
    } else {
    }
    return
  }
}

#map = affine_map<(d0, d1) -> (0)>
#map1 = affine_map<(d0, d1) -> (0, 0)>
#map2 = affine_map<(d0, d1) -> (0, 0, 0)>
module attributes {stable_mosaic.version = 14 : i64} {
  func.func @_sc_att_body(%arg0: i32, %arg1: i32, %arg2: memref<320000xi32, #tpu.memory_space<hbm>>, %arg3: memref<320000xi32, #tpu.memory_space<hbm>>, %arg4: memref<10000x128xf32, #tpu.memory_space<hbm>>, %arg5: memref<10000x128xf32, #tpu.memory_space<hbm>>, %arg6: memref<10000x16xf32, #tpu.memory_space<hbm>>, %arg7: memref<2x10000x16xf32, #tpu.memory_space<hbm>>, %arg8: memref<320000x16xf32, #tpu.memory_space<hbm>>, %arg9: memref<80xi32, #tpu.memory_space<vmem>>, %arg10: memref<80xi32, #tpu.memory_space<vmem>>, %arg11: memref<80x128xf32, #tpu.memory_space<vmem>>, %arg12: memref<80x128xf32, #tpu.memory_space<vmem>>, %arg13: memref<80x16xf32, #tpu.memory_space<vmem>>, %arg14: memref<10000x16xf32, #tpu.memory_space<vmem_shared>>, %arg15: memref<!tpu.dma_semaphore, #tpu.memory_space<semaphore_mem>>, %arg16: memref<!tpu.dma_semaphore, #tpu.memory_space<semaphore_mem>>) attributes {dimension_semantics = [#tpu.dimension_semantics<core_parallel>, #tpu.dimension_semantics<subcore_parallel>], iteration_bounds = array<i64: 2, 16>, scalar_prefetch = 0 : i64, scratch_operands = 8 : i64, tpu.core_type = #tpu.core_type<sc_vector_subcore>, window_params = [{transform_indices = #map}, {transform_indices = #map}, {transform_indices = #map1}, {transform_indices = #map1}, {transform_indices = #map1}, {transform_indices = #map2}, {transform_indices = #map1}]} {
    %mul3A = arith.constant 16 : i32
    %mul3A_0 = arith.muli %arg0, %mul3A : i32
    %add3A = arith.addi %mul3A_0, %arg1 : i32
    %eq3A = arith.constant 0 : i32
    %eq3A_1 = arith.cmpi eq, %arg1, %eq3A : i32
    %convert_element_type3A = arith.extui %eq3A_1 : i1 to i32
    %cond3A = arith.constant 0 : i32
    %cond3A_2 = arith.cmpi ne, %convert_element_type3A, %cond3A : i32
    scf.if %cond3A_2 {
      "tpu.region"() ({
        %run_scoped3A = tpu.sem_alloc : memref<!tpu.dma_semaphore, #tpu.memory_space<semaphore_mem>>
        tpu.enqueue_dma source(%arg6 : memref<10000x16xf32, #tpu.memory_space<hbm>>) target(%arg14 : memref<10000x16xf32, #tpu.memory_space<vmem_shared>>) target_semaphore(%run_scoped3A : memref<!tpu.dma_semaphore, #tpu.memory_space<semaphore_mem>>)
        tpu.wait_dma2 semaphore(%run_scoped3A : memref<!tpu.dma_semaphore, #tpu.memory_space<semaphore_mem>>) src(%arg6 : memref<10000x16xf32, #tpu.memory_space<hbm>>) dst(%arg14 : memref<10000x16xf32, #tpu.memory_space<vmem_shared>>)
        tpu.yield
      }) : () -> ()
    } else {
    }
    %barrier3A = arith.constant 0 : index
    tpu.barrier barrier_id(%barrier3A)
    %mul3A_3 = arith.constant 10000 : i32
    %mul3A_4 = arith.muli %add3A, %mul3A_3 : i32
    %scan3A = arith.constant 0 : i32
    %scan3A_5 = arith.constant 0 : i32
    %scan3A_6 = arith.constant 125 : i32
    %scan3A_7 = arith.addi %scan3A_5, %scan3A_6 : i32
    %scan3A_8 = arith.constant 1 : i32
    scf.for %scan3A_18 = %scan3A_5 to %scan3A_7 step %scan3A_8  : i32 {
      %mul3A_19 = arith.constant 80 : i32
      %mul3A_20 = arith.muli %scan3A_18, %mul3A_19 : i32
      %add3A_21 = arith.addi %mul3A_4, %mul3A_20 : i32
      "tpu.region"() ({
        %run_scoped3A = tpu.sem_alloc : memref<!tpu.dma_semaphore, #tpu.memory_space<semaphore_mem>>
        %dma_start3A_34 = tpu.memref_slice %arg2[%add3A_21] : memref<320000xi32, #tpu.memory_space<hbm>> -> memref<80xi32, #tpu.memory_space<hbm>>
        %dma_start3A_35 = tpu.memref_slice %arg2[%add3A_21] : memref<320000xi32, #tpu.memory_space<hbm>> -> memref<80xi32, #tpu.memory_space<hbm>>
        tpu.enqueue_dma source(%dma_start3A_35 : memref<80xi32, #tpu.memory_space<hbm>>) target(%arg9 : memref<80xi32, #tpu.memory_space<vmem>>) target_semaphore(%run_scoped3A : memref<!tpu.dma_semaphore, #tpu.memory_space<semaphore_mem>>)
        %dma_wait3A_36 = tpu.memref_slice %arg2[%add3A_21] : memref<320000xi32, #tpu.memory_space<hbm>> -> memref<80xi32, #tpu.memory_space<hbm>>
        %dma_wait3A_37 = tpu.memref_slice %arg2[%add3A_21] : memref<320000xi32, #tpu.memory_space<hbm>> -> memref<80xi32, #tpu.memory_space<hbm>>
        tpu.wait_dma2 semaphore(%run_scoped3A : memref<!tpu.dma_semaphore, #tpu.memory_space<semaphore_mem>>) src(%dma_wait3A_37 : memref<80xi32, #tpu.memory_space<hbm>>) dst(%arg9 : memref<80xi32, #tpu.memory_space<vmem>>)
        tpu.yield
      }) : () -> ()
      "tpu.region"() ({
        %run_scoped3A = tpu.sem_alloc : memref<!tpu.dma_semaphore, #tpu.memory_space<semaphore_mem>>
        %dma_start3A_34 = tpu.memref_slice %arg3[%add3A_21] : memref<320000xi32, #tpu.memory_space<hbm>> -> memref<80xi32, #tpu.memory_space<hbm>>
        %dma_start3A_35 = tpu.memref_slice %arg3[%add3A_21] : memref<320000xi32, #tpu.memory_space<hbm>> -> memref<80xi32, #tpu.memory_space<hbm>>
        tpu.enqueue_dma source(%dma_start3A_35 : memref<80xi32, #tpu.memory_space<hbm>>) target(%arg10 : memref<80xi32, #tpu.memory_space<vmem>>) target_semaphore(%run_scoped3A : memref<!tpu.dma_semaphore, #tpu.memory_space<semaphore_mem>>)
        %dma_wait3A_36 = tpu.memref_slice %arg3[%add3A_21] : memref<320000xi32, #tpu.memory_space<hbm>> -> memref<80xi32, #tpu.memory_space<hbm>>
        %dma_wait3A_37 = tpu.memref_slice %arg3[%add3A_21] : memref<320000xi32, #tpu.memory_space<hbm>> -> memref<80xi32, #tpu.memory_space<hbm>>
        tpu.wait_dma2 semaphore(%run_scoped3A : memref<!tpu.dma_semaphore, #tpu.memory_space<semaphore_mem>>) src(%dma_wait3A_37 : memref<80xi32, #tpu.memory_space<hbm>>) dst(%arg10 : memref<80xi32, #tpu.memory_space<vmem>>)
        tpu.yield
      }) : () -> ()
      %dma_start3A = arith.constant 0 : i32
      %dma_start3A_22 = arith.constant 0 : i32
      %dma_start3A_23 = tpu.memref_slice %arg4[%dma_start3A, %dma_start3A_22] : memref<10000x128xf32, #tpu.memory_space<hbm>> -> memref<10000x128xf32, #tpu.memory_space<hbm>>
      tpu.enqueue_indirect_dma source(%dma_start3A_23 : memref<10000x128xf32, #tpu.memory_space<hbm>>) target(%arg11 : memref<80x128xf32, #tpu.memory_space<vmem>>) offsets(%arg9 : memref<80xi32, #tpu.memory_space<vmem>>) semaphore(%arg15 : memref<!tpu.dma_semaphore, #tpu.memory_space<semaphore_mem>>)
      %dma_start3A_24 = arith.constant 0 : i32
      %dma_start3A_25 = arith.constant 0 : i32
      %dma_start3A_26 = tpu.memref_slice %arg5[%dma_start3A_24, %dma_start3A_25] : memref<10000x128xf32, #tpu.memory_space<hbm>> -> memref<10000x128xf32, #tpu.memory_space<hbm>>
      tpu.enqueue_indirect_dma source(%dma_start3A_26 : memref<10000x128xf32, #tpu.memory_space<hbm>>) target(%arg12 : memref<80x128xf32, #tpu.memory_space<vmem>>) offsets(%arg10 : memref<80xi32, #tpu.memory_space<vmem>>) semaphore(%arg16 : memref<!tpu.dma_semaphore, #tpu.memory_space<semaphore_mem>>)
      %dma_wait3A = arith.constant 0 : i32
      %dma_wait3A_27 = arith.constant 0 : i32
      %dma_wait3A_28 = tpu.memref_slice %arg4[%dma_wait3A, %dma_wait3A_27] : memref<10000x128xf32, #tpu.memory_space<hbm>> -> memref<10000x128xf32, #tpu.memory_space<hbm>>
      tpu.wait_indirect_dma semaphore(%arg15 : memref<!tpu.dma_semaphore, #tpu.memory_space<semaphore_mem>>) src(%dma_wait3A_28 : memref<10000x128xf32, #tpu.memory_space<hbm>>) dst(%arg11 : memref<80x128xf32, #tpu.memory_space<vmem>>)
      %dma_wait3A_29 = arith.constant 0 : i32
      %dma_wait3A_30 = arith.constant 0 : i32
      %dma_wait3A_31 = tpu.memref_slice %arg5[%dma_wait3A_29, %dma_wait3A_30] : memref<10000x128xf32, #tpu.memory_space<hbm>> -> memref<10000x128xf32, #tpu.memory_space<hbm>>
      tpu.wait_indirect_dma semaphore(%arg16 : memref<!tpu.dma_semaphore, #tpu.memory_space<semaphore_mem>>) src(%dma_wait3A_31 : memref<10000x128xf32, #tpu.memory_space<hbm>>) dst(%arg12 : memref<80x128xf32, #tpu.memory_space<vmem>>)
      %parallel_loop3A = arith.constant 0 : i32
      %parallel_loop3A_32 = arith.constant 80 : i32
      %parallel_loop3A_33 = arith.constant 1 : i32
      scf.for %parallel_loop3A_34 = %parallel_loop3A to %parallel_loop3A_32 step %parallel_loop3A_33  : i32 {
        %parallel_loop3A_35 = arith.index_cast %parallel_loop3A_34 : i32 to index
        %parallel_loop3A_36 = arith.constant 0 : index
        %parallel_loop3A_37 = tpu.vector_load %arg11[%parallel_loop3A_35, %parallel_loop3A_36] {strides = array<i32>} : memref<80x128xf32, #tpu.memory_space<vmem>>, vector<1x16xf32>,
        %parallel_loop3A_38 = vector.shape_cast %parallel_loop3A_37 : vector<1x16xf32> to vector<16xf32>
        %parallel_loop3A_39 = arith.index_cast %parallel_loop3A_34 : i32 to index
        %parallel_loop3A_40 = arith.constant 0 : index
        %parallel_loop3A_41 = tpu.vector_load %arg12[%parallel_loop3A_39, %parallel_loop3A_40] {strides = array<i32>} : memref<80x128xf32, #tpu.memory_space<vmem>>, vector<1x16xf32>,
        %parallel_loop3A_42 = vector.shape_cast %parallel_loop3A_41 : vector<1x16xf32> to vector<16xf32>
        %parallel_loop3A_43 = arith.addf %parallel_loop3A_38, %parallel_loop3A_42 : vector<16xf32>
        %parallel_loop3A_44 = arith.constant 2.000000e-01 : f32
        %parallel_loop3A_45 = vector.broadcast %parallel_loop3A_44 : f32 to vector<16xf32>
        %parallel_loop3A_46 = arith.mulf %parallel_loop3A_45, %parallel_loop3A_43 : vector<16xf32>
        %parallel_loop3A_47 = arith.maximumf %parallel_loop3A_43, %parallel_loop3A_46 : vector<16xf32>
        %parallel_loop3A_48 = math.exp %parallel_loop3A_47 : vector<16xf32>
        %parallel_loop3A_49 = arith.index_cast %parallel_loop3A_34 : i32 to index
        %parallel_loop3A_50 = arith.constant 0 : index
        %parallel_loop3A_51 = tpu.vector_load %arg13[%parallel_loop3A_49, %parallel_loop3A_50] {strides = array<i32>} : memref<80x16xf32, #tpu.memory_space<vmem>>, vector<1x16xf32>,
        %parallel_loop3A_52 = vector.shape_cast %parallel_loop3A_51 : vector<1x16xf32> to vector<16xf32>
        %parallel_loop3A_53 = vector.shape_cast %parallel_loop3A_48 : vector<16xf32> to vector<1x16xf32>
        tpu.vector_store %arg13[%parallel_loop3A_49, %parallel_loop3A_50], %parallel_loop3A_53 {strides = array<i32>} : memref<80x16xf32, #tpu.memory_space<vmem>>, vector<1x16xf32>,
      } {sc.loop_unroll_factor = 4 : i64, sc.parallel_access}
      "tpu.region"() ({
        %run_scoped3A = tpu.sem_alloc : memref<!tpu.dma_semaphore, #tpu.memory_space<semaphore_mem>>
        %dma_start3A_34 = arith.constant 0 : i32
        %dma_start3A_35 = arith.constant 0 : i32
        %dma_start3A_36 = tpu.memref_slice %arg14[%dma_start3A_34, %dma_start3A_35] : memref<10000x16xf32, #tpu.memory_space<vmem_shared>> -> memref<10000x16xf32, #tpu.memory_space<vmem_shared>>
        tpu.enqueue_indirect_dma source(%arg13 : memref<80x16xf32, #tpu.memory_space<vmem>>) target(%dma_start3A_36 : memref<10000x16xf32, #tpu.memory_space<vmem_shared>>) offsets(%arg10 : memref<80xi32, #tpu.memory_space<vmem>>) semaphore(%run_scoped3A : memref<!tpu.dma_semaphore, #tpu.memory_space<semaphore_mem>>) {add = true}
        %dma_wait3A_37 = arith.constant 0 : i32
        %dma_wait3A_38 = arith.constant 0 : i32
        %dma_wait3A_39 = tpu.memref_slice %arg14[%dma_wait3A_37, %dma_wait3A_38] : memref<10000x16xf32, #tpu.memory_space<vmem_shared>> -> memref<10000x16xf32, #tpu.memory_space<vmem_shared>>
        tpu.wait_indirect_dma semaphore(%run_scoped3A : memref<!tpu.dma_semaphore, #tpu.memory_space<semaphore_mem>>) src(%arg13 : memref<80x16xf32, #tpu.memory_space<vmem>>) dst(%dma_wait3A_39 : memref<10000x16xf32, #tpu.memory_space<vmem_shared>>)
        tpu.yield
      }) : () -> ()
      "tpu.region"() ({
        %run_scoped3A = tpu.sem_alloc : memref<!tpu.dma_semaphore, #tpu.memory_space<semaphore_mem>>
        %dma_start3A_34 = arith.constant 0 : i32
        %dma_start3A_35 = tpu.memref_slice %arg8[%add3A_21, %dma_start3A_34] : memref<320000x16xf32, #tpu.memory_space<hbm>> -> memref<80x16xf32, #tpu.memory_space<hbm>>
        %dma_start3A_36 = arith.constant 0 : i32
        %dma_start3A_37 = tpu.memref_slice %arg8[%add3A_21, %dma_start3A_36] : memref<320000x16xf32, #tpu.memory_space<hbm>> -> memref<80x16xf32, #tpu.memory_space<hbm>>
        tpu.enqueue_dma source(%arg13 : memref<80x16xf32, #tpu.memory_space<vmem>>) target(%dma_start3A_37 : memref<80x16xf32, #tpu.memory_space<hbm>>) target_semaphore(%run_scoped3A : memref<!tpu.dma_semaphore, #tpu.memory_space<semaphore_mem>>)
        %dma_wait3A_38 = arith.constant 0 : i32
        %dma_wait3A_39 = tpu.memref_slice %arg8[%add3A_21, %dma_wait3A_38] : memref<320000x16xf32, #tpu.memory_space<hbm>> -> memref<80x16xf32, #tpu.memory_space<hbm>>
        %dma_wait3A_40 = arith.constant 0 : i32
        %dma_wait3A_41 = tpu.memref_slice %arg8[%add3A_21, %dma_wait3A_40] : memref<320000x16xf32, #tpu.memory_space<hbm>> -> memref<80x16xf32, #tpu.memory_space<hbm>>
        tpu.wait_dma2 semaphore(%run_scoped3A : memref<!tpu.dma_semaphore, #tpu.memory_space<semaphore_mem>>) src(%arg13 : memref<80x16xf32, #tpu.memory_space<vmem>>) dst(%dma_wait3A_41 : memref<80x16xf32, #tpu.memory_space<hbm>>)
        tpu.yield
      }) : () -> ()
    }
    %scan3A_9 = arith.constant 125 : i32
    %barrier3A_10 = arith.constant 0 : index
    tpu.barrier barrier_id(%barrier3A_10)
    %mul3A_11 = arith.constant 624 : i32
    %mul3A_12 = arith.muli %arg1, %mul3A_11 : i32
    "tpu.region"() ({
      %run_scoped3A = tpu.sem_alloc : memref<!tpu.dma_semaphore, #tpu.memory_space<semaphore_mem>>
      %dma_start3A = arith.constant 0 : i32
      %dma_start3A_18 = tpu.memref_slice %arg7[%arg0, %mul3A_12, %dma_start3A] : memref<2x10000x16xf32, #tpu.memory_space<hbm>> -> memref<1x624x16xf32, #tpu.memory_space<hbm>>
      %dma_start3A_19 = tpu.memref_squeeze %dma_start3A_18 : memref<1x624x16xf32, #tpu.memory_space<hbm>> -> memref<624x16xf32, #tpu.memory_space<hbm>>
      %dma_start3A_20 = arith.constant 0 : i32
      %dma_start3A_21 = tpu.memref_slice %arg14[%mul3A_12, %dma_start3A_20] : memref<10000x16xf32, #tpu.memory_space<vmem_shared>> -> memref<624x16xf32, #tpu.memory_space<vmem_shared>>
      tpu.enqueue_dma source(%dma_start3A_21 : memref<624x16xf32, #tpu.memory_space<vmem_shared>>) target(%dma_start3A_19 : memref<624x16xf32, #tpu.memory_space<hbm>>) target_semaphore(%run_scoped3A : memref<!tpu.dma_semaphore, #tpu.memory_space<semaphore_mem>>)
      %dma_wait3A = arith.constant 0 : i32
      %dma_wait3A_22 = tpu.memref_slice %arg7[%arg0, %mul3A_12, %dma_wait3A] : memref<2x10000x16xf32, #tpu.memory_space<hbm>> -> memref<1x624x16xf32, #tpu.memory_space<hbm>>
      %dma_wait3A_23 = tpu.memref_squeeze %dma_wait3A_22 : memref<1x624x16xf32, #tpu.memory_space<hbm>> -> memref<624x16xf32, #tpu.memory_space<hbm>>
      %dma_wait3A_24 = arith.constant 0 : i32
      %dma_wait3A_25 = tpu.memref_slice %arg14[%mul3A_12, %dma_wait3A_24] : memref<10000x16xf32, #tpu.memory_space<vmem_shared>> -> memref<624x16xf32, #tpu.memory_space<vmem_shared>>
      tpu.wait_dma2 semaphore(%run_scoped3A : memref<!tpu.dma_semaphore, #tpu.memory_space<semaphore_mem>>) src(%dma_wait3A_25 : memref<624x16xf32, #tpu.memory_space<vmem_shared>>) dst(%dma_wait3A_23 : memref<624x16xf32, #tpu.memory_space<hbm>>)
      tpu.yield
    }) : () -> ()
    %eq3A_13 = arith.constant 15 : i32
    %eq3A_14 = arith.cmpi eq, %arg1, %eq3A_13 : i32
    %convert_element_type3A_15 = arith.extui %eq3A_14 : i1 to i32
    %cond3A_16 = arith.constant 0 : i32
    %cond3A_17 = arith.cmpi ne, %convert_element_type3A_15, %cond3A_16 : i32
    scf.if %cond3A_17 {
      "tpu.region"() ({
        %run_scoped3A = tpu.sem_alloc : memref<!tpu.dma_semaphore, #tpu.memory_space<semaphore_mem>>
        %dma_start3A = arith.constant 9984 : i32
        %dma_start3A_18 = arith.constant 0 : i32
        %dma_start3A_19 = tpu.memref_slice %arg7[%arg0, %dma_start3A, %dma_start3A_18] : memref<2x10000x16xf32, #tpu.memory_space<hbm>> -> memref<1x16x16xf32, #tpu.memory_space<hbm>>
        %dma_start3A_20 = tpu.memref_squeeze %dma_start3A_19 : memref<1x16x16xf32, #tpu.memory_space<hbm>> -> memref<16x16xf32, #tpu.memory_space<hbm>>
        %dma_start3A_21 = arith.constant 9984 : i32
        %dma_start3A_22 = arith.constant 0 : i32
        %dma_start3A_23 = tpu.memref_slice %arg14[%dma_start3A_21, %dma_start3A_22] : memref<10000x16xf32, #tpu.memory_space<vmem_shared>> -> memref<16x16xf32, #tpu.memory_space<vmem_shared>>
        tpu.enqueue_dma source(%dma_start3A_23 : memref<16x16xf32, #tpu.memory_space<vmem_shared>>) target(%dma_start3A_20 : memref<16x16xf32, #tpu.memory_space<hbm>>) target_semaphore(%run_scoped3A : memref<!tpu.dma_semaphore, #tpu.memory_space<semaphore_mem>>)
        %dma_wait3A = arith.constant 9984 : i32
        %dma_wait3A_24 = arith.constant 0 : i32
        %dma_wait3A_25 = tpu.memref_slice %arg7[%arg0, %dma_wait3A, %dma_wait3A_24] : memref<2x10000x16xf32, #tpu.memory_space<hbm>> -> memref<1x16x16xf32, #tpu.memory_space<hbm>>
        %dma_wait3A_26 = tpu.memref_squeeze %dma_wait3A_25 : memref<1x16x16xf32, #tpu.memory_space<hbm>> -> memref<16x16xf32, #tpu.memory_space<hbm>>
        %dma_wait3A_27 = arith.constant 9984 : i32
        %dma_wait3A_28 = arith.constant 0 : i32
        %dma_wait3A_29 = tpu.memref_slice %arg14[%dma_wait3A_27, %dma_wait3A_28] : memref<10000x16xf32, #tpu.memory_space<vmem_shared>> -> memref<16x16xf32, #tpu.memory_space<vmem_shared>>
        tpu.wait_dma2 semaphore(%run_scoped3A : memref<!tpu.dma_semaphore, #tpu.memory_space<semaphore_mem>>) src(%dma_wait3A_29 : memref<16x16xf32, #tpu.memory_space<vmem_shared>>) dst(%dma_wait3A_26 : memref<16x16xf32, #tpu.memory_space<hbm>>)
        tpu.yield
      }) : () -> ()
    } else {
    }
    return
  }
}

#map = affine_map<(d0, d1) -> (0)>
#map1 = affine_map<(d0, d1) -> (0, 0)>
#map2 = affine_map<(d0, d1) -> (0, 0, 0)>
module attributes {stable_mosaic.version = 14 : i64} {
  func.func @_sc_agg2_body(%arg0: i32, %arg1: i32, %arg2: memref<320000xi32, #tpu.memory_space<hbm>>, %arg3: memref<320000xi32, #tpu.memory_space<hbm>>, %arg4: memref<320000x16xf32, #tpu.memory_space<hbm>>, %arg5: memref<10000x128xf32, #tpu.memory_space<hbm>>, %arg6: memref<10000x1024xf32, #tpu.memory_space<hbm>>, %arg7: memref<10000x128xf32, #tpu.memory_space<hbm>>, %arg8: memref<2x10000x128xf32, #tpu.memory_space<hbm>>, %arg9: memref<32xi32, #tpu.memory_space<vmem>>, %arg10: memref<32xi32, #tpu.memory_space<vmem>>, %arg11: memref<32x16xf32, #tpu.memory_space<vmem>>, %arg12: memref<32x128xf32, #tpu.memory_space<vmem>>, %arg13: memref<32x1024xf32, #tpu.memory_space<vmem>>, %arg14: memref<32x128xf32, #tpu.memory_space<vmem>>, %arg15: memref<10000x128xf32, #tpu.memory_space<vmem_shared>>, %arg16: memref<!tpu.dma_semaphore, #tpu.memory_space<semaphore_mem>>, %arg17: memref<!tpu.dma_semaphore, #tpu.memory_space<semaphore_mem>>) attributes {dimension_semantics = [#tpu.dimension_semantics<core_parallel>, #tpu.dimension_semantics<subcore_parallel>], iteration_bounds = array<i64: 2, 16>, scalar_prefetch = 0 : i64, scratch_operands = 9 : i64, tpu.core_type = #tpu.core_type<sc_vector_subcore>, window_params = [{transform_indices = #map}, {transform_indices = #map}, {transform_indices = #map1}, {transform_indices = #map1}, {transform_indices = #map1}, {transform_indices = #map1}, {transform_indices = #map2}]} {
    %mul3A = arith.constant 16 : i32
    %mul3A_0 = arith.muli %arg0, %mul3A : i32
    %add3A = arith.addi %mul3A_0, %arg1 : i32
    %eq3A = arith.constant 0 : i32
    %eq3A_1 = arith.cmpi eq, %arg1, %eq3A : i32
    %convert_element_type3A = arith.extui %eq3A_1 : i1 to i32
    %cond3A = arith.constant 0 : i32
    %cond3A_2 = arith.cmpi ne, %convert_element_type3A, %cond3A : i32
    scf.if %cond3A_2 {
      "tpu.region"() ({
        %run_scoped3A = tpu.sem_alloc : memref<!tpu.dma_semaphore, #tpu.memory_space<semaphore_mem>>
        tpu.enqueue_dma source(%arg7 : memref<10000x128xf32, #tpu.memory_space<hbm>>) target(%arg15 : memref<10000x128xf32, #tpu.memory_space<vmem_shared>>) target_semaphore(%run_scoped3A : memref<!tpu.dma_semaphore, #tpu.memory_space<semaphore_mem>>)
        tpu.wait_dma2 semaphore(%run_scoped3A : memref<!tpu.dma_semaphore, #tpu.memory_space<semaphore_mem>>) src(%arg7 : memref<10000x128xf32, #tpu.memory_space<hbm>>) dst(%arg15 : memref<10000x128xf32, #tpu.memory_space<vmem_shared>>)
        tpu.yield
      }) : () -> ()
    } else {
    }
    %barrier3A = arith.constant 0 : index
    tpu.barrier barrier_id(%barrier3A)
    %mul3A_3 = arith.constant 10000 : i32
    %mul3A_4 = arith.muli %add3A, %mul3A_3 : i32
    %scan3A = arith.constant 0 : i32
    %scan3A_5 = arith.constant 0 : i32
    %scan3A_6 = arith.constant 312 : i32
    %scan3A_7 = arith.addi %scan3A_5, %scan3A_6 : i32
    %scan3A_8 = arith.constant 1 : i32
    scf.for %scan3A_52 = %scan3A_5 to %scan3A_7 step %scan3A_8  : i32 {
      %mul3A_53 = arith.constant 32 : i32
      %mul3A_54 = arith.muli %scan3A_52, %mul3A_53 : i32
      %add3A_55 = arith.addi %mul3A_4, %mul3A_54 : i32
      "tpu.region"() ({
        %run_scoped3A = tpu.sem_alloc : memref<!tpu.dma_semaphore, #tpu.memory_space<semaphore_mem>>
        %dma_start3A_91 = arith.constant 0 : i32
        %dma_start3A_92 = tpu.memref_slice %arg9[%dma_start3A_91] : memref<32xi32, #tpu.memory_space<vmem>> -> memref<32xi32, #tpu.memory_space<vmem>>
        %dma_start3A_93 = tpu.memref_slice %arg2[%add3A_55] : memref<320000xi32, #tpu.memory_space<hbm>> -> memref<32xi32, #tpu.memory_space<hbm>>
        %dma_start3A_94 = arith.constant 0 : i32
        %dma_start3A_95 = tpu.memref_slice %arg9[%dma_start3A_94] : memref<32xi32, #tpu.memory_space<vmem>> -> memref<32xi32, #tpu.memory_space<vmem>>
        %dma_start3A_96 = tpu.memref_slice %arg2[%add3A_55] : memref<320000xi32, #tpu.memory_space<hbm>> -> memref<32xi32, #tpu.memory_space<hbm>>
        tpu.enqueue_dma source(%dma_start3A_96 : memref<32xi32, #tpu.memory_space<hbm>>) target(%dma_start3A_95 : memref<32xi32, #tpu.memory_space<vmem>>) target_semaphore(%run_scoped3A : memref<!tpu.dma_semaphore, #tpu.memory_space<semaphore_mem>>)
        %dma_wait3A_97 = arith.constant 0 : i32
        %dma_wait3A_98 = tpu.memref_slice %arg9[%dma_wait3A_97] : memref<32xi32, #tpu.memory_space<vmem>> -> memref<32xi32, #tpu.memory_space<vmem>>
        %dma_wait3A_99 = tpu.memref_slice %arg2[%add3A_55] : memref<320000xi32, #tpu.memory_space<hbm>> -> memref<32xi32, #tpu.memory_space<hbm>>
        %dma_wait3A_100 = arith.constant 0 : i32
        %dma_wait3A_101 = tpu.memref_slice %arg9[%dma_wait3A_100] : memref<32xi32, #tpu.memory_space<vmem>> -> memref<32xi32, #tpu.memory_space<vmem>>
        %dma_wait3A_102 = tpu.memref_slice %arg2[%add3A_55] : memref<320000xi32, #tpu.memory_space<hbm>> -> memref<32xi32, #tpu.memory_space<hbm>>
        tpu.wait_dma2 semaphore(%run_scoped3A : memref<!tpu.dma_semaphore, #tpu.memory_space<semaphore_mem>>) src(%dma_wait3A_102 : memref<32xi32, #tpu.memory_space<hbm>>) dst(%dma_wait3A_101 : memref<32xi32, #tpu.memory_space<vmem>>)
        tpu.yield
      }) : () -> ()
      "tpu.region"() ({
        %run_scoped3A = tpu.sem_alloc : memref<!tpu.dma_semaphore, #tpu.memory_space<semaphore_mem>>
        %dma_start3A_91 = arith.constant 0 : i32
        %dma_start3A_92 = tpu.memref_slice %arg10[%dma_start3A_91] : memref<32xi32, #tpu.memory_space<vmem>> -> memref<32xi32, #tpu.memory_space<vmem>>
        %dma_start3A_93 = tpu.memref_slice %arg3[%add3A_55] : memref<320000xi32, #tpu.memory_space<hbm>> -> memref<32xi32, #tpu.memory_space<hbm>>
        %dma_start3A_94 = arith.constant 0 : i32
        %dma_start3A_95 = tpu.memref_slice %arg10[%dma_start3A_94] : memref<32xi32, #tpu.memory_space<vmem>> -> memref<32xi32, #tpu.memory_space<vmem>>
        %dma_start3A_96 = tpu.memref_slice %arg3[%add3A_55] : memref<320000xi32, #tpu.memory_space<hbm>> -> memref<32xi32, #tpu.memory_space<hbm>>
        tpu.enqueue_dma source(%dma_start3A_96 : memref<32xi32, #tpu.memory_space<hbm>>) target(%dma_start3A_95 : memref<32xi32, #tpu.memory_space<vmem>>) target_semaphore(%run_scoped3A : memref<!tpu.dma_semaphore, #tpu.memory_space<semaphore_mem>>)
        %dma_wait3A_97 = arith.constant 0 : i32
        %dma_wait3A_98 = tpu.memref_slice %arg10[%dma_wait3A_97] : memref<32xi32, #tpu.memory_space<vmem>> -> memref<32xi32, #tpu.memory_space<vmem>>
        %dma_wait3A_99 = tpu.memref_slice %arg3[%add3A_55] : memref<320000xi32, #tpu.memory_space<hbm>> -> memref<32xi32, #tpu.memory_space<hbm>>
        %dma_wait3A_100 = arith.constant 0 : i32
        %dma_wait3A_101 = tpu.memref_slice %arg10[%dma_wait3A_100] : memref<32xi32, #tpu.memory_space<vmem>> -> memref<32xi32, #tpu.memory_space<vmem>>
        %dma_wait3A_102 = tpu.memref_slice %arg3[%add3A_55] : memref<320000xi32, #tpu.memory_space<hbm>> -> memref<32xi32, #tpu.memory_space<hbm>>
        tpu.wait_dma2 semaphore(%run_scoped3A : memref<!tpu.dma_semaphore, #tpu.memory_space<semaphore_mem>>) src(%dma_wait3A_102 : memref<32xi32, #tpu.memory_space<hbm>>) dst(%dma_wait3A_101 : memref<32xi32, #tpu.memory_space<vmem>>)
        tpu.yield
      }) : () -> ()
      "tpu.region"() ({
        %run_scoped3A = tpu.sem_alloc : memref<!tpu.dma_semaphore, #tpu.memory_space<semaphore_mem>>
        %dma_start3A_91 = arith.constant 0 : i32
        %dma_start3A_92 = arith.constant 0 : i32
        %dma_start3A_93 = tpu.memref_slice %arg11[%dma_start3A_91, %dma_start3A_92] : memref<32x16xf32, #tpu.memory_space<vmem>> -> memref<32x16xf32, #tpu.memory_space<vmem>>
        %dma_start3A_94 = arith.constant 0 : i32
        %dma_start3A_95 = tpu.memref_slice %arg4[%add3A_55, %dma_start3A_94] : memref<320000x16xf32, #tpu.memory_space<hbm>> -> memref<32x16xf32, #tpu.memory_space<hbm>>
        %dma_start3A_96 = arith.constant 0 : i32
        %dma_start3A_97 = arith.constant 0 : i32
        %dma_start3A_98 = tpu.memref_slice %arg11[%dma_start3A_96, %dma_start3A_97] : memref<32x16xf32, #tpu.memory_space<vmem>> -> memref<32x16xf32, #tpu.memory_space<vmem>>
        %dma_start3A_99 = arith.constant 0 : i32
        %dma_start3A_100 = tpu.memref_slice %arg4[%add3A_55, %dma_start3A_99] : memref<320000x16xf32, #tpu.memory_space<hbm>> -> memref<32x16xf32, #tpu.memory_space<hbm>>
        tpu.enqueue_dma source(%dma_start3A_100 : memref<32x16xf32, #tpu.memory_space<hbm>>) target(%dma_start3A_98 : memref<32x16xf32, #tpu.memory_space<vmem>>) target_semaphore(%run_scoped3A : memref<!tpu.dma_semaphore, #tpu.memory_space<semaphore_mem>>)
        %dma_wait3A_101 = arith.constant 0 : i32
        %dma_wait3A_102 = arith.constant 0 : i32
        %dma_wait3A_103 = tpu.memref_slice %arg11[%dma_wait3A_101, %dma_wait3A_102] : memref<32x16xf32, #tpu.memory_space<vmem>> -> memref<32x16xf32, #tpu.memory_space<vmem>>
        %dma_wait3A_104 = arith.constant 0 : i32
        %dma_wait3A_105 = tpu.memref_slice %arg4[%add3A_55, %dma_wait3A_104] : memref<320000x16xf32, #tpu.memory_space<hbm>> -> memref<32x16xf32, #tpu.memory_space<hbm>>
        %dma_wait3A_106 = arith.constant 0 : i32
        %dma_wait3A_107 = arith.constant 0 : i32
        %dma_wait3A_108 = tpu.memref_slice %arg11[%dma_wait3A_106, %dma_wait3A_107] : memref<32x16xf32, #tpu.memory_space<vmem>> -> memref<32x16xf32, #tpu.memory_space<vmem>>
        %dma_wait3A_109 = arith.constant 0 : i32
        %dma_wait3A_110 = tpu.memref_slice %arg4[%add3A_55, %dma_wait3A_109] : memref<320000x16xf32, #tpu.memory_space<hbm>> -> memref<32x16xf32, #tpu.memory_space<hbm>>
        tpu.wait_dma2 semaphore(%run_scoped3A : memref<!tpu.dma_semaphore, #tpu.memory_space<semaphore_mem>>) src(%dma_wait3A_110 : memref<32x16xf32, #tpu.memory_space<hbm>>) dst(%dma_wait3A_108 : memref<32x16xf32, #tpu.memory_space<vmem>>)
        tpu.yield
      }) : () -> ()
      %dma_start3A_56 = arith.constant 0 : i32
      %dma_start3A_57 = arith.constant 0 : i32
      %dma_start3A_58 = tpu.memref_slice %arg12[%dma_start3A_56, %dma_start3A_57] : memref<32x128xf32, #tpu.memory_space<vmem>> -> memref<32x128xf32, #tpu.memory_space<vmem>>
      %dma_start3A_59 = arith.constant 0 : i32
      %dma_start3A_60 = tpu.memref_slice %arg10[%dma_start3A_59] : memref<32xi32, #tpu.memory_space<vmem>> -> memref<32xi32, #tpu.memory_space<vmem>>
      %dma_start3A_61 = arith.constant 0 : i32
      %dma_start3A_62 = arith.constant 0 : i32
      %dma_start3A_63 = tpu.memref_slice %arg5[%dma_start3A_61, %dma_start3A_62] : memref<10000x128xf32, #tpu.memory_space<hbm>> -> memref<10000x128xf32, #tpu.memory_space<hbm>>
      tpu.enqueue_indirect_dma source(%dma_start3A_63 : memref<10000x128xf32, #tpu.memory_space<hbm>>) target(%dma_start3A_58 : memref<32x128xf32, #tpu.memory_space<vmem>>) offsets(%dma_start3A_60 : memref<32xi32, #tpu.memory_space<vmem>>) semaphore(%arg17 : memref<!tpu.dma_semaphore, #tpu.memory_space<semaphore_mem>>)
      %dma_start3A_64 = arith.constant 0 : i32
      %dma_start3A_65 = arith.constant 0 : i32
      %dma_start3A_66 = tpu.memref_slice %arg13[%dma_start3A_64, %dma_start3A_65] : memref<32x1024xf32, #tpu.memory_space<vmem>> -> memref<32x1024xf32, #tpu.memory_space<vmem>>
      %dma_start3A_67 = arith.constant 0 : i32
      %dma_start3A_68 = tpu.memref_slice %arg9[%dma_start3A_67] : memref<32xi32, #tpu.memory_space<vmem>> -> memref<32xi32, #tpu.memory_space<vmem>>
      %dma_start3A_69 = arith.constant 0 : i32
      %dma_start3A_70 = arith.constant 0 : i32
      %dma_start3A_71 = tpu.memref_slice %arg6[%dma_start3A_69, %dma_start3A_70] : memref<10000x1024xf32, #tpu.memory_space<hbm>> -> memref<10000x1024xf32, #tpu.memory_space<hbm>>
      tpu.enqueue_indirect_dma source(%dma_start3A_71 : memref<10000x1024xf32, #tpu.memory_space<hbm>>) target(%dma_start3A_66 : memref<32x1024xf32, #tpu.memory_space<vmem>>) offsets(%dma_start3A_68 : memref<32xi32, #tpu.memory_space<vmem>>) semaphore(%arg16 : memref<!tpu.dma_semaphore, #tpu.memory_space<semaphore_mem>>)
      %dma_wait3A_72 = arith.constant 0 : i32
      %dma_wait3A_73 = arith.constant 0 : i32
      %dma_wait3A_74 = tpu.memref_slice %arg12[%dma_wait3A_72, %dma_wait3A_73] : memref<32x128xf32, #tpu.memory_space<vmem>> -> memref<32x128xf32, #tpu.memory_space<vmem>>
      %dma_wait3A_75 = arith.constant 0 : i32
      %dma_wait3A_76 = tpu.memref_slice %arg10[%dma_wait3A_75] : memref<32xi32, #tpu.memory_space<vmem>> -> memref<32xi32, #tpu.memory_space<vmem>>
      %dma_wait3A_77 = arith.constant 0 : i32
      %dma_wait3A_78 = arith.constant 0 : i32
      %dma_wait3A_79 = tpu.memref_slice %arg5[%dma_wait3A_77, %dma_wait3A_78] : memref<10000x128xf32, #tpu.memory_space<hbm>> -> memref<10000x128xf32, #tpu.memory_space<hbm>>
      tpu.wait_indirect_dma semaphore(%arg17 : memref<!tpu.dma_semaphore, #tpu.memory_space<semaphore_mem>>) src(%dma_wait3A_79 : memref<10000x128xf32, #tpu.memory_space<hbm>>) dst(%dma_wait3A_74 : memref<32x128xf32, #tpu.memory_space<vmem>>)
      %dma_wait3A_80 = arith.constant 0 : i32
      %dma_wait3A_81 = arith.constant 0 : i32
      %dma_wait3A_82 = tpu.memref_slice %arg13[%dma_wait3A_80, %dma_wait3A_81] : memref<32x1024xf32, #tpu.memory_space<vmem>> -> memref<32x1024xf32, #tpu.memory_space<vmem>>
      %dma_wait3A_83 = arith.constant 0 : i32
      %dma_wait3A_84 = tpu.memref_slice %arg9[%dma_wait3A_83] : memref<32xi32, #tpu.memory_space<vmem>> -> memref<32xi32, #tpu.memory_space<vmem>>
      %dma_wait3A_85 = arith.constant 0 : i32
      %dma_wait3A_86 = arith.constant 0 : i32
      %dma_wait3A_87 = tpu.memref_slice %arg6[%dma_wait3A_85, %dma_wait3A_86] : memref<10000x1024xf32, #tpu.memory_space<hbm>> -> memref<10000x1024xf32, #tpu.memory_space<hbm>>
      tpu.wait_indirect_dma semaphore(%arg16 : memref<!tpu.dma_semaphore, #tpu.memory_space<semaphore_mem>>) src(%dma_wait3A_87 : memref<10000x1024xf32, #tpu.memory_space<hbm>>) dst(%dma_wait3A_82 : memref<32x1024xf32, #tpu.memory_space<vmem>>)
      %parallel_loop3A_88 = arith.constant 0 : i32
      %parallel_loop3A_89 = arith.constant 32 : i32
      %parallel_loop3A_90 = arith.constant 1 : i32
      scf.for %parallel_loop3A_91 = %parallel_loop3A_88 to %parallel_loop3A_89 step %parallel_loop3A_90  : i32 {
        %parallel_loop3A_92 = arith.index_cast %parallel_loop3A_91 : i32 to index
        %parallel_loop3A_93 = arith.constant 0 : index
        %parallel_loop3A_94 = tpu.vector_load %arg11[%parallel_loop3A_92, %parallel_loop3A_93] {strides = array<i32>} : memref<32x16xf32, #tpu.memory_space<vmem>>, vector<1x16xf32>,
        %parallel_loop3A_95 = vector.shape_cast %parallel_loop3A_94 : vector<1x16xf32> to vector<16xf32>
        %parallel_loop3A_96 = arith.index_cast %parallel_loop3A_91 : i32 to index
        %parallel_loop3A_97 = arith.constant 0 : index
        %parallel_loop3A_98 = tpu.vector_load %arg12[%parallel_loop3A_96, %parallel_loop3A_97] {strides = array<i32>} : memref<32x128xf32, #tpu.memory_space<vmem>>, vector<1x16xf32>,
        %parallel_loop3A_99 = vector.shape_cast %parallel_loop3A_98 : vector<1x16xf32> to vector<16xf32>
        %parallel_loop3A_100 = arith.constant 8.000000e+00 : f32
        %parallel_loop3A_101 = vector.broadcast %parallel_loop3A_100 : f32 to vector<16xf32>
        %parallel_loop3A_102 = arith.mulf %parallel_loop3A_101, %parallel_loop3A_99 : vector<16xf32>
        %parallel_loop3A_103 = arith.divf %parallel_loop3A_95, %parallel_loop3A_102 : vector<16xf32>
        %parallel_loop3A_104 = vector.extract_strided_slice %parallel_loop3A_103 {offsets = [0], sizes = [1], strides = [1]} : vector<16xf32> to vector<1xf32>
        %parallel_loop3A_105 = vector.extract %parallel_loop3A_104[0] : f32 from vector<1xf32>
        %parallel_loop3A_106 = vector.extract_strided_slice %parallel_loop3A_103 {offsets = [1], sizes = [1], strides = [1]} : vector<16xf32> to vector<1xf32>
        %parallel_loop3A_107 = vector.extract %parallel_loop3A_106[0] : f32 from vector<1xf32>
        %parallel_loop3A_108 = vector.extract_strided_slice %parallel_loop3A_103 {offsets = [2], sizes = [1], strides = [1]} : vector<16xf32> to vector<1xf32>
        %parallel_loop3A_109 = vector.extract %parallel_loop3A_108[0] : f32 from vector<1xf32>
        %parallel_loop3A_110 = vector.extract_strided_slice %parallel_loop3A_103 {offsets = [3], sizes = [1], strides = [1]} : vector<16xf32> to vector<1xf32>
        %parallel_loop3A_111 = vector.extract %parallel_loop3A_110[0] : f32 from vector<1xf32>
        %parallel_loop3A_112 = vector.extract_strided_slice %parallel_loop3A_103 {offsets = [4], sizes = [1], strides = [1]} : vector<16xf32> to vector<1xf32>
        %parallel_loop3A_113 = vector.extract %parallel_loop3A_112[0] : f32 from vector<1xf32>
        %parallel_loop3A_114 = vector.extract_strided_slice %parallel_loop3A_103 {offsets = [5], sizes = [1], strides = [1]} : vector<16xf32> to vector<1xf32>
        %parallel_loop3A_115 = vector.extract %parallel_loop3A_114[0] : f32 from vector<1xf32>
        %parallel_loop3A_116 = vector.extract_strided_slice %parallel_loop3A_103 {offsets = [6], sizes = [1], strides = [1]} : vector<16xf32> to vector<1xf32>
        %parallel_loop3A_117 = vector.extract %parallel_loop3A_116[0] : f32 from vector<1xf32>
        %parallel_loop3A_118 = vector.extract_strided_slice %parallel_loop3A_103 {offsets = [7], sizes = [1], strides = [1]} : vector<16xf32> to vector<1xf32>
        %parallel_loop3A_119 = vector.extract %parallel_loop3A_118[0] : f32 from vector<1xf32>
        %parallel_loop3A_120 = arith.index_cast %parallel_loop3A_91 : i32 to index
        %parallel_loop3A_121 = arith.constant 0 : index
        %parallel_loop3A_122 = tpu.vector_load %arg13[%parallel_loop3A_120, %parallel_loop3A_121] {strides = array<i32>} : memref<32x1024xf32, #tpu.memory_space<vmem>>, vector<1x16xf32>,
        %parallel_loop3A_123 = vector.shape_cast %parallel_loop3A_122 : vector<1x16xf32> to vector<16xf32>
        %parallel_loop3A_124 = vector.broadcast %parallel_loop3A_105 : f32 to vector<16xf32>
        %parallel_loop3A_125 = arith.mulf %parallel_loop3A_124, %parallel_loop3A_123 : vector<16xf32>
        %parallel_loop3A_126 = arith.index_cast %parallel_loop3A_91 : i32 to index
        %parallel_loop3A_127 = arith.constant 128 : index
        %parallel_loop3A_128 = tpu.vector_load %arg13[%parallel_loop3A_126, %parallel_loop3A_127] {strides = array<i32>} : memref<32x1024xf32, #tpu.memory_space<vmem>>, vector<1x16xf32>,
        %parallel_loop3A_129 = vector.shape_cast %parallel_loop3A_128 : vector<1x16xf32> to vector<16xf32>
        %parallel_loop3A_130 = vector.broadcast %parallel_loop3A_107 : f32 to vector<16xf32>
        %parallel_loop3A_131 = arith.mulf %parallel_loop3A_130, %parallel_loop3A_129 : vector<16xf32>
        %parallel_loop3A_132 = arith.addf %parallel_loop3A_125, %parallel_loop3A_131 : vector<16xf32>
        %parallel_loop3A_133 = arith.index_cast %parallel_loop3A_91 : i32 to index
        %parallel_loop3A_134 = arith.constant 256 : index
        %parallel_loop3A_135 = tpu.vector_load %arg13[%parallel_loop3A_133, %parallel_loop3A_134] {strides = array<i32>} : memref<32x1024xf32, #tpu.memory_space<vmem>>, vector<1x16xf32>,
        %parallel_loop3A_136 = vector.shape_cast %parallel_loop3A_135 : vector<1x16xf32> to vector<16xf32>
        %parallel_loop3A_137 = vector.broadcast %parallel_loop3A_109 : f32 to vector<16xf32>
        %parallel_loop3A_138 = arith.mulf %parallel_loop3A_137, %parallel_loop3A_136 : vector<16xf32>
        %parallel_loop3A_139 = arith.addf %parallel_loop3A_132, %parallel_loop3A_138 : vector<16xf32>
        %parallel_loop3A_140 = arith.index_cast %parallel_loop3A_91 : i32 to index
        %parallel_loop3A_141 = arith.constant 384 : index
        %parallel_loop3A_142 = tpu.vector_load %arg13[%parallel_loop3A_140, %parallel_loop3A_141] {strides = array<i32>} : memref<32x1024xf32, #tpu.memory_space<vmem>>, vector<1x16xf32>,
        %parallel_loop3A_143 = vector.shape_cast %parallel_loop3A_142 : vector<1x16xf32> to vector<16xf32>
        %parallel_loop3A_144 = vector.broadcast %parallel_loop3A_111 : f32 to vector<16xf32>
        %parallel_loop3A_145 = arith.mulf %parallel_loop3A_144, %parallel_loop3A_143 : vector<16xf32>
        %parallel_loop3A_146 = arith.addf %parallel_loop3A_139, %parallel_loop3A_145 : vector<16xf32>
        %parallel_loop3A_147 = arith.index_cast %parallel_loop3A_91 : i32 to index
        %parallel_loop3A_148 = arith.constant 512 : index
        %parallel_loop3A_149 = tpu.vector_load %arg13[%parallel_loop3A_147, %parallel_loop3A_148] {strides = array<i32>} : memref<32x1024xf32, #tpu.memory_space<vmem>>, vector<1x16xf32>,
        %parallel_loop3A_150 = vector.shape_cast %parallel_loop3A_149 : vector<1x16xf32> to vector<16xf32>
        %parallel_loop3A_151 = vector.broadcast %parallel_loop3A_113 : f32 to vector<16xf32>
        %parallel_loop3A_152 = arith.mulf %parallel_loop3A_151, %parallel_loop3A_150 : vector<16xf32>
        %parallel_loop3A_153 = arith.addf %parallel_loop3A_146, %parallel_loop3A_152 : vector<16xf32>
        %parallel_loop3A_154 = arith.index_cast %parallel_loop3A_91 : i32 to index
        %parallel_loop3A_155 = arith.constant 640 : index
        %parallel_loop3A_156 = tpu.vector_load %arg13[%parallel_loop3A_154, %parallel_loop3A_155] {strides = array<i32>} : memref<32x1024xf32, #tpu.memory_space<vmem>>, vector<1x16xf32>,
        %parallel_loop3A_157 = vector.shape_cast %parallel_loop3A_156 : vector<1x16xf32> to vector<16xf32>
        %parallel_loop3A_158 = vector.broadcast %parallel_loop3A_115 : f32 to vector<16xf32>
        %parallel_loop3A_159 = arith.mulf %parallel_loop3A_158, %parallel_loop3A_157 : vector<16xf32>
        %parallel_loop3A_160 = arith.addf %parallel_loop3A_153, %parallel_loop3A_159 : vector<16xf32>
        %parallel_loop3A_161 = arith.index_cast %parallel_loop3A_91 : i32 to index
        %parallel_loop3A_162 = arith.constant 768 : index
        %parallel_loop3A_163 = tpu.vector_load %arg13[%parallel_loop3A_161, %parallel_loop3A_162] {strides = array<i32>} : memref<32x1024xf32, #tpu.memory_space<vmem>>, vector<1x16xf32>,
        %parallel_loop3A_164 = vector.shape_cast %parallel_loop3A_163 : vector<1x16xf32> to vector<16xf32>
        %parallel_loop3A_165 = vector.broadcast %parallel_loop3A_117 : f32 to vector<16xf32>
        %parallel_loop3A_166 = arith.mulf %parallel_loop3A_165, %parallel_loop3A_164 : vector<16xf32>
        %parallel_loop3A_167 = arith.addf %parallel_loop3A_160, %parallel_loop3A_166 : vector<16xf32>
        %parallel_loop3A_168 = arith.index_cast %parallel_loop3A_91 : i32 to index
        %parallel_loop3A_169 = arith.constant 896 : index
        %parallel_loop3A_170 = tpu.vector_load %arg13[%parallel_loop3A_168, %parallel_loop3A_169] {strides = array<i32>} : memref<32x1024xf32, #tpu.memory_space<vmem>>, vector<1x16xf32>,
        %parallel_loop3A_171 = vector.shape_cast %parallel_loop3A_170 : vector<1x16xf32> to vector<16xf32>
        %parallel_loop3A_172 = vector.broadcast %parallel_loop3A_119 : f32 to vector<16xf32>
        %parallel_loop3A_173 = arith.mulf %parallel_loop3A_172, %parallel_loop3A_171 : vector<16xf32>
        %parallel_loop3A_174 = arith.addf %parallel_loop3A_167, %parallel_loop3A_173 : vector<16xf32>
        %parallel_loop3A_175 = arith.index_cast %parallel_loop3A_91 : i32 to index
        %parallel_loop3A_176 = arith.constant 0 : index
        %parallel_loop3A_177 = tpu.vector_load %arg14[%parallel_loop3A_175, %parallel_loop3A_176] {strides = array<i32>} : memref<32x128xf32, #tpu.memory_space<vmem>>, vector<1x16xf32>,
        %parallel_loop3A_178 = vector.shape_cast %parallel_loop3A_177 : vector<1x16xf32> to vector<16xf32>
        %parallel_loop3A_179 = vector.shape_cast %parallel_loop3A_174 : vector<16xf32> to vector<1x16xf32>
        tpu.vector_store %arg14[%parallel_loop3A_175, %parallel_loop3A_176], %parallel_loop3A_179 {strides = array<i32>} : memref<32x128xf32, #tpu.memory_space<vmem>>, vector<1x16xf32>,
        %parallel_loop3A_180 = arith.index_cast %parallel_loop3A_91 : i32 to index
        %parallel_loop3A_181 = arith.constant 16 : index
        %parallel_loop3A_182 = tpu.vector_load %arg13[%parallel_loop3A_180, %parallel_loop3A_181] {strides = array<i32>} : memref<32x1024xf32, #tpu.memory_space<vmem>>, vector<1x16xf32>,
        %parallel_loop3A_183 = vector.shape_cast %parallel_loop3A_182 : vector<1x16xf32> to vector<16xf32>
        %parallel_loop3A_184 = vector.broadcast %parallel_loop3A_105 : f32 to vector<16xf32>
        %parallel_loop3A_185 = arith.mulf %parallel_loop3A_184, %parallel_loop3A_183 : vector<16xf32>
        %parallel_loop3A_186 = arith.index_cast %parallel_loop3A_91 : i32 to index
        %parallel_loop3A_187 = arith.constant 144 : index
        %parallel_loop3A_188 = tpu.vector_load %arg13[%parallel_loop3A_186, %parallel_loop3A_187] {strides = array<i32>} : memref<32x1024xf32, #tpu.memory_space<vmem>>, vector<1x16xf32>,
        %parallel_loop3A_189 = vector.shape_cast %parallel_loop3A_188 : vector<1x16xf32> to vector<16xf32>
        %parallel_loop3A_190 = vector.broadcast %parallel_loop3A_107 : f32 to vector<16xf32>
        %parallel_loop3A_191 = arith.mulf %parallel_loop3A_190, %parallel_loop3A_189 : vector<16xf32>
        %parallel_loop3A_192 = arith.addf %parallel_loop3A_185, %parallel_loop3A_191 : vector<16xf32>
        %parallel_loop3A_193 = arith.index_cast %parallel_loop3A_91 : i32 to index
        %parallel_loop3A_194 = arith.constant 272 : index
        %parallel_loop3A_195 = tpu.vector_load %arg13[%parallel_loop3A_193, %parallel_loop3A_194] {strides = array<i32>} : memref<32x1024xf32, #tpu.memory_space<vmem>>, vector<1x16xf32>,
        %parallel_loop3A_196 = vector.shape_cast %parallel_loop3A_195 : vector<1x16xf32> to vector<16xf32>
        %parallel_loop3A_197 = vector.broadcast %parallel_loop3A_109 : f32 to vector<16xf32>
        %parallel_loop3A_198 = arith.mulf %parallel_loop3A_197, %parallel_loop3A_196 : vector<16xf32>
        %parallel_loop3A_199 = arith.addf %parallel_loop3A_192, %parallel_loop3A_198 : vector<16xf32>
        %parallel_loop3A_200 = arith.index_cast %parallel_loop3A_91 : i32 to index
        %parallel_loop3A_201 = arith.constant 400 : index
        %parallel_loop3A_202 = tpu.vector_load %arg13[%parallel_loop3A_200, %parallel_loop3A_201] {strides = array<i32>} : memref<32x1024xf32, #tpu.memory_space<vmem>>, vector<1x16xf32>,
        %parallel_loop3A_203 = vector.shape_cast %parallel_loop3A_202 : vector<1x16xf32> to vector<16xf32>
        %parallel_loop3A_204 = vector.broadcast %parallel_loop3A_111 : f32 to vector<16xf32>
        %parallel_loop3A_205 = arith.mulf %parallel_loop3A_204, %parallel_loop3A_203 : vector<16xf32>
        %parallel_loop3A_206 = arith.addf %parallel_loop3A_199, %parallel_loop3A_205 : vector<16xf32>
        %parallel_loop3A_207 = arith.index_cast %parallel_loop3A_91 : i32 to index
        %parallel_loop3A_208 = arith.constant 528 : index
        %parallel_loop3A_209 = tpu.vector_load %arg13[%parallel_loop3A_207, %parallel_loop3A_208] {strides = array<i32>} : memref<32x1024xf32, #tpu.memory_space<vmem>>, vector<1x16xf32>,
        %parallel_loop3A_210 = vector.shape_cast %parallel_loop3A_209 : vector<1x16xf32> to vector<16xf32>
        %parallel_loop3A_211 = vector.broadcast %parallel_loop3A_113 : f32 to vector<16xf32>
        %parallel_loop3A_212 = arith.mulf %parallel_loop3A_211, %parallel_loop3A_210 : vector<16xf32>
        %parallel_loop3A_213 = arith.addf %parallel_loop3A_206, %parallel_loop3A_212 : vector<16xf32>
        %parallel_loop3A_214 = arith.index_cast %parallel_loop3A_91 : i32 to index
        %parallel_loop3A_215 = arith.constant 656 : index
        %parallel_loop3A_216 = tpu.vector_load %arg13[%parallel_loop3A_214, %parallel_loop3A_215] {strides = array<i32>} : memref<32x1024xf32, #tpu.memory_space<vmem>>, vector<1x16xf32>,
        %parallel_loop3A_217 = vector.shape_cast %parallel_loop3A_216 : vector<1x16xf32> to vector<16xf32>
        %parallel_loop3A_218 = vector.broadcast %parallel_loop3A_115 : f32 to vector<16xf32>
        %parallel_loop3A_219 = arith.mulf %parallel_loop3A_218, %parallel_loop3A_217 : vector<16xf32>
        %parallel_loop3A_220 = arith.addf %parallel_loop3A_213, %parallel_loop3A_219 : vector<16xf32>
        %parallel_loop3A_221 = arith.index_cast %parallel_loop3A_91 : i32 to index
        %parallel_loop3A_222 = arith.constant 784 : index
        %parallel_loop3A_223 = tpu.vector_load %arg13[%parallel_loop3A_221, %parallel_loop3A_222] {strides = array<i32>} : memref<32x1024xf32, #tpu.memory_space<vmem>>, vector<1x16xf32>,
        %parallel_loop3A_224 = vector.shape_cast %parallel_loop3A_223 : vector<1x16xf32> to vector<16xf32>
        %parallel_loop3A_225 = vector.broadcast %parallel_loop3A_117 : f32 to vector<16xf32>
        %parallel_loop3A_226 = arith.mulf %parallel_loop3A_225, %parallel_loop3A_224 : vector<16xf32>
        %parallel_loop3A_227 = arith.addf %parallel_loop3A_220, %parallel_loop3A_226 : vector<16xf32>
        %parallel_loop3A_228 = arith.index_cast %parallel_loop3A_91 : i32 to index
        %parallel_loop3A_229 = arith.constant 912 : index
        %parallel_loop3A_230 = tpu.vector_load %arg13[%parallel_loop3A_228, %parallel_loop3A_229] {strides = array<i32>} : memref<32x1024xf32, #tpu.memory_space<vmem>>, vector<1x16xf32>,
        %parallel_loop3A_231 = vector.shape_cast %parallel_loop3A_230 : vector<1x16xf32> to vector<16xf32>
        %parallel_loop3A_232 = vector.broadcast %parallel_loop3A_119 : f32 to vector<16xf32>
        %parallel_loop3A_233 = arith.mulf %parallel_loop3A_232, %parallel_loop3A_231 : vector<16xf32>
        %parallel_loop3A_234 = arith.addf %parallel_loop3A_227, %parallel_loop3A_233 : vector<16xf32>
        %parallel_loop3A_235 = arith.index_cast %parallel_loop3A_91 : i32 to index
        %parallel_loop3A_236 = arith.constant 16 : index
        %parallel_loop3A_237 = tpu.vector_load %arg14[%parallel_loop3A_235, %parallel_loop3A_236] {strides = array<i32>} : memref<32x128xf32, #tpu.memory_space<vmem>>, vector<1x16xf32>,
        %parallel_loop3A_238 = vector.shape_cast %parallel_loop3A_237 : vector<1x16xf32> to vector<16xf32>
        %parallel_loop3A_239 = vector.shape_cast %parallel_loop3A_234 : vector<16xf32> to vector<1x16xf32>
        tpu.vector_store %arg14[%parallel_loop3A_235, %parallel_loop3A_236], %parallel_loop3A_239 {strides = array<i32>} : memref<32x128xf32, #tpu.memory_space<vmem>>, vector<1x16xf32>,
        %parallel_loop3A_240 = arith.index_cast %parallel_loop3A_91 : i32 to index
        %parallel_loop3A_241 = arith.constant 32 : index
        %parallel_loop3A_242 = tpu.vector_load %arg13[%parallel_loop3A_240, %parallel_loop3A_241] {strides = array<i32>} : memref<32x1024xf32, #tpu.memory_space<vmem>>, vector<1x16xf32>,
        %parallel_loop3A_243 = vector.shape_cast %parallel_loop3A_242 : vector<1x16xf32> to vector<16xf32>
        %parallel_loop3A_244 = vector.broadcast %parallel_loop3A_105 : f32 to vector<16xf32>
        %parallel_loop3A_245 = arith.mulf %parallel_loop3A_244, %parallel_loop3A_243 : vector<16xf32>
        %parallel_loop3A_246 = arith.index_cast %parallel_loop3A_91 : i32 to index
        %parallel_loop3A_247 = arith.constant 160 : index
        %parallel_loop3A_248 = tpu.vector_load %arg13[%parallel_loop3A_246, %parallel_loop3A_247] {strides = array<i32>} : memref<32x1024xf32, #tpu.memory_space<vmem>>, vector<1x16xf32>,
        %parallel_loop3A_249 = vector.shape_cast %parallel_loop3A_248 : vector<1x16xf32> to vector<16xf32>
        %parallel_loop3A_250 = vector.broadcast %parallel_loop3A_107 : f32 to vector<16xf32>
        %parallel_loop3A_251 = arith.mulf %parallel_loop3A_250, %parallel_loop3A_249 : vector<16xf32>
        %parallel_loop3A_252 = arith.addf %parallel_loop3A_245, %parallel_loop3A_251 : vector<16xf32>
        %parallel_loop3A_253 = arith.index_cast %parallel_loop3A_91 : i32 to index
        %parallel_loop3A_254 = arith.constant 288 : index
        %parallel_loop3A_255 = tpu.vector_load %arg13[%parallel_loop3A_253, %parallel_loop3A_254] {strides = array<i32>} : memref<32x1024xf32, #tpu.memory_space<vmem>>, vector<1x16xf32>,
        %parallel_loop3A_256 = vector.shape_cast %parallel_loop3A_255 : vector<1x16xf32> to vector<16xf32>
        %parallel_loop3A_257 = vector.broadcast %parallel_loop3A_109 : f32 to vector<16xf32>
        %parallel_loop3A_258 = arith.mulf %parallel_loop3A_257, %parallel_loop3A_256 : vector<16xf32>
        %parallel_loop3A_259 = arith.addf %parallel_loop3A_252, %parallel_loop3A_258 : vector<16xf32>
        %parallel_loop3A_260 = arith.index_cast %parallel_loop3A_91 : i32 to index
        %parallel_loop3A_261 = arith.constant 416 : index
        %parallel_loop3A_262 = tpu.vector_load %arg13[%parallel_loop3A_260, %parallel_loop3A_261] {strides = array<i32>} : memref<32x1024xf32, #tpu.memory_space<vmem>>, vector<1x16xf32>,
        %parallel_loop3A_263 = vector.shape_cast %parallel_loop3A_262 : vector<1x16xf32> to vector<16xf32>
        %parallel_loop3A_264 = vector.broadcast %parallel_loop3A_111 : f32 to vector<16xf32>
        %parallel_loop3A_265 = arith.mulf %parallel_loop3A_264, %parallel_loop3A_263 : vector<16xf32>
        %parallel_loop3A_266 = arith.addf %parallel_loop3A_259, %parallel_loop3A_265 : vector<16xf32>
        %parallel_loop3A_267 = arith.index_cast %parallel_loop3A_91 : i32 to index
        %parallel_loop3A_268 = arith.constant 544 : index
        %parallel_loop3A_269 = tpu.vector_load %arg13[%parallel_loop3A_267, %parallel_loop3A_268] {strides = array<i32>} : memref<32x1024xf32, #tpu.memory_space<vmem>>, vector<1x16xf32>,
        %parallel_loop3A_270 = vector.shape_cast %parallel_loop3A_269 : vector<1x16xf32> to vector<16xf32>
        %parallel_loop3A_271 = vector.broadcast %parallel_loop3A_113 : f32 to vector<16xf32>
        %parallel_loop3A_272 = arith.mulf %parallel_loop3A_271, %parallel_loop3A_270 : vector<16xf32>
        %parallel_loop3A_273 = arith.addf %parallel_loop3A_266, %parallel_loop3A_272 : vector<16xf32>
        %parallel_loop3A_274 = arith.index_cast %parallel_loop3A_91 : i32 to index
        %parallel_loop3A_275 = arith.constant 672 : index
        %parallel_loop3A_276 = tpu.vector_load %arg13[%parallel_loop3A_274, %parallel_loop3A_275] {strides = array<i32>} : memref<32x1024xf32, #tpu.memory_space<vmem>>, vector<1x16xf32>,
        %parallel_loop3A_277 = vector.shape_cast %parallel_loop3A_276 : vector<1x16xf32> to vector<16xf32>
        %parallel_loop3A_278 = vector.broadcast %parallel_loop3A_115 : f32 to vector<16xf32>
        %parallel_loop3A_279 = arith.mulf %parallel_loop3A_278, %parallel_loop3A_277 : vector<16xf32>
        %parallel_loop3A_280 = arith.addf %parallel_loop3A_273, %parallel_loop3A_279 : vector<16xf32>
        %parallel_loop3A_281 = arith.index_cast %parallel_loop3A_91 : i32 to index
        %parallel_loop3A_282 = arith.constant 800 : index
        %parallel_loop3A_283 = tpu.vector_load %arg13[%parallel_loop3A_281, %parallel_loop3A_282] {strides = array<i32>} : memref<32x1024xf32, #tpu.memory_space<vmem>>, vector<1x16xf32>,
        %parallel_loop3A_284 = vector.shape_cast %parallel_loop3A_283 : vector<1x16xf32> to vector<16xf32>
        %parallel_loop3A_285 = vector.broadcast %parallel_loop3A_117 : f32 to vector<16xf32>
        %parallel_loop3A_286 = arith.mulf %parallel_loop3A_285, %parallel_loop3A_284 : vector<16xf32>
        %parallel_loop3A_287 = arith.addf %parallel_loop3A_280, %parallel_loop3A_286 : vector<16xf32>
        %parallel_loop3A_288 = arith.index_cast %parallel_loop3A_91 : i32 to index
        %parallel_loop3A_289 = arith.constant 928 : index
        %parallel_loop3A_290 = tpu.vector_load %arg13[%parallel_loop3A_288, %parallel_loop3A_289] {strides = array<i32>} : memref<32x1024xf32, #tpu.memory_space<vmem>>, vector<1x16xf32>,
        %parallel_loop3A_291 = vector.shape_cast %parallel_loop3A_290 : vector<1x16xf32> to vector<16xf32>
        %parallel_loop3A_292 = vector.broadcast %parallel_loop3A_119 : f32 to vector<16xf32>
        %parallel_loop3A_293 = arith.mulf %parallel_loop3A_292, %parallel_loop3A_291 : vector<16xf32>
        %parallel_loop3A_294 = arith.addf %parallel_loop3A_287, %parallel_loop3A_293 : vector<16xf32>
        %parallel_loop3A_295 = arith.index_cast %parallel_loop3A_91 : i32 to index
        %parallel_loop3A_296 = arith.constant 32 : index
        %parallel_loop3A_297 = tpu.vector_load %arg14[%parallel_loop3A_295, %parallel_loop3A_296] {strides = array<i32>} : memref<32x128xf32, #tpu.memory_space<vmem>>, vector<1x16xf32>,
        %parallel_loop3A_298 = vector.shape_cast %parallel_loop3A_297 : vector<1x16xf32> to vector<16xf32>
        %parallel_loop3A_299 = vector.shape_cast %parallel_loop3A_294 : vector<16xf32> to vector<1x16xf32>
        tpu.vector_store %arg14[%parallel_loop3A_295, %parallel_loop3A_296], %parallel_loop3A_299 {strides = array<i32>} : memref<32x128xf32, #tpu.memory_space<vmem>>, vector<1x16xf32>,
        %parallel_loop3A_300 = arith.index_cast %parallel_loop3A_91 : i32 to index
        %parallel_loop3A_301 = arith.constant 48 : index
        %parallel_loop3A_302 = tpu.vector_load %arg13[%parallel_loop3A_300, %parallel_loop3A_301] {strides = array<i32>} : memref<32x1024xf32, #tpu.memory_space<vmem>>, vector<1x16xf32>,
        %parallel_loop3A_303 = vector.shape_cast %parallel_loop3A_302 : vector<1x16xf32> to vector<16xf32>
        %parallel_loop3A_304 = vector.broadcast %parallel_loop3A_105 : f32 to vector<16xf32>
        %parallel_loop3A_305 = arith.mulf %parallel_loop3A_304, %parallel_loop3A_303 : vector<16xf32>
        %parallel_loop3A_306 = arith.index_cast %parallel_loop3A_91 : i32 to index
        %parallel_loop3A_307 = arith.constant 176 : index
        %parallel_loop3A_308 = tpu.vector_load %arg13[%parallel_loop3A_306, %parallel_loop3A_307] {strides = array<i32>} : memref<32x1024xf32, #tpu.memory_space<vmem>>, vector<1x16xf32>,
        %parallel_loop3A_309 = vector.shape_cast %parallel_loop3A_308 : vector<1x16xf32> to vector<16xf32>
        %parallel_loop3A_310 = vector.broadcast %parallel_loop3A_107 : f32 to vector<16xf32>
        %parallel_loop3A_311 = arith.mulf %parallel_loop3A_310, %parallel_loop3A_309 : vector<16xf32>
        %parallel_loop3A_312 = arith.addf %parallel_loop3A_305, %parallel_loop3A_311 : vector<16xf32>
        %parallel_loop3A_313 = arith.index_cast %parallel_loop3A_91 : i32 to index
        %parallel_loop3A_314 = arith.constant 304 : index
        %parallel_loop3A_315 = tpu.vector_load %arg13[%parallel_loop3A_313, %parallel_loop3A_314] {strides = array<i32>} : memref<32x1024xf32, #tpu.memory_space<vmem>>, vector<1x16xf32>,
        %parallel_loop3A_316 = vector.shape_cast %parallel_loop3A_315 : vector<1x16xf32> to vector<16xf32>
        %parallel_loop3A_317 = vector.broadcast %parallel_loop3A_109 : f32 to vector<16xf32>
        %parallel_loop3A_318 = arith.mulf %parallel_loop3A_317, %parallel_loop3A_316 : vector<16xf32>
        %parallel_loop3A_319 = arith.addf %parallel_loop3A_312, %parallel_loop3A_318 : vector<16xf32>
        %parallel_loop3A_320 = arith.index_cast %parallel_loop3A_91 : i32 to index
        %parallel_loop3A_321 = arith.constant 432 : index
        %parallel_loop3A_322 = tpu.vector_load %arg13[%parallel_loop3A_320, %parallel_loop3A_321] {strides = array<i32>} : memref<32x1024xf32, #tpu.memory_space<vmem>>, vector<1x16xf32>,
        %parallel_loop3A_323 = vector.shape_cast %parallel_loop3A_322 : vector<1x16xf32> to vector<16xf32>
        %parallel_loop3A_324 = vector.broadcast %parallel_loop3A_111 : f32 to vector<16xf32>
        %parallel_loop3A_325 = arith.mulf %parallel_loop3A_324, %parallel_loop3A_323 : vector<16xf32>
        %parallel_loop3A_326 = arith.addf %parallel_loop3A_319, %parallel_loop3A_325 : vector<16xf32>
        %parallel_loop3A_327 = arith.index_cast %parallel_loop3A_91 : i32 to index
        %parallel_loop3A_328 = arith.constant 560 : index
        %parallel_loop3A_329 = tpu.vector_load %arg13[%parallel_loop3A_327, %parallel_loop3A_328] {strides = array<i32>} : memref<32x1024xf32, #tpu.memory_space<vmem>>, vector<1x16xf32>,
        %parallel_loop3A_330 = vector.shape_cast %parallel_loop3A_329 : vector<1x16xf32> to vector<16xf32>
        %parallel_loop3A_331 = vector.broadcast %parallel_loop3A_113 : f32 to vector<16xf32>
        %parallel_loop3A_332 = arith.mulf %parallel_loop3A_331, %parallel_loop3A_330 : vector<16xf32>
        %parallel_loop3A_333 = arith.addf %parallel_loop3A_326, %parallel_loop3A_332 : vector<16xf32>
        %parallel_loop3A_334 = arith.index_cast %parallel_loop3A_91 : i32 to index
        %parallel_loop3A_335 = arith.constant 688 : index
        %parallel_loop3A_336 = tpu.vector_load %arg13[%parallel_loop3A_334, %parallel_loop3A_335] {strides = array<i32>} : memref<32x1024xf32, #tpu.memory_space<vmem>>, vector<1x16xf32>,
        %parallel_loop3A_337 = vector.shape_cast %parallel_loop3A_336 : vector<1x16xf32> to vector<16xf32>
        %parallel_loop3A_338 = vector.broadcast %parallel_loop3A_115 : f32 to vector<16xf32>
        %parallel_loop3A_339 = arith.mulf %parallel_loop3A_338, %parallel_loop3A_337 : vector<16xf32>
        %parallel_loop3A_340 = arith.addf %parallel_loop3A_333, %parallel_loop3A_339 : vector<16xf32>
        %parallel_loop3A_341 = arith.index_cast %parallel_loop3A_91 : i32 to index
        %parallel_loop3A_342 = arith.constant 816 : index
        %parallel_loop3A_343 = tpu.vector_load %arg13[%parallel_loop3A_341, %parallel_loop3A_342] {strides = array<i32>} : memref<32x1024xf32, #tpu.memory_space<vmem>>, vector<1x16xf32>,
        %parallel_loop3A_344 = vector.shape_cast %parallel_loop3A_343 : vector<1x16xf32> to vector<16xf32>
        %parallel_loop3A_345 = vector.broadcast %parallel_loop3A_117 : f32 to vector<16xf32>
        %parallel_loop3A_346 = arith.mulf %parallel_loop3A_345, %parallel_loop3A_344 : vector<16xf32>
        %parallel_loop3A_347 = arith.addf %parallel_loop3A_340, %parallel_loop3A_346 : vector<16xf32>
        %parallel_loop3A_348 = arith.index_cast %parallel_loop3A_91 : i32 to index
        %parallel_loop3A_349 = arith.constant 944 : index
        %parallel_loop3A_350 = tpu.vector_load %arg13[%parallel_loop3A_348, %parallel_loop3A_349] {strides = array<i32>} : memref<32x1024xf32, #tpu.memory_space<vmem>>, vector<1x16xf32>,
        %parallel_loop3A_351 = vector.shape_cast %parallel_loop3A_350 : vector<1x16xf32> to vector<16xf32>
        %parallel_loop3A_352 = vector.broadcast %parallel_loop3A_119 : f32 to vector<16xf32>
        %parallel_loop3A_353 = arith.mulf %parallel_loop3A_352, %parallel_loop3A_351 : vector<16xf32>
        %parallel_loop3A_354 = arith.addf %parallel_loop3A_347, %parallel_loop3A_353 : vector<16xf32>
        %parallel_loop3A_355 = arith.index_cast %parallel_loop3A_91 : i32 to index
        %parallel_loop3A_356 = arith.constant 48 : index
        %parallel_loop3A_357 = tpu.vector_load %arg14[%parallel_loop3A_355, %parallel_loop3A_356] {strides = array<i32>} : memref<32x128xf32, #tpu.memory_space<vmem>>, vector<1x16xf32>,
        %parallel_loop3A_358 = vector.shape_cast %parallel_loop3A_357 : vector<1x16xf32> to vector<16xf32>
        %parallel_loop3A_359 = vector.shape_cast %parallel_loop3A_354 : vector<16xf32> to vector<1x16xf32>
        tpu.vector_store %arg14[%parallel_loop3A_355, %parallel_loop3A_356], %parallel_loop3A_359 {strides = array<i32>} : memref<32x128xf32, #tpu.memory_space<vmem>>, vector<1x16xf32>,
        %parallel_loop3A_360 = arith.index_cast %parallel_loop3A_91 : i32 to index
        %parallel_loop3A_361 = arith.constant 64 : index
        %parallel_loop3A_362 = tpu.vector_load %arg13[%parallel_loop3A_360, %parallel_loop3A_361] {strides = array<i32>} : memref<32x1024xf32, #tpu.memory_space<vmem>>, vector<1x16xf32>,
        %parallel_loop3A_363 = vector.shape_cast %parallel_loop3A_362 : vector<1x16xf32> to vector<16xf32>
        %parallel_loop3A_364 = vector.broadcast %parallel_loop3A_105 : f32 to vector<16xf32>
        %parallel_loop3A_365 = arith.mulf %parallel_loop3A_364, %parallel_loop3A_363 : vector<16xf32>
        %parallel_loop3A_366 = arith.index_cast %parallel_loop3A_91 : i32 to index
        %parallel_loop3A_367 = arith.constant 192 : index
        %parallel_loop3A_368 = tpu.vector_load %arg13[%parallel_loop3A_366, %parallel_loop3A_367] {strides = array<i32>} : memref<32x1024xf32, #tpu.memory_space<vmem>>, vector<1x16xf32>,
        %parallel_loop3A_369 = vector.shape_cast %parallel_loop3A_368 : vector<1x16xf32> to vector<16xf32>
        %parallel_loop3A_370 = vector.broadcast %parallel_loop3A_107 : f32 to vector<16xf32>
        %parallel_loop3A_371 = arith.mulf %parallel_loop3A_370, %parallel_loop3A_369 : vector<16xf32>
        %parallel_loop3A_372 = arith.addf %parallel_loop3A_365, %parallel_loop3A_371 : vector<16xf32>
        %parallel_loop3A_373 = arith.index_cast %parallel_loop3A_91 : i32 to index
        %parallel_loop3A_374 = arith.constant 320 : index
        %parallel_loop3A_375 = tpu.vector_load %arg13[%parallel_loop3A_373, %parallel_loop3A_374] {strides = array<i32>} : memref<32x1024xf32, #tpu.memory_space<vmem>>, vector<1x16xf32>,
        %parallel_loop3A_376 = vector.shape_cast %parallel_loop3A_375 : vector<1x16xf32> to vector<16xf32>
        %parallel_loop3A_377 = vector.broadcast %parallel_loop3A_109 : f32 to vector<16xf32>
        %parallel_loop3A_378 = arith.mulf %parallel_loop3A_377, %parallel_loop3A_376 : vector<16xf32>
        %parallel_loop3A_379 = arith.addf %parallel_loop3A_372, %parallel_loop3A_378 : vector<16xf32>
        %parallel_loop3A_380 = arith.index_cast %parallel_loop3A_91 : i32 to index
        %parallel_loop3A_381 = arith.constant 448 : index
        %parallel_loop3A_382 = tpu.vector_load %arg13[%parallel_loop3A_380, %parallel_loop3A_381] {strides = array<i32>} : memref<32x1024xf32, #tpu.memory_space<vmem>>, vector<1x16xf32>,
        %parallel_loop3A_383 = vector.shape_cast %parallel_loop3A_382 : vector<1x16xf32> to vector<16xf32>
        %parallel_loop3A_384 = vector.broadcast %parallel_loop3A_111 : f32 to vector<16xf32>
        %parallel_loop3A_385 = arith.mulf %parallel_loop3A_384, %parallel_loop3A_383 : vector<16xf32>
        %parallel_loop3A_386 = arith.addf %parallel_loop3A_379, %parallel_loop3A_385 : vector<16xf32>
        %parallel_loop3A_387 = arith.index_cast %parallel_loop3A_91 : i32 to index
        %parallel_loop3A_388 = arith.constant 576 : index
        %parallel_loop3A_389 = tpu.vector_load %arg13[%parallel_loop3A_387, %parallel_loop3A_388] {strides = array<i32>} : memref<32x1024xf32, #tpu.memory_space<vmem>>, vector<1x16xf32>,
        %parallel_loop3A_390 = vector.shape_cast %parallel_loop3A_389 : vector<1x16xf32> to vector<16xf32>
        %parallel_loop3A_391 = vector.broadcast %parallel_loop3A_113 : f32 to vector<16xf32>
        %parallel_loop3A_392 = arith.mulf %parallel_loop3A_391, %parallel_loop3A_390 : vector<16xf32>
        %parallel_loop3A_393 = arith.addf %parallel_loop3A_386, %parallel_loop3A_392 : vector<16xf32>
        %parallel_loop3A_394 = arith.index_cast %parallel_loop3A_91 : i32 to index
        %parallel_loop3A_395 = arith.constant 704 : index
        %parallel_loop3A_396 = tpu.vector_load %arg13[%parallel_loop3A_394, %parallel_loop3A_395] {strides = array<i32>} : memref<32x1024xf32, #tpu.memory_space<vmem>>, vector<1x16xf32>,
        %parallel_loop3A_397 = vector.shape_cast %parallel_loop3A_396 : vector<1x16xf32> to vector<16xf32>
        %parallel_loop3A_398 = vector.broadcast %parallel_loop3A_115 : f32 to vector<16xf32>
        %parallel_loop3A_399 = arith.mulf %parallel_loop3A_398, %parallel_loop3A_397 : vector<16xf32>
        %parallel_loop3A_400 = arith.addf %parallel_loop3A_393, %parallel_loop3A_399 : vector<16xf32>
        %parallel_loop3A_401 = arith.index_cast %parallel_loop3A_91 : i32 to index
        %parallel_loop3A_402 = arith.constant 832 : index
        %parallel_loop3A_403 = tpu.vector_load %arg13[%parallel_loop3A_401, %parallel_loop3A_402] {strides = array<i32>} : memref<32x1024xf32, #tpu.memory_space<vmem>>, vector<1x16xf32>,
        %parallel_loop3A_404 = vector.shape_cast %parallel_loop3A_403 : vector<1x16xf32> to vector<16xf32>
        %parallel_loop3A_405 = vector.broadcast %parallel_loop3A_117 : f32 to vector<16xf32>
        %parallel_loop3A_406 = arith.mulf %parallel_loop3A_405, %parallel_loop3A_404 : vector<16xf32>
        %parallel_loop3A_407 = arith.addf %parallel_loop3A_400, %parallel_loop3A_406 : vector<16xf32>
        %parallel_loop3A_408 = arith.index_cast %parallel_loop3A_91 : i32 to index
        %parallel_loop3A_409 = arith.constant 960 : index
        %parallel_loop3A_410 = tpu.vector_load %arg13[%parallel_loop3A_408, %parallel_loop3A_409] {strides = array<i32>} : memref<32x1024xf32, #tpu.memory_space<vmem>>, vector<1x16xf32>,
        %parallel_loop3A_411 = vector.shape_cast %parallel_loop3A_410 : vector<1x16xf32> to vector<16xf32>
        %parallel_loop3A_412 = vector.broadcast %parallel_loop3A_119 : f32 to vector<16xf32>
        %parallel_loop3A_413 = arith.mulf %parallel_loop3A_412, %parallel_loop3A_411 : vector<16xf32>
        %parallel_loop3A_414 = arith.addf %parallel_loop3A_407, %parallel_loop3A_413 : vector<16xf32>
        %parallel_loop3A_415 = arith.index_cast %parallel_loop3A_91 : i32 to index
        %parallel_loop3A_416 = arith.constant 64 : index
        %parallel_loop3A_417 = tpu.vector_load %arg14[%parallel_loop3A_415, %parallel_loop3A_416] {strides = array<i32>} : memref<32x128xf32, #tpu.memory_space<vmem>>, vector<1x16xf32>,
        %parallel_loop3A_418 = vector.shape_cast %parallel_loop3A_417 : vector<1x16xf32> to vector<16xf32>
        %parallel_loop3A_419 = vector.shape_cast %parallel_loop3A_414 : vector<16xf32> to vector<1x16xf32>
        tpu.vector_store %arg14[%parallel_loop3A_415, %parallel_loop3A_416], %parallel_loop3A_419 {strides = array<i32>} : memref<32x128xf32, #tpu.memory_space<vmem>>, vector<1x16xf32>,
        %parallel_loop3A_420 = arith.index_cast %parallel_loop3A_91 : i32 to index
        %parallel_loop3A_421 = arith.constant 80 : index
        %parallel_loop3A_422 = tpu.vector_load %arg13[%parallel_loop3A_420, %parallel_loop3A_421] {strides = array<i32>} : memref<32x1024xf32, #tpu.memory_space<vmem>>, vector<1x16xf32>,
        %parallel_loop3A_423 = vector.shape_cast %parallel_loop3A_422 : vector<1x16xf32> to vector<16xf32>
        %parallel_loop3A_424 = vector.broadcast %parallel_loop3A_105 : f32 to vector<16xf32>
        %parallel_loop3A_425 = arith.mulf %parallel_loop3A_424, %parallel_loop3A_423 : vector<16xf32>
        %parallel_loop3A_426 = arith.index_cast %parallel_loop3A_91 : i32 to index
        %parallel_loop3A_427 = arith.constant 208 : index
        %parallel_loop3A_428 = tpu.vector_load %arg13[%parallel_loop3A_426, %parallel_loop3A_427] {strides = array<i32>} : memref<32x1024xf32, #tpu.memory_space<vmem>>, vector<1x16xf32>,
        %parallel_loop3A_429 = vector.shape_cast %parallel_loop3A_428 : vector<1x16xf32> to vector<16xf32>
        %parallel_loop3A_430 = vector.broadcast %parallel_loop3A_107 : f32 to vector<16xf32>
        %parallel_loop3A_431 = arith.mulf %parallel_loop3A_430, %parallel_loop3A_429 : vector<16xf32>
        %parallel_loop3A_432 = arith.addf %parallel_loop3A_425, %parallel_loop3A_431 : vector<16xf32>
        %parallel_loop3A_433 = arith.index_cast %parallel_loop3A_91 : i32 to index
        %parallel_loop3A_434 = arith.constant 336 : index
        %parallel_loop3A_435 = tpu.vector_load %arg13[%parallel_loop3A_433, %parallel_loop3A_434] {strides = array<i32>} : memref<32x1024xf32, #tpu.memory_space<vmem>>, vector<1x16xf32>,
        %parallel_loop3A_436 = vector.shape_cast %parallel_loop3A_435 : vector<1x16xf32> to vector<16xf32>
        %parallel_loop3A_437 = vector.broadcast %parallel_loop3A_109 : f32 to vector<16xf32>
        %parallel_loop3A_438 = arith.mulf %parallel_loop3A_437, %parallel_loop3A_436 : vector<16xf32>
        %parallel_loop3A_439 = arith.addf %parallel_loop3A_432, %parallel_loop3A_438 : vector<16xf32>
        %parallel_loop3A_440 = arith.index_cast %parallel_loop3A_91 : i32 to index
        %parallel_loop3A_441 = arith.constant 464 : index
        %parallel_loop3A_442 = tpu.vector_load %arg13[%parallel_loop3A_440, %parallel_loop3A_441] {strides = array<i32>} : memref<32x1024xf32, #tpu.memory_space<vmem>>, vector<1x16xf32>,
        %parallel_loop3A_443 = vector.shape_cast %parallel_loop3A_442 : vector<1x16xf32> to vector<16xf32>
        %parallel_loop3A_444 = vector.broadcast %parallel_loop3A_111 : f32 to vector<16xf32>
        %parallel_loop3A_445 = arith.mulf %parallel_loop3A_444, %parallel_loop3A_443 : vector<16xf32>
        %parallel_loop3A_446 = arith.addf %parallel_loop3A_439, %parallel_loop3A_445 : vector<16xf32>
        %parallel_loop3A_447 = arith.index_cast %parallel_loop3A_91 : i32 to index
        %parallel_loop3A_448 = arith.constant 592 : index
        %parallel_loop3A_449 = tpu.vector_load %arg13[%parallel_loop3A_447, %parallel_loop3A_448] {strides = array<i32>} : memref<32x1024xf32, #tpu.memory_space<vmem>>, vector<1x16xf32>,
        %parallel_loop3A_450 = vector.shape_cast %parallel_loop3A_449 : vector<1x16xf32> to vector<16xf32>
        %parallel_loop3A_451 = vector.broadcast %parallel_loop3A_113 : f32 to vector<16xf32>
        %parallel_loop3A_452 = arith.mulf %parallel_loop3A_451, %parallel_loop3A_450 : vector<16xf32>
        %parallel_loop3A_453 = arith.addf %parallel_loop3A_446, %parallel_loop3A_452 : vector<16xf32>
        %parallel_loop3A_454 = arith.index_cast %parallel_loop3A_91 : i32 to index
        %parallel_loop3A_455 = arith.constant 720 : index
        %parallel_loop3A_456 = tpu.vector_load %arg13[%parallel_loop3A_454, %parallel_loop3A_455] {strides = array<i32>} : memref<32x1024xf32, #tpu.memory_space<vmem>>, vector<1x16xf32>,
        %parallel_loop3A_457 = vector.shape_cast %parallel_loop3A_456 : vector<1x16xf32> to vector<16xf32>
        %parallel_loop3A_458 = vector.broadcast %parallel_loop3A_115 : f32 to vector<16xf32>
        %parallel_loop3A_459 = arith.mulf %parallel_loop3A_458, %parallel_loop3A_457 : vector<16xf32>
        %parallel_loop3A_460 = arith.addf %parallel_loop3A_453, %parallel_loop3A_459 : vector<16xf32>
        %parallel_loop3A_461 = arith.index_cast %parallel_loop3A_91 : i32 to index
        %parallel_loop3A_462 = arith.constant 848 : index
        %parallel_loop3A_463 = tpu.vector_load %arg13[%parallel_loop3A_461, %parallel_loop3A_462] {strides = array<i32>} : memref<32x1024xf32, #tpu.memory_space<vmem>>, vector<1x16xf32>,
        %parallel_loop3A_464 = vector.shape_cast %parallel_loop3A_463 : vector<1x16xf32> to vector<16xf32>
        %parallel_loop3A_465 = vector.broadcast %parallel_loop3A_117 : f32 to vector<16xf32>
        %parallel_loop3A_466 = arith.mulf %parallel_loop3A_465, %parallel_loop3A_464 : vector<16xf32>
        %parallel_loop3A_467 = arith.addf %parallel_loop3A_460, %parallel_loop3A_466 : vector<16xf32>
        %parallel_loop3A_468 = arith.index_cast %parallel_loop3A_91 : i32 to index
        %parallel_loop3A_469 = arith.constant 976 : index
        %parallel_loop3A_470 = tpu.vector_load %arg13[%parallel_loop3A_468, %parallel_loop3A_469] {strides = array<i32>} : memref<32x1024xf32, #tpu.memory_space<vmem>>, vector<1x16xf32>,
        %parallel_loop3A_471 = vector.shape_cast %parallel_loop3A_470 : vector<1x16xf32> to vector<16xf32>
        %parallel_loop3A_472 = vector.broadcast %parallel_loop3A_119 : f32 to vector<16xf32>
        %parallel_loop3A_473 = arith.mulf %parallel_loop3A_472, %parallel_loop3A_471 : vector<16xf32>
        %parallel_loop3A_474 = arith.addf %parallel_loop3A_467, %parallel_loop3A_473 : vector<16xf32>
        %parallel_loop3A_475 = arith.index_cast %parallel_loop3A_91 : i32 to index
        %parallel_loop3A_476 = arith.constant 80 : index
        %parallel_loop3A_477 = tpu.vector_load %arg14[%parallel_loop3A_475, %parallel_loop3A_476] {strides = array<i32>} : memref<32x128xf32, #tpu.memory_space<vmem>>, vector<1x16xf32>,
        %parallel_loop3A_478 = vector.shape_cast %parallel_loop3A_477 : vector<1x16xf32> to vector<16xf32>
        %parallel_loop3A_479 = vector.shape_cast %parallel_loop3A_474 : vector<16xf32> to vector<1x16xf32>
        tpu.vector_store %arg14[%parallel_loop3A_475, %parallel_loop3A_476], %parallel_loop3A_479 {strides = array<i32>} : memref<32x128xf32, #tpu.memory_space<vmem>>, vector<1x16xf32>,
        %parallel_loop3A_480 = arith.index_cast %parallel_loop3A_91 : i32 to index
        %parallel_loop3A_481 = arith.constant 96 : index
        %parallel_loop3A_482 = tpu.vector_load %arg13[%parallel_loop3A_480, %parallel_loop3A_481] {strides = array<i32>} : memref<32x1024xf32, #tpu.memory_space<vmem>>, vector<1x16xf32>,
        %parallel_loop3A_483 = vector.shape_cast %parallel_loop3A_482 : vector<1x16xf32> to vector<16xf32>
        %parallel_loop3A_484 = vector.broadcast %parallel_loop3A_105 : f32 to vector<16xf32>
        %parallel_loop3A_485 = arith.mulf %parallel_loop3A_484, %parallel_loop3A_483 : vector<16xf32>
        %parallel_loop3A_486 = arith.index_cast %parallel_loop3A_91 : i32 to index
        %parallel_loop3A_487 = arith.constant 224 : index
        %parallel_loop3A_488 = tpu.vector_load %arg13[%parallel_loop3A_486, %parallel_loop3A_487] {strides = array<i32>} : memref<32x1024xf32, #tpu.memory_space<vmem>>, vector<1x16xf32>,
        %parallel_loop3A_489 = vector.shape_cast %parallel_loop3A_488 : vector<1x16xf32> to vector<16xf32>
        %parallel_loop3A_490 = vector.broadcast %parallel_loop3A_107 : f32 to vector<16xf32>
        %parallel_loop3A_491 = arith.mulf %parallel_loop3A_490, %parallel_loop3A_489 : vector<16xf32>
        %parallel_loop3A_492 = arith.addf %parallel_loop3A_485, %parallel_loop3A_491 : vector<16xf32>
        %parallel_loop3A_493 = arith.index_cast %parallel_loop3A_91 : i32 to index
        %parallel_loop3A_494 = arith.constant 352 : index
        %parallel_loop3A_495 = tpu.vector_load %arg13[%parallel_loop3A_493, %parallel_loop3A_494] {strides = array<i32>} : memref<32x1024xf32, #tpu.memory_space<vmem>>, vector<1x16xf32>,
        %parallel_loop3A_496 = vector.shape_cast %parallel_loop3A_495 : vector<1x16xf32> to vector<16xf32>
        %parallel_loop3A_497 = vector.broadcast %parallel_loop3A_109 : f32 to vector<16xf32>
        %parallel_loop3A_498 = arith.mulf %parallel_loop3A_497, %parallel_loop3A_496 : vector<16xf32>
        %parallel_loop3A_499 = arith.addf %parallel_loop3A_492, %parallel_loop3A_498 : vector<16xf32>
        %parallel_loop3A_500 = arith.index_cast %parallel_loop3A_91 : i32 to index
        %parallel_loop3A_501 = arith.constant 480 : index
        %parallel_loop3A_502 = tpu.vector_load %arg13[%parallel_loop3A_500, %parallel_loop3A_501] {strides = array<i32>} : memref<32x1024xf32, #tpu.memory_space<vmem>>, vector<1x16xf32>,
        %parallel_loop3A_503 = vector.shape_cast %parallel_loop3A_502 : vector<1x16xf32> to vector<16xf32>
        %parallel_loop3A_504 = vector.broadcast %parallel_loop3A_111 : f32 to vector<16xf32>
        %parallel_loop3A_505 = arith.mulf %parallel_loop3A_504, %parallel_loop3A_503 : vector<16xf32>
        %parallel_loop3A_506 = arith.addf %parallel_loop3A_499, %parallel_loop3A_505 : vector<16xf32>
        %parallel_loop3A_507 = arith.index_cast %parallel_loop3A_91 : i32 to index
        %parallel_loop3A_508 = arith.constant 608 : index
        %parallel_loop3A_509 = tpu.vector_load %arg13[%parallel_loop3A_507, %parallel_loop3A_508] {strides = array<i32>} : memref<32x1024xf32, #tpu.memory_space<vmem>>, vector<1x16xf32>,
        %parallel_loop3A_510 = vector.shape_cast %parallel_loop3A_509 : vector<1x16xf32> to vector<16xf32>
        %parallel_loop3A_511 = vector.broadcast %parallel_loop3A_113 : f32 to vector<16xf32>
        %parallel_loop3A_512 = arith.mulf %parallel_loop3A_511, %parallel_loop3A_510 : vector<16xf32>
        %parallel_loop3A_513 = arith.addf %parallel_loop3A_506, %parallel_loop3A_512 : vector<16xf32>
        %parallel_loop3A_514 = arith.index_cast %parallel_loop3A_91 : i32 to index
        %parallel_loop3A_515 = arith.constant 736 : index
        %parallel_loop3A_516 = tpu.vector_load %arg13[%parallel_loop3A_514, %parallel_loop3A_515] {strides = array<i32>} : memref<32x1024xf32, #tpu.memory_space<vmem>>, vector<1x16xf32>,
        %parallel_loop3A_517 = vector.shape_cast %parallel_loop3A_516 : vector<1x16xf32> to vector<16xf32>
        %parallel_loop3A_518 = vector.broadcast %parallel_loop3A_115 : f32 to vector<16xf32>
        %parallel_loop3A_519 = arith.mulf %parallel_loop3A_518, %parallel_loop3A_517 : vector<16xf32>
        %parallel_loop3A_520 = arith.addf %parallel_loop3A_513, %parallel_loop3A_519 : vector<16xf32>
        %parallel_loop3A_521 = arith.index_cast %parallel_loop3A_91 : i32 to index
        %parallel_loop3A_522 = arith.constant 864 : index
        %parallel_loop3A_523 = tpu.vector_load %arg13[%parallel_loop3A_521, %parallel_loop3A_522] {strides = array<i32>} : memref<32x1024xf32, #tpu.memory_space<vmem>>, vector<1x16xf32>,
        %parallel_loop3A_524 = vector.shape_cast %parallel_loop3A_523 : vector<1x16xf32> to vector<16xf32>
        %parallel_loop3A_525 = vector.broadcast %parallel_loop3A_117 : f32 to vector<16xf32>
        %parallel_loop3A_526 = arith.mulf %parallel_loop3A_525, %parallel_loop3A_524 : vector<16xf32>
        %parallel_loop3A_527 = arith.addf %parallel_loop3A_520, %parallel_loop3A_526 : vector<16xf32>
        %parallel_loop3A_528 = arith.index_cast %parallel_loop3A_91 : i32 to index
        %parallel_loop3A_529 = arith.constant 992 : index
        %parallel_loop3A_530 = tpu.vector_load %arg13[%parallel_loop3A_528, %parallel_loop3A_529] {strides = array<i32>} : memref<32x1024xf32, #tpu.memory_space<vmem>>, vector<1x16xf32>,
        %parallel_loop3A_531 = vector.shape_cast %parallel_loop3A_530 : vector<1x16xf32> to vector<16xf32>
        %parallel_loop3A_532 = vector.broadcast %parallel_loop3A_119 : f32 to vector<16xf32>
        %parallel_loop3A_533 = arith.mulf %parallel_loop3A_532, %parallel_loop3A_531 : vector<16xf32>
        %parallel_loop3A_534 = arith.addf %parallel_loop3A_527, %parallel_loop3A_533 : vector<16xf32>
        %parallel_loop3A_535 = arith.index_cast %parallel_loop3A_91 : i32 to index
        %parallel_loop3A_536 = arith.constant 96 : index
        %parallel_loop3A_537 = tpu.vector_load %arg14[%parallel_loop3A_535, %parallel_loop3A_536] {strides = array<i32>} : memref<32x128xf32, #tpu.memory_space<vmem>>, vector<1x16xf32>,
        %parallel_loop3A_538 = vector.shape_cast %parallel_loop3A_537 : vector<1x16xf32> to vector<16xf32>
        %parallel_loop3A_539 = vector.shape_cast %parallel_loop3A_534 : vector<16xf32> to vector<1x16xf32>
        tpu.vector_store %arg14[%parallel_loop3A_535, %parallel_loop3A_536], %parallel_loop3A_539 {strides = array<i32>} : memref<32x128xf32, #tpu.memory_space<vmem>>, vector<1x16xf32>,
        %parallel_loop3A_540 = arith.index_cast %parallel_loop3A_91 : i32 to index
        %parallel_loop3A_541 = arith.constant 112 : index
        %parallel_loop3A_542 = tpu.vector_load %arg13[%parallel_loop3A_540, %parallel_loop3A_541] {strides = array<i32>} : memref<32x1024xf32, #tpu.memory_space<vmem>>, vector<1x16xf32>,
        %parallel_loop3A_543 = vector.shape_cast %parallel_loop3A_542 : vector<1x16xf32> to vector<16xf32>
        %parallel_loop3A_544 = vector.broadcast %parallel_loop3A_105 : f32 to vector<16xf32>
        %parallel_loop3A_545 = arith.mulf %parallel_loop3A_544, %parallel_loop3A_543 : vector<16xf32>
        %parallel_loop3A_546 = arith.index_cast %parallel_loop3A_91 : i32 to index
        %parallel_loop3A_547 = arith.constant 240 : index
        %parallel_loop3A_548 = tpu.vector_load %arg13[%parallel_loop3A_546, %parallel_loop3A_547] {strides = array<i32>} : memref<32x1024xf32, #tpu.memory_space<vmem>>, vector<1x16xf32>,
        %parallel_loop3A_549 = vector.shape_cast %parallel_loop3A_548 : vector<1x16xf32> to vector<16xf32>
        %parallel_loop3A_550 = vector.broadcast %parallel_loop3A_107 : f32 to vector<16xf32>
        %parallel_loop3A_551 = arith.mulf %parallel_loop3A_550, %parallel_loop3A_549 : vector<16xf32>
        %parallel_loop3A_552 = arith.addf %parallel_loop3A_545, %parallel_loop3A_551 : vector<16xf32>
        %parallel_loop3A_553 = arith.index_cast %parallel_loop3A_91 : i32 to index
        %parallel_loop3A_554 = arith.constant 368 : index
        %parallel_loop3A_555 = tpu.vector_load %arg13[%parallel_loop3A_553, %parallel_loop3A_554] {strides = array<i32>} : memref<32x1024xf32, #tpu.memory_space<vmem>>, vector<1x16xf32>,
        %parallel_loop3A_556 = vector.shape_cast %parallel_loop3A_555 : vector<1x16xf32> to vector<16xf32>
        %parallel_loop3A_557 = vector.broadcast %parallel_loop3A_109 : f32 to vector<16xf32>
        %parallel_loop3A_558 = arith.mulf %parallel_loop3A_557, %parallel_loop3A_556 : vector<16xf32>
        %parallel_loop3A_559 = arith.addf %parallel_loop3A_552, %parallel_loop3A_558 : vector<16xf32>
        %parallel_loop3A_560 = arith.index_cast %parallel_loop3A_91 : i32 to index
        %parallel_loop3A_561 = arith.constant 496 : index
        %parallel_loop3A_562 = tpu.vector_load %arg13[%parallel_loop3A_560, %parallel_loop3A_561] {strides = array<i32>} : memref<32x1024xf32, #tpu.memory_space<vmem>>, vector<1x16xf32>,
        %parallel_loop3A_563 = vector.shape_cast %parallel_loop3A_562 : vector<1x16xf32> to vector<16xf32>
        %parallel_loop3A_564 = vector.broadcast %parallel_loop3A_111 : f32 to vector<16xf32>
        %parallel_loop3A_565 = arith.mulf %parallel_loop3A_564, %parallel_loop3A_563 : vector<16xf32>
        %parallel_loop3A_566 = arith.addf %parallel_loop3A_559, %parallel_loop3A_565 : vector<16xf32>
        %parallel_loop3A_567 = arith.index_cast %parallel_loop3A_91 : i32 to index
        %parallel_loop3A_568 = arith.constant 624 : index
        %parallel_loop3A_569 = tpu.vector_load %arg13[%parallel_loop3A_567, %parallel_loop3A_568] {strides = array<i32>} : memref<32x1024xf32, #tpu.memory_space<vmem>>, vector<1x16xf32>,
        %parallel_loop3A_570 = vector.shape_cast %parallel_loop3A_569 : vector<1x16xf32> to vector<16xf32>
        %parallel_loop3A_571 = vector.broadcast %parallel_loop3A_113 : f32 to vector<16xf32>
        %parallel_loop3A_572 = arith.mulf %parallel_loop3A_571, %parallel_loop3A_570 : vector<16xf32>
        %parallel_loop3A_573 = arith.addf %parallel_loop3A_566, %parallel_loop3A_572 : vector<16xf32>
        %parallel_loop3A_574 = arith.index_cast %parallel_loop3A_91 : i32 to index
        %parallel_loop3A_575 = arith.constant 752 : index
        %parallel_loop3A_576 = tpu.vector_load %arg13[%parallel_loop3A_574, %parallel_loop3A_575] {strides = array<i32>} : memref<32x1024xf32, #tpu.memory_space<vmem>>, vector<1x16xf32>,
        %parallel_loop3A_577 = vector.shape_cast %parallel_loop3A_576 : vector<1x16xf32> to vector<16xf32>
        %parallel_loop3A_578 = vector.broadcast %parallel_loop3A_115 : f32 to vector<16xf32>
        %parallel_loop3A_579 = arith.mulf %parallel_loop3A_578, %parallel_loop3A_577 : vector<16xf32>
        %parallel_loop3A_580 = arith.addf %parallel_loop3A_573, %parallel_loop3A_579 : vector<16xf32>
        %parallel_loop3A_581 = arith.index_cast %parallel_loop3A_91 : i32 to index
        %parallel_loop3A_582 = arith.constant 880 : index
        %parallel_loop3A_583 = tpu.vector_load %arg13[%parallel_loop3A_581, %parallel_loop3A_582] {strides = array<i32>} : memref<32x1024xf32, #tpu.memory_space<vmem>>, vector<1x16xf32>,
        %parallel_loop3A_584 = vector.shape_cast %parallel_loop3A_583 : vector<1x16xf32> to vector<16xf32>
        %parallel_loop3A_585 = vector.broadcast %parallel_loop3A_117 : f32 to vector<16xf32>
        %parallel_loop3A_586 = arith.mulf %parallel_loop3A_585, %parallel_loop3A_584 : vector<16xf32>
        %parallel_loop3A_587 = arith.addf %parallel_loop3A_580, %parallel_loop3A_586 : vector<16xf32>
        %parallel_loop3A_588 = arith.index_cast %parallel_loop3A_91 : i32 to index
        %parallel_loop3A_589 = arith.constant 1008 : index
        %parallel_loop3A_590 = tpu.vector_load %arg13[%parallel_loop3A_588, %parallel_loop3A_589] {strides = array<i32>} : memref<32x1024xf32, #tpu.memory_space<vmem>>, vector<1x16xf32>,
        %parallel_loop3A_591 = vector.shape_cast %parallel_loop3A_590 : vector<1x16xf32> to vector<16xf32>
        %parallel_loop3A_592 = vector.broadcast %parallel_loop3A_119 : f32 to vector<16xf32>
        %parallel_loop3A_593 = arith.mulf %parallel_loop3A_592, %parallel_loop3A_591 : vector<16xf32>
        %parallel_loop3A_594 = arith.addf %parallel_loop3A_587, %parallel_loop3A_593 : vector<16xf32>
        %parallel_loop3A_595 = arith.index_cast %parallel_loop3A_91 : i32 to index
        %parallel_loop3A_596 = arith.constant 112 : index
        %parallel_loop3A_597 = tpu.vector_load %arg14[%parallel_loop3A_595, %parallel_loop3A_596] {strides = array<i32>} : memref<32x128xf32, #tpu.memory_space<vmem>>, vector<1x16xf32>,
        %parallel_loop3A_598 = vector.shape_cast %parallel_loop3A_597 : vector<1x16xf32> to vector<16xf32>
        %parallel_loop3A_599 = vector.shape_cast %parallel_loop3A_594 : vector<16xf32> to vector<1x16xf32>
        tpu.vector_store %arg14[%parallel_loop3A_595, %parallel_loop3A_596], %parallel_loop3A_599 {strides = array<i32>} : memref<32x128xf32, #tpu.memory_space<vmem>>, vector<1x16xf32>,
      } {sc.loop_unroll_factor = 2 : i64, sc.parallel_access}
      "tpu.region"() ({
        %run_scoped3A = tpu.sem_alloc : memref<!tpu.dma_semaphore, #tpu.memory_space<semaphore_mem>>
        %dma_start3A_91 = arith.constant 0 : i32
        %dma_start3A_92 = arith.constant 0 : i32
        %dma_start3A_93 = tpu.memref_slice %arg14[%dma_start3A_91, %dma_start3A_92] : memref<32x128xf32, #tpu.memory_space<vmem>> -> memref<32x128xf32, #tpu.memory_space<vmem>>
        %dma_start3A_94 = arith.constant 0 : i32
        %dma_start3A_95 = tpu.memref_slice %arg10[%dma_start3A_94] : memref<32xi32, #tpu.memory_space<vmem>> -> memref<32xi32, #tpu.memory_space<vmem>>
        %dma_start3A_96 = arith.constant 0 : i32
        %dma_start3A_97 = arith.constant 0 : i32
        %dma_start3A_98 = tpu.memref_slice %arg15[%dma_start3A_96, %dma_start3A_97] : memref<10000x128xf32, #tpu.memory_space<vmem_shared>> -> memref<10000x128xf32, #tpu.memory_space<vmem_shared>>
        tpu.enqueue_indirect_dma source(%dma_start3A_93 : memref<32x128xf32, #tpu.memory_space<vmem>>) target(%dma_start3A_98 : memref<10000x128xf32, #tpu.memory_space<vmem_shared>>) offsets(%dma_start3A_95 : memref<32xi32, #tpu.memory_space<vmem>>) semaphore(%run_scoped3A : memref<!tpu.dma_semaphore, #tpu.memory_space<semaphore_mem>>) {add = true}
        %dma_wait3A_99 = arith.constant 0 : i32
        %dma_wait3A_100 = arith.constant 0 : i32
        %dma_wait3A_101 = tpu.memref_slice %arg14[%dma_wait3A_99, %dma_wait3A_100] : memref<32x128xf32, #tpu.memory_space<vmem>> -> memref<32x128xf32, #tpu.memory_space<vmem>>
        %dma_wait3A_102 = arith.constant 0 : i32
        %dma_wait3A_103 = tpu.memref_slice %arg10[%dma_wait3A_102] : memref<32xi32, #tpu.memory_space<vmem>> -> memref<32xi32, #tpu.memory_space<vmem>>
        %dma_wait3A_104 = arith.constant 0 : i32
        %dma_wait3A_105 = arith.constant 0 : i32
        %dma_wait3A_106 = tpu.memref_slice %arg15[%dma_wait3A_104, %dma_wait3A_105] : memref<10000x128xf32, #tpu.memory_space<vmem_shared>> -> memref<10000x128xf32, #tpu.memory_space<vmem_shared>>
        tpu.wait_indirect_dma semaphore(%run_scoped3A : memref<!tpu.dma_semaphore, #tpu.memory_space<semaphore_mem>>) src(%dma_wait3A_101 : memref<32x128xf32, #tpu.memory_space<vmem>>) dst(%dma_wait3A_106 : memref<10000x128xf32, #tpu.memory_space<vmem_shared>>)
        tpu.yield
      }) : () -> ()
    }
    %scan3A_9 = arith.constant 312 : i32
    %add3A_10 = arith.constant 9984 : i32
    %add3A_11 = arith.addi %mul3A_4, %add3A_10 : i32
    "tpu.region"() ({
      %run_scoped3A = tpu.sem_alloc : memref<!tpu.dma_semaphore, #tpu.memory_space<semaphore_mem>>
      %dma_start3A_52 = arith.constant 0 : i32
      %dma_start3A_53 = tpu.memref_slice %arg9[%dma_start3A_52] : memref<32xi32, #tpu.memory_space<vmem>> -> memref<16xi32, #tpu.memory_space<vmem>>
      %dma_start3A_54 = tpu.memref_slice %arg2[%add3A_11] : memref<320000xi32, #tpu.memory_space<hbm>> -> memref<16xi32, #tpu.memory_space<hbm>>
      %dma_start3A_55 = arith.constant 0 : i32
      %dma_start3A_56 = tpu.memref_slice %arg9[%dma_start3A_55] : memref<32xi32, #tpu.memory_space<vmem>> -> memref<16xi32, #tpu.memory_space<vmem>>
      %dma_start3A_57 = tpu.memref_slice %arg2[%add3A_11] : memref<320000xi32, #tpu.memory_space<hbm>> -> memref<16xi32, #tpu.memory_space<hbm>>
      tpu.enqueue_dma source(%dma_start3A_57 : memref<16xi32, #tpu.memory_space<hbm>>) target(%dma_start3A_56 : memref<16xi32, #tpu.memory_space<vmem>>) target_semaphore(%run_scoped3A : memref<!tpu.dma_semaphore, #tpu.memory_space<semaphore_mem>>)
      %dma_wait3A_58 = arith.constant 0 : i32
      %dma_wait3A_59 = tpu.memref_slice %arg9[%dma_wait3A_58] : memref<32xi32, #tpu.memory_space<vmem>> -> memref<16xi32, #tpu.memory_space<vmem>>
      %dma_wait3A_60 = tpu.memref_slice %arg2[%add3A_11] : memref<320000xi32, #tpu.memory_space<hbm>> -> memref<16xi32, #tpu.memory_space<hbm>>
      %dma_wait3A_61 = arith.constant 0 : i32
      %dma_wait3A_62 = tpu.memref_slice %arg9[%dma_wait3A_61] : memref<32xi32, #tpu.memory_space<vmem>> -> memref<16xi32, #tpu.memory_space<vmem>>
      %dma_wait3A_63 = tpu.memref_slice %arg2[%add3A_11] : memref<320000xi32, #tpu.memory_space<hbm>> -> memref<16xi32, #tpu.memory_space<hbm>>
      tpu.wait_dma2 semaphore(%run_scoped3A : memref<!tpu.dma_semaphore, #tpu.memory_space<semaphore_mem>>) src(%dma_wait3A_63 : memref<16xi32, #tpu.memory_space<hbm>>) dst(%dma_wait3A_62 : memref<16xi32, #tpu.memory_space<vmem>>)
      tpu.yield
    }) : () -> ()
    "tpu.region"() ({
      %run_scoped3A = tpu.sem_alloc : memref<!tpu.dma_semaphore, #tpu.memory_space<semaphore_mem>>
      %dma_start3A_52 = arith.constant 0 : i32
      %dma_start3A_53 = tpu.memref_slice %arg10[%dma_start3A_52] : memref<32xi32, #tpu.memory_space<vmem>> -> memref<16xi32, #tpu.memory_space<vmem>>
      %dma_start3A_54 = tpu.memref_slice %arg3[%add3A_11] : memref<320000xi32, #tpu.memory_space<hbm>> -> memref<16xi32, #tpu.memory_space<hbm>>
      %dma_start3A_55 = arith.constant 0 : i32
      %dma_start3A_56 = tpu.memref_slice %arg10[%dma_start3A_55] : memref<32xi32, #tpu.memory_space<vmem>> -> memref<16xi32, #tpu.memory_space<vmem>>
      %dma_start3A_57 = tpu.memref_slice %arg3[%add3A_11] : memref<320000xi32, #tpu.memory_space<hbm>> -> memref<16xi32, #tpu.memory_space<hbm>>
      tpu.enqueue_dma source(%dma_start3A_57 : memref<16xi32, #tpu.memory_space<hbm>>) target(%dma_start3A_56 : memref<16xi32, #tpu.memory_space<vmem>>) target_semaphore(%run_scoped3A : memref<!tpu.dma_semaphore, #tpu.memory_space<semaphore_mem>>)
      %dma_wait3A_58 = arith.constant 0 : i32
      %dma_wait3A_59 = tpu.memref_slice %arg10[%dma_wait3A_58] : memref<32xi32, #tpu.memory_space<vmem>> -> memref<16xi32, #tpu.memory_space<vmem>>
      %dma_wait3A_60 = tpu.memref_slice %arg3[%add3A_11] : memref<320000xi32, #tpu.memory_space<hbm>> -> memref<16xi32, #tpu.memory_space<hbm>>
      %dma_wait3A_61 = arith.constant 0 : i32
      %dma_wait3A_62 = tpu.memref_slice %arg10[%dma_wait3A_61] : memref<32xi32, #tpu.memory_space<vmem>> -> memref<16xi32, #tpu.memory_space<vmem>>
      %dma_wait3A_63 = tpu.memref_slice %arg3[%add3A_11] : memref<320000xi32, #tpu.memory_space<hbm>> -> memref<16xi32, #tpu.memory_space<hbm>>
      tpu.wait_dma2 semaphore(%run_scoped3A : memref<!tpu.dma_semaphore, #tpu.memory_space<semaphore_mem>>) src(%dma_wait3A_63 : memref<16xi32, #tpu.memory_space<hbm>>) dst(%dma_wait3A_62 : memref<16xi32, #tpu.memory_space<vmem>>)
      tpu.yield
    }) : () -> ()
    "tpu.region"() ({
      %run_scoped3A = tpu.sem_alloc : memref<!tpu.dma_semaphore, #tpu.memory_space<semaphore_mem>>
      %dma_start3A_52 = arith.constant 0 : i32
      %dma_start3A_53 = arith.constant 0 : i32
      %dma_start3A_54 = tpu.memref_slice %arg11[%dma_start3A_52, %dma_start3A_53] : memref<32x16xf32, #tpu.memory_space<vmem>> -> memref<16x16xf32, #tpu.memory_space<vmem>>
      %dma_start3A_55 = arith.constant 0 : i32
      %dma_start3A_56 = tpu.memref_slice %arg4[%add3A_11, %dma_start3A_55] : memref<320000x16xf32, #tpu.memory_space<hbm>> -> memref<16x16xf32, #tpu.memory_space<hbm>>
      %dma_start3A_57 = arith.constant 0 : i32
      %dma_start3A_58 = arith.constant 0 : i32
      %dma_start3A_59 = tpu.memref_slice %arg11[%dma_start3A_57, %dma_start3A_58] : memref<32x16xf32, #tpu.memory_space<vmem>> -> memref<16x16xf32, #tpu.memory_space<vmem>>
      %dma_start3A_60 = arith.constant 0 : i32
      %dma_start3A_61 = tpu.memref_slice %arg4[%add3A_11, %dma_start3A_60] : memref<320000x16xf32, #tpu.memory_space<hbm>> -> memref<16x16xf32, #tpu.memory_space<hbm>>
      tpu.enqueue_dma source(%dma_start3A_61 : memref<16x16xf32, #tpu.memory_space<hbm>>) target(%dma_start3A_59 : memref<16x16xf32, #tpu.memory_space<vmem>>) target_semaphore(%run_scoped3A : memref<!tpu.dma_semaphore, #tpu.memory_space<semaphore_mem>>)
      %dma_wait3A_62 = arith.constant 0 : i32
      %dma_wait3A_63 = arith.constant 0 : i32
      %dma_wait3A_64 = tpu.memref_slice %arg11[%dma_wait3A_62, %dma_wait3A_63] : memref<32x16xf32, #tpu.memory_space<vmem>> -> memref<16x16xf32, #tpu.memory_space<vmem>>
      %dma_wait3A_65 = arith.constant 0 : i32
      %dma_wait3A_66 = tpu.memref_slice %arg4[%add3A_11, %dma_wait3A_65] : memref<320000x16xf32, #tpu.memory_space<hbm>> -> memref<16x16xf32, #tpu.memory_space<hbm>>
      %dma_wait3A_67 = arith.constant 0 : i32
      %dma_wait3A_68 = arith.constant 0 : i32
      %dma_wait3A_69 = tpu.memref_slice %arg11[%dma_wait3A_67, %dma_wait3A_68] : memref<32x16xf32, #tpu.memory_space<vmem>> -> memref<16x16xf32, #tpu.memory_space<vmem>>
      %dma_wait3A_70 = arith.constant 0 : i32
      %dma_wait3A_71 = tpu.memref_slice %arg4[%add3A_11, %dma_wait3A_70] : memref<320000x16xf32, #tpu.memory_space<hbm>> -> memref<16x16xf32, #tpu.memory_space<hbm>>
      tpu.wait_dma2 semaphore(%run_scoped3A : memref<!tpu.dma_semaphore, #tpu.memory_space<semaphore_mem>>) src(%dma_wait3A_71 : memref<16x16xf32, #tpu.memory_space<hbm>>) dst(%dma_wait3A_69 : memref<16x16xf32, #tpu.memory_space<vmem>>)
      tpu.yield
    }) : () -> ()
    %dma_start3A = arith.constant 0 : i32
    %dma_start3A_12 = arith.constant 0 : i32
    %dma_start3A_13 = tpu.memref_slice %arg12[%dma_start3A, %dma_start3A_12] : memref<32x128xf32, #tpu.memory_space<vmem>> -> memref<16x128xf32, #tpu.memory_space<vmem>>
    %dma_start3A_14 = arith.constant 0 : i32
    %dma_start3A_15 = tpu.memref_slice %arg10[%dma_start3A_14] : memref<32xi32, #tpu.memory_space<vmem>> -> memref<16xi32, #tpu.memory_space<vmem>>
    %dma_start3A_16 = arith.constant 0 : i32
    %dma_start3A_17 = arith.constant 0 : i32
    %dma_start3A_18 = tpu.memref_slice %arg5[%dma_start3A_16, %dma_start3A_17] : memref<10000x128xf32, #tpu.memory_space<hbm>> -> memref<10000x128xf32, #tpu.memory_space<hbm>>
    tpu.enqueue_indirect_dma source(%dma_start3A_18 : memref<10000x128xf32, #tpu.memory_space<hbm>>) target(%dma_start3A_13 : memref<16x128xf32, #tpu.memory_space<vmem>>) offsets(%dma_start3A_15 : memref<16xi32, #tpu.memory_space<vmem>>) semaphore(%arg17 : memref<!tpu.dma_semaphore, #tpu.memory_space<semaphore_mem>>)
    %dma_start3A_19 = arith.constant 0 : i32
    %dma_start3A_20 = arith.constant 0 : i32
    %dma_start3A_21 = tpu.memref_slice %arg13[%dma_start3A_19, %dma_start3A_20] : memref<32x1024xf32, #tpu.memory_space<vmem>> -> memref<16x1024xf32, #tpu.memory_space<vmem>>
    %dma_start3A_22 = arith.constant 0 : i32
    %dma_start3A_23 = tpu.memref_slice %arg9[%dma_start3A_22] : memref<32xi32, #tpu.memory_space<vmem>> -> memref<16xi32, #tpu.memory_space<vmem>>
    %dma_start3A_24 = arith.constant 0 : i32
    %dma_start3A_25 = arith.constant 0 : i32
    %dma_start3A_26 = tpu.memref_slice %arg6[%dma_start3A_24, %dma_start3A_25] : memref<10000x1024xf32, #tpu.memory_space<hbm>> -> memref<10000x1024xf32, #tpu.memory_space<hbm>>
    tpu.enqueue_indirect_dma source(%dma_start3A_26 : memref<10000x1024xf32, #tpu.memory_space<hbm>>) target(%dma_start3A_21 : memref<16x1024xf32, #tpu.memory_space<vmem>>) offsets(%dma_start3A_23 : memref<16xi32, #tpu.memory_space<vmem>>) semaphore(%arg16 : memref<!tpu.dma_semaphore, #tpu.memory_space<semaphore_mem>>)
    %dma_wait3A = arith.constant 0 : i32
    %dma_wait3A_27 = arith.constant 0 : i32
    %dma_wait3A_28 = tpu.memref_slice %arg12[%dma_wait3A, %dma_wait3A_27] : memref<32x128xf32, #tpu.memory_space<vmem>> -> memref<16x128xf32, #tpu.memory_space<vmem>>
    %dma_wait3A_29 = arith.constant 0 : i32
    %dma_wait3A_30 = tpu.memref_slice %arg10[%dma_wait3A_29] : memref<32xi32, #tpu.memory_space<vmem>> -> memref<16xi32, #tpu.memory_space<vmem>>
    %dma_wait3A_31 = arith.constant 0 : i32
    %dma_wait3A_32 = arith.constant 0 : i32
    %dma_wait3A_33 = tpu.memref_slice %arg5[%dma_wait3A_31, %dma_wait3A_32] : memref<10000x128xf32, #tpu.memory_space<hbm>> -> memref<10000x128xf32, #tpu.memory_space<hbm>>
    tpu.wait_indirect_dma semaphore(%arg17 : memref<!tpu.dma_semaphore, #tpu.memory_space<semaphore_mem>>) src(%dma_wait3A_33 : memref<10000x128xf32, #tpu.memory_space<hbm>>) dst(%dma_wait3A_28 : memref<16x128xf32, #tpu.memory_space<vmem>>)
    %dma_wait3A_34 = arith.constant 0 : i32
    %dma_wait3A_35 = arith.constant 0 : i32
    %dma_wait3A_36 = tpu.memref_slice %arg13[%dma_wait3A_34, %dma_wait3A_35] : memref<32x1024xf32, #tpu.memory_space<vmem>> -> memref<16x1024xf32, #tpu.memory_space<vmem>>
    %dma_wait3A_37 = arith.constant 0 : i32
    %dma_wait3A_38 = tpu.memref_slice %arg9[%dma_wait3A_37] : memref<32xi32, #tpu.memory_space<vmem>> -> memref<16xi32, #tpu.memory_space<vmem>>
    %dma_wait3A_39 = arith.constant 0 : i32
    %dma_wait3A_40 = arith.constant 0 : i32
    %dma_wait3A_41 = tpu.memref_slice %arg6[%dma_wait3A_39, %dma_wait3A_40] : memref<10000x1024xf32, #tpu.memory_space<hbm>> -> memref<10000x1024xf32, #tpu.memory_space<hbm>>
    tpu.wait_indirect_dma semaphore(%arg16 : memref<!tpu.dma_semaphore, #tpu.memory_space<semaphore_mem>>) src(%dma_wait3A_41 : memref<10000x1024xf32, #tpu.memory_space<hbm>>) dst(%dma_wait3A_36 : memref<16x1024xf32, #tpu.memory_space<vmem>>)
    %parallel_loop3A = arith.constant 0 : i32
    %parallel_loop3A_42 = arith.constant 16 : i32
    %parallel_loop3A_43 = arith.constant 1 : i32
    scf.for %parallel_loop3A_52 = %parallel_loop3A to %parallel_loop3A_42 step %parallel_loop3A_43  : i32 {
      %parallel_loop3A_53 = arith.index_cast %parallel_loop3A_52 : i32 to index
      %parallel_loop3A_54 = arith.constant 0 : index
      %parallel_loop3A_55 = tpu.vector_load %arg11[%parallel_loop3A_53, %parallel_loop3A_54] {strides = array<i32>} : memref<32x16xf32, #tpu.memory_space<vmem>>, vector<1x16xf32>,
      %parallel_loop3A_56 = vector.shape_cast %parallel_loop3A_55 : vector<1x16xf32> to vector<16xf32>
      %parallel_loop3A_57 = arith.index_cast %parallel_loop3A_52 : i32 to index
      %parallel_loop3A_58 = arith.constant 0 : index
      %parallel_loop3A_59 = tpu.vector_load %arg12[%parallel_loop3A_57, %parallel_loop3A_58] {strides = array<i32>} : memref<32x128xf32, #tpu.memory_space<vmem>>, vector<1x16xf32>,
      %parallel_loop3A_60 = vector.shape_cast %parallel_loop3A_59 : vector<1x16xf32> to vector<16xf32>
      %parallel_loop3A_61 = arith.constant 8.000000e+00 : f32
      %parallel_loop3A_62 = vector.broadcast %parallel_loop3A_61 : f32 to vector<16xf32>
      %parallel_loop3A_63 = arith.mulf %parallel_loop3A_62, %parallel_loop3A_60 : vector<16xf32>
      %parallel_loop3A_64 = arith.divf %parallel_loop3A_56, %parallel_loop3A_63 : vector<16xf32>
      %parallel_loop3A_65 = vector.extract_strided_slice %parallel_loop3A_64 {offsets = [0], sizes = [1], strides = [1]} : vector<16xf32> to vector<1xf32>
      %parallel_loop3A_66 = vector.extract %parallel_loop3A_65[0] : f32 from vector<1xf32>
      %parallel_loop3A_67 = vector.extract_strided_slice %parallel_loop3A_64 {offsets = [1], sizes = [1], strides = [1]} : vector<16xf32> to vector<1xf32>
      %parallel_loop3A_68 = vector.extract %parallel_loop3A_67[0] : f32 from vector<1xf32>
      %parallel_loop3A_69 = vector.extract_strided_slice %parallel_loop3A_64 {offsets = [2], sizes = [1], strides = [1]} : vector<16xf32> to vector<1xf32>
      %parallel_loop3A_70 = vector.extract %parallel_loop3A_69[0] : f32 from vector<1xf32>
      %parallel_loop3A_71 = vector.extract_strided_slice %parallel_loop3A_64 {offsets = [3], sizes = [1], strides = [1]} : vector<16xf32> to vector<1xf32>
      %parallel_loop3A_72 = vector.extract %parallel_loop3A_71[0] : f32 from vector<1xf32>
      %parallel_loop3A_73 = vector.extract_strided_slice %parallel_loop3A_64 {offsets = [4], sizes = [1], strides = [1]} : vector<16xf32> to vector<1xf32>
      %parallel_loop3A_74 = vector.extract %parallel_loop3A_73[0] : f32 from vector<1xf32>
      %parallel_loop3A_75 = vector.extract_strided_slice %parallel_loop3A_64 {offsets = [5], sizes = [1], strides = [1]} : vector<16xf32> to vector<1xf32>
      %parallel_loop3A_76 = vector.extract %parallel_loop3A_75[0] : f32 from vector<1xf32>
      %parallel_loop3A_77 = vector.extract_strided_slice %parallel_loop3A_64 {offsets = [6], sizes = [1], strides = [1]} : vector<16xf32> to vector<1xf32>
      %parallel_loop3A_78 = vector.extract %parallel_loop3A_77[0] : f32 from vector<1xf32>
      %parallel_loop3A_79 = vector.extract_strided_slice %parallel_loop3A_64 {offsets = [7], sizes = [1], strides = [1]} : vector<16xf32> to vector<1xf32>
      %parallel_loop3A_80 = vector.extract %parallel_loop3A_79[0] : f32 from vector<1xf32>
      %parallel_loop3A_81 = arith.index_cast %parallel_loop3A_52 : i32 to index
      %parallel_loop3A_82 = arith.constant 0 : index
      %parallel_loop3A_83 = tpu.vector_load %arg13[%parallel_loop3A_81, %parallel_loop3A_82] {strides = array<i32>} : memref<32x1024xf32, #tpu.memory_space<vmem>>, vector<1x16xf32>,
      %parallel_loop3A_84 = vector.shape_cast %parallel_loop3A_83 : vector<1x16xf32> to vector<16xf32>
      %parallel_loop3A_85 = vector.broadcast %parallel_loop3A_66 : f32 to vector<16xf32>
      %parallel_loop3A_86 = arith.mulf %parallel_loop3A_85, %parallel_loop3A_84 : vector<16xf32>
      %parallel_loop3A_87 = arith.index_cast %parallel_loop3A_52 : i32 to index
      %parallel_loop3A_88 = arith.constant 128 : index
      %parallel_loop3A_89 = tpu.vector_load %arg13[%parallel_loop3A_87, %parallel_loop3A_88] {strides = array<i32>} : memref<32x1024xf32, #tpu.memory_space<vmem>>, vector<1x16xf32>,
      %parallel_loop3A_90 = vector.shape_cast %parallel_loop3A_89 : vector<1x16xf32> to vector<16xf32>
      %parallel_loop3A_91 = vector.broadcast %parallel_loop3A_68 : f32 to vector<16xf32>
      %parallel_loop3A_92 = arith.mulf %parallel_loop3A_91, %parallel_loop3A_90 : vector<16xf32>
      %parallel_loop3A_93 = arith.addf %parallel_loop3A_86, %parallel_loop3A_92 : vector<16xf32>
      %parallel_loop3A_94 = arith.index_cast %parallel_loop3A_52 : i32 to index
      %parallel_loop3A_95 = arith.constant 256 : index
      %parallel_loop3A_96 = tpu.vector_load %arg13[%parallel_loop3A_94, %parallel_loop3A_95] {strides = array<i32>} : memref<32x1024xf32, #tpu.memory_space<vmem>>, vector<1x16xf32>,
      %parallel_loop3A_97 = vector.shape_cast %parallel_loop3A_96 : vector<1x16xf32> to vector<16xf32>
      %parallel_loop3A_98 = vector.broadcast %parallel_loop3A_70 : f32 to vector<16xf32>
      %parallel_loop3A_99 = arith.mulf %parallel_loop3A_98, %parallel_loop3A_97 : vector<16xf32>
      %parallel_loop3A_100 = arith.addf %parallel_loop3A_93, %parallel_loop3A_99 : vector<16xf32>
      %parallel_loop3A_101 = arith.index_cast %parallel_loop3A_52 : i32 to index
      %parallel_loop3A_102 = arith.constant 384 : index
      %parallel_loop3A_103 = tpu.vector_load %arg13[%parallel_loop3A_101, %parallel_loop3A_102] {strides = array<i32>} : memref<32x1024xf32, #tpu.memory_space<vmem>>, vector<1x16xf32>,
      %parallel_loop3A_104 = vector.shape_cast %parallel_loop3A_103 : vector<1x16xf32> to vector<16xf32>
      %parallel_loop3A_105 = vector.broadcast %parallel_loop3A_72 : f32 to vector<16xf32>
      %parallel_loop3A_106 = arith.mulf %parallel_loop3A_105, %parallel_loop3A_104 : vector<16xf32>
      %parallel_loop3A_107 = arith.addf %parallel_loop3A_100, %parallel_loop3A_106 : vector<16xf32>
      %parallel_loop3A_108 = arith.index_cast %parallel_loop3A_52 : i32 to index
      %parallel_loop3A_109 = arith.constant 512 : index
      %parallel_loop3A_110 = tpu.vector_load %arg13[%parallel_loop3A_108, %parallel_loop3A_109] {strides = array<i32>} : memref<32x1024xf32, #tpu.memory_space<vmem>>, vector<1x16xf32>,
      %parallel_loop3A_111 = vector.shape_cast %parallel_loop3A_110 : vector<1x16xf32> to vector<16xf32>
      %parallel_loop3A_112 = vector.broadcast %parallel_loop3A_74 : f32 to vector<16xf32>
      %parallel_loop3A_113 = arith.mulf %parallel_loop3A_112, %parallel_loop3A_111 : vector<16xf32>
      %parallel_loop3A_114 = arith.addf %parallel_loop3A_107, %parallel_loop3A_113 : vector<16xf32>
      %parallel_loop3A_115 = arith.index_cast %parallel_loop3A_52 : i32 to index
      %parallel_loop3A_116 = arith.constant 640 : index
      %parallel_loop3A_117 = tpu.vector_load %arg13[%parallel_loop3A_115, %parallel_loop3A_116] {strides = array<i32>} : memref<32x1024xf32, #tpu.memory_space<vmem>>, vector<1x16xf32>,
      %parallel_loop3A_118 = vector.shape_cast %parallel_loop3A_117 : vector<1x16xf32> to vector<16xf32>
      %parallel_loop3A_119 = vector.broadcast %parallel_loop3A_76 : f32 to vector<16xf32>
      %parallel_loop3A_120 = arith.mulf %parallel_loop3A_119, %parallel_loop3A_118 : vector<16xf32>
      %parallel_loop3A_121 = arith.addf %parallel_loop3A_114, %parallel_loop3A_120 : vector<16xf32>
      %parallel_loop3A_122 = arith.index_cast %parallel_loop3A_52 : i32 to index
      %parallel_loop3A_123 = arith.constant 768 : index
      %parallel_loop3A_124 = tpu.vector_load %arg13[%parallel_loop3A_122, %parallel_loop3A_123] {strides = array<i32>} : memref<32x1024xf32, #tpu.memory_space<vmem>>, vector<1x16xf32>,
      %parallel_loop3A_125 = vector.shape_cast %parallel_loop3A_124 : vector<1x16xf32> to vector<16xf32>
      %parallel_loop3A_126 = vector.broadcast %parallel_loop3A_78 : f32 to vector<16xf32>
      %parallel_loop3A_127 = arith.mulf %parallel_loop3A_126, %parallel_loop3A_125 : vector<16xf32>
      %parallel_loop3A_128 = arith.addf %parallel_loop3A_121, %parallel_loop3A_127 : vector<16xf32>
      %parallel_loop3A_129 = arith.index_cast %parallel_loop3A_52 : i32 to index
      %parallel_loop3A_130 = arith.constant 896 : index
      %parallel_loop3A_131 = tpu.vector_load %arg13[%parallel_loop3A_129, %parallel_loop3A_130] {strides = array<i32>} : memref<32x1024xf32, #tpu.memory_space<vmem>>, vector<1x16xf32>,
      %parallel_loop3A_132 = vector.shape_cast %parallel_loop3A_131 : vector<1x16xf32> to vector<16xf32>
      %parallel_loop3A_133 = vector.broadcast %parallel_loop3A_80 : f32 to vector<16xf32>
      %parallel_loop3A_134 = arith.mulf %parallel_loop3A_133, %parallel_loop3A_132 : vector<16xf32>
      %parallel_loop3A_135 = arith.addf %parallel_loop3A_128, %parallel_loop3A_134 : vector<16xf32>
      %parallel_loop3A_136 = arith.index_cast %parallel_loop3A_52 : i32 to index
      %parallel_loop3A_137 = arith.constant 0 : index
      %parallel_loop3A_138 = tpu.vector_load %arg14[%parallel_loop3A_136, %parallel_loop3A_137] {strides = array<i32>} : memref<32x128xf32, #tpu.memory_space<vmem>>, vector<1x16xf32>,
      %parallel_loop3A_139 = vector.shape_cast %parallel_loop3A_138 : vector<1x16xf32> to vector<16xf32>
      %parallel_loop3A_140 = vector.shape_cast %parallel_loop3A_135 : vector<16xf32> to vector<1x16xf32>
      tpu.vector_store %arg14[%parallel_loop3A_136, %parallel_loop3A_137], %parallel_loop3A_140 {strides = array<i32>} : memref<32x128xf32, #tpu.memory_space<vmem>>, vector<1x16xf32>,
      %parallel_loop3A_141 = arith.index_cast %parallel_loop3A_52 : i32 to index
      %parallel_loop3A_142 = arith.constant 16 : index
      %parallel_loop3A_143 = tpu.vector_load %arg13[%parallel_loop3A_141, %parallel_loop3A_142] {strides = array<i32>} : memref<32x1024xf32, #tpu.memory_space<vmem>>, vector<1x16xf32>,
      %parallel_loop3A_144 = vector.shape_cast %parallel_loop3A_143 : vector<1x16xf32> to vector<16xf32>
      %parallel_loop3A_145 = vector.broadcast %parallel_loop3A_66 : f32 to vector<16xf32>
      %parallel_loop3A_146 = arith.mulf %parallel_loop3A_145, %parallel_loop3A_144 : vector<16xf32>
      %parallel_loop3A_147 = arith.index_cast %parallel_loop3A_52 : i32 to index
      %parallel_loop3A_148 = arith.constant 144 : index
      %parallel_loop3A_149 = tpu.vector_load %arg13[%parallel_loop3A_147, %parallel_loop3A_148] {strides = array<i32>} : memref<32x1024xf32, #tpu.memory_space<vmem>>, vector<1x16xf32>,
      %parallel_loop3A_150 = vector.shape_cast %parallel_loop3A_149 : vector<1x16xf32> to vector<16xf32>
      %parallel_loop3A_151 = vector.broadcast %parallel_loop3A_68 : f32 to vector<16xf32>
      %parallel_loop3A_152 = arith.mulf %parallel_loop3A_151, %parallel_loop3A_150 : vector<16xf32>
      %parallel_loop3A_153 = arith.addf %parallel_loop3A_146, %parallel_loop3A_152 : vector<16xf32>
      %parallel_loop3A_154 = arith.index_cast %parallel_loop3A_52 : i32 to index
      %parallel_loop3A_155 = arith.constant 272 : index
      %parallel_loop3A_156 = tpu.vector_load %arg13[%parallel_loop3A_154, %parallel_loop3A_155] {strides = array<i32>} : memref<32x1024xf32, #tpu.memory_space<vmem>>, vector<1x16xf32>,
      %parallel_loop3A_157 = vector.shape_cast %parallel_loop3A_156 : vector<1x16xf32> to vector<16xf32>
      %parallel_loop3A_158 = vector.broadcast %parallel_loop3A_70 : f32 to vector<16xf32>
      %parallel_loop3A_159 = arith.mulf %parallel_loop3A_158, %parallel_loop3A_157 : vector<16xf32>
      %parallel_loop3A_160 = arith.addf %parallel_loop3A_153, %parallel_loop3A_159 : vector<16xf32>
      %parallel_loop3A_161 = arith.index_cast %parallel_loop3A_52 : i32 to index
      %parallel_loop3A_162 = arith.constant 400 : index
      %parallel_loop3A_163 = tpu.vector_load %arg13[%parallel_loop3A_161, %parallel_loop3A_162] {strides = array<i32>} : memref<32x1024xf32, #tpu.memory_space<vmem>>, vector<1x16xf32>,
      %parallel_loop3A_164 = vector.shape_cast %parallel_loop3A_163 : vector<1x16xf32> to vector<16xf32>
      %parallel_loop3A_165 = vector.broadcast %parallel_loop3A_72 : f32 to vector<16xf32>
      %parallel_loop3A_166 = arith.mulf %parallel_loop3A_165, %parallel_loop3A_164 : vector<16xf32>
      %parallel_loop3A_167 = arith.addf %parallel_loop3A_160, %parallel_loop3A_166 : vector<16xf32>
      %parallel_loop3A_168 = arith.index_cast %parallel_loop3A_52 : i32 to index
      %parallel_loop3A_169 = arith.constant 528 : index
      %parallel_loop3A_170 = tpu.vector_load %arg13[%parallel_loop3A_168, %parallel_loop3A_169] {strides = array<i32>} : memref<32x1024xf32, #tpu.memory_space<vmem>>, vector<1x16xf32>,
      %parallel_loop3A_171 = vector.shape_cast %parallel_loop3A_170 : vector<1x16xf32> to vector<16xf32>
      %parallel_loop3A_172 = vector.broadcast %parallel_loop3A_74 : f32 to vector<16xf32>
      %parallel_loop3A_173 = arith.mulf %parallel_loop3A_172, %parallel_loop3A_171 : vector<16xf32>
      %parallel_loop3A_174 = arith.addf %parallel_loop3A_167, %parallel_loop3A_173 : vector<16xf32>
      %parallel_loop3A_175 = arith.index_cast %parallel_loop3A_52 : i32 to index
      %parallel_loop3A_176 = arith.constant 656 : index
      %parallel_loop3A_177 = tpu.vector_load %arg13[%parallel_loop3A_175, %parallel_loop3A_176] {strides = array<i32>} : memref<32x1024xf32, #tpu.memory_space<vmem>>, vector<1x16xf32>,
      %parallel_loop3A_178 = vector.shape_cast %parallel_loop3A_177 : vector<1x16xf32> to vector<16xf32>
      %parallel_loop3A_179 = vector.broadcast %parallel_loop3A_76 : f32 to vector<16xf32>
      %parallel_loop3A_180 = arith.mulf %parallel_loop3A_179, %parallel_loop3A_178 : vector<16xf32>
      %parallel_loop3A_181 = arith.addf %parallel_loop3A_174, %parallel_loop3A_180 : vector<16xf32>
      %parallel_loop3A_182 = arith.index_cast %parallel_loop3A_52 : i32 to index
      %parallel_loop3A_183 = arith.constant 784 : index
      %parallel_loop3A_184 = tpu.vector_load %arg13[%parallel_loop3A_182, %parallel_loop3A_183] {strides = array<i32>} : memref<32x1024xf32, #tpu.memory_space<vmem>>, vector<1x16xf32>,
      %parallel_loop3A_185 = vector.shape_cast %parallel_loop3A_184 : vector<1x16xf32> to vector<16xf32>
      %parallel_loop3A_186 = vector.broadcast %parallel_loop3A_78 : f32 to vector<16xf32>
      %parallel_loop3A_187 = arith.mulf %parallel_loop3A_186, %parallel_loop3A_185 : vector<16xf32>
      %parallel_loop3A_188 = arith.addf %parallel_loop3A_181, %parallel_loop3A_187 : vector<16xf32>
      %parallel_loop3A_189 = arith.index_cast %parallel_loop3A_52 : i32 to index
      %parallel_loop3A_190 = arith.constant 912 : index
      %parallel_loop3A_191 = tpu.vector_load %arg13[%parallel_loop3A_189, %parallel_loop3A_190] {strides = array<i32>} : memref<32x1024xf32, #tpu.memory_space<vmem>>, vector<1x16xf32>,
      %parallel_loop3A_192 = vector.shape_cast %parallel_loop3A_191 : vector<1x16xf32> to vector<16xf32>
      %parallel_loop3A_193 = vector.broadcast %parallel_loop3A_80 : f32 to vector<16xf32>
      %parallel_loop3A_194 = arith.mulf %parallel_loop3A_193, %parallel_loop3A_192 : vector<16xf32>
      %parallel_loop3A_195 = arith.addf %parallel_loop3A_188, %parallel_loop3A_194 : vector<16xf32>
      %parallel_loop3A_196 = arith.index_cast %parallel_loop3A_52 : i32 to index
      %parallel_loop3A_197 = arith.constant 16 : index
      %parallel_loop3A_198 = tpu.vector_load %arg14[%parallel_loop3A_196, %parallel_loop3A_197] {strides = array<i32>} : memref<32x128xf32, #tpu.memory_space<vmem>>, vector<1x16xf32>,
      %parallel_loop3A_199 = vector.shape_cast %parallel_loop3A_198 : vector<1x16xf32> to vector<16xf32>
      %parallel_loop3A_200 = vector.shape_cast %parallel_loop3A_195 : vector<16xf32> to vector<1x16xf32>
      tpu.vector_store %arg14[%parallel_loop3A_196, %parallel_loop3A_197], %parallel_loop3A_200 {strides = array<i32>} : memref<32x128xf32, #tpu.memory_space<vmem>>, vector<1x16xf32>,
      %parallel_loop3A_201 = arith.index_cast %parallel_loop3A_52 : i32 to index
      %parallel_loop3A_202 = arith.constant 32 : index
      %parallel_loop3A_203 = tpu.vector_load %arg13[%parallel_loop3A_201, %parallel_loop3A_202] {strides = array<i32>} : memref<32x1024xf32, #tpu.memory_space<vmem>>, vector<1x16xf32>,
      %parallel_loop3A_204 = vector.shape_cast %parallel_loop3A_203 : vector<1x16xf32> to vector<16xf32>
      %parallel_loop3A_205 = vector.broadcast %parallel_loop3A_66 : f32 to vector<16xf32>
      %parallel_loop3A_206 = arith.mulf %parallel_loop3A_205, %parallel_loop3A_204 : vector<16xf32>
      %parallel_loop3A_207 = arith.index_cast %parallel_loop3A_52 : i32 to index
      %parallel_loop3A_208 = arith.constant 160 : index
      %parallel_loop3A_209 = tpu.vector_load %arg13[%parallel_loop3A_207, %parallel_loop3A_208] {strides = array<i32>} : memref<32x1024xf32, #tpu.memory_space<vmem>>, vector<1x16xf32>,
      %parallel_loop3A_210 = vector.shape_cast %parallel_loop3A_209 : vector<1x16xf32> to vector<16xf32>
      %parallel_loop3A_211 = vector.broadcast %parallel_loop3A_68 : f32 to vector<16xf32>
      %parallel_loop3A_212 = arith.mulf %parallel_loop3A_211, %parallel_loop3A_210 : vector<16xf32>
      %parallel_loop3A_213 = arith.addf %parallel_loop3A_206, %parallel_loop3A_212 : vector<16xf32>
      %parallel_loop3A_214 = arith.index_cast %parallel_loop3A_52 : i32 to index
      %parallel_loop3A_215 = arith.constant 288 : index
      %parallel_loop3A_216 = tpu.vector_load %arg13[%parallel_loop3A_214, %parallel_loop3A_215] {strides = array<i32>} : memref<32x1024xf32, #tpu.memory_space<vmem>>, vector<1x16xf32>,
      %parallel_loop3A_217 = vector.shape_cast %parallel_loop3A_216 : vector<1x16xf32> to vector<16xf32>
      %parallel_loop3A_218 = vector.broadcast %parallel_loop3A_70 : f32 to vector<16xf32>
      %parallel_loop3A_219 = arith.mulf %parallel_loop3A_218, %parallel_loop3A_217 : vector<16xf32>
      %parallel_loop3A_220 = arith.addf %parallel_loop3A_213, %parallel_loop3A_219 : vector<16xf32>
      %parallel_loop3A_221 = arith.index_cast %parallel_loop3A_52 : i32 to index
      %parallel_loop3A_222 = arith.constant 416 : index
      %parallel_loop3A_223 = tpu.vector_load %arg13[%parallel_loop3A_221, %parallel_loop3A_222] {strides = array<i32>} : memref<32x1024xf32, #tpu.memory_space<vmem>>, vector<1x16xf32>,
      %parallel_loop3A_224 = vector.shape_cast %parallel_loop3A_223 : vector<1x16xf32> to vector<16xf32>
      %parallel_loop3A_225 = vector.broadcast %parallel_loop3A_72 : f32 to vector<16xf32>
      %parallel_loop3A_226 = arith.mulf %parallel_loop3A_225, %parallel_loop3A_224 : vector<16xf32>
      %parallel_loop3A_227 = arith.addf %parallel_loop3A_220, %parallel_loop3A_226 : vector<16xf32>
      %parallel_loop3A_228 = arith.index_cast %parallel_loop3A_52 : i32 to index
      %parallel_loop3A_229 = arith.constant 544 : index
      %parallel_loop3A_230 = tpu.vector_load %arg13[%parallel_loop3A_228, %parallel_loop3A_229] {strides = array<i32>} : memref<32x1024xf32, #tpu.memory_space<vmem>>, vector<1x16xf32>,
      %parallel_loop3A_231 = vector.shape_cast %parallel_loop3A_230 : vector<1x16xf32> to vector<16xf32>
      %parallel_loop3A_232 = vector.broadcast %parallel_loop3A_74 : f32 to vector<16xf32>
      %parallel_loop3A_233 = arith.mulf %parallel_loop3A_232, %parallel_loop3A_231 : vector<16xf32>
      %parallel_loop3A_234 = arith.addf %parallel_loop3A_227, %parallel_loop3A_233 : vector<16xf32>
      %parallel_loop3A_235 = arith.index_cast %parallel_loop3A_52 : i32 to index
      %parallel_loop3A_236 = arith.constant 672 : index
      %parallel_loop3A_237 = tpu.vector_load %arg13[%parallel_loop3A_235, %parallel_loop3A_236] {strides = array<i32>} : memref<32x1024xf32, #tpu.memory_space<vmem>>, vector<1x16xf32>,
      %parallel_loop3A_238 = vector.shape_cast %parallel_loop3A_237 : vector<1x16xf32> to vector<16xf32>
      %parallel_loop3A_239 = vector.broadcast %parallel_loop3A_76 : f32 to vector<16xf32>
      %parallel_loop3A_240 = arith.mulf %parallel_loop3A_239, %parallel_loop3A_238 : vector<16xf32>
      %parallel_loop3A_241 = arith.addf %parallel_loop3A_234, %parallel_loop3A_240 : vector<16xf32>
      %parallel_loop3A_242 = arith.index_cast %parallel_loop3A_52 : i32 to index
      %parallel_loop3A_243 = arith.constant 800 : index
      %parallel_loop3A_244 = tpu.vector_load %arg13[%parallel_loop3A_242, %parallel_loop3A_243] {strides = array<i32>} : memref<32x1024xf32, #tpu.memory_space<vmem>>, vector<1x16xf32>,
      %parallel_loop3A_245 = vector.shape_cast %parallel_loop3A_244 : vector<1x16xf32> to vector<16xf32>
      %parallel_loop3A_246 = vector.broadcast %parallel_loop3A_78 : f32 to vector<16xf32>
      %parallel_loop3A_247 = arith.mulf %parallel_loop3A_246, %parallel_loop3A_245 : vector<16xf32>
      %parallel_loop3A_248 = arith.addf %parallel_loop3A_241, %parallel_loop3A_247 : vector<16xf32>
      %parallel_loop3A_249 = arith.index_cast %parallel_loop3A_52 : i32 to index
      %parallel_loop3A_250 = arith.constant 928 : index
      %parallel_loop3A_251 = tpu.vector_load %arg13[%parallel_loop3A_249, %parallel_loop3A_250] {strides = array<i32>} : memref<32x1024xf32, #tpu.memory_space<vmem>>, vector<1x16xf32>,
      %parallel_loop3A_252 = vector.shape_cast %parallel_loop3A_251 : vector<1x16xf32> to vector<16xf32>
      %parallel_loop3A_253 = vector.broadcast %parallel_loop3A_80 : f32 to vector<16xf32>
      %parallel_loop3A_254 = arith.mulf %parallel_loop3A_253, %parallel_loop3A_252 : vector<16xf32>
      %parallel_loop3A_255 = arith.addf %parallel_loop3A_248, %parallel_loop3A_254 : vector<16xf32>
      %parallel_loop3A_256 = arith.index_cast %parallel_loop3A_52 : i32 to index
      %parallel_loop3A_257 = arith.constant 32 : index
      %parallel_loop3A_258 = tpu.vector_load %arg14[%parallel_loop3A_256, %parallel_loop3A_257] {strides = array<i32>} : memref<32x128xf32, #tpu.memory_space<vmem>>, vector<1x16xf32>,
      %parallel_loop3A_259 = vector.shape_cast %parallel_loop3A_258 : vector<1x16xf32> to vector<16xf32>
      %parallel_loop3A_260 = vector.shape_cast %parallel_loop3A_255 : vector<16xf32> to vector<1x16xf32>
      tpu.vector_store %arg14[%parallel_loop3A_256, %parallel_loop3A_257], %parallel_loop3A_260 {strides = array<i32>} : memref<32x128xf32, #tpu.memory_space<vmem>>, vector<1x16xf32>,
      %parallel_loop3A_261 = arith.index_cast %parallel_loop3A_52 : i32 to index
      %parallel_loop3A_262 = arith.constant 48 : index
      %parallel_loop3A_263 = tpu.vector_load %arg13[%parallel_loop3A_261, %parallel_loop3A_262] {strides = array<i32>} : memref<32x1024xf32, #tpu.memory_space<vmem>>, vector<1x16xf32>,
      %parallel_loop3A_264 = vector.shape_cast %parallel_loop3A_263 : vector<1x16xf32> to vector<16xf32>
      %parallel_loop3A_265 = vector.broadcast %parallel_loop3A_66 : f32 to vector<16xf32>
      %parallel_loop3A_266 = arith.mulf %parallel_loop3A_265, %parallel_loop3A_264 : vector<16xf32>
      %parallel_loop3A_267 = arith.index_cast %parallel_loop3A_52 : i32 to index
      %parallel_loop3A_268 = arith.constant 176 : index
      %parallel_loop3A_269 = tpu.vector_load %arg13[%parallel_loop3A_267, %parallel_loop3A_268] {strides = array<i32>} : memref<32x1024xf32, #tpu.memory_space<vmem>>, vector<1x16xf32>,
      %parallel_loop3A_270 = vector.shape_cast %parallel_loop3A_269 : vector<1x16xf32> to vector<16xf32>
      %parallel_loop3A_271 = vector.broadcast %parallel_loop3A_68 : f32 to vector<16xf32>
      %parallel_loop3A_272 = arith.mulf %parallel_loop3A_271, %parallel_loop3A_270 : vector<16xf32>
      %parallel_loop3A_273 = arith.addf %parallel_loop3A_266, %parallel_loop3A_272 : vector<16xf32>
      %parallel_loop3A_274 = arith.index_cast %parallel_loop3A_52 : i32 to index
      %parallel_loop3A_275 = arith.constant 304 : index
      %parallel_loop3A_276 = tpu.vector_load %arg13[%parallel_loop3A_274, %parallel_loop3A_275] {strides = array<i32>} : memref<32x1024xf32, #tpu.memory_space<vmem>>, vector<1x16xf32>,
      %parallel_loop3A_277 = vector.shape_cast %parallel_loop3A_276 : vector<1x16xf32> to vector<16xf32>
      %parallel_loop3A_278 = vector.broadcast %parallel_loop3A_70 : f32 to vector<16xf32>
      %parallel_loop3A_279 = arith.mulf %parallel_loop3A_278, %parallel_loop3A_277 : vector<16xf32>
      %parallel_loop3A_280 = arith.addf %parallel_loop3A_273, %parallel_loop3A_279 : vector<16xf32>
      %parallel_loop3A_281 = arith.index_cast %parallel_loop3A_52 : i32 to index
      %parallel_loop3A_282 = arith.constant 432 : index
      %parallel_loop3A_283 = tpu.vector_load %arg13[%parallel_loop3A_281, %parallel_loop3A_282] {strides = array<i32>} : memref<32x1024xf32, #tpu.memory_space<vmem>>, vector<1x16xf32>,
      %parallel_loop3A_284 = vector.shape_cast %parallel_loop3A_283 : vector<1x16xf32> to vector<16xf32>
      %parallel_loop3A_285 = vector.broadcast %parallel_loop3A_72 : f32 to vector<16xf32>
      %parallel_loop3A_286 = arith.mulf %parallel_loop3A_285, %parallel_loop3A_284 : vector<16xf32>
      %parallel_loop3A_287 = arith.addf %parallel_loop3A_280, %parallel_loop3A_286 : vector<16xf32>
      %parallel_loop3A_288 = arith.index_cast %parallel_loop3A_52 : i32 to index
      %parallel_loop3A_289 = arith.constant 560 : index
      %parallel_loop3A_290 = tpu.vector_load %arg13[%parallel_loop3A_288, %parallel_loop3A_289] {strides = array<i32>} : memref<32x1024xf32, #tpu.memory_space<vmem>>, vector<1x16xf32>,
      %parallel_loop3A_291 = vector.shape_cast %parallel_loop3A_290 : vector<1x16xf32> to vector<16xf32>
      %parallel_loop3A_292 = vector.broadcast %parallel_loop3A_74 : f32 to vector<16xf32>
      %parallel_loop3A_293 = arith.mulf %parallel_loop3A_292, %parallel_loop3A_291 : vector<16xf32>
      %parallel_loop3A_294 = arith.addf %parallel_loop3A_287, %parallel_loop3A_293 : vector<16xf32>
      %parallel_loop3A_295 = arith.index_cast %parallel_loop3A_52 : i32 to index
      %parallel_loop3A_296 = arith.constant 688 : index
      %parallel_loop3A_297 = tpu.vector_load %arg13[%parallel_loop3A_295, %parallel_loop3A_296] {strides = array<i32>} : memref<32x1024xf32, #tpu.memory_space<vmem>>, vector<1x16xf32>,
      %parallel_loop3A_298 = vector.shape_cast %parallel_loop3A_297 : vector<1x16xf32> to vector<16xf32>
      %parallel_loop3A_299 = vector.broadcast %parallel_loop3A_76 : f32 to vector<16xf32>
      %parallel_loop3A_300 = arith.mulf %parallel_loop3A_299, %parallel_loop3A_298 : vector<16xf32>
      %parallel_loop3A_301 = arith.addf %parallel_loop3A_294, %parallel_loop3A_300 : vector<16xf32>
      %parallel_loop3A_302 = arith.index_cast %parallel_loop3A_52 : i32 to index
      %parallel_loop3A_303 = arith.constant 816 : index
      %parallel_loop3A_304 = tpu.vector_load %arg13[%parallel_loop3A_302, %parallel_loop3A_303] {strides = array<i32>} : memref<32x1024xf32, #tpu.memory_space<vmem>>, vector<1x16xf32>,
      %parallel_loop3A_305 = vector.shape_cast %parallel_loop3A_304 : vector<1x16xf32> to vector<16xf32>
      %parallel_loop3A_306 = vector.broadcast %parallel_loop3A_78 : f32 to vector<16xf32>
      %parallel_loop3A_307 = arith.mulf %parallel_loop3A_306, %parallel_loop3A_305 : vector<16xf32>
      %parallel_loop3A_308 = arith.addf %parallel_loop3A_301, %parallel_loop3A_307 : vector<16xf32>
      %parallel_loop3A_309 = arith.index_cast %parallel_loop3A_52 : i32 to index
      %parallel_loop3A_310 = arith.constant 944 : index
      %parallel_loop3A_311 = tpu.vector_load %arg13[%parallel_loop3A_309, %parallel_loop3A_310] {strides = array<i32>} : memref<32x1024xf32, #tpu.memory_space<vmem>>, vector<1x16xf32>,
      %parallel_loop3A_312 = vector.shape_cast %parallel_loop3A_311 : vector<1x16xf32> to vector<16xf32>
      %parallel_loop3A_313 = vector.broadcast %parallel_loop3A_80 : f32 to vector<16xf32>
      %parallel_loop3A_314 = arith.mulf %parallel_loop3A_313, %parallel_loop3A_312 : vector<16xf32>
      %parallel_loop3A_315 = arith.addf %parallel_loop3A_308, %parallel_loop3A_314 : vector<16xf32>
      %parallel_loop3A_316 = arith.index_cast %parallel_loop3A_52 : i32 to index
      %parallel_loop3A_317 = arith.constant 48 : index
      %parallel_loop3A_318 = tpu.vector_load %arg14[%parallel_loop3A_316, %parallel_loop3A_317] {strides = array<i32>} : memref<32x128xf32, #tpu.memory_space<vmem>>, vector<1x16xf32>,
      %parallel_loop3A_319 = vector.shape_cast %parallel_loop3A_318 : vector<1x16xf32> to vector<16xf32>
      %parallel_loop3A_320 = vector.shape_cast %parallel_loop3A_315 : vector<16xf32> to vector<1x16xf32>
      tpu.vector_store %arg14[%parallel_loop3A_316, %parallel_loop3A_317], %parallel_loop3A_320 {strides = array<i32>} : memref<32x128xf32, #tpu.memory_space<vmem>>, vector<1x16xf32>,
      %parallel_loop3A_321 = arith.index_cast %parallel_loop3A_52 : i32 to index
      %parallel_loop3A_322 = arith.constant 64 : index
      %parallel_loop3A_323 = tpu.vector_load %arg13[%parallel_loop3A_321, %parallel_loop3A_322] {strides = array<i32>} : memref<32x1024xf32, #tpu.memory_space<vmem>>, vector<1x16xf32>,
      %parallel_loop3A_324 = vector.shape_cast %parallel_loop3A_323 : vector<1x16xf32> to vector<16xf32>
      %parallel_loop3A_325 = vector.broadcast %parallel_loop3A_66 : f32 to vector<16xf32>
      %parallel_loop3A_326 = arith.mulf %parallel_loop3A_325, %parallel_loop3A_324 : vector<16xf32>
      %parallel_loop3A_327 = arith.index_cast %parallel_loop3A_52 : i32 to index
      %parallel_loop3A_328 = arith.constant 192 : index
      %parallel_loop3A_329 = tpu.vector_load %arg13[%parallel_loop3A_327, %parallel_loop3A_328] {strides = array<i32>} : memref<32x1024xf32, #tpu.memory_space<vmem>>, vector<1x16xf32>,
      %parallel_loop3A_330 = vector.shape_cast %parallel_loop3A_329 : vector<1x16xf32> to vector<16xf32>
      %parallel_loop3A_331 = vector.broadcast %parallel_loop3A_68 : f32 to vector<16xf32>
      %parallel_loop3A_332 = arith.mulf %parallel_loop3A_331, %parallel_loop3A_330 : vector<16xf32>
      %parallel_loop3A_333 = arith.addf %parallel_loop3A_326, %parallel_loop3A_332 : vector<16xf32>
      %parallel_loop3A_334 = arith.index_cast %parallel_loop3A_52 : i32 to index
      %parallel_loop3A_335 = arith.constant 320 : index
      %parallel_loop3A_336 = tpu.vector_load %arg13[%parallel_loop3A_334, %parallel_loop3A_335] {strides = array<i32>} : memref<32x1024xf32, #tpu.memory_space<vmem>>, vector<1x16xf32>,
      %parallel_loop3A_337 = vector.shape_cast %parallel_loop3A_336 : vector<1x16xf32> to vector<16xf32>
      %parallel_loop3A_338 = vector.broadcast %parallel_loop3A_70 : f32 to vector<16xf32>
      %parallel_loop3A_339 = arith.mulf %parallel_loop3A_338, %parallel_loop3A_337 : vector<16xf32>
      %parallel_loop3A_340 = arith.addf %parallel_loop3A_333, %parallel_loop3A_339 : vector<16xf32>
      %parallel_loop3A_341 = arith.index_cast %parallel_loop3A_52 : i32 to index
      %parallel_loop3A_342 = arith.constant 448 : index
      %parallel_loop3A_343 = tpu.vector_load %arg13[%parallel_loop3A_341, %parallel_loop3A_342] {strides = array<i32>} : memref<32x1024xf32, #tpu.memory_space<vmem>>, vector<1x16xf32>,
      %parallel_loop3A_344 = vector.shape_cast %parallel_loop3A_343 : vector<1x16xf32> to vector<16xf32>
      %parallel_loop3A_345 = vector.broadcast %parallel_loop3A_72 : f32 to vector<16xf32>
      %parallel_loop3A_346 = arith.mulf %parallel_loop3A_345, %parallel_loop3A_344 : vector<16xf32>
      %parallel_loop3A_347 = arith.addf %parallel_loop3A_340, %parallel_loop3A_346 : vector<16xf32>
      %parallel_loop3A_348 = arith.index_cast %parallel_loop3A_52 : i32 to index
      %parallel_loop3A_349 = arith.constant 576 : index
      %parallel_loop3A_350 = tpu.vector_load %arg13[%parallel_loop3A_348, %parallel_loop3A_349] {strides = array<i32>} : memref<32x1024xf32, #tpu.memory_space<vmem>>, vector<1x16xf32>,
      %parallel_loop3A_351 = vector.shape_cast %parallel_loop3A_350 : vector<1x16xf32> to vector<16xf32>
      %parallel_loop3A_352 = vector.broadcast %parallel_loop3A_74 : f32 to vector<16xf32>
      %parallel_loop3A_353 = arith.mulf %parallel_loop3A_352, %parallel_loop3A_351 : vector<16xf32>
      %parallel_loop3A_354 = arith.addf %parallel_loop3A_347, %parallel_loop3A_353 : vector<16xf32>
      %parallel_loop3A_355 = arith.index_cast %parallel_loop3A_52 : i32 to index
      %parallel_loop3A_356 = arith.constant 704 : index
      %parallel_loop3A_357 = tpu.vector_load %arg13[%parallel_loop3A_355, %parallel_loop3A_356] {strides = array<i32>} : memref<32x1024xf32, #tpu.memory_space<vmem>>, vector<1x16xf32>,
      %parallel_loop3A_358 = vector.shape_cast %parallel_loop3A_357 : vector<1x16xf32> to vector<16xf32>
      %parallel_loop3A_359 = vector.broadcast %parallel_loop3A_76 : f32 to vector<16xf32>
      %parallel_loop3A_360 = arith.mulf %parallel_loop3A_359, %parallel_loop3A_358 : vector<16xf32>
      %parallel_loop3A_361 = arith.addf %parallel_loop3A_354, %parallel_loop3A_360 : vector<16xf32>
      %parallel_loop3A_362 = arith.index_cast %parallel_loop3A_52 : i32 to index
      %parallel_loop3A_363 = arith.constant 832 : index
      %parallel_loop3A_364 = tpu.vector_load %arg13[%parallel_loop3A_362, %parallel_loop3A_363] {strides = array<i32>} : memref<32x1024xf32, #tpu.memory_space<vmem>>, vector<1x16xf32>,
      %parallel_loop3A_365 = vector.shape_cast %parallel_loop3A_364 : vector<1x16xf32> to vector<16xf32>
      %parallel_loop3A_366 = vector.broadcast %parallel_loop3A_78 : f32 to vector<16xf32>
      %parallel_loop3A_367 = arith.mulf %parallel_loop3A_366, %parallel_loop3A_365 : vector<16xf32>
      %parallel_loop3A_368 = arith.addf %parallel_loop3A_361, %parallel_loop3A_367 : vector<16xf32>
      %parallel_loop3A_369 = arith.index_cast %parallel_loop3A_52 : i32 to index
      %parallel_loop3A_370 = arith.constant 960 : index
      %parallel_loop3A_371 = tpu.vector_load %arg13[%parallel_loop3A_369, %parallel_loop3A_370] {strides = array<i32>} : memref<32x1024xf32, #tpu.memory_space<vmem>>, vector<1x16xf32>,
      %parallel_loop3A_372 = vector.shape_cast %parallel_loop3A_371 : vector<1x16xf32> to vector<16xf32>
      %parallel_loop3A_373 = vector.broadcast %parallel_loop3A_80 : f32 to vector<16xf32>
      %parallel_loop3A_374 = arith.mulf %parallel_loop3A_373, %parallel_loop3A_372 : vector<16xf32>
      %parallel_loop3A_375 = arith.addf %parallel_loop3A_368, %parallel_loop3A_374 : vector<16xf32>
      %parallel_loop3A_376 = arith.index_cast %parallel_loop3A_52 : i32 to index
      %parallel_loop3A_377 = arith.constant 64 : index
      %parallel_loop3A_378 = tpu.vector_load %arg14[%parallel_loop3A_376, %parallel_loop3A_377] {strides = array<i32>} : memref<32x128xf32, #tpu.memory_space<vmem>>, vector<1x16xf32>,
      %parallel_loop3A_379 = vector.shape_cast %parallel_loop3A_378 : vector<1x16xf32> to vector<16xf32>
      %parallel_loop3A_380 = vector.shape_cast %parallel_loop3A_375 : vector<16xf32> to vector<1x16xf32>
      tpu.vector_store %arg14[%parallel_loop3A_376, %parallel_loop3A_377], %parallel_loop3A_380 {strides = array<i32>} : memref<32x128xf32, #tpu.memory_space<vmem>>, vector<1x16xf32>,
      %parallel_loop3A_381 = arith.index_cast %parallel_loop3A_52 : i32 to index
      %parallel_loop3A_382 = arith.constant 80 : index
      %parallel_loop3A_383 = tpu.vector_load %arg13[%parallel_loop3A_381, %parallel_loop3A_382] {strides = array<i32>} : memref<32x1024xf32, #tpu.memory_space<vmem>>, vector<1x16xf32>,
      %parallel_loop3A_384 = vector.shape_cast %parallel_loop3A_383 : vector<1x16xf32> to vector<16xf32>
      %parallel_loop3A_385 = vector.broadcast %parallel_loop3A_66 : f32 to vector<16xf32>
      %parallel_loop3A_386 = arith.mulf %parallel_loop3A_385, %parallel_loop3A_384 : vector<16xf32>
      %parallel_loop3A_387 = arith.index_cast %parallel_loop3A_52 : i32 to index
      %parallel_loop3A_388 = arith.constant 208 : index
      %parallel_loop3A_389 = tpu.vector_load %arg13[%parallel_loop3A_387, %parallel_loop3A_388] {strides = array<i32>} : memref<32x1024xf32, #tpu.memory_space<vmem>>, vector<1x16xf32>,
      %parallel_loop3A_390 = vector.shape_cast %parallel_loop3A_389 : vector<1x16xf32> to vector<16xf32>
      %parallel_loop3A_391 = vector.broadcast %parallel_loop3A_68 : f32 to vector<16xf32>
      %parallel_loop3A_392 = arith.mulf %parallel_loop3A_391, %parallel_loop3A_390 : vector<16xf32>
      %parallel_loop3A_393 = arith.addf %parallel_loop3A_386, %parallel_loop3A_392 : vector<16xf32>
      %parallel_loop3A_394 = arith.index_cast %parallel_loop3A_52 : i32 to index
      %parallel_loop3A_395 = arith.constant 336 : index
      %parallel_loop3A_396 = tpu.vector_load %arg13[%parallel_loop3A_394, %parallel_loop3A_395] {strides = array<i32>} : memref<32x1024xf32, #tpu.memory_space<vmem>>, vector<1x16xf32>,
      %parallel_loop3A_397 = vector.shape_cast %parallel_loop3A_396 : vector<1x16xf32> to vector<16xf32>
      %parallel_loop3A_398 = vector.broadcast %parallel_loop3A_70 : f32 to vector<16xf32>
      %parallel_loop3A_399 = arith.mulf %parallel_loop3A_398, %parallel_loop3A_397 : vector<16xf32>
      %parallel_loop3A_400 = arith.addf %parallel_loop3A_393, %parallel_loop3A_399 : vector<16xf32>
      %parallel_loop3A_401 = arith.index_cast %parallel_loop3A_52 : i32 to index
      %parallel_loop3A_402 = arith.constant 464 : index
      %parallel_loop3A_403 = tpu.vector_load %arg13[%parallel_loop3A_401, %parallel_loop3A_402] {strides = array<i32>} : memref<32x1024xf32, #tpu.memory_space<vmem>>, vector<1x16xf32>,
      %parallel_loop3A_404 = vector.shape_cast %parallel_loop3A_403 : vector<1x16xf32> to vector<16xf32>
      %parallel_loop3A_405 = vector.broadcast %parallel_loop3A_72 : f32 to vector<16xf32>
      %parallel_loop3A_406 = arith.mulf %parallel_loop3A_405, %parallel_loop3A_404 : vector<16xf32>
      %parallel_loop3A_407 = arith.addf %parallel_loop3A_400, %parallel_loop3A_406 : vector<16xf32>
      %parallel_loop3A_408 = arith.index_cast %parallel_loop3A_52 : i32 to index
      %parallel_loop3A_409 = arith.constant 592 : index
      %parallel_loop3A_410 = tpu.vector_load %arg13[%parallel_loop3A_408, %parallel_loop3A_409] {strides = array<i32>} : memref<32x1024xf32, #tpu.memory_space<vmem>>, vector<1x16xf32>,
      %parallel_loop3A_411 = vector.shape_cast %parallel_loop3A_410 : vector<1x16xf32> to vector<16xf32>
      %parallel_loop3A_412 = vector.broadcast %parallel_loop3A_74 : f32 to vector<16xf32>
      %parallel_loop3A_413 = arith.mulf %parallel_loop3A_412, %parallel_loop3A_411 : vector<16xf32>
      %parallel_loop3A_414 = arith.addf %parallel_loop3A_407, %parallel_loop3A_413 : vector<16xf32>
      %parallel_loop3A_415 = arith.index_cast %parallel_loop3A_52 : i32 to index
      %parallel_loop3A_416 = arith.constant 720 : index
      %parallel_loop3A_417 = tpu.vector_load %arg13[%parallel_loop3A_415, %parallel_loop3A_416] {strides = array<i32>} : memref<32x1024xf32, #tpu.memory_space<vmem>>, vector<1x16xf32>,
      %parallel_loop3A_418 = vector.shape_cast %parallel_loop3A_417 : vector<1x16xf32> to vector<16xf32>
      %parallel_loop3A_419 = vector.broadcast %parallel_loop3A_76 : f32 to vector<16xf32>
      %parallel_loop3A_420 = arith.mulf %parallel_loop3A_419, %parallel_loop3A_418 : vector<16xf32>
      %parallel_loop3A_421 = arith.addf %parallel_loop3A_414, %parallel_loop3A_420 : vector<16xf32>
      %parallel_loop3A_422 = arith.index_cast %parallel_loop3A_52 : i32 to index
      %parallel_loop3A_423 = arith.constant 848 : index
      %parallel_loop3A_424 = tpu.vector_load %arg13[%parallel_loop3A_422, %parallel_loop3A_423] {strides = array<i32>} : memref<32x1024xf32, #tpu.memory_space<vmem>>, vector<1x16xf32>,
      %parallel_loop3A_425 = vector.shape_cast %parallel_loop3A_424 : vector<1x16xf32> to vector<16xf32>
      %parallel_loop3A_426 = vector.broadcast %parallel_loop3A_78 : f32 to vector<16xf32>
      %parallel_loop3A_427 = arith.mulf %parallel_loop3A_426, %parallel_loop3A_425 : vector<16xf32>
      %parallel_loop3A_428 = arith.addf %parallel_loop3A_421, %parallel_loop3A_427 : vector<16xf32>
      %parallel_loop3A_429 = arith.index_cast %parallel_loop3A_52 : i32 to index
      %parallel_loop3A_430 = arith.constant 976 : index
      %parallel_loop3A_431 = tpu.vector_load %arg13[%parallel_loop3A_429, %parallel_loop3A_430] {strides = array<i32>} : memref<32x1024xf32, #tpu.memory_space<vmem>>, vector<1x16xf32>,
      %parallel_loop3A_432 = vector.shape_cast %parallel_loop3A_431 : vector<1x16xf32> to vector<16xf32>
      %parallel_loop3A_433 = vector.broadcast %parallel_loop3A_80 : f32 to vector<16xf32>
      %parallel_loop3A_434 = arith.mulf %parallel_loop3A_433, %parallel_loop3A_432 : vector<16xf32>
      %parallel_loop3A_435 = arith.addf %parallel_loop3A_428, %parallel_loop3A_434 : vector<16xf32>
      %parallel_loop3A_436 = arith.index_cast %parallel_loop3A_52 : i32 to index
      %parallel_loop3A_437 = arith.constant 80 : index
      %parallel_loop3A_438 = tpu.vector_load %arg14[%parallel_loop3A_436, %parallel_loop3A_437] {strides = array<i32>} : memref<32x128xf32, #tpu.memory_space<vmem>>, vector<1x16xf32>,
      %parallel_loop3A_439 = vector.shape_cast %parallel_loop3A_438 : vector<1x16xf32> to vector<16xf32>
      %parallel_loop3A_440 = vector.shape_cast %parallel_loop3A_435 : vector<16xf32> to vector<1x16xf32>
      tpu.vector_store %arg14[%parallel_loop3A_436, %parallel_loop3A_437], %parallel_loop3A_440 {strides = array<i32>} : memref<32x128xf32, #tpu.memory_space<vmem>>, vector<1x16xf32>,
      %parallel_loop3A_441 = arith.index_cast %parallel_loop3A_52 : i32 to index
      %parallel_loop3A_442 = arith.constant 96 : index
      %parallel_loop3A_443 = tpu.vector_load %arg13[%parallel_loop3A_441, %parallel_loop3A_442] {strides = array<i32>} : memref<32x1024xf32, #tpu.memory_space<vmem>>, vector<1x16xf32>,
      %parallel_loop3A_444 = vector.shape_cast %parallel_loop3A_443 : vector<1x16xf32> to vector<16xf32>
      %parallel_loop3A_445 = vector.broadcast %parallel_loop3A_66 : f32 to vector<16xf32>
      %parallel_loop3A_446 = arith.mulf %parallel_loop3A_445, %parallel_loop3A_444 : vector<16xf32>
      %parallel_loop3A_447 = arith.index_cast %parallel_loop3A_52 : i32 to index
      %parallel_loop3A_448 = arith.constant 224 : index
      %parallel_loop3A_449 = tpu.vector_load %arg13[%parallel_loop3A_447, %parallel_loop3A_448] {strides = array<i32>} : memref<32x1024xf32, #tpu.memory_space<vmem>>, vector<1x16xf32>,
      %parallel_loop3A_450 = vector.shape_cast %parallel_loop3A_449 : vector<1x16xf32> to vector<16xf32>
      %parallel_loop3A_451 = vector.broadcast %parallel_loop3A_68 : f32 to vector<16xf32>
      %parallel_loop3A_452 = arith.mulf %parallel_loop3A_451, %parallel_loop3A_450 : vector<16xf32>
      %parallel_loop3A_453 = arith.addf %parallel_loop3A_446, %parallel_loop3A_452 : vector<16xf32>
      %parallel_loop3A_454 = arith.index_cast %parallel_loop3A_52 : i32 to index
      %parallel_loop3A_455 = arith.constant 352 : index
      %parallel_loop3A_456 = tpu.vector_load %arg13[%parallel_loop3A_454, %parallel_loop3A_455] {strides = array<i32>} : memref<32x1024xf32, #tpu.memory_space<vmem>>, vector<1x16xf32>,
      %parallel_loop3A_457 = vector.shape_cast %parallel_loop3A_456 : vector<1x16xf32> to vector<16xf32>
      %parallel_loop3A_458 = vector.broadcast %parallel_loop3A_70 : f32 to vector<16xf32>
      %parallel_loop3A_459 = arith.mulf %parallel_loop3A_458, %parallel_loop3A_457 : vector<16xf32>
      %parallel_loop3A_460 = arith.addf %parallel_loop3A_453, %parallel_loop3A_459 : vector<16xf32>
      %parallel_loop3A_461 = arith.index_cast %parallel_loop3A_52 : i32 to index
      %parallel_loop3A_462 = arith.constant 480 : index
      %parallel_loop3A_463 = tpu.vector_load %arg13[%parallel_loop3A_461, %parallel_loop3A_462] {strides = array<i32>} : memref<32x1024xf32, #tpu.memory_space<vmem>>, vector<1x16xf32>,
      %parallel_loop3A_464 = vector.shape_cast %parallel_loop3A_463 : vector<1x16xf32> to vector<16xf32>
      %parallel_loop3A_465 = vector.broadcast %parallel_loop3A_72 : f32 to vector<16xf32>
      %parallel_loop3A_466 = arith.mulf %parallel_loop3A_465, %parallel_loop3A_464 : vector<16xf32>
      %parallel_loop3A_467 = arith.addf %parallel_loop3A_460, %parallel_loop3A_466 : vector<16xf32>
      %parallel_loop3A_468 = arith.index_cast %parallel_loop3A_52 : i32 to index
      %parallel_loop3A_469 = arith.constant 608 : index
      %parallel_loop3A_470 = tpu.vector_load %arg13[%parallel_loop3A_468, %parallel_loop3A_469] {strides = array<i32>} : memref<32x1024xf32, #tpu.memory_space<vmem>>, vector<1x16xf32>,
      %parallel_loop3A_471 = vector.shape_cast %parallel_loop3A_470 : vector<1x16xf32> to vector<16xf32>
      %parallel_loop3A_472 = vector.broadcast %parallel_loop3A_74 : f32 to vector<16xf32>
      %parallel_loop3A_473 = arith.mulf %parallel_loop3A_472, %parallel_loop3A_471 : vector<16xf32>
      %parallel_loop3A_474 = arith.addf %parallel_loop3A_467, %parallel_loop3A_473 : vector<16xf32>
      %parallel_loop3A_475 = arith.index_cast %parallel_loop3A_52 : i32 to index
      %parallel_loop3A_476 = arith.constant 736 : index
      %parallel_loop3A_477 = tpu.vector_load %arg13[%parallel_loop3A_475, %parallel_loop3A_476] {strides = array<i32>} : memref<32x1024xf32, #tpu.memory_space<vmem>>, vector<1x16xf32>,
      %parallel_loop3A_478 = vector.shape_cast %parallel_loop3A_477 : vector<1x16xf32> to vector<16xf32>
      %parallel_loop3A_479 = vector.broadcast %parallel_loop3A_76 : f32 to vector<16xf32>
      %parallel_loop3A_480 = arith.mulf %parallel_loop3A_479, %parallel_loop3A_478 : vector<16xf32>
      %parallel_loop3A_481 = arith.addf %parallel_loop3A_474, %parallel_loop3A_480 : vector<16xf32>
      %parallel_loop3A_482 = arith.index_cast %parallel_loop3A_52 : i32 to index
      %parallel_loop3A_483 = arith.constant 864 : index
      %parallel_loop3A_484 = tpu.vector_load %arg13[%parallel_loop3A_482, %parallel_loop3A_483] {strides = array<i32>} : memref<32x1024xf32, #tpu.memory_space<vmem>>, vector<1x16xf32>,
      %parallel_loop3A_485 = vector.shape_cast %parallel_loop3A_484 : vector<1x16xf32> to vector<16xf32>
      %parallel_loop3A_486 = vector.broadcast %parallel_loop3A_78 : f32 to vector<16xf32>
      %parallel_loop3A_487 = arith.mulf %parallel_loop3A_486, %parallel_loop3A_485 : vector<16xf32>
      %parallel_loop3A_488 = arith.addf %parallel_loop3A_481, %parallel_loop3A_487 : vector<16xf32>
      %parallel_loop3A_489 = arith.index_cast %parallel_loop3A_52 : i32 to index
      %parallel_loop3A_490 = arith.constant 992 : index
      %parallel_loop3A_491 = tpu.vector_load %arg13[%parallel_loop3A_489, %parallel_loop3A_490] {strides = array<i32>} : memref<32x1024xf32, #tpu.memory_space<vmem>>, vector<1x16xf32>,
      %parallel_loop3A_492 = vector.shape_cast %parallel_loop3A_491 : vector<1x16xf32> to vector<16xf32>
      %parallel_loop3A_493 = vector.broadcast %parallel_loop3A_80 : f32 to vector<16xf32>
      %parallel_loop3A_494 = arith.mulf %parallel_loop3A_493, %parallel_loop3A_492 : vector<16xf32>
      %parallel_loop3A_495 = arith.addf %parallel_loop3A_488, %parallel_loop3A_494 : vector<16xf32>
      %parallel_loop3A_496 = arith.index_cast %parallel_loop3A_52 : i32 to index
      %parallel_loop3A_497 = arith.constant 96 : index
      %parallel_loop3A_498 = tpu.vector_load %arg14[%parallel_loop3A_496, %parallel_loop3A_497] {strides = array<i32>} : memref<32x128xf32, #tpu.memory_space<vmem>>, vector<1x16xf32>,
      %parallel_loop3A_499 = vector.shape_cast %parallel_loop3A_498 : vector<1x16xf32> to vector<16xf32>
      %parallel_loop3A_500 = vector.shape_cast %parallel_loop3A_495 : vector<16xf32> to vector<1x16xf32>
      tpu.vector_store %arg14[%parallel_loop3A_496, %parallel_loop3A_497], %parallel_loop3A_500 {strides = array<i32>} : memref<32x128xf32, #tpu.memory_space<vmem>>, vector<1x16xf32>,
      %parallel_loop3A_501 = arith.index_cast %parallel_loop3A_52 : i32 to index
      %parallel_loop3A_502 = arith.constant 112 : index
      %parallel_loop3A_503 = tpu.vector_load %arg13[%parallel_loop3A_501, %parallel_loop3A_502] {strides = array<i32>} : memref<32x1024xf32, #tpu.memory_space<vmem>>, vector<1x16xf32>,
      %parallel_loop3A_504 = vector.shape_cast %parallel_loop3A_503 : vector<1x16xf32> to vector<16xf32>
      %parallel_loop3A_505 = vector.broadcast %parallel_loop3A_66 : f32 to vector<16xf32>
      %parallel_loop3A_506 = arith.mulf %parallel_loop3A_505, %parallel_loop3A_504 : vector<16xf32>
      %parallel_loop3A_507 = arith.index_cast %parallel_loop3A_52 : i32 to index
      %parallel_loop3A_508 = arith.constant 240 : index
      %parallel_loop3A_509 = tpu.vector_load %arg13[%parallel_loop3A_507, %parallel_loop3A_508] {strides = array<i32>} : memref<32x1024xf32, #tpu.memory_space<vmem>>, vector<1x16xf32>,
      %parallel_loop3A_510 = vector.shape_cast %parallel_loop3A_509 : vector<1x16xf32> to vector<16xf32>
      %parallel_loop3A_511 = vector.broadcast %parallel_loop3A_68 : f32 to vector<16xf32>
      %parallel_loop3A_512 = arith.mulf %parallel_loop3A_511, %parallel_loop3A_510 : vector<16xf32>
      %parallel_loop3A_513 = arith.addf %parallel_loop3A_506, %parallel_loop3A_512 : vector<16xf32>
      %parallel_loop3A_514 = arith.index_cast %parallel_loop3A_52 : i32 to index
      %parallel_loop3A_515 = arith.constant 368 : index
      %parallel_loop3A_516 = tpu.vector_load %arg13[%parallel_loop3A_514, %parallel_loop3A_515] {strides = array<i32>} : memref<32x1024xf32, #tpu.memory_space<vmem>>, vector<1x16xf32>,
      %parallel_loop3A_517 = vector.shape_cast %parallel_loop3A_516 : vector<1x16xf32> to vector<16xf32>
      %parallel_loop3A_518 = vector.broadcast %parallel_loop3A_70 : f32 to vector<16xf32>
      %parallel_loop3A_519 = arith.mulf %parallel_loop3A_518, %parallel_loop3A_517 : vector<16xf32>
      %parallel_loop3A_520 = arith.addf %parallel_loop3A_513, %parallel_loop3A_519 : vector<16xf32>
      %parallel_loop3A_521 = arith.index_cast %parallel_loop3A_52 : i32 to index
      %parallel_loop3A_522 = arith.constant 496 : index
      %parallel_loop3A_523 = tpu.vector_load %arg13[%parallel_loop3A_521, %parallel_loop3A_522] {strides = array<i32>} : memref<32x1024xf32, #tpu.memory_space<vmem>>, vector<1x16xf32>,
      %parallel_loop3A_524 = vector.shape_cast %parallel_loop3A_523 : vector<1x16xf32> to vector<16xf32>
      %parallel_loop3A_525 = vector.broadcast %parallel_loop3A_72 : f32 to vector<16xf32>
      %parallel_loop3A_526 = arith.mulf %parallel_loop3A_525, %parallel_loop3A_524 : vector<16xf32>
      %parallel_loop3A_527 = arith.addf %parallel_loop3A_520, %parallel_loop3A_526 : vector<16xf32>
      %parallel_loop3A_528 = arith.index_cast %parallel_loop3A_52 : i32 to index
      %parallel_loop3A_529 = arith.constant 624 : index
      %parallel_loop3A_530 = tpu.vector_load %arg13[%parallel_loop3A_528, %parallel_loop3A_529] {strides = array<i32>} : memref<32x1024xf32, #tpu.memory_space<vmem>>, vector<1x16xf32>,
      %parallel_loop3A_531 = vector.shape_cast %parallel_loop3A_530 : vector<1x16xf32> to vector<16xf32>
      %parallel_loop3A_532 = vector.broadcast %parallel_loop3A_74 : f32 to vector<16xf32>
      %parallel_loop3A_533 = arith.mulf %parallel_loop3A_532, %parallel_loop3A_531 : vector<16xf32>
      %parallel_loop3A_534 = arith.addf %parallel_loop3A_527, %parallel_loop3A_533 : vector<16xf32>
      %parallel_loop3A_535 = arith.index_cast %parallel_loop3A_52 : i32 to index
      %parallel_loop3A_536 = arith.constant 752 : index
      %parallel_loop3A_537 = tpu.vector_load %arg13[%parallel_loop3A_535, %parallel_loop3A_536] {strides = array<i32>} : memref<32x1024xf32, #tpu.memory_space<vmem>>, vector<1x16xf32>,
      %parallel_loop3A_538 = vector.shape_cast %parallel_loop3A_537 : vector<1x16xf32> to vector<16xf32>
      %parallel_loop3A_539 = vector.broadcast %parallel_loop3A_76 : f32 to vector<16xf32>
      %parallel_loop3A_540 = arith.mulf %parallel_loop3A_539, %parallel_loop3A_538 : vector<16xf32>
      %parallel_loop3A_541 = arith.addf %parallel_loop3A_534, %parallel_loop3A_540 : vector<16xf32>
      %parallel_loop3A_542 = arith.index_cast %parallel_loop3A_52 : i32 to index
      %parallel_loop3A_543 = arith.constant 880 : index
      %parallel_loop3A_544 = tpu.vector_load %arg13[%parallel_loop3A_542, %parallel_loop3A_543] {strides = array<i32>} : memref<32x1024xf32, #tpu.memory_space<vmem>>, vector<1x16xf32>,
      %parallel_loop3A_545 = vector.shape_cast %parallel_loop3A_544 : vector<1x16xf32> to vector<16xf32>
      %parallel_loop3A_546 = vector.broadcast %parallel_loop3A_78 : f32 to vector<16xf32>
      %parallel_loop3A_547 = arith.mulf %parallel_loop3A_546, %parallel_loop3A_545 : vector<16xf32>
      %parallel_loop3A_548 = arith.addf %parallel_loop3A_541, %parallel_loop3A_547 : vector<16xf32>
      %parallel_loop3A_549 = arith.index_cast %parallel_loop3A_52 : i32 to index
      %parallel_loop3A_550 = arith.constant 1008 : index
      %parallel_loop3A_551 = tpu.vector_load %arg13[%parallel_loop3A_549, %parallel_loop3A_550] {strides = array<i32>} : memref<32x1024xf32, #tpu.memory_space<vmem>>, vector<1x16xf32>,
      %parallel_loop3A_552 = vector.shape_cast %parallel_loop3A_551 : vector<1x16xf32> to vector<16xf32>
      %parallel_loop3A_553 = vector.broadcast %parallel_loop3A_80 : f32 to vector<16xf32>
      %parallel_loop3A_554 = arith.mulf %parallel_loop3A_553, %parallel_loop3A_552 : vector<16xf32>
      %parallel_loop3A_555 = arith.addf %parallel_loop3A_548, %parallel_loop3A_554 : vector<16xf32>
      %parallel_loop3A_556 = arith.index_cast %parallel_loop3A_52 : i32 to index
      %parallel_loop3A_557 = arith.constant 112 : index
      %parallel_loop3A_558 = tpu.vector_load %arg14[%parallel_loop3A_556, %parallel_loop3A_557] {strides = array<i32>} : memref<32x128xf32, #tpu.memory_space<vmem>>, vector<1x16xf32>,
      %parallel_loop3A_559 = vector.shape_cast %parallel_loop3A_558 : vector<1x16xf32> to vector<16xf32>
      %parallel_loop3A_560 = vector.shape_cast %parallel_loop3A_555 : vector<16xf32> to vector<1x16xf32>
      tpu.vector_store %arg14[%parallel_loop3A_556, %parallel_loop3A_557], %parallel_loop3A_560 {strides = array<i32>} : memref<32x128xf32, #tpu.memory_space<vmem>>, vector<1x16xf32>,
    } {sc.loop_unroll_factor = 2 : i64, sc.parallel_access}
    "tpu.region"() ({
      %run_scoped3A = tpu.sem_alloc : memref<!tpu.dma_semaphore, #tpu.memory_space<semaphore_mem>>
      %dma_start3A_52 = arith.constant 0 : i32
      %dma_start3A_53 = arith.constant 0 : i32
      %dma_start3A_54 = tpu.memref_slice %arg14[%dma_start3A_52, %dma_start3A_53] : memref<32x128xf32, #tpu.memory_space<vmem>> -> memref<16x128xf32, #tpu.memory_space<vmem>>
      %dma_start3A_55 = arith.constant 0 : i32
      %dma_start3A_56 = tpu.memref_slice %arg10[%dma_start3A_55] : memref<32xi32, #tpu.memory_space<vmem>> -> memref<16xi32, #tpu.memory_space<vmem>>
      %dma_start3A_57 = arith.constant 0 : i32
      %dma_start3A_58 = arith.constant 0 : i32
      %dma_start3A_59 = tpu.memref_slice %arg15[%dma_start3A_57, %dma_start3A_58] : memref<10000x128xf32, #tpu.memory_space<vmem_shared>> -> memref<10000x128xf32, #tpu.memory_space<vmem_shared>>
      tpu.enqueue_indirect_dma source(%dma_start3A_54 : memref<16x128xf32, #tpu.memory_space<vmem>>) target(%dma_start3A_59 : memref<10000x128xf32, #tpu.memory_space<vmem_shared>>) offsets(%dma_start3A_56 : memref<16xi32, #tpu.memory_space<vmem>>) semaphore(%run_scoped3A : memref<!tpu.dma_semaphore, #tpu.memory_space<semaphore_mem>>) {add = true}
      %dma_wait3A_60 = arith.constant 0 : i32
      %dma_wait3A_61 = arith.constant 0 : i32
      %dma_wait3A_62 = tpu.memref_slice %arg14[%dma_wait3A_60, %dma_wait3A_61] : memref<32x128xf32, #tpu.memory_space<vmem>> -> memref<16x128xf32, #tpu.memory_space<vmem>>
      %dma_wait3A_63 = arith.constant 0 : i32
      %dma_wait3A_64 = tpu.memref_slice %arg10[%dma_wait3A_63] : memref<32xi32, #tpu.memory_space<vmem>> -> memref<16xi32, #tpu.memory_space<vmem>>
      %dma_wait3A_65 = arith.constant 0 : i32
      %dma_wait3A_66 = arith.constant 0 : i32
      %dma_wait3A_67 = tpu.memref_slice %arg15[%dma_wait3A_65, %dma_wait3A_66] : memref<10000x128xf32, #tpu.memory_space<vmem_shared>> -> memref<10000x128xf32, #tpu.memory_space<vmem_shared>>
      tpu.wait_indirect_dma semaphore(%run_scoped3A : memref<!tpu.dma_semaphore, #tpu.memory_space<semaphore_mem>>) src(%dma_wait3A_62 : memref<16x128xf32, #tpu.memory_space<vmem>>) dst(%dma_wait3A_67 : memref<10000x128xf32, #tpu.memory_space<vmem_shared>>)
      tpu.yield
    }) : () -> ()
    %barrier3A_44 = arith.constant 0 : index
    tpu.barrier barrier_id(%barrier3A_44)
    %mul3A_45 = arith.constant 624 : i32
    %mul3A_46 = arith.muli %arg1, %mul3A_45 : i32
    "tpu.region"() ({
      %run_scoped3A = tpu.sem_alloc : memref<!tpu.dma_semaphore, #tpu.memory_space<semaphore_mem>>
      %dma_start3A_52 = arith.constant 0 : i32
      %dma_start3A_53 = tpu.memref_slice %arg8[%arg0, %mul3A_46, %dma_start3A_52] : memref<2x10000x128xf32, #tpu.memory_space<hbm>> -> memref<1x624x128xf32, #tpu.memory_space<hbm>>
      %dma_start3A_54 = tpu.memref_squeeze %dma_start3A_53 : memref<1x624x128xf32, #tpu.memory_space<hbm>> -> memref<624x128xf32, #tpu.memory_space<hbm>>
      %dma_start3A_55 = arith.constant 0 : i32
      %dma_start3A_56 = tpu.memref_slice %arg15[%mul3A_46, %dma_start3A_55] : memref<10000x128xf32, #tpu.memory_space<vmem_shared>> -> memref<624x128xf32, #tpu.memory_space<vmem_shared>>
      tpu.enqueue_dma source(%dma_start3A_56 : memref<624x128xf32, #tpu.memory_space<vmem_shared>>) target(%dma_start3A_54 : memref<624x128xf32, #tpu.memory_space<hbm>>) target_semaphore(%run_scoped3A : memref<!tpu.dma_semaphore, #tpu.memory_space<semaphore_mem>>)
      %dma_wait3A_57 = arith.constant 0 : i32
      %dma_wait3A_58 = tpu.memref_slice %arg8[%arg0, %mul3A_46, %dma_wait3A_57] : memref<2x10000x128xf32, #tpu.memory_space<hbm>> -> memref<1x624x128xf32, #tpu.memory_space<hbm>>
      %dma_wait3A_59 = tpu.memref_squeeze %dma_wait3A_58 : memref<1x624x128xf32, #tpu.memory_space<hbm>> -> memref<624x128xf32, #tpu.memory_space<hbm>>
      %dma_wait3A_60 = arith.constant 0 : i32
      %dma_wait3A_61 = tpu.memref_slice %arg15[%mul3A_46, %dma_wait3A_60] : memref<10000x128xf32, #tpu.memory_space<vmem_shared>> -> memref<624x128xf32, #tpu.memory_space<vmem_shared>>
      tpu.wait_dma2 semaphore(%run_scoped3A : memref<!tpu.dma_semaphore, #tpu.memory_space<semaphore_mem>>) src(%dma_wait3A_61 : memref<624x128xf32, #tpu.memory_space<vmem_shared>>) dst(%dma_wait3A_59 : memref<624x128xf32, #tpu.memory_space<hbm>>)
      tpu.yield
    }) : () -> ()
    %eq3A_47 = arith.constant 15 : i32
    %eq3A_48 = arith.cmpi eq, %arg1, %eq3A_47 : i32
    %convert_element_type3A_49 = arith.extui %eq3A_48 : i1 to i32
    %cond3A_50 = arith.constant 0 : i32
    %cond3A_51 = arith.cmpi ne, %convert_element_type3A_49, %cond3A_50 : i32
    scf.if %cond3A_51 {
      "tpu.region"() ({
        %run_scoped3A = tpu.sem_alloc : memref<!tpu.dma_semaphore, #tpu.memory_space<semaphore_mem>>
        %dma_start3A_52 = arith.constant 9984 : i32
        %dma_start3A_53 = arith.constant 0 : i32
        %dma_start3A_54 = tpu.memref_slice %arg8[%arg0, %dma_start3A_52, %dma_start3A_53] : memref<2x10000x128xf32, #tpu.memory_space<hbm>> -> memref<1x16x128xf32, #tpu.memory_space<hbm>>
        %dma_start3A_55 = tpu.memref_squeeze %dma_start3A_54 : memref<1x16x128xf32, #tpu.memory_space<hbm>> -> memref<16x128xf32, #tpu.memory_space<hbm>>
        %dma_start3A_56 = arith.constant 9984 : i32
        %dma_start3A_57 = arith.constant 0 : i32
        %dma_start3A_58 = tpu.memref_slice %arg15[%dma_start3A_56, %dma_start3A_57] : memref<10000x128xf32, #tpu.memory_space<vmem_shared>> -> memref<16x128xf32, #tpu.memory_space<vmem_shared>>
        tpu.enqueue_dma source(%dma_start3A_58 : memref<16x128xf32, #tpu.memory_space<vmem_shared>>) target(%dma_start3A_55 : memref<16x128xf32, #tpu.memory_space<hbm>>) target_semaphore(%run_scoped3A : memref<!tpu.dma_semaphore, #tpu.memory_space<semaphore_mem>>)
        %dma_wait3A_59 = arith.constant 9984 : i32
        %dma_wait3A_60 = arith.constant 0 : i32
        %dma_wait3A_61 = tpu.memref_slice %arg8[%arg0, %dma_wait3A_59, %dma_wait3A_60] : memref<2x10000x128xf32, #tpu.memory_space<hbm>> -> memref<1x16x128xf32, #tpu.memory_space<hbm>>
        %dma_wait3A_62 = tpu.memref_squeeze %dma_wait3A_61 : memref<1x16x128xf32, #tpu.memory_space<hbm>> -> memref<16x128xf32, #tpu.memory_space<hbm>>
        %dma_wait3A_63 = arith.constant 9984 : i32
        %dma_wait3A_64 = arith.constant 0 : i32
        %dma_wait3A_65 = tpu.memref_slice %arg15[%dma_wait3A_63, %dma_wait3A_64] : memref<10000x128xf32, #tpu.memory_space<vmem_shared>> -> memref<16x128xf32, #tpu.memory_space<vmem_shared>>
        tpu.wait_dma2 semaphore(%run_scoped3A : memref<!tpu.dma_semaphore, #tpu.memory_space<semaphore_mem>>) src(%dma_wait3A_65 : memref<16x128xf32, #tpu.memory_space<vmem_shared>>) dst(%dma_wait3A_62 : memref<16x128xf32, #tpu.memory_space<hbm>>)
        tpu.yield
      }) : () -> ()
    } else {
    }
    return
  }
}

module attributes {stable_mosaic.version = 14 : i64} {
  func.func @_k0_body(%arg0: i32, %arg1: memref<1000x128xf32, #tpu.memory_space<vmem>>, %arg2: memref<128x128xf32, #tpu.memory_space<vmem>>, %arg3: memref<128x128xf32, #tpu.memory_space<vmem>>, %arg4: memref<128x128xf32, #tpu.memory_space<vmem>>, %arg5: memref<1000x128xf32, #tpu.memory_space<vmem>>, %arg6: memref<1000x128xf32, #tpu.memory_space<vmem>>, %arg7: memref<1000x128xf32, #tpu.memory_space<vmem>>) attributes {dimension_semantics = [#tpu.dimension_semantics<arbitrary>], iteration_bounds = array<i64: 10>, scalar_prefetch = 0 : i64, scratch_operands = 0 : i64, tpu.core_type = #tpu.core_type<tc>, window_params = [{transform_indices = @transform_0, window_bounds = array<i64: 1000, 128>}, {pipeline_mode = #tpu.pipeline_mode<synchronous>, transform_indices = @transform_1, window_bounds = array<i64: 128, 128>}, {pipeline_mode = #tpu.pipeline_mode<synchronous>, transform_indices = @transform_2, window_bounds = array<i64: 128, 128>}, {pipeline_mode = #tpu.pipeline_mode<synchronous>, transform_indices = @transform_3, window_bounds = array<i64: 128, 128>}, {transform_indices = @transform_4, window_bounds = array<i64: 1000, 128>}, {transform_indices = @transform_5, window_bounds = array<i64: 1000, 128>}, {transform_indices = @transform_6, window_bounds = array<i64: 1000, 128>}]} {
    %get3A = arith.constant 0 : index
    %get3A_0 = arith.constant 0 : index
    %get3A_1 = vector.load %arg1[%get3A, %get3A_0] : memref<1000x128xf32, #tpu.memory_space<vmem>>, vector<1000x128xf32>
    %get3A_2 = arith.constant 0 : index
    %get3A_3 = arith.constant 0 : index
    %get3A_4 = vector.load %arg2[%get3A_2, %get3A_3] : memref<128x128xf32, #tpu.memory_space<vmem>>, vector<128x128xf32>
    %dot_general3A = arith.constant dense<0.000000e+00> : vector<1000x128xf32>
    %dot_general3A_5 = tpu.matmul %get3A_1, %get3A_4, %dot_general3A {dimension_numbers = #tpu.dot_dimension_numbers<[1], [0], [0], [1], [0, 0, 1, 1], [], []>, transpose_lhs_hint = false} : vector<1000x128xf32>, vector<128x128xf32>, vector<1000x128xf32> -> vector<1000x128xf32>
    %swap3A = arith.constant 0 : index
    %swap3A_6 = arith.constant 0 : index
    %swap3A_7 = vector.load %arg5[%swap3A, %swap3A_6] : memref<1000x128xf32, #tpu.memory_space<vmem>>, vector<1000x128xf32>
    tpu.vector_store %arg5[%swap3A, %swap3A_6], %dot_general3A_5 {strides = array<i32>} : memref<1000x128xf32, #tpu.memory_space<vmem>>, vector<1000x128xf32>,
    %get3A_8 = arith.constant 0 : index
    %get3A_9 = arith.constant 0 : index
    %get3A_10 = vector.load %arg3[%get3A_8, %get3A_9] : memref<128x128xf32, #tpu.memory_space<vmem>>, vector<128x128xf32>
    %dot_general3A_11 = arith.constant dense<0.000000e+00> : vector<1000x128xf32>
    %dot_general3A_12 = tpu.matmul %dot_general3A_5, %get3A_10, %dot_general3A_11 {dimension_numbers = #tpu.dot_dimension_numbers<[1], [0], [0], [1], [0, 0, 1, 1], [], []>, transpose_lhs_hint = false} : vector<1000x128xf32>, vector<128x128xf32>, vector<1000x128xf32> -> vector<1000x128xf32>
    %swap3A_13 = arith.constant 0 : index
    %swap3A_14 = arith.constant 0 : index
    %swap3A_15 = vector.load %arg6[%swap3A_13, %swap3A_14] : memref<1000x128xf32, #tpu.memory_space<vmem>>, vector<1000x128xf32>
    tpu.vector_store %arg6[%swap3A_13, %swap3A_14], %dot_general3A_12 {strides = array<i32>} : memref<1000x128xf32, #tpu.memory_space<vmem>>, vector<1000x128xf32>,
    %get3A_16 = arith.constant 0 : index
    %get3A_17 = arith.constant 0 : index
    %get3A_18 = vector.load %arg4[%get3A_16, %get3A_17] : memref<128x128xf32, #tpu.memory_space<vmem>>, vector<128x128xf32>
    %dot_general3A_19 = arith.constant dense<0.000000e+00> : vector<1000x128xf32>
    %dot_general3A_20 = tpu.matmul %dot_general3A_5, %get3A_18, %dot_general3A_19 {dimension_numbers = #tpu.dot_dimension_numbers<[1], [0], [0], [1], [0, 0, 1, 1], [], []>, transpose_lhs_hint = false} : vector<1000x128xf32>, vector<128x128xf32>, vector<1000x128xf32> -> vector<1000x128xf32>
    %swap3A_21 = arith.constant 0 : index
    %swap3A_22 = arith.constant 0 : index
    %swap3A_23 = vector.load %arg7[%swap3A_21, %swap3A_22] : memref<1000x128xf32, #tpu.memory_space<vmem>>, vector<1000x128xf32>
    tpu.vector_store %arg7[%swap3A_21, %swap3A_22], %dot_general3A_20 {strides = array<i32>} : memref<1000x128xf32, #tpu.memory_space<vmem>>, vector<1000x128xf32>,
    return
  }
  func.func @transform_0(%arg0: i32) -> (i32, i32) {
    %c0_i32 = arith.constant 0 : i32
    %c0_i32_0 = arith.constant 0 : i32
    return %arg0, %c0_i32 : i32, i32
  }
  func.func @transform_1(%arg0: i32) -> (i32, i32) {
    %c0_i32 = arith.constant 0 : i32
    %c0_i32_0 = arith.constant 0 : i32
    %c0_i32_1 = arith.constant 0 : i32
    return %c0_i32, %c0_i32_0 : i32, i32
  }
  func.func @transform_2(%arg0: i32) -> (i32, i32) {
    %c0_i32 = arith.constant 0 : i32
    %c0_i32_0 = arith.constant 0 : i32
    %c0_i32_1 = arith.constant 0 : i32
    return %c0_i32, %c0_i32_0 : i32, i32
  }
  func.func @transform_3(%arg0: i32) -> (i32, i32) {
    %c0_i32 = arith.constant 0 : i32
    %c0_i32_0 = arith.constant 0 : i32
    %c0_i32_1 = arith.constant 0 : i32
    return %c0_i32, %c0_i32_0 : i32, i32
  }
  func.func @transform_4(%arg0: i32) -> (i32, i32) {
    %c0_i32 = arith.constant 0 : i32
    %c0_i32_0 = arith.constant 0 : i32
    return %arg0, %c0_i32 : i32, i32
  }
  func.func @transform_5(%arg0: i32) -> (i32, i32) {
    %c0_i32 = arith.constant 0 : i32
    %c0_i32_0 = arith.constant 0 : i32
    return %arg0, %c0_i32 : i32, i32
  }
  func.func @transform_6(%arg0: i32) -> (i32, i32) {
    %c0_i32 = arith.constant 0 : i32
    %c0_i32_0 = arith.constant 0 : i32
    return %arg0, %c0_i32 : i32, i32
  }
}

module attributes {stable_mosaic.version = 14 : i64} {
  func.func @_k1_body(%arg0: i32, %arg1: memref<2x1000x128xf32, #tpu.memory_space<vmem>>, %arg2: memref<2x1000x16xf32, #tpu.memory_space<vmem>>, %arg3: memref<1000x128xf32, #tpu.memory_space<vmem>>, %arg4: memref<1000x128xf32, #tpu.memory_space<vmem>>, %arg5: memref<1000x128xf32, #tpu.memory_space<vmem>>, %arg6: memref<1x128xf32, #tpu.memory_space<vmem>>, %arg7: memref<128x1024xf32, #tpu.memory_space<vmem>>, %arg8: memref<128x128xf32, #tpu.memory_space<vmem>>, %arg9: memref<128x128xf32, #tpu.memory_space<vmem>>, %arg10: memref<8x128xf32, #tpu.memory_space<vmem>>, %arg11: memref<1000x1024xf32, #tpu.memory_space<vmem>>, %arg12: memref<1000x128xf32, #tpu.memory_space<vmem>>, %arg13: memref<1000x128xf32, #tpu.memory_space<vmem>>) attributes {dimension_semantics = [#tpu.dimension_semantics<arbitrary>], iteration_bounds = array<i64: 10>, scalar_prefetch = 0 : i64, scratch_operands = 0 : i64, tpu.core_type = #tpu.core_type<tc>, window_params = [{transform_indices = @transform_0, window_bounds = array<i64: 2, 1000, 128>}, {transform_indices = @transform_1, window_bounds = array<i64: 2, 1000, 16>}, {transform_indices = @transform_2, window_bounds = array<i64: 1000, 128>}, {transform_indices = @transform_3, window_bounds = array<i64: 1000, 128>}, {transform_indices = @transform_4, window_bounds = array<i64: 1000, 128>}, {pipeline_mode = #tpu.pipeline_mode<synchronous>, transform_indices = @transform_5, window_bounds = array<i64: 1, 128>}, {pipeline_mode = #tpu.pipeline_mode<synchronous>, transform_indices = @transform_6, window_bounds = array<i64: 128, 1024>}, {pipeline_mode = #tpu.pipeline_mode<synchronous>, transform_indices = @transform_7, window_bounds = array<i64: 128, 128>}, {pipeline_mode = #tpu.pipeline_mode<synchronous>, transform_indices = @transform_8, window_bounds = array<i64: 128, 128>}, {pipeline_mode = #tpu.pipeline_mode<synchronous>, transform_indices = @transform_9, window_bounds = array<i64: 8, 128>}, {transform_indices = @transform_10, window_bounds = array<i64: 1000, 1024>}, {transform_indices = @transform_11, window_bounds = array<i64: 1000, 128>}, {transform_indices = @transform_12, window_bounds = array<i64: 1000, 128>}]} {
    %get3A = arith.constant 0 : index
    %get3A_0 = arith.constant 0 : index
    %get3A_1 = vector.load %arg4[%get3A, %get3A_0] : memref<1000x128xf32, #tpu.memory_space<vmem>>, vector<1000x128xf32>
    %get3A_2 = arith.constant 0 : index
    %get3A_3 = arith.constant 0 : index
    %get3A_4 = vector.load %arg5[%get3A_2, %get3A_3] : memref<1000x128xf32, #tpu.memory_space<vmem>>, vector<1000x128xf32>
    %add3A = arith.addf %get3A_1, %get3A_4 : vector<1000x128xf32>
    %slice3A = vector.extract_strided_slice %add3A {offsets = [0, 0], sizes = [1000, 8], strides = [1, 1]} : vector<1000x128xf32> to vector<1000x8xf32>
    %mul3A = arith.constant 2.000000e-01 : f32
    %mul3A_5 = vector.broadcast %mul3A : f32 to vector<1000x8xf32>
    %mul3A_6 = arith.mulf %mul3A_5, %slice3A : vector<1000x8xf32>
    %max3A = arith.maximumf %slice3A, %mul3A_6 : vector<1000x8xf32>
    %exp3A = math.exp %max3A : vector<1000x8xf32>
    %get3A_7 = arith.constant 0 : index
    %get3A_8 = arith.constant 0 : index
    %get3A_9 = arith.constant 0 : index
    %get3A_10 = vector.load %arg2[%get3A_7, %get3A_8, %get3A_9] : memref<2x1000x16xf32, #tpu.memory_space<vmem>>, vector<1x1000x16xf32>
    %get3A_11 = vector.shape_cast %get3A_10 : vector<1x1000x16xf32> to vector<1000x16xf32>
    %slice3A_12 = vector.extract_strided_slice %get3A_11 {offsets = [0, 0], sizes = [1000, 8], strides = [1, 1]} : vector<1000x16xf32> to vector<1000x8xf32>
    %get3A_13 = arith.constant 1 : index
    %get3A_14 = arith.constant 0 : index
    %get3A_15 = arith.constant 0 : index
    %get3A_16 = vector.load %arg2[%get3A_13, %get3A_14, %get3A_15] : memref<2x1000x16xf32, #tpu.memory_space<vmem>>, vector<1x1000x16xf32>
    %get3A_17 = vector.shape_cast %get3A_16 : vector<1x1000x16xf32> to vector<1000x16xf32>
    %slice3A_18 = vector.extract_strided_slice %get3A_17 {offsets = [0, 0], sizes = [1000, 8], strides = [1, 1]} : vector<1000x16xf32> to vector<1000x8xf32>
    %add3A_19 = arith.addf %slice3A_12, %slice3A_18 : vector<1000x8xf32>
    %add3A_20 = arith.addf %add3A_19, %exp3A : vector<1000x8xf32>
    %get3A_21 = arith.constant 0 : index
    %get3A_22 = arith.constant 0 : index
    %get3A_23 = vector.load %arg10[%get3A_21, %get3A_22] : memref<8x128xf32, #tpu.memory_space<vmem>>, vector<8x128xf32>
    %dot_general3A = arith.constant dense<0.000000e+00> : vector<1000x128xf32>
    %dot_general3A_24 = tpu.matmul %add3A_20, %get3A_23, %dot_general3A {dimension_numbers = #tpu.dot_dimension_numbers<[1], [0], [0], [1], [0, 0, 1, 1], [], []>, transpose_lhs_hint = false} : vector<1000x8xf32>, vector<8x128xf32>, vector<1000x128xf32> -> vector<1000x128xf32>
    %get3A_25 = arith.constant 0 : index
    %get3A_26 = arith.constant 0 : index
    %get3A_27 = arith.constant 0 : index
    %get3A_28 = vector.load %arg1[%get3A_25, %get3A_26, %get3A_27] : memref<2x1000x128xf32, #tpu.memory_space<vmem>>, vector<1x1000x128xf32>
    %get3A_29 = vector.shape_cast %get3A_28 : vector<1x1000x128xf32> to vector<1000x128xf32>
    %get3A_30 = arith.constant 1 : index
    %get3A_31 = arith.constant 0 : index
    %get3A_32 = arith.constant 0 : index
    %get3A_33 = vector.load %arg1[%get3A_30, %get3A_31, %get3A_32] : memref<2x1000x128xf32, #tpu.memory_space<vmem>>, vector<1x1000x128xf32>
    %get3A_34 = vector.shape_cast %get3A_33 : vector<1x1000x128xf32> to vector<1000x128xf32>
    %add3A_35 = arith.addf %get3A_29, %get3A_34 : vector<1000x128xf32>
    %get3A_36 = arith.constant 0 : index
    %get3A_37 = arith.constant 0 : index
    %get3A_38 = vector.load %arg10[%get3A_36, %get3A_37] : memref<8x128xf32, #tpu.memory_space<vmem>>, vector<8x128xf32>
    %dot_general3A_39 = arith.constant dense<0.000000e+00> : vector<1000x128xf32>
    %dot_general3A_40 = tpu.matmul %exp3A, %get3A_38, %dot_general3A_39 {dimension_numbers = #tpu.dot_dimension_numbers<[1], [0], [0], [1], [0, 0, 1, 1], [], []>, transpose_lhs_hint = false} : vector<1000x8xf32>, vector<8x128xf32>, vector<1000x128xf32> -> vector<1000x128xf32>
    %get3A_41 = arith.constant 0 : index
    %get3A_42 = arith.constant 0 : index
    %get3A_43 = vector.load %arg3[%get3A_41, %get3A_42] : memref<1000x128xf32, #tpu.memory_space<vmem>>, vector<1000x128xf32>
    %mul3A_44 = arith.mulf %dot_general3A_40, %get3A_43 : vector<1000x128xf32>
    %add3A_45 = arith.addf %add3A_35, %mul3A_44 : vector<1000x128xf32>
    %div3A = arith.divf %add3A_45, %dot_general3A_24 : vector<1000x128xf32>
    %get3A_46 = arith.constant 0 : index
    %get3A_47 = arith.constant 0 : index
    %get3A_48 = vector.load %arg6[%get3A_46, %get3A_47] : memref<1x128xf32, #tpu.memory_space<vmem>>, vector<1x128xf32>
    %add3A_49 = vector.broadcast %get3A_48 : vector<1x128xf32> to vector<1000x128xf32>
    %add3A_50 = arith.addf %div3A, %add3A_49 : vector<1000x128xf32>
    %gt3A = arith.constant 0.000000e+00 : f32
    %gt3A_51 = vector.broadcast %gt3A : f32 to vector<1000x128xf32>
    %gt3A_52 = arith.cmpf ogt, %add3A_50, %gt3A_51 : vector<1000x128xf32>
    %exp3A_53 = math.exp %add3A_50 : vector<1000x128xf32>
    %sub3A = arith.constant 1.000000e+00 : f32
    %sub3A_54 = vector.broadcast %sub3A : f32 to vector<1000x128xf32>
    %sub3A_55 = arith.subf %exp3A_53, %sub3A_54 : vector<1000x128xf32>
    %select_n3A = arith.select %gt3A_52, %add3A_50, %sub3A_55 : vector<1000x128xi1>, vector<1000x128xf32>
    %get3A_56 = arith.constant 0 : index
    %get3A_57 = arith.constant 0 : index
    %get3A_58 = vector.load %arg7[%get3A_56, %get3A_57] : memref<128x1024xf32, #tpu.memory_space<vmem>>, vector<128x1024xf32>
    %dot_general3A_59 = arith.constant dense<0.000000e+00> : vector<1000x1024xf32>
    %dot_general3A_60 = tpu.matmul %select_n3A, %get3A_58, %dot_general3A_59 {dimension_numbers = #tpu.dot_dimension_numbers<[1], [0], [0], [1], [0, 0, 1, 1], [], []>, transpose_lhs_hint = false} : vector<1000x128xf32>, vector<128x1024xf32>, vector<1000x1024xf32> -> vector<1000x1024xf32>
    %swap3A = arith.constant 0 : index
    %swap3A_61 = arith.constant 0 : index
    %swap3A_62 = vector.load %arg11[%swap3A, %swap3A_61] : memref<1000x1024xf32, #tpu.memory_space<vmem>>, vector<1000x1024xf32>
    tpu.vector_store %arg11[%swap3A, %swap3A_61], %dot_general3A_60 {strides = array<i32>} : memref<1000x1024xf32, #tpu.memory_space<vmem>>, vector<1000x1024xf32>,
    %get3A_63 = arith.constant 0 : index
    %get3A_64 = arith.constant 0 : index
    %get3A_65 = vector.load %arg8[%get3A_63, %get3A_64] : memref<128x128xf32, #tpu.memory_space<vmem>>, vector<128x128xf32>
    %dot_general3A_66 = arith.constant dense<0.000000e+00> : vector<1000x128xf32>
    %dot_general3A_67 = tpu.matmul %select_n3A, %get3A_65, %dot_general3A_66 {dimension_numbers = #tpu.dot_dimension_numbers<[1], [0], [0], [1], [0, 0, 1, 1], [], []>, transpose_lhs_hint = false} : vector<1000x128xf32>, vector<128x128xf32>, vector<1000x128xf32> -> vector<1000x128xf32>
    %swap3A_68 = arith.constant 0 : index
    %swap3A_69 = arith.constant 0 : index
    %swap3A_70 = vector.load %arg12[%swap3A_68, %swap3A_69] : memref<1000x128xf32, #tpu.memory_space<vmem>>, vector<1000x128xf32>
    tpu.vector_store %arg12[%swap3A_68, %swap3A_69], %dot_general3A_67 {strides = array<i32>} : memref<1000x128xf32, #tpu.memory_space<vmem>>, vector<1000x128xf32>,
    %get3A_71 = arith.constant 0 : index
    %get3A_72 = arith.constant 0 : index
    %get3A_73 = vector.load %arg9[%get3A_71, %get3A_72] : memref<128x128xf32, #tpu.memory_space<vmem>>, vector<128x128xf32>
    %dot_general3A_74 = arith.constant dense<0.000000e+00> : vector<1000x128xf32>
    %dot_general3A_75 = tpu.matmul %select_n3A, %get3A_73, %dot_general3A_74 {dimension_numbers = #tpu.dot_dimension_numbers<[1], [0], [0], [1], [0, 0, 1, 1], [], []>, transpose_lhs_hint = false} : vector<1000x128xf32>, vector<128x128xf32>, vector<1000x128xf32> -> vector<1000x128xf32>
    %swap3A_76 = arith.constant 0 : index
    %swap3A_77 = arith.constant 0 : index
    %swap3A_78 = vector.load %arg13[%swap3A_76, %swap3A_77] : memref<1000x128xf32, #tpu.memory_space<vmem>>, vector<1000x128xf32>
    tpu.vector_store %arg13[%swap3A_76, %swap3A_77], %dot_general3A_75 {strides = array<i32>} : memref<1000x128xf32, #tpu.memory_space<vmem>>, vector<1000x128xf32>,
    return
  }
  func.func @transform_0(%arg0: i32) -> (i32, i32, i32) {
    %c0_i32 = arith.constant 0 : i32
    %c0_i32_0 = arith.constant 0 : i32
    %c0_i32_1 = arith.constant 0 : i32
    return %c0_i32, %arg0, %c0_i32_0 : i32, i32, i32
  }
  func.func @transform_1(%arg0: i32) -> (i32, i32, i32) {
    %c0_i32 = arith.constant 0 : i32
    %c0_i32_0 = arith.constant 0 : i32
    %c0_i32_1 = arith.constant 0 : i32
    return %c0_i32, %arg0, %c0_i32_0 : i32, i32, i32
  }
  func.func @transform_2(%arg0: i32) -> (i32, i32) {
    %c0_i32 = arith.constant 0 : i32
    %c0_i32_0 = arith.constant 0 : i32
    return %arg0, %c0_i32 : i32, i32
  }
  func.func @transform_3(%arg0: i32) -> (i32, i32) {
    %c0_i32 = arith.constant 0 : i32
    %c0_i32_0 = arith.constant 0 : i32
    return %arg0, %c0_i32 : i32, i32
  }
  func.func @transform_4(%arg0: i32) -> (i32, i32) {
    %c0_i32 = arith.constant 0 : i32
    %c0_i32_0 = arith.constant 0 : i32
    return %arg0, %c0_i32 : i32, i32
  }
  func.func @transform_5(%arg0: i32) -> (i32, i32) {
    %c0_i32 = arith.constant 0 : i32
    %c0_i32_0 = arith.constant 0 : i32
    %c0_i32_1 = arith.constant 0 : i32
    return %c0_i32, %c0_i32_0 : i32, i32
  }
  func.func @transform_6(%arg0: i32) -> (i32, i32) {
    %c0_i32 = arith.constant 0 : i32
    %c0_i32_0 = arith.constant 0 : i32
    %c0_i32_1 = arith.constant 0 : i32
    return %c0_i32, %c0_i32_0 : i32, i32
  }
  func.func @transform_7(%arg0: i32) -> (i32, i32) {
    %c0_i32 = arith.constant 0 : i32
    %c0_i32_0 = arith.constant 0 : i32
    %c0_i32_1 = arith.constant 0 : i32
    return %c0_i32, %c0_i32_0 : i32, i32
  }
  func.func @transform_8(%arg0: i32) -> (i32, i32) {
    %c0_i32 = arith.constant 0 : i32
    %c0_i32_0 = arith.constant 0 : i32
    %c0_i32_1 = arith.constant 0 : i32
    return %c0_i32, %c0_i32_0 : i32, i32
  }
  func.func @transform_9(%arg0: i32) -> (i32, i32) {
    %c0_i32 = arith.constant 0 : i32
    %c0_i32_0 = arith.constant 0 : i32
    %c0_i32_1 = arith.constant 0 : i32
    return %c0_i32, %c0_i32_0 : i32, i32
  }
  func.func @transform_10(%arg0: i32) -> (i32, i32) {
    %c0_i32 = arith.constant 0 : i32
    %c0_i32_0 = arith.constant 0 : i32
    return %arg0, %c0_i32 : i32, i32
  }
  func.func @transform_11(%arg0: i32) -> (i32, i32) {
    %c0_i32 = arith.constant 0 : i32
    %c0_i32_0 = arith.constant 0 : i32
    return %arg0, %c0_i32 : i32, i32
  }
  func.func @transform_12(%arg0: i32) -> (i32, i32) {
    %c0_i32 = arith.constant 0 : i32
    %c0_i32_0 = arith.constant 0 : i32
    return %arg0, %c0_i32 : i32, i32
  }
}

module attributes {stable_mosaic.version = 14 : i64} {
  func.func @_k2_body(%arg0: memref<10000x128xf32, #tpu.memory_space<vmem>>, %arg1: memref<10000x128xf32, #tpu.memory_space<vmem>>, %arg2: memref<2x10000x16xf32, #tpu.memory_space<vmem>>, %arg3: memref<10000x128xf32, #tpu.memory_space<vmem>>) attributes {dimension_semantics = [], scalar_prefetch = 0 : i64, scratch_operands = 0 : i64, tpu.core_type = #tpu.core_type<tc>} {
    %get3A = arith.constant 0 : index
    %get3A_0 = arith.constant 0 : index
    %get3A_1 = vector.load %arg0[%get3A, %get3A_0] : memref<10000x128xf32, #tpu.memory_space<vmem>>, vector<10000x128xf32>
    %get3A_2 = arith.constant 0 : index
    %get3A_3 = arith.constant 0 : index
    %get3A_4 = vector.load %arg1[%get3A_2, %get3A_3] : memref<10000x128xf32, #tpu.memory_space<vmem>>, vector<10000x128xf32>
    %add3A = arith.addf %get3A_1, %get3A_4 : vector<10000x128xf32>
    %mul3A = arith.constant 2.000000e-01 : f32
    %mul3A_5 = vector.broadcast %mul3A : f32 to vector<10000x128xf32>
    %mul3A_6 = arith.mulf %mul3A_5, %add3A : vector<10000x128xf32>
    %max3A = arith.maximumf %add3A, %mul3A_6 : vector<10000x128xf32>
    %exp3A = math.exp %max3A : vector<10000x128xf32>
    %get3A_7 = arith.constant 0 : index
    %get3A_8 = arith.constant 0 : index
    %get3A_9 = arith.constant 0 : index
    %get3A_10 = vector.load %arg2[%get3A_7, %get3A_8, %get3A_9] : memref<2x10000x16xf32, #tpu.memory_space<vmem>>, vector<1x10000x16xf32>
    %get3A_11 = vector.shape_cast %get3A_10 : vector<1x10000x16xf32> to vector<10000x16xf32>
    %get3A_12 = arith.constant 1 : index
    %get3A_13 = arith.constant 0 : index
    %get3A_14 = arith.constant 0 : index
    %get3A_15 = vector.load %arg2[%get3A_12, %get3A_13, %get3A_14] : memref<2x10000x16xf32, #tpu.memory_space<vmem>>, vector<1x10000x16xf32>
    %get3A_16 = vector.shape_cast %get3A_15 : vector<1x10000x16xf32> to vector<10000x16xf32>
    %add3A_17 = arith.addf %get3A_11, %get3A_16 : vector<10000x16xf32>
    %broadcast_in_dim3A = arith.constant 0.000000e+00 : f32
    %broadcast_in_dim3A_18 = vector.broadcast %broadcast_in_dim3A : f32 to vector<10000x112xf32>
    %concatenate3A = tpu.concatenate %add3A_17, %broadcast_in_dim3A_18 in 1 : vector<10000x16xf32>, vector<10000x112xf32> -> vector<10000x128xf32>
    %add3A_19 = arith.addf %exp3A, %concatenate3A : vector<10000x128xf32>
    %swap3A = arith.constant 0 : index
    %swap3A_20 = arith.constant 0 : index
    %swap3A_21 = vector.load %arg3[%swap3A, %swap3A_20] : memref<10000x128xf32, #tpu.memory_space<vmem>>, vector<10000x128xf32>
    tpu.vector_store %arg3[%swap3A, %swap3A_20], %add3A_19 {strides = array<i32>} : memref<10000x128xf32, #tpu.memory_space<vmem>>, vector<10000x128xf32>,
    return
  }
}

module attributes {stable_mosaic.version = 14 : i64} {
  func.func @_k3_body(%arg0: i32, %arg1: memref<2x1000x128xf32, #tpu.memory_space<vmem>>, %arg2: memref<1000x1024xf32, #tpu.memory_space<vmem>>, %arg3: memref<1000x128xf32, #tpu.memory_space<vmem>>, %arg4: memref<1000x128xf32, #tpu.memory_space<vmem>>, %arg5: memref<1000x128xf32, #tpu.memory_space<vmem>>, %arg6: memref<1x128xf32, #tpu.memory_space<vmem>>, %arg7: memref<1x1x1000xi32, #tpu.memory_space<vmem>>, %arg8: memref<8x1024xf32, #tpu.memory_space<vmem>>, %arg9: memref<1024x128xf32, #tpu.memory_space<vmem>>, %arg10: memref<128x128xf32, #tpu.memory_space<vmem>>, %arg11: memref<128x128xf32, #tpu.memory_space<vmem>>) attributes {dimension_semantics = [#tpu.dimension_semantics<arbitrary>], iteration_bounds = array<i64: 10>, scalar_prefetch = 0 : i64, scratch_operands = 1 : i64, tpu.core_type = #tpu.core_type<tc>, window_params = [{transform_indices = @transform_0, window_bounds = array<i64: 2, 1000, 128>}, {transform_indices = @transform_1, window_bounds = array<i64: 1000, 1024>}, {transform_indices = @transform_2, window_bounds = array<i64: 1000, 128>}, {transform_indices = @transform_3, window_bounds = array<i64: 1000, 128>}, {transform_indices = @transform_4, window_bounds = array<i64: 1000, 128>}, {pipeline_mode = #tpu.pipeline_mode<synchronous>, transform_indices = @transform_5, window_bounds = array<i64: 1, 128>}, {transform_indices = @transform_6, window_bounds = array<i64: 1, 1, 1000>}, {pipeline_mode = #tpu.pipeline_mode<synchronous>, transform_indices = @transform_7, window_bounds = array<i64: 8, 1024>}, {pipeline_mode = #tpu.pipeline_mode<synchronous>, transform_indices = @transform_8, window_bounds = array<i64: 1024, 128>}, {pipeline_mode = #tpu.pipeline_mode<synchronous>, transform_indices = @transform_9, window_bounds = array<i64: 128, 128>}]} {
    %get3A = arith.constant 0 : index
    %get3A_0 = arith.constant 0 : index
    %get3A_1 = vector.load %arg3[%get3A, %get3A_0] : memref<1000x128xf32, #tpu.memory_space<vmem>>, vector<1000x128xf32>
    %get3A_2 = arith.constant 0 : index
    %get3A_3 = arith.constant 0 : index
    %get3A_4 = vector.load %arg4[%get3A_2, %get3A_3] : memref<1000x128xf32, #tpu.memory_space<vmem>>, vector<1000x128xf32>
    %add3A = arith.addf %get3A_1, %get3A_4 : vector<1000x128xf32>
    %slice3A = vector.extract_strided_slice %add3A {offsets = [0, 0], sizes = [1000, 8], strides = [1, 1]} : vector<1000x128xf32> to vector<1000x8xf32>
    %mul3A = arith.constant 2.000000e-01 : f32
    %mul3A_5 = vector.broadcast %mul3A : f32 to vector<1000x8xf32>
    %mul3A_6 = arith.mulf %mul3A_5, %slice3A : vector<1000x8xf32>
    %max3A = arith.maximumf %slice3A, %mul3A_6 : vector<1000x8xf32>
    %exp3A = math.exp %max3A : vector<1000x8xf32>
    %get3A_7 = arith.constant 0 : index
    %get3A_8 = arith.constant 0 : index
    %get3A_9 = vector.load %arg5[%get3A_7, %get3A_8] : memref<1000x128xf32, #tpu.memory_space<vmem>>, vector<1000x128xf32>
    %slice3A_10 = vector.extract_strided_slice %get3A_9 {offsets = [0, 0], sizes = [1000, 8], strides = [1, 1]} : vector<1000x128xf32> to vector<1000x8xf32>
    %mul3A_11 = arith.constant 8.000000e+00 : f32
    %mul3A_12 = vector.broadcast %mul3A_11 : f32 to vector<1000x8xf32>
    %mul3A_13 = arith.mulf %mul3A_12, %slice3A_10 : vector<1000x8xf32>
    %div3A = arith.divf %exp3A, %mul3A_13 : vector<1000x8xf32>
    %get3A_14 = arith.constant 0 : index
    %get3A_15 = arith.constant 0 : index
    %get3A_16 = vector.load %arg2[%get3A_14, %get3A_15] : memref<1000x1024xf32, #tpu.memory_space<vmem>>, vector<1000x1024xf32>
    %get3A_17 = arith.constant 0 : index
    %get3A_18 = arith.constant 0 : index
    %get3A_19 = vector.load %arg8[%get3A_17, %get3A_18] : memref<8x1024xf32, #tpu.memory_space<vmem>>, vector<8x1024xf32>
    %dot_general3A = arith.constant dense<0.000000e+00> : vector<1000x1024xf32>
    %dot_general3A_20 = tpu.matmul %div3A, %get3A_19, %dot_general3A {dimension_numbers = #tpu.dot_dimension_numbers<[1], [0], [0], [1], [0, 0, 1, 1], [], []>, transpose_lhs_hint = false} : vector<1000x8xf32>, vector<8x1024xf32>, vector<1000x1024xf32> -> vector<1000x1024xf32>
    %mul3A_21 = arith.mulf %get3A_16, %dot_general3A_20 : vector<1000x1024xf32>
    %get3A_22 = arith.constant 0 : index
    %get3A_23 = arith.constant 0 : index
    %get3A_24 = vector.load %arg9[%get3A_22, %get3A_23] : memref<1024x128xf32, #tpu.memory_space<vmem>>, vector<1024x128xf32>
    %dot_general3A_25 = arith.constant dense<0.000000e+00> : vector<1000x128xf32>
    %dot_general3A_26 = tpu.matmul %mul3A_21, %get3A_24, %dot_general3A_25 {dimension_numbers = #tpu.dot_dimension_numbers<[1], [0], [0], [1], [0, 0, 1, 1], [], []>, transpose_lhs_hint = false} : vector<1000x1024xf32>, vector<1024x128xf32>, vector<1000x128xf32> -> vector<1000x128xf32>
    %get3A_27 = arith.constant 0 : index
    %get3A_28 = arith.constant 0 : index
    %get3A_29 = arith.constant 0 : index
    %get3A_30 = vector.load %arg1[%get3A_27, %get3A_28, %get3A_29] : memref<2x1000x128xf32, #tpu.memory_space<vmem>>, vector<1x1000x128xf32>
    %get3A_31 = vector.shape_cast %get3A_30 : vector<1x1000x128xf32> to vector<1000x128xf32>
    %get3A_32 = arith.constant 1 : index
    %get3A_33 = arith.constant 0 : index
    %get3A_34 = arith.constant 0 : index
    %get3A_35 = vector.load %arg1[%get3A_32, %get3A_33, %get3A_34] : memref<2x1000x128xf32, #tpu.memory_space<vmem>>, vector<1x1000x128xf32>
    %get3A_36 = vector.shape_cast %get3A_35 : vector<1x1000x128xf32> to vector<1000x128xf32>
    %add3A_37 = arith.addf %get3A_31, %get3A_36 : vector<1000x128xf32>
    %add3A_38 = arith.addf %add3A_37, %dot_general3A_26 : vector<1000x128xf32>
    %get3A_39 = arith.constant 0 : index
    %get3A_40 = arith.constant 0 : index
    %get3A_41 = vector.load %arg6[%get3A_39, %get3A_40] : memref<1x128xf32, #tpu.memory_space<vmem>>, vector<1x128xf32>
    %add3A_42 = vector.broadcast %get3A_41 : vector<1x128xf32> to vector<1000x128xf32>
    %add3A_43 = arith.addf %add3A_38, %add3A_42 : vector<1000x128xf32>
    %gt3A = arith.constant 0.000000e+00 : f32
    %gt3A_44 = vector.broadcast %gt3A : f32 to vector<1000x128xf32>
    %gt3A_45 = arith.cmpf ogt, %add3A_43, %gt3A_44 : vector<1000x128xf32>
    %exp3A_46 = math.exp %add3A_43 : vector<1000x128xf32>
    %sub3A = arith.constant 1.000000e+00 : f32
    %sub3A_47 = vector.broadcast %sub3A : f32 to vector<1000x128xf32>
    %sub3A_48 = arith.subf %exp3A_46, %sub3A_47 : vector<1000x128xf32>
    %select_n3A = arith.select %gt3A_45, %add3A_43, %sub3A_48 : vector<1000x128xi1>, vector<1000x128xf32>
    %get3A_49 = arith.constant 0 : index
    %get3A_50 = arith.constant 0 : index
    %get3A_51 = arith.constant 0 : index
    %get3A_52 = vector.load %arg7[%get3A_49, %get3A_50, %get3A_51] : memref<1x1x1000xi32, #tpu.memory_space<vmem>>, vector<1x1x1000xi32>
    %get3A_53 = vector.shape_cast %get3A_52 : vector<1x1x1000xi32> to vector<1x1000xi32>
    %iota3A = tpu.iota {dimensions = array<i32: 0>} : vector<128x1000xi32>
    %eq3A = vector.broadcast %get3A_53 : vector<1x1000xi32> to vector<128x1000xi32>
    %eq3A_54 = arith.cmpi eq, %eq3A, %iota3A : vector<128x1000xi32>
    %convert_element_type3A = arith.extui %eq3A_54 : vector<128x1000xi1> to vector<128x1000xi32>
    %convert_element_type3A_55 = arith.sitofp %convert_element_type3A : vector<128x1000xi32> to vector<128x1000xf32>
    %dot_general3A_56 = arith.constant dense<0.000000e+00> : vector<128x128xf32>
    %dot_general3A_57 = tpu.matmul %convert_element_type3A_55, %select_n3A, %dot_general3A_56 {dimension_numbers = #tpu.dot_dimension_numbers<[1], [0], [0], [1], [0, 0, 1, 1], [], []>, transpose_lhs_hint = false} : vector<128x1000xf32>, vector<1000x128xf32>, vector<128x128xf32> -> vector<128x128xf32>
    %reduce_sum3A = arith.constant dense<0.000000e+00> : vector<128xf32>
    %reduce_sum3A_58 = vector.multi_reduction <add>, %convert_element_type3A_55, %reduce_sum3A [1] : vector<128x1000xf32> to vector<128xf32>
    %broadcast_in_dim3A = vector.shape_cast %reduce_sum3A_58 : vector<128xf32> to vector<128x1xf32>
    %eq3A_59 = arith.constant 0 : i32
    %eq3A_60 = arith.cmpi eq, %arg0, %eq3A_59 : i32
    %convert_element_type3A_61 = arith.extui %eq3A_60 : i1 to i32
    %cond3A = arith.constant 0 : i32
    %cond3A_62 = arith.cmpi ne, %convert_element_type3A_61, %cond3A : i32
    scf.if %cond3A_62 {
      %broadcast_in_dim3A_83 = arith.constant 0.000000e+00 : f32
      %broadcast_in_dim3A_84 = vector.broadcast %broadcast_in_dim3A_83 : f32 to vector<128x128xf32>
      %swap3A_85 = arith.constant 0 : index
      %swap3A_86 = arith.constant 0 : index
      %swap3A_87 = vector.load %arg10[%swap3A_85, %swap3A_86] : memref<128x128xf32, #tpu.memory_space<vmem>>, vector<128x128xf32>
      tpu.vector_store %arg10[%swap3A_85, %swap3A_86], %broadcast_in_dim3A_84 {strides = array<i32>} : memref<128x128xf32, #tpu.memory_space<vmem>>, vector<128x128xf32>,
      %broadcast_in_dim3A_88 = arith.constant 0.000000e+00 : f32
      %broadcast_in_dim3A_89 = vector.broadcast %broadcast_in_dim3A_88 : f32 to vector<128x128xf32>
      %swap3A_90 = arith.constant 0 : index
      %swap3A_91 = arith.constant 0 : index
      %swap3A_92 = vector.load %arg11[%swap3A_90, %swap3A_91] : memref<128x128xf32, #tpu.memory_space<vmem>>, vector<128x128xf32>
      tpu.vector_store %arg11[%swap3A_90, %swap3A_91], %broadcast_in_dim3A_89 {strides = array<i32>} : memref<128x128xf32, #tpu.memory_space<vmem>>, vector<128x128xf32>,
    } else {
    }
    %get3A_63 = arith.constant 0 : index
    %get3A_64 = arith.constant 0 : index
    %get3A_65 = vector.load %arg10[%get3A_63, %get3A_64] : memref<128x128xf32, #tpu.memory_space<vmem>>, vector<128x128xf32>
    %add3A_66 = arith.addf %get3A_65, %dot_general3A_57 : vector<128x128xf32>
    %swap3A = arith.constant 0 : index
    %swap3A_67 = arith.constant 0 : index
    %swap3A_68 = vector.load %arg10[%swap3A, %swap3A_67] : memref<128x128xf32, #tpu.memory_space<vmem>>, vector<128x128xf32>
    tpu.vector_store %arg10[%swap3A, %swap3A_67], %add3A_66 {strides = array<i32>} : memref<128x128xf32, #tpu.memory_space<vmem>>, vector<128x128xf32>,
    %get3A_69 = arith.constant 0 : index
    %get3A_70 = arith.constant 0 : index
    %get3A_71 = vector.load %arg11[%get3A_69, %get3A_70] : memref<128x128xf32, #tpu.memory_space<vmem>>, vector<128x128xf32>
    %broadcast_in_dim3A_72 = vector.shape_cast %broadcast_in_dim3A : vector<128x1xf32> to vector<128x1xf32>
    %broadcast_in_dim3A_73 = vector.broadcast %broadcast_in_dim3A_72 : vector<128x1xf32> to vector<128x128xf32>
    %add3A_74 = arith.addf %get3A_71, %broadcast_in_dim3A_73 : vector<128x128xf32>
    %swap3A_75 = arith.constant 0 : index
    %swap3A_76 = arith.constant 0 : index
    %swap3A_77 = vector.load %arg11[%swap3A_75, %swap3A_76] : memref<128x128xf32, #tpu.memory_space<vmem>>, vector<128x128xf32>
    tpu.vector_store %arg11[%swap3A_75, %swap3A_76], %add3A_74 {strides = array<i32>} : memref<128x128xf32, #tpu.memory_space<vmem>>, vector<128x128xf32>,
    %eq3A_78 = arith.constant 9 : i32
    %eq3A_79 = arith.cmpi eq, %arg0, %eq3A_78 : i32
    %convert_element_type3A_80 = arith.extui %eq3A_79 : i1 to i32
    %cond3A_81 = arith.constant 0 : i32
    %cond3A_82 = arith.cmpi ne, %convert_element_type3A_80, %cond3A_81 : i32
    scf.if %cond3A_82 {
      %get3A_83 = arith.constant 0 : index
      %get3A_84 = arith.constant 0 : index
      %get3A_85 = vector.load %arg10[%get3A_83, %get3A_84] : memref<128x128xf32, #tpu.memory_space<vmem>>, vector<128x128xf32>
      %get3A_86 = arith.constant 0 : index
      %get3A_87 = arith.constant 0 : index
      %get3A_88 = vector.load %arg11[%get3A_86, %get3A_87] : memref<128x128xf32, #tpu.memory_space<vmem>>, vector<128x128xf32>
      %max3A_89 = arith.constant 1.000000e+00 : f32
      %max3A_90 = vector.broadcast %max3A_89 : f32 to vector<128x128xf32>
      %max3A_91 = arith.maximumf %get3A_88, %max3A_90 : vector<128x128xf32>
      %div3A_92 = arith.divf %get3A_85, %max3A_91 : vector<128x128xf32>
      %swap3A_93 = arith.constant 0 : index
      %swap3A_94 = arith.constant 0 : index
      %swap3A_95 = vector.load %arg10[%swap3A_93, %swap3A_94] : memref<128x128xf32, #tpu.memory_space<vmem>>, vector<128x128xf32>
      tpu.vector_store %arg10[%swap3A_93, %swap3A_94], %div3A_92 {strides = array<i32>} : memref<128x128xf32, #tpu.memory_space<vmem>>, vector<128x128xf32>,
    } else {
    }
    return
  }
  func.func @transform_0(%arg0: i32) -> (i32, i32, i32) {
    %c0_i32 = arith.constant 0 : i32
    %c0_i32_0 = arith.constant 0 : i32
    %c0_i32_1 = arith.constant 0 : i32
    return %c0_i32, %arg0, %c0_i32_0 : i32, i32, i32
  }
  func.func @transform_1(%arg0: i32) -> (i32, i32) {
    %c0_i32 = arith.constant 0 : i32
    %c0_i32_0 = arith.constant 0 : i32
    return %arg0, %c0_i32 : i32, i32
  }
  func.func @transform_2(%arg0: i32) -> (i32, i32) {
    %c0_i32 = arith.constant 0 : i32
    %c0_i32_0 = arith.constant 0 : i32
    return %arg0, %c0_i32 : i32, i32
  }
  func.func @transform_3(%arg0: i32) -> (i32, i32) {
    %c0_i32 = arith.constant 0 : i32
    %c0_i32_0 = arith.constant 0 : i32
    return %arg0, %c0_i32 : i32, i32
  }
  func.func @transform_4(%arg0: i32) -> (i32, i32) {
    %c0_i32 = arith.constant 0 : i32
    %c0_i32_0 = arith.constant 0 : i32
    return %arg0, %c0_i32 : i32, i32
  }
  func.func @transform_5(%arg0: i32) -> (i32, i32) {
    %c0_i32 = arith.constant 0 : i32
    %c0_i32_0 = arith.constant 0 : i32
    %c0_i32_1 = arith.constant 0 : i32
    return %c0_i32, %c0_i32_0 : i32, i32
  }
  func.func @transform_6(%arg0: i32) -> (i32, i32, i32) {
    %c0_i32 = arith.constant 0 : i32
    %c0_i32_0 = arith.constant 0 : i32
    %c0_i32_1 = arith.constant 0 : i32
    return %arg0, %c0_i32, %c0_i32_0 : i32, i32, i32
  }
  func.func @transform_7(%arg0: i32) -> (i32, i32) {
    %c0_i32 = arith.constant 0 : i32
    %c0_i32_0 = arith.constant 0 : i32
    %c0_i32_1 = arith.constant 0 : i32
    return %c0_i32, %c0_i32_0 : i32, i32
  }
  func.func @transform_8(%arg0: i32) -> (i32, i32) {
    %c0_i32 = arith.constant 0 : i32
    %c0_i32_0 = arith.constant 0 : i32
    %c0_i32_1 = arith.constant 0 : i32
    return %c0_i32, %c0_i32_0 : i32, i32
  }
  func.func @transform_9(%arg0: i32) -> (i32, i32) {
    %c0_i32 = arith.constant 0 : i32
    %c0_i32_0 = arith.constant 0 : i32
    %c0_i32_1 = arith.constant 0 : i32
    return %c0_i32, %c0_i32_0 : i32, i32
  }
}

</mosaic_0001>

<sc_bundles>
// kernel: kernel.10.cloned.1.call-start
scs
__scs_entry_jumppad:
0x0: {  	(pc) =	sbr.rel $0x88, $3  }
0x1: {  	(tag) =	ssettag $0x0;
	lr =	simm.s32 $0x1  }
0x2: {  	[smem:$0x3F96] =	sst lr;
	_ =	strace $0xD0000000  }
0x3: {  	_ = 	snop  }
0x4: {  	_ = 	snop  }
0x5: {  	_ = 	snop  }
0x6: {  	_ = 	snop  }
0x7: {  	_ = 	snop  }
__scs_overlays_trampoline_lowered:
0x8: {  	[smem:$0x3FA5] =	sst s0  }
0x9: {  	[smem:$0x3FA6] =	sst s1  }
0xa: {  	[smem:$0x3FA7] =	sst s2  }
0xb: {  	[smem:$0x3FA8] =	sst s3  }
0xc: {  	[smem:$0x3FA9] =	sst s4  }
0xd: {  	[smem:$0x3FAA] =	sst s5  }
0xe: {  	[smem:$0x3FAB] =	sst s6  }
0xf: {  	[smem:$0x3FAC] =	sst s7  }
0x10: {  	[smem:$0x3FAD] =	sst s8  }
0x11: {  	[smem:$0x3FAE] =	sst s9;
	s0 =	simm.s32 @!p0 $0x0  }
0x12: {  	s1 =	sld [smem:$0x3F94];
	s0 =	simm.s32 @p0 $0x1  }
0x13: {  	[smem:$0x3FAF] =	sst s0;
	s0 =	simm.s32 @!p1 $0x0  }
0x14: {  	s2 =	sld [smem:$0x3F93];
	s0 =	simm.s32 @p1 $0x1  }
0x15: {  	[smem:$0x3FB0] =	sst s0;
	s0 =	simm.s32 @!p2 $0x0  }
0x16: {  	s3 =	sld [smem:$0x3FDB];
	s0 =	simm.s32 @p2 $0x1  }
0x17: {  	s4 =	simm.s32 $0x1BF5;
	[smem:$0x3FB2] =	sst s0  }
0x18: {  	s0 =	sld [smem:$0x3F95];
	_ =	swait.ge [sflag:s4], $0x0  }
0x19: {  	s7 =	sld [smem:$0x3F96]  }
0x1a: {  	s8 =	sadd.s32 $0xFFFFE003, lr  }
0x1b: {  	s9 =	sadd.s32 $0xFFFFFEF7, lr;
	s5 =	simm.s32 $0xFFFFFFFF;
	p2 =	slt.u32 s8, $0xFFFFF086  }
0x1c: {  	p1 =	slt.u32 s9, $0xF7A;
	s5 =	simm.s32 @!p2 $0x0  }
0x1d: {  	s5 =	simm.s32 @p1 $0x1;
	p0 =	seq.s32 s7, s2  }
0x1e: {  	s7 =	smul.u32 @!p0 $0xF7A, s2;
	p2 =	seq.s32 @!p0 s5, $0x0  }
0x1f: {  	s9 =	smul.u32 $0xF7A, s1;
	s8 =	simm.s32 @!p0 $0x1BF5;
	p2 =	por !p2, p0  }
0x20: {  	[sflag:s8] =	ssyncset.s32 @!p0 $0xFFFFF086;
	s6 =	sadd.s32 @!p0 s3, s7;
	s7 =	simm.s32 @!p0 $0x108  }
0x21: {  	s3 =	sadd.s32 s3, s9;
	s6 =	sadd.s32 @!p0 $0x88, s6;
	s7 =	simm.s32 @p2 $0x1082  }
0x22: {  	[simem:s7], [sflag:s8] =	dma.local @!p0 [hbm:s6], $0xF7A  }
0x23: {  	s9 =	sor.u32 $0xD0000000, s2;
	s6 =	simm.s32 $0x108;
	_ =	swait.ge @!p0 [sflag:s8], $0x0  }
0x24: {  	s3 =	sadd.s32 $0x88, s3;
	s6 =	simm.s32 @!p1 $0x1082;
	[sflag:s4] =	ssyncset.s32 $0xFFFFF086  }
0x25: {  	[simem:s6], [sflag:s4] =	dma.local [hbm:s3], $0xF7A  }
0x26: {  	[smem:$0x3F96] =	sst s1;
	(tag) =	ssettag s2;
	_ =	strace s9  }
0x27: {  	s1 =	sld [smem:$0x3FA6]  }
0x28: {  	s2 =	sld [smem:$0x3FA7]  }
0x29: {  	s4 =	sld [smem:$0x3FA9]  }
0x2a: {  	p0 =	seq.s32 s5, $0x0;
	s5 =	sld [smem:$0x3FAA]  }
0x2b: {  	s6 =	sld [smem:$0x3FAB]  }
0x2c: {  	s7 =	sld [smem:$0x3FAC]  }
0x2d: {  	s3 =	simm.s32 $0x108;
	s8 =	sld [smem:$0x3FAD]  }
0x2e: {  	s3 =	simm.s32 @!p0 $0x1082;
	s9 =	sld [smem:$0x3FAE]  }
0x2f: {  	lr =	sadd.s32 s0, s3;
	s0 =	sld [smem:$0x3FA5]  }
0x30: {  	s3 =	sld [smem:$0x3FA8]  }
0x31: {  	[smem:$0x3FB1] =	sst s10  }
0x32: {  	s10 =	sld [smem:$0x3FAF];
	_ =	sdelay $0x3  }
0x33: {  	p0 =	seq.s32 s10, $0x1;
	s10 =	sld [smem:$0x3FB1];
	_ =	sdelay $0x3  }
0x34: {  	[smem:$0x3FB1] =	sst s10  }
0x35: {  	s10 =	sld [smem:$0x3FB0];
	_ =	sdelay $0x3  }
0x36: {  	p1 =	seq.s32 s10, $0x1;
	s10 =	sld [smem:$0x3FB1];
	_ =	sdelay $0x3  }
0x37: {  	[smem:$0x3FB1] =	sst s10  }
0x38: {  	s10 =	sld [smem:$0x3FB2]  }
0x39: {  	_ = 	snop;
	(pc) =	sbr.ind lr, $3  }
0x3a: {  	_ = 	snop  }
0x3b: {  	_ = 	snop  }
0x3c: {  	p2 =	seq.s32 s10, $0x1;
	s10 =	sld [smem:$0x3FB1]  }
0x3d: {  	_ =	shalt  }
0x3e: {  	_ =	shalt  }
0x3f: {  	_ =	shalt  }
0x40: {  	_ =	shalt  }
0x41: {  	_ =	shalt  }
0x42: {  	_ =	shalt  }
0x43: {  	_ =	shalt  }
0x44: {  	_ =	shalt  }
0x45: {  	_ =	shalt  }
0x46: {  	_ =	shalt  }
0x47: {  	_ =	shalt  }
0x48: {  	_ =	shalt  }
0x49: {  	_ =	shalt  }
0x4a: {  	_ =	shalt  }
0x4b: {  	_ =	shalt  }
0x4c: {  	_ =	shalt  }
0x4d: {  	_ =	shalt  }
0x4e: {  	_ =	shalt  }
0x4f: {  	_ =	shalt  }
0x50: {  	_ =	shalt  }
0x51: {  	_ =	shalt  }
0x52: {  	_ =	shalt  }
0x53: {  	_ =	shalt  }
0x54: {  	_ =	shalt  }
0x55: {  	_ =	shalt  }
0x56: {  	_ =	shalt  }
0x57: {  	_ =	shalt  }
0x58: {  	_ =	shalt  }
0x59: {  	_ =	shalt  }
0x5a: {  	_ =	shalt  }
0x5b: {  	_ =	shalt  }
0x5c: {  	_ =	shalt  }
0x5d: {  	_ =	shalt  }
0x5e: {  	_ =	shalt  }
0x5f: {  	_ =	shalt  }
0x60: {  	_ =	shalt  }
0x61: {  	_ =	shalt  }
0x62: {  	_ =	shalt  }
0x63: {  	_ =	shalt  }
0x64: {  	_ =	shalt  }
0x65: {  	_ =	shalt  }
0x66: {  	_ =	shalt  }
0x67: {  	_ =	shalt  }
0x68: {  	_ =	shalt  }
0x69: {  	_ =	shalt  }
0x6a: {  	_ =	shalt  }
0x6b: {  	_ =	shalt  }
0x6c: {  	_ =	shalt  }
0x6d: {  	_ =	shalt  }
0x6e: {  	_ =	shalt  }
0x6f: {  	_ =	shalt  }
0x70: {  	_ =	shalt  }
0x71: {  	_ =	shalt  }
0x72: {  	_ =	shalt  }
0x73: {  	_ =	shalt  }
0x74: {  	_ =	shalt  }
0x75: {  	_ =	shalt  }
0x76: {  	_ =	shalt  }
0x77: {  	_ =	shalt  }
0x78: {  	_ =	shalt  }
0x79: {  	_ =	shalt  }
0x7a: {  	_ =	shalt  }
0x7b: {  	_ =	shalt  }
0x7c: {  	_ =	shalt  }
0x7d: {  	_ =	shalt  }
0x7e: {  	_ =	shalt  }
0x7f: {  	_ =	shalt  }
0x80: {  	_ =	shalt  }
0x81: {  	_ =	shalt  }
0x82: {  	_ =	shalt  }
0x83: {  	_ =	shalt  }
0x84: {  	_ =	shalt  }
0x85: {  	_ =	shalt  }
0x86: {  	_ =	shalt  }
0x87: {  	_ =	shalt  }
.Lfunc_end0:
.L_simem_size_0:
called_computation_lowered:
.L_overlay_start_0:
0x88: {  	s2 =	sld [smem:$0x3FD9]  }
0x89: {  	s3 =	sld [smem:$0x3FFE];
	_ =	sdelay $0x1  }
0x8a: {  	s1 =	srdreg.scid  }
0x8b: {  	s0 =	sand.u32 $0x1, s1  }
0x8c: {  	s16 =	sshll.u32 s0, $0xA;
	s2 =	sadd.s32 s3, s2  }
0x8d: {  	s2 =	sadd.s32 s2, s16  }
0x8e: {  	[smem:$0x3FBD] =	sst s2  }
0x8f: {  	_ = 	snop  }
0x90: {  	(tm) =	ssettm $0x1  }
0x91: {  	s17 =	sld [smem:$0x3FFB];
	_ =	sdelay $0x3  }
0x92: {  	_ =	strace s17  }
0x93: {  	s2 =	sld [smem:$0x3FFC];
	_ =	sdelay $0x3  }
0x94: {  	_ =	strace s2  }
0x95: {  	s2 =	sld [smem:$0x3FFD];
	_ =	sdelay $0x3  }
0x96: {  	_ =	strace s2  }
0x97: {  	_ =	strace $0x8FFFFFFF  }
0x98: {  	s18 =	sld [smem:$0x3FDB];
	_ =	sdelay $0x1  }
0x99: {  	s19 =	simm.s32 $_scs_section_size  }
0x9a: {  	s4 =	simm.s32 $_size__tile_overlayer_lowered;
	s5 =	simm.s32 $_tile_overlayer_lowered  }
0x9b: {  	s22 =	simm.s32 $0x1BFF;
	s21 =	sshll.u32 s5, $0x1;
	s2 =	sadd.s32 s19, s18  }
0x9c: {  	s6 =	simm.s32 $0x0;
	s20 =	sshll.u32 s4, $0x1;
	s4 =	sadd.s32 s21, s2  }
0x9d: {  	[timem:s6], [sflag:s22] =	dma.local [hbm:s4], s20  }
0x9e: {  	_ =	swait.ge [sflag:s22], s20  }
0x9f: {  	s3 =	ssub.s32 $0x0, s20;
	[sflag:s22] =	ssyncset.done $0x0  }
0xa0: {  	[sflag:s22] =	ssyncadd.s32 s3;
	_ =	sdelay $0x1  }
0xa1: {  	s23 =	simm.s32 $0x1B8B  }
0xa2: {  	_ =	swait.ge [sflag:s23], $0x1  }
0xa3: {  	[sflag:s23] =	ssyncset.done $0x0  }
0xa4: {  	s25 =	simm.s32 $0x1B8E;
	s24 =	sld [smem:$0x3FFE];
	[sflag:s23] =	ssyncadd.s32 $0xFFFFFFFF  }
0xa5: {  	s26 =	simm.s32 $execute0_lowered;
	[smem:$0x3FD2] =	sst s25  }
0xa6: {  	s4 =	sshll.u32 s26, $0x1;
	_ =	strace $0x80000046;
	[dreg:$0x1] =	wrdreg $0xFFFFFFFF  }
0xa7: {  	s28 =	simm.s32 $_size_execute0_lowered;
	s2 =	sadd.s32 s2, s4;
	[dreg:$0x0] =	wrdreg $0x0  }
0xa8: {  	s4 =	sshll.u32 s28, $0x1;
	[dreg:$0x2] =	wrdreg s2  }
0xa9: {  	[dreg:$0x3] =	wrdreg s4  }
0xaa: {  	[dreg:$0x4] =	wrdreg $0xC0  }
0xab: {  	_ =	task [dreg:s6], $0x5FFFF  }
0xac: {  	[dreg:$0x1] =	wrdreg $0xFFFFFFFF  }
0xad: {  	[dreg:$0x0] =	wrdreg $0x60  }
0xae: {  	[dreg:$0x2] =	wrdreg s24  }
0xaf: {  	[dreg:$0x3] =	wrdreg $0x79000  }
0xb0: {  	[dreg:$0x4] =	wrdreg $0x9  }
0xb1: {  	_ =	task.clear_ibuf [dreg:s6], $0x5FFFF;
	_ =	strace $0x90000046  }
0xb2: {  	s29 =	simm.s32 $0x9;
	_ =	strace $0x80000048  }
0xb3: {  	_ =	swait.ge [sflag:s29], $0x1  }
0xb4: {  	[sflag:s29] =	ssyncadd.s32 $0xFFFFFFFF  }
0xb5: {  	_ =	strace $0x90000048  }
0xb6: {  	_ =	sfence  }
0xb7: {  	s30 =	sld [smem:$0x0];
	_ =	sdelay $0x2  }
0xb8: {  	s31 =	sshll.u32 s1, $0xD;
	s1 =	sshrl.u32 s1, $0x2  }
0xb9: {  	s3 =	sand.u32 $0x4000, s31;
	s1 =	sadd.s32 s1, s30  }
0xba: {  	s0 =	sor.u32 s3, s0;
	s1 =	sshll.u32 s1, $0x11  }
0xbb: {  	s0 =	sor.u32 s1, s0  }
0xbc: {  	s0 =	sadd.s32 $0x8F2B, s0  }
0xbd: {  	[sflag:s0] =	ssyncadd.remote.s32 $0x1  }
0xbe: {  	_ =	sfence.sel $0xFFFF  }
0xbf: {  	[dreg:$0x0] =	wrdreg $0xFFFFFFFF;
	(pc) =	sbr.abs _section_cstart, $3  }
0xc0: {  	[dreg:$0x1] =	wrdreg $0xFFFFFFFF  }
0xc1: {  	_ =	task.clear_ibuf [dreg:s6], $0x2FFFF;
	_ =	strace $0x9FFFFFFF  }
0xc2: {  	(tm) =	ssettm $0x7FFFFFFF  }
0xc3: {  	_ =	shalt  }
tec
execute0_lowered:
.L_overlay_start_1:
0x0: {  	(tag) =	ssettag $0x1  }
0x1: {  	s0 =	rddreg [dreg:$0x0]  }
0x2: {  	s1 =	rddreg [dreg:$0x1];
	s2 =	simm.s32 $0x0  }
0x3: {  	s8 =	srdreg.scid;
	s16 =	simm.s32 $0x80;
	s17 =	simm.s32 $0x50  }
0x4: {  	s18 =	simm.s32 $0x100;
	s19 =	simm.s32 $0x2900;
	s20 =	simm.s32 $0x1  }
0x5: {  	s21 =	simm.s32 $0x2;
	s22 =	simm.s32 $0x5100;
	s25 =	simm.s32 $0x0  }
0x6: {  	[smem:$0x7FF] =	sst s2;
	s3 =	sadd.s32 $0xD400, s0;
	s4 =	sadd.s32 $0x3600, s0  }
0x7: {  	s5 =	sadd.s32 $0x3E400, s0;
	s6 =	sadd.s32 $0x17200, s0;
	s7 =	sadd.s32 $0x8C800, s0  }
0x8: {  	s10 =	sand.u32 $0x1, s8;
	s8 =	stileid.u32;
	s13 =	sadd.s32 $0x595A00, s0  }
0x9: {  	s9 =	sadd.s32 $0xB3A00, s0;
	s24 =	sadd.s32 $0x138000, s1;
	s12 =	smul.u32 $0x138800, s10  }
0xa: {  	_ =	strace $0x80000047;
	s11 =	ssub.s32 $0x2, s10;
	s15 =	smul.u32 $0x13800, s8  }
0xb: {  	s10 =	sshll.u32 s10, $0x4;
	s31 =	smul.u32 $0x4E000, s8;
	p0 =	sne.s32 s8, $0x0  }
0xc: {  	p1 =	sne.s32 s8, $0xF;
	s14 =	sshrl.u32 s11, $0x1;
	s10 =	sor.u32 s8, s10  }
0xd: {  	s24 =	sshrl.u32 @!p1 s24, $0x3;
	s29 =	ssub.s32 s11, s14;
	s30 =	sadd.s32 s15, s12  }
0xe: {  	s10 =	smul.u32 $0x2710, s10;
	s12 =	sshrl.u32 s12, $0x3;
	s14 =	sshrl.u32 s31, $0x2  }
0xf: {  	s15 =	simm.s32 $0x3;
	s11 =	sshrl.u32 s30, $0x3;
	s12 =	sadd.s32 s13, s12  }
0x10: {  	s23 =	sadd.s32 s14, s1;
	s14 =	sshrl.u32 @!p0 s1, $0x3;
	s11 =	sadd.s32 s13, s11  }
0x11: {  	s12 =	sadd.s32 $0x27000, s12;
	s13 =	smax.u32 s29, $0x1;
	s23 =	sshrl.u32 s23, $0x3  }
.LBB2_1:
0x12: {  	s0 =	simm.s32 @!p0 $0x1C03  }
0x13: {  	[spmem:s14], [sflag:s0] =	dma.local @!p0 [hbm:s7], $0x27100  }
0x14: {  	s0 =	simm.s32 @!p0 $0x3  }
0x15: {  	_ =	swait.ge @!p0 [sflag:s0], $0x27100  }
0x16: {  	[sflag:s0] =	ssyncset.done @!p0 $0x0  }
0x17: {  	[sflag:s0] =	ssyncadd.s32 @!p0 $0xFFFD8F00  }
0x18: {  	s26 =	simm.s32 $0x0;
	[bflag:$0x0] =	sbarrier.arrive $0xFFFF  }
.LBB2_2:
0x19: {  	s0 =	smul.u32 $0x50, s26;
	_ =	sdelay $0x1  }
0x1a: {  	s28 =	sadd.s32 s10, s0  }
0x1b: {  	s0 =	sshrl.u32 s28, $0x3  }
0x1c: {  	s29 =	sadd.s32 s3, s0  }
0x1d: {  	[tilespmem:s2], [sflag:$0x3] =	stream.linear.gather [hbm4b:s29+s2], $0x50, $0x38;
	[tilespmem:$0xA010] =	vst v63  }
0x1e: {  	_ =	swait.ge [sflag:s15], $0x50  }
0x1f: {  	[sflag:s15] =	ssyncset.done $0x0  }
0x20: {  	s0 =	sadd.s32 s4, s0;
	[sflag:s15] =	ssyncadd.s32 $0xFFFFFFB0  }
0x21: {  	[tilespmem:s16], [sflag:$0x3] =	stream.linear.gather [hbm4b:s0+s2], $0x50, $0x38;
	[tilespmem:$0xA010] =	vst v63  }
0x22: {  	_ =	swait.ge [sflag:s15], $0x50  }
0x23: {  	[sflag:s15] =	ssyncset.done $0x0  }
0x24: {  	[sflag:s15] =	ssyncadd.s32 $0xFFFFFFB0  }
0x25: {  	[tilespmem:s18], [sflag:$0x1] =	stream.indirect.gather [hbm4b:s5+s17], $0x80, s2, s17, $0xb8;
	[tilespmem:$0xA010] =	vst v63  }
0x26: {  	_ = 	snop  }
0x27: {  	[tilespmem:s19], [sflag:$0x2] =	stream.indirect.gather [hbm4b:s6+s17], $0x80, s16, s17, $0xb8;
	[tilespmem:$0xA010] =	vst v63  }
0x28: {  	_ =	swait.ge [sflag:s20], $0x2800  }
0x29: {  	[sflag:s20] =	ssyncset.done $0x0  }
0x2a: {  	[sflag:s20] =	ssyncadd.s32 $0xFFFFD800  }
0x2b: {  	_ =	swait.ge [sflag:s21], $0x2800  }
0x2c: {  	[sflag:s21] =	ssyncset.done $0x0  }
0x2d: {  	s0 =	simm.s32 $0x200;
	[sflag:s21] =	ssyncadd.s32 $0xFFFFD800  }
0x2e: {  	s29 =	simm.s32 $0x2A00;
	v0 =	vld [tilespmem:s0+$0x80]  }
0x2f: {  	v1 =	vld [tilespmem:s29+$0x80]  }
0x30: {  	v2 =	vld [tilespmem:s29+$0xFFFFFF00]  }
0x31: {  	v5 =	vld [tilespmem:s0+$0x0]  }
0x32: {  	v6 =	vld [tilespmem:s29+$0x0]  }
0x33: {  	v3 =	vld [tilespmem:s0+$0xFFFFFF80]  }
0x34: {  	v4 =	vld [tilespmem:s29+$0xFFFFFF80];
	s29 =	simm.s32 $0x2C00;
	v0 =	vadd.f32 v1, v0  }
0x35: {  	v9 =	vld [tilespmem:s29+$0x80]  }
0x36: {  	v1 =	vld [tilespmem:s0+$0xFFFFFF00];
	v8 =	vmul.f32 $2.000000030e-01, v0  }
0x37: {  	s0 =	simm.s32 $0x400;
	v5 =	vadd.f32 v6, v5;
	v6 =	vld [tilespmem:s29+$0xFFFFFF80]  }
0x38: {  	v7 =	vld [tilespmem:s0+$0x80];
	v0 =	vmax.f32 v0, v8  }
0x39: {  	v3 =	vadd.f32 v4, v3;
	v4 =	vld [tilespmem:s0+$0xFFFFFF80];
	v0 =	vmul.f32 $1.442695020e+00, v0  }
0x3a: {  	v11 =	vld [tilespmem:s29+$0x0]  }
0x3b: {  	v8 =	vmul.f32 $2.000000030e-01, v3;
	v1 =	vadd.f32 v2, v1;
	v2 =	vld [tilespmem:s0+$0x0];
	(erf) = vpow2.f32 v0  }
0x3c: {  	v10 =	vld [tilespmem:s29+$0xFFFFFF00];
	v0 =	vmul.f32 $2.000000030e-01, v5  }
0x3d: {  	v3 =	vmax.f32 v3, v8;
	v7 =	vadd.f32 v9, v7;
	v9 =	vld [tilespmem:s0+$0xFFFFFF00];
	s0 =	simm.s32 $0x600;
	v8 =	vmul.f32 $2.000000030e-01, v1  }
0x3e: {  	s30 =	simm.s32 $0x2E00;
	v4 =	vadd.f32 v6, v4;
	v3 =	vmul.f32 $1.442695020e+00, v3;
	v12 =	vld [tilespmem:s0+$0x80];
	v0 =	vmax.f32 v5, v0  }
0x3f: {  	v5 =	vmul.f32 $2.000000030e-01, v7;
	v1 =	vmax.f32 v1, v8;
	v8 =	vld [tilespmem:s30+$0x80];
	v0 =	vmul.f32 $1.442695020e+00, v0  }
0x40: {  	(erf) = vpow2.f32 v3;
	v6 =	vmul.f32 $1.442695020e+00, v1;
	v1 =	vld [tilespmem:s30+$0xFFFFFF00];
	v11 =	vadd.f32 v11, v2  }
0x41: {  	v3 =	vmax.f32 v7, v5;
	v7 =	vmul.f32 $2.000000030e-01, v4;
	(erf) = vpow2.f32 v0;
	v0 =	vld [tilespmem:s0+$0xFFFFFF80]  }
0x42: {  	v5 =	vadd.f32 v10, v9;
	v13 =	vmul.f32 $1.442695020e+00, v3;
	v3 =	vld [tilespmem:s30+$0xFFFFFF80]  }
0x43: {  	v2 =	vld [tilespmem:s0+$0x0];
	v10 =	vmul.f32 $2.000000030e-01, v11;
	(erf) = vpow2.f32 v6;
	v6 =	vmax.f32 v4, v7  }
0x44: {  	s29 =	simm.s32 $0x5200;
	v4 =	vld [tilespmem:s30+$0x0];
	v9 =	vmul.f32 $2.000000030e-01, v5;
	(erf) = vpow2.f32 v13;
	v7 =	vadd.f32 v8, v12;
	v63 =	vpop (erf)  }
0x45: {  	s31 =	simm.s32 $0x8;
	v8 =	vmul.f32 $1.442695020e+00, v6;
	v6 =	vld [tilespmem:s0+$0xFFFFFF00];
	s0 =	simm.s32 $0x800;
	v10 =	vmax.f32 v11, v10;
	[tilespmem:s29+$0x80] =	vst v63  }
.LBB2_3:
0x46: {  	v12 =	vmul.f32 $2.000000030e-01, v7  }
0x47: {  	v11 =	vld [tilespmem:s0+$0x80];
	s30 =	sadd.s32 $0x200, s30;
	v16 =	vmax.f32 v5, v9;
	v9 =	vmul.f32 $1.442695020e+00, v10;
	v13 =	vadd.f32 v3, v0  }
0x48: {  	s31 =	sadd.s32 $0x4, s31;
	v10 =	vld [tilespmem:s30+$0x80];
	v14 =	vmul.f32 $1.442695020e+00, v16;
	(erf) = vpow2.f32 v8;
	v3 =	vmax.f32 v7, v12  }
0x49: {  	p2 =	slt.u32 s31, $0x4C;
	v15 =	vld [tilespmem:s30+$0xFFFFFF00];
	(erf) = vpow2.f32 v9;
	v5 =	vpop (erf);
	v7 =	vmul.f32 $2.000000030e-01, v13;
	v12 =	vadd.f32 v4, v2  }
.Ltmp0:
0x4a: {  	v0 =	vld [tilespmem:s0+$0xFFFFFF80];
	v4 =	vmul.f32 $1.442695020e+00, v3;
	[tilespmem:s29+$0xFFFFFF80] =	vst v5;
	v2 =	vpop (erf);
	v5 =	vadd.f32 v1, v6;
	(pc) =	sbr.rel @p2 .LBB2_3-.Ltmp0, $4  }
0x4b: {  	v3 =	vld [tilespmem:s30+$0xFFFFFF80];
	(erf) = vpow2.f32 v14;
	[tilespmem:s29+$0x0] =	vst v2;
	v14 =	vmax.f32 v13, v7;
	v13 =	vmul.f32 $2.000000030e-01, v12  }
0x4c: {  	v2 =	vld [tilespmem:s0+$0x0];
	(erf) = vpow2.f32 v4;
	v6 =	vpop (erf);
	v9 =	vmul.f32 $2.000000030e-01, v5  }
0x4d: {  	v4 =	vld [tilespmem:s30+$0x0];
	v7 =	vadd.f32 v10, v11;
	v8 =	vmul.f32 $1.442695020e+00, v14;
	v1 =	vpop (erf);
	[tilespmem:s29+$0xFFFFFF00] =	vst v6;
	s29 =	sadd.s32 $0x200, s29  }
0x4e: {  	v6 =	vld [tilespmem:s0+$0xFFFFFF00];
	s0 =	sadd.s32 $0x200, s0;
	v10 =	vmax.f32 v12, v13;
	[tilespmem:s29+$0x80] =	vst v1;
	v1 =	vmov v15  }
0x4f: {  	_ =	sdelay $0x1  }
0x50: {  	v11 =	vmul.f32 $2.000000030e-01, v7;
	v5 =	vmax.f32 v5, v9;
	v0 =	vadd.f32 v3, v0  }
0x51: {  	v48 =	vmul.f32 $1.442695020e+00, v10;
	(erf) = vpow2.f32 v8;
	v2 =	vadd.f32 v4, v2  }
0x52: {  	v5 =	vmul.f32 $1.442695020e+00, v5;
	v49 =	vmul.f32 $2.000000030e-01, v0;
	v1 =	vadd.f32 v1, v6  }
0x53: {  	v50 =	vmax.f32 v7, v11;
	(erf) = vpow2.f32 v48;
	v51 =	vmul.f32 $2.000000030e-01, v2  }
0x54: {  	v6 =	vmul.f32 $1.442695020e+00, v50;
	v0 =	vmax.f32 v0, v49;
	v52 =	vmul.f32 $2.000000030e-01, v1  }
0x55: {  	(erf) = vpow2.f32 v5;
	v0 =	vmul.f32 $1.442695020e+00, v0;
	v2 =	vmax.f32 v2, v51  }
0x56: {  	(erf) = vpow2.f32 v6;
	v1 =	vmax.f32 v1, v52;
	v2 =	vmul.f32 $1.442695020e+00, v2  }
0x57: {  	(erf) = vpow2.f32 v0;
	v1 =	vmul.f32 $1.442695020e+00, v1  }
0x58: {  	v53 =	vpop (erf);
	(erf) = vpow2.f32 v2  }
0x59: {  	[tilespmem:s29+$0xFFFFFF80] =	vst v53;
	v54 =	vpop (erf);
	(erf) = vpow2.f32 v1  }
0x5a: {  	[tilespmem:s29+$0x0] =	vst v54;
	v55 =	vpop (erf)  }
0x5b: {  	s0 =	sadd.s32 $0x200, s29;
	v56 =	vpop (erf);
	[tilespmem:s29+$0xFFFFFF00] =	vst v55  }
0x5c: {  	[tilespmem:s0+$0x80] =	vst v56;
	v57 =	vpop (erf)  }
0x5d: {  	[tilespmem:s0+$0xFFFFFF80] =	vst v57;
	v58 =	vpop (erf)  }
0x5e: {  	[tilespmem:s0+$0x0] =	vst v58;
	v59 =	vpop (erf)  }
0x5f: {  	[tilespmem:s0+$0xFFFFFF00] =	vst v59;
	s0 =	sadd.s32 $0x200, s0;
	v60 =	vpop (erf)  }
0x60: {  	[tilespmem:s0+$0x80] =	vst v60;
	v61 =	vpop (erf)  }
0x61: {  	[tilespmem:s0+$0xFFFFFF80] =	vst v61;
	v62 =	vpop (erf)  }
0x62: {  	[tilespmem:s0+$0x0] =	vst v62;
	v63 =	vpop (erf)  }
0x63: {  	[tilespmem:s0+$0xFFFFFF00] =	vst v63  }
0x64: {  	[spmem:s1] =	stream.indirect.scatter.add.f32 [tilespmem:s22], [sflag:$0x3], $0x10, s16, s17, $0xb8;
	[tilespmem:$0xA010] =	vst v63  }
0x65: {  	s26 =	sadd.s32 $0x1, s26;
	_ =	swait.ge [sflag:s15], $0x500  }
0x66: {  	s31 =	sshll.u32 s28, $0x4;
	p2 =	sne.s32 s26, $0x7D;
	[sflag:s15] =	ssyncset.done $0x0  }
.Ltmp1:
0x67: {  	s0 =	sadd.s32 s9, s31;
	[sflag:s15] =	ssyncadd.s32 $0xFFFFFB00;
	(pc) =	sbr.rel @p2 .LBB2_2-.Ltmp1, $4  }
0x68: {  	[hbm4b:s0+s2] =	stream.linear.scatter [tilespmem:s22], [sflag:$0x3], $0x2800, $0x38;
	[tilespmem:$0xA010] =	vst v63  }
0x69: {  	_ =	swait.ge [sflag:s15], $0x2800  }
0x6a: {  	[sflag:s15] =	ssyncset.done $0x0  }
0x6b: {  	[sflag:s15] =	ssyncadd.s32 $0xFFFFD800  }
0x6c: {  	s0 =	sshll.u32 s8, $0x6  }
0x6d: {  	[bflag:$0x0] =	sbarrier.arrive $0xFFFF;
	s0 =	sor.u32 $0x1C03, s0  }
0x6e: {  	[hbm:s11], [sflag:s0] =	dma.local [spmem:s23], $0x2700  }
0x6f: {  	_ =	swait.ge [sflag:s15], $0x2700  }
0x70: {  	s25 =	sadd.s32 $0x1, s25;
	[sflag:s15] =	ssyncset.done $0x0  }
0x71: {  	p2 =	sne.s32 s25, s13;
	[sflag:s15] =	ssyncadd.s32 $0xFFFFD900  }
0x72: {  	[hbm:s12], [sflag:s0] =	dma.local @!p1 [spmem:s24], $0x100  }
.Ltmp2:
0x73: {  	_ = 	snop;
	(pc) =	sbr.rel @p2 .LBB2_1-.Ltmp2, $4  }
0x74: {  	s0 =	simm.s32 @!p1 $0x3  }
0x75: {  	_ =	swait.ge @!p1 [sflag:s0], $0x100  }
0x76: {  	[sflag:s0] =	ssyncset.done @!p1 $0x0  }
0x77: {  	[sflag:s0] =	ssyncadd.s32 @!p1 $0xFFFFFF00  }
0x78: {  	_ =	sfence.sel $0x180000  }
0x79: {  	[bflag:$0x0] =	sbarrier.arrive $0xFFFF  }
0x7a: {  	_ =	strace $0x90000047  }
0x7b: {  	[bflag:$0x2] =	sbarrier.arrive $0xFFFF  }
0x7c: {  	s0 =	rddreg [dreg:$0x2]  }
0x7d: {  	s0 =	sadd.s32 @!p0 $0x100000, s0  }
0x7e: {  	[sflag:s0] =	ssyncadd.tile.s32 @!p0 $0x1;
	_ =	shalt  }
.Lfunc_end2:
_tile_overlayer_lowered:
.L_overlay_start_2:
0x7f: {  	(tag) =	ssettag $0x2  }
0x80: {  	s0 =	rddreg [dreg:$0x0];
	s2 =	stileid.u32  }
0x81: {  	s1 =	rddreg [dreg:$0x1];
	p0 =	sne.s32 s2, $0x0  }
0x82: {  	s3 =	rddreg [dreg:$0x2];
	[bflag:$0x3] =	sbarrier.arrive $0xFFFF;
	s2 =	simm.s32 @!p0 $0x1C03  }
0x83: {  	[timem:s3], [sflag:s2] =	dma.local @!p0 [hbm:s0], s1  }
0x84: {  	s0 =	simm.s32 @!p0 $0x3  }
0x85: {  	_ =	swait.ge @!p0 [sflag:s0], s1  }
0x86: {  	s1 =	ssub.s32 @!p0 $0x0, s1;
	[sflag:s0] =	ssyncset.done @!p0 $0x0  }
0x87: {  	[sflag:s0] =	ssyncadd.s32 @!p0 s1  }
0x88: {  	[bflag:$0x3] =	sbarrier.arrive $0xFFFF  }
0x89: {  	_ =	shalt  }

// kernel: kernel.13.cloned.1.call-start
scs
__scs_entry_jumppad:
0x0: {  	(pc) =	sbr.rel $0x88, $3  }
0x1: {  	(tag) =	ssettag $0x0;
	lr =	simm.s32 $0x1  }
0x2: {  	[smem:$0x3F96] =	sst lr;
	_ =	strace $0xD0000000  }
0x3: {  	_ = 	snop  }
0x4: {  	_ = 	snop  }
0x5: {  	_ = 	snop  }
0x6: {  	_ = 	snop  }
0x7: {  	_ = 	snop  }
__scs_overlays_trampoline_lowered:
0x8: {  	[smem:$0x3FA5] =	sst s0  }
0x9: {  	[smem:$0x3FA6] =	sst s1  }
0xa: {  	[smem:$0x3FA7] =	sst s2  }
0xb: {  	[smem:$0x3FA8] =	sst s3  }
0xc: {  	[smem:$0x3FA9] =	sst s4  }
0xd: {  	[smem:$0x3FAA] =	sst s5  }
0xe: {  	[smem:$0x3FAB] =	sst s6  }
0xf: {  	[smem:$0x3FAC] =	sst s7  }
0x10: {  	[smem:$0x3FAD] =	sst s8  }
0x11: {  	[smem:$0x3FAE] =	sst s9;
	s0 =	simm.s32 @!p0 $0x0  }
0x12: {  	s1 =	sld [smem:$0x3F94];
	s0 =	simm.s32 @p0 $0x1  }
0x13: {  	[smem:$0x3FAF] =	sst s0;
	s0 =	simm.s32 @!p1 $0x0  }
0x14: {  	s2 =	sld [smem:$0x3F93];
	s0 =	simm.s32 @p1 $0x1  }
0x15: {  	[smem:$0x3FB0] =	sst s0;
	s0 =	simm.s32 @!p2 $0x0  }
0x16: {  	s3 =	sld [smem:$0x3FDB];
	s0 =	simm.s32 @p2 $0x1  }
0x17: {  	s4 =	simm.s32 $0x1BF5;
	[smem:$0x3FB2] =	sst s0  }
0x18: {  	s0 =	sld [smem:$0x3F95];
	_ =	swait.ge [sflag:s4], $0x0  }
0x19: {  	s7 =	sld [smem:$0x3F96]  }
0x1a: {  	s8 =	sadd.s32 $0xFFFFE003, lr  }
0x1b: {  	s9 =	sadd.s32 $0xFFFFFEF7, lr;
	s5 =	simm.s32 $0xFFFFFFFF;
	p2 =	slt.u32 s8, $0xFFFFF086  }
0x1c: {  	p1 =	slt.u32 s9, $0xF7A;
	s5 =	simm.s32 @!p2 $0x0  }
0x1d: {  	s5 =	simm.s32 @p1 $0x1;
	p0 =	seq.s32 s7, s2  }
0x1e: {  	s7 =	smul.u32 @!p0 $0xF7A, s2;
	p2 =	seq.s32 @!p0 s5, $0x0  }
0x1f: {  	s9 =	smul.u32 $0xF7A, s1;
	s8 =	simm.s32 @!p0 $0x1BF5;
	p2 =	por !p2, p0  }
0x20: {  	[sflag:s8] =	ssyncset.s32 @!p0 $0xFFFFF086;
	s6 =	sadd.s32 @!p0 s3, s7;
	s7 =	simm.s32 @!p0 $0x108  }
0x21: {  	s3 =	sadd.s32 s3, s9;
	s6 =	sadd.s32 @!p0 $0x88, s6;
	s7 =	simm.s32 @p2 $0x1082  }
0x22: {  	[simem:s7], [sflag:s8] =	dma.local @!p0 [hbm:s6], $0xF7A  }
0x23: {  	s9 =	sor.u32 $0xD0000000, s2;
	s6 =	simm.s32 $0x108;
	_ =	swait.ge @!p0 [sflag:s8], $0x0  }
0x24: {  	s3 =	sadd.s32 $0x88, s3;
	s6 =	simm.s32 @!p1 $0x1082;
	[sflag:s4] =	ssyncset.s32 $0xFFFFF086  }
0x25: {  	[simem:s6], [sflag:s4] =	dma.local [hbm:s3], $0xF7A  }
0x26: {  	[smem:$0x3F96] =	sst s1;
	(tag) =	ssettag s2;
	_ =	strace s9  }
0x27: {  	s1 =	sld [smem:$0x3FA6]  }
0x28: {  	s2 =	sld [smem:$0x3FA7]  }
0x29: {  	s4 =	sld [smem:$0x3FA9]  }
0x2a: {  	p0 =	seq.s32 s5, $0x0;
	s5 =	sld [smem:$0x3FAA]  }
0x2b: {  	s6 =	sld [smem:$0x3FAB]  }
0x2c: {  	s7 =	sld [smem:$0x3FAC]  }
0x2d: {  	s3 =	simm.s32 $0x108;
	s8 =	sld [smem:$0x3FAD]  }
0x2e: {  	s3 =	simm.s32 @!p0 $0x1082;
	s9 =	sld [smem:$0x3FAE]  }
0x2f: {  	lr =	sadd.s32 s0, s3;
	s0 =	sld [smem:$0x3FA5]  }
0x30: {  	s3 =	sld [smem:$0x3FA8]  }
0x31: {  	[smem:$0x3FB1] =	sst s10  }
0x32: {  	s10 =	sld [smem:$0x3FAF];
	_ =	sdelay $0x3  }
0x33: {  	p0 =	seq.s32 s10, $0x1;
	s10 =	sld [smem:$0x3FB1];
	_ =	sdelay $0x3  }
0x34: {  	[smem:$0x3FB1] =	sst s10  }
0x35: {  	s10 =	sld [smem:$0x3FB0];
	_ =	sdelay $0x3  }
0x36: {  	p1 =	seq.s32 s10, $0x1;
	s10 =	sld [smem:$0x3FB1];
	_ =	sdelay $0x3  }
0x37: {  	[smem:$0x3FB1] =	sst s10  }
0x38: {  	s10 =	sld [smem:$0x3FB2]  }
0x39: {  	_ = 	snop;
	(pc) =	sbr.ind lr, $3  }
0x3a: {  	_ = 	snop  }
0x3b: {  	_ = 	snop  }
0x3c: {  	p2 =	seq.s32 s10, $0x1;
	s10 =	sld [smem:$0x3FB1]  }
0x3d: {  	_ =	shalt  }
0x3e: {  	_ =	shalt  }
0x3f: {  	_ =	shalt  }
0x40: {  	_ =	shalt  }
0x41: {  	_ =	shalt  }
0x42: {  	_ =	shalt  }
0x43: {  	_ =	shalt  }
0x44: {  	_ =	shalt  }
0x45: {  	_ =	shalt  }
0x46: {  	_ =	shalt  }
0x47: {  	_ =	shalt  }
0x48: {  	_ =	shalt  }
0x49: {  	_ =	shalt  }
0x4a: {  	_ =	shalt  }
0x4b: {  	_ =	shalt  }
0x4c: {  	_ =	shalt  }
0x4d: {  	_ =	shalt  }
0x4e: {  	_ =	shalt  }
0x4f: {  	_ =	shalt  }
0x50: {  	_ =	shalt  }
0x51: {  	_ =	shalt  }
0x52: {  	_ =	shalt  }
0x53: {  	_ =	shalt  }
0x54: {  	_ =	shalt  }
0x55: {  	_ =	shalt  }
0x56: {  	_ =	shalt  }
0x57: {  	_ =	shalt  }
0x58: {  	_ =	shalt  }
0x59: {  	_ =	shalt  }
0x5a: {  	_ =	shalt  }
0x5b: {  	_ =	shalt  }
0x5c: {  	_ =	shalt  }
0x5d: {  	_ =	shalt  }
0x5e: {  	_ =	shalt  }
0x5f: {  	_ =	shalt  }
0x60: {  	_ =	shalt  }
0x61: {  	_ =	shalt  }
0x62: {  	_ =	shalt  }
0x63: {  	_ =	shalt  }
0x64: {  	_ =	shalt  }
0x65: {  	_ =	shalt  }
0x66: {  	_ =	shalt  }
0x67: {  	_ =	shalt  }
0x68: {  	_ =	shalt  }
0x69: {  	_ =	shalt  }
0x6a: {  	_ =	shalt  }
0x6b: {  	_ =	shalt  }
0x6c: {  	_ =	shalt  }
0x6d: {  	_ =	shalt  }
0x6e: {  	_ =	shalt  }
0x6f: {  	_ =	shalt  }
0x70: {  	_ =	shalt  }
0x71: {  	_ =	shalt  }
0x72: {  	_ =	shalt  }
0x73: {  	_ =	shalt  }
0x74: {  	_ =	shalt  }
0x75: {  	_ =	shalt  }
0x76: {  	_ =	shalt  }
0x77: {  	_ =	shalt  }
0x78: {  	_ =	shalt  }
0x79: {  	_ =	shalt  }
0x7a: {  	_ =	shalt  }
0x7b: {  	_ =	shalt  }
0x7c: {  	_ =	shalt  }
0x7d: {  	_ =	shalt  }
0x7e: {  	_ =	shalt  }
0x7f: {  	_ =	shalt  }
0x80: {  	_ =	shalt  }
0x81: {  	_ =	shalt  }
0x82: {  	_ =	shalt  }
0x83: {  	_ =	shalt  }
0x84: {  	_ =	shalt  }
0x85: {  	_ =	shalt  }
0x86: {  	_ =	shalt  }
0x87: {  	_ =	shalt  }
.Lfunc_end0:
.L_simem_size_0:
called_computation.1_lowered:
.L_overlay_start_0:
0x88: {  	s2 =	sld [smem:$0x3FD9]  }
0x89: {  	s3 =	sld [smem:$0x3FFE];
	_ =	sdelay $0x1  }
0x8a: {  	s1 =	srdreg.scid  }
0x8b: {  	s0 =	sand.u32 $0x1, s1  }
0x8c: {  	s16 =	sshll.u32 s0, $0xA;
	s2 =	sadd.s32 s3, s2  }
0x8d: {  	s2 =	sadd.s32 s2, s16  }
0x8e: {  	[smem:$0x3FBD] =	sst s2  }
0x8f: {  	_ = 	snop  }
0x90: {  	(tm) =	ssettm $0x1  }
0x91: {  	s17 =	sld [smem:$0x3FFB];
	_ =	sdelay $0x3  }
0x92: {  	_ =	strace s17  }
0x93: {  	s2 =	sld [smem:$0x3FFC];
	_ =	sdelay $0x3  }
0x94: {  	_ =	strace s2  }
0x95: {  	s2 =	sld [smem:$0x3FFD];
	_ =	sdelay $0x3  }
0x96: {  	_ =	strace s2  }
0x97: {  	_ =	strace $0x8FFFFFFF  }
0x98: {  	s18 =	sld [smem:$0x3FDB];
	_ =	sdelay $0x1  }
0x99: {  	s19 =	simm.s32 $_scs_section_size  }
0x9a: {  	s4 =	simm.s32 $_size__tile_overlayer_lowered;
	s5 =	simm.s32 $_tile_overlayer_lowered  }
0x9b: {  	s22 =	simm.s32 $0x1BFF;
	s21 =	sshll.u32 s5, $0x1;
	s2 =	sadd.s32 s19, s18  }
0x9c: {  	s6 =	simm.s32 $0x0;
	s20 =	sshll.u32 s4, $0x1;
	s4 =	sadd.s32 s21, s2  }
0x9d: {  	[timem:s6], [sflag:s22] =	dma.local [hbm:s4], s20  }
0x9e: {  	_ =	swait.ge [sflag:s22], s20  }
0x9f: {  	s3 =	ssub.s32 $0x0, s20;
	[sflag:s22] =	ssyncset.done $0x0  }
0xa0: {  	[sflag:s22] =	ssyncadd.s32 s3;
	_ =	sdelay $0x1  }
0xa1: {  	s23 =	simm.s32 $0x1B8B  }
0xa2: {  	_ =	swait.ge [sflag:s23], $0x1  }
0xa3: {  	[sflag:s23] =	ssyncset.done $0x0  }
0xa4: {  	s25 =	simm.s32 $0x1B8E;
	s24 =	sld [smem:$0x3FFE];
	[sflag:s23] =	ssyncadd.s32 $0xFFFFFFFF  }
0xa5: {  	s26 =	simm.s32 $execute0_lowered;
	[smem:$0x3FD2] =	sst s25  }
0xa6: {  	s4 =	sshll.u32 s26, $0x1;
	_ =	strace $0x80000049;
	[dreg:$0x1] =	wrdreg $0xFFFFFFFF  }
0xa7: {  	s28 =	simm.s32 $_size_execute0_lowered;
	s2 =	sadd.s32 s2, s4;
	[dreg:$0x0] =	wrdreg $0x0  }
0xa8: {  	s4 =	sshll.u32 s28, $0x1;
	[dreg:$0x2] =	wrdreg s2  }
0xa9: {  	[dreg:$0x3] =	wrdreg s4  }
0xaa: {  	[dreg:$0x4] =	wrdreg $0xC0  }
0xab: {  	_ =	task [dreg:s6], $0x5FFFF  }
0xac: {  	[dreg:$0x1] =	wrdreg $0xFFFFFFFF  }
0xad: {  	[dreg:$0x0] =	wrdreg $0x60  }
0xae: {  	[dreg:$0x2] =	wrdreg s24  }
0xaf: {  	[dreg:$0x3] =	wrdreg $0x79000  }
0xb0: {  	[dreg:$0x4] =	wrdreg $0x9  }
0xb1: {  	_ =	task.clear_ibuf [dreg:s6], $0x5FFFF;
	_ =	strace $0x90000049  }
0xb2: {  	s29 =	simm.s32 $0x9;
	_ =	strace $0x8000004B  }
0xb3: {  	_ =	swait.ge [sflag:s29], $0x1  }
0xb4: {  	[sflag:s29] =	ssyncadd.s32 $0xFFFFFFFF  }
0xb5: {  	_ =	strace $0x9000004B  }
0xb6: {  	_ =	sfence  }
0xb7: {  	s30 =	sld [smem:$0x0];
	_ =	sdelay $0x2  }
0xb8: {  	s31 =	sshll.u32 s1, $0xD;
	s1 =	sshrl.u32 s1, $0x2  }
0xb9: {  	s3 =	sand.u32 $0x4000, s31;
	s1 =	sadd.s32 s1, s30  }
0xba: {  	s0 =	sor.u32 s3, s0;
	s1 =	sshll.u32 s1, $0x11  }
0xbb: {  	s0 =	sor.u32 s1, s0  }
0xbc: {  	s0 =	sadd.s32 $0x8F2B, s0  }
0xbd: {  	[sflag:s0] =	ssyncadd.remote.s32 $0x1  }
0xbe: {  	_ =	sfence.sel $0xFFFF  }
0xbf: {  	[dreg:$0x0] =	wrdreg $0xFFFFFFFF;
	(pc) =	sbr.abs _section_cstart, $3  }
0xc0: {  	[dreg:$0x1] =	wrdreg $0xFFFFFFFF  }
0xc1: {  	_ =	task.clear_ibuf [dreg:s6], $0x2FFFF;
	_ =	strace $0x9FFFFFFF  }
0xc2: {  	(tm) =	ssettm $0x7FFFFFFF  }
0xc3: {  	_ =	shalt  }
tec
execute0_lowered:
.L_overlay_start_1:
0x0: {  	(tag) =	ssettag $0x1  }
0x1: {  	s0 =	rddreg [dreg:$0x0]  }
0x2: {  	s1 =	rddreg [dreg:$0x1]  }
0x3: {  	s2 =	simm.s32 $0x0;
	s7 =	srdreg.scid;
	s21 =	stileid.u32  }
0x4: {  	s14 =	simm.s32 $0x2;
	s15 =	simm.s32 $0x80;
	s16 =	simm.s32 $0x100  }
0x5: {  	s17 =	simm.s32 $0x50;
	s18 =	simm.s32 $0x2900;
	s19 =	simm.s32 $0x1  }
0x6: {  	s20 =	simm.s32 $0x5100;
	s23 =	simm.s32 $0x0;
	[smem:$0x7FF] =	sst s2  }
0x7: {  	s3 =	sadd.s32 $0xD400, s0;
	s4 =	sadd.s32 $0x3600, s0;
	s5 =	sadd.s32 $0xB3A00, s0  }
0x8: {  	s6 =	sadd.s32 $0x65600, s0;
	s8 =	sadd.s32 $0x5E3C00, s0;
	s11 =	smul.u32 $0x13800, s21  }
0x9: {  	s0 =	sadd.s32 $0x60AE00, s0;
	s7 =	sand.u32 $0x1, s7;
	s12 =	smul.u32 $0x4E000, s21  }
0xa: {  	p0 =	sne.s32 s21, $0x0;
	p1 =	sne.s32 s21, $0xF;
	_ =	strace $0x8000004A  }
0xb: {  	[dreg:$0x3] =	wrdreg s8;
	s26 =	ssub.s32 $0x2, s7;
	s10 =	smul.u32 $0x138800, s7  }
0xc: {  	s7 =	sshll.u32 s7, $0x4;
	s13 =	sshrl.u32 @!p0 s1, $0x3;
	s9 =	sshrl.u32 s26, $0x1  }
0xd: {  	s7 =	sor.u32 s21, s7;
	s29 =	sshrl.u32 s12, $0x2;
	s8 =	ssub.s32 s26, s9  }
0xe: {  	s9 =	smul.u32 $0x2710, s7;
	s28 =	sadd.s32 s11, s10;
	s10 =	sshrl.u32 s10, $0x3  }
0xf: {  	s30 =	sadd.s32 s29, s1;
	s7 =	sshrl.u32 s28, $0x3;
	s8 =	smax.u32 s8, $0x1  }
0x10: {  	s10 =	sadd.s32 s0, s10;
	s0 =	sadd.s32 s0, s7;
	[dreg:$0x6] =	wrdreg s8  }
0x11: {  	s31 =	sadd.s32 $0x27000, s10;
	s7 =	sadd.s32 $0x138000, s1;
	[dreg:$0x4] =	wrdreg s0  }
0x12: {  	s21 =	sshrl.u32 s30, $0x3;
	[dreg:$0x5] =	wrdreg s31;
	s22 =	sshrl.u32 @!p1 s7, $0x3  }
.LBB2_1:
0x13: {  	s0 =	simm.s32 @!p0 $0x1C02;
	s7 =	rddreg [dreg:$0x3]  }
0x14: {  	[spmem:s13], [sflag:s0] =	dma.local @!p0 [hbm:s7], $0x27100  }
0x15: {  	s0 =	simm.s32 @!p0 $0x2  }
0x16: {  	_ =	swait.ge @!p0 [sflag:s0], $0x27100  }
0x17: {  	[sflag:s0] =	ssyncset.done @!p0 $0x0  }
0x18: {  	[sflag:s0] =	ssyncadd.s32 @!p0 $0xFFFD8F00  }
0x19: {  	s24 =	simm.s32 $0x0;
	[bflag:$0x0] =	sbarrier.arrive $0xFFFF  }
.LBB2_2:
0x1a: {  	s0 =	smul.u32 $0x50, s24;
	_ =	sdelay $0x1  }
0x1b: {  	s0 =	sadd.s32 s9, s0  }
0x1c: {  	s7 =	sshrl.u32 s0, $0x3  }
0x1d: {  	s8 =	sadd.s32 s3, s7  }
0x1e: {  	[tilespmem:s2], [sflag:$0x2] =	stream.linear.gather [hbm4b:s8+s2], $0x50, $0x38;
	[tilespmem:$0x1B180] =	vst v63  }
0x1f: {  	_ =	swait.ge [sflag:s14], $0x50  }
0x20: {  	[sflag:s14] =	ssyncset.done $0x0  }
0x21: {  	s7 =	sadd.s32 s4, s7;
	[sflag:s14] =	ssyncadd.s32 $0xFFFFFFB0  }
0x22: {  	[tilespmem:s15], [sflag:$0x2] =	stream.linear.gather [hbm4b:s7+s2], $0x50, $0x38;
	[tilespmem:$0x1B180] =	vst v63  }
0x23: {  	_ =	swait.ge [sflag:s14], $0x50  }
0x24: {  	s0 =	sshll.u32 s0, $0x4;
	[sflag:s14] =	ssyncset.done $0x0  }
0x25: {  	s0 =	sadd.s32 s5, s0;
	[sflag:s14] =	ssyncadd.s32 $0xFFFFFFB0  }
0x26: {  	[tilespmem:s16], [sflag:$0x2] =	stream.linear.gather [hbm4b:s0+s2], $0x2800, $0x38;
	[tilespmem:$0x1B180] =	vst v63  }
0x27: {  	_ =	swait.ge [sflag:s14], $0x2800  }
0x28: {  	[sflag:s14] =	ssyncset.done $0x0  }
0x29: {  	[sflag:s14] =	ssyncadd.s32 $0xFFFFD800  }
0x2a: {  	[tilespmem:s18], [sflag:$0x1] =	stream.indirect.gather [hbm4b:s6+s17], $0x80, s2, s17, $0xb8;
	[tilespmem:$0x1B180] =	vst v63  }
0x2b: {  	_ =	swait.ge [sflag:s19], $0x2800  }
0x2c: {  	[sflag:s19] =	ssyncset.done $0x0  }
0x2d: {  	s26 =	simm.s32 $0x180;
	[sflag:s19] =	ssyncadd.s32 $0xFFFFD800  }
0x2e: {  	v5 =	vld [tilespmem:s26+$0x0]  }
0x2f: {  	s7 =	simm.s32 $0x2980  }
0x30: {  	v0 =	vld [tilespmem:s7+$0x0];
	_ =	sdelay $0x2  }
0x31: {  	v1 =	vbroadcast v5, $0x0;
	_ =	sdelay $0x1  }
0x32: {  	v0 =	vmul.f32 v0, v1  }
0x33: {  	s25 =	simm.s32 $0x5180  }
0x34: {  	[tilespmem:s25+$0x0] =	vst v0  }
0x35: {  	v0 =	vld [tilespmem:s7+$0x10];
	_ =	sdelay $0x2  }
0x36: {  	v2 =	vld [tilespmem:s26+$0xFFFFFF80];
	v1 =	vbroadcast v5, $0x1;
	_ =	sdelay $0x1  }
0x37: {  	v0 =	vmul.f32 v0, v1;
	v1 =	vld [tilespmem:s7+$0xFFFFFF80]  }
0x38: {  	s8 =	simm.s32 $0x280  }
0x39: {  	v13 =	vld [tilespmem:s8+$0x0];
	[tilespmem:s25+$0x10] =	vst v0  }
0x3a: {  	s28 =	simm.s32 $0x2A80;
	v3 =	vbroadcast v2, $0x0;
	v0 =	vld [tilespmem:s7+$0x20]  }
0x3b: {  	v4 =	vld [tilespmem:s28+$0x0]  }
0x3c: {  	v1 =	vmul.f32 v1, v3  }
0x3d: {  	v3 =	vbroadcast v5, $0x2  }
0x3e: {  	v6 =	vld [tilespmem:s8+$0xFFFFFF80];
	[tilespmem:s25+$0xFFFFFF80] =	vst v1;
	v1 =	vbroadcast v13, $0x0  }
0x3f: {  	v0 =	vmul.f32 v0, v3;
	v3 =	vld [tilespmem:s7+$0xFFFFFF90]  }
0x40: {  	v7 =	vld [tilespmem:s28+$0xFFFFFF80];
	v1 =	vmul.f32 v4, v1  }
0x41: {  	s26 =	simm.s32 $0x5280;
	[tilespmem:s25+$0x20] =	vst v0  }
0x42: {  	v4 =	vbroadcast v2, $0x1;
	v0 =	vld [tilespmem:s7+$0x30];
	[tilespmem:s26+$0x0] =	vst v1  }
0x43: {  	v1 =	vbroadcast v6, $0x0;
	v8 =	vld [tilespmem:s28+$0x10]  }
0x44: {  	v3 =	vmul.f32 v3, v4  }
0x45: {  	v4 =	vbroadcast v5, $0x3;
	v1 =	vmul.f32 v7, v1  }
0x46: {  	[tilespmem:s25+$0xFFFFFF90] =	vst v3;
	v3 =	vbroadcast v13, $0x1  }
0x47: {  	[tilespmem:s26+$0xFFFFFF80] =	vst v1;
	v0 =	vmul.f32 v0, v4;
	v4 =	vld [tilespmem:s7+$0xFFFFFFA0]  }
0x48: {  	s10 =	simm.s32 $0x380;
	v1 =	vld [tilespmem:s28+$0xFFFFFF90];
	v3 =	vmul.f32 v8, v3  }
0x49: {  	[tilespmem:s25+$0x30] =	vst v0;
	v0 =	vld [tilespmem:s10+$0x0]  }
0x4a: {  	v8 =	vbroadcast v2, $0x2;
	v7 =	vld [tilespmem:s7+$0x40];
	[tilespmem:s26+$0x10] =	vst v3  }
0x4b: {  	v3 =	vld [tilespmem:s28+$0x20]  }
0x4c: {  	s29 =	simm.s32 $0x2B80;
	v9 =	vbroadcast v6, $0x1;
	v4 =	vmul.f32 v4, v8  }
0x4d: {  	v10 =	vld [tilespmem:s29+$0x0];
	v8 =	vbroadcast v5, $0x4  }
0x4e: {  	v1 =	vmul.f32 v1, v9;
	v9 =	vbroadcast v13, $0x2;
	[tilespmem:s25+$0xFFFFFFA0] =	vst v4;
	v4 =	vld [tilespmem:s10+$0xFFFFFF80]  }
0x4f: {  	v11 =	vld [tilespmem:s7+$0xFFFFFFB0];
	v7 =	vmul.f32 v7, v8  }
0x50: {  	[tilespmem:s26+$0xFFFFFF90] =	vst v1;
	v1 =	vld [tilespmem:s29+$0xFFFFFF80];
	v8 =	vbroadcast v0, $0x0;
	v3 =	vmul.f32 v3, v9  }
0x51: {  	v14 =	vbroadcast v6, $0x2;
	v9 =	vld [tilespmem:s28+$0xFFFFFFA0];
	[tilespmem:s25+$0x40] =	vst v7  }
0x52: {  	v7 =	vbroadcast v2, $0x3;
	v8 =	vmul.f32 v10, v8;
	v12 =	vld [tilespmem:s7+$0x50];
	[tilespmem:s26+$0x20] =	vst v3  }
0x53: {  	s30 =	simm.s32 $0x5380;
	s11 =	simm.s32 $0x480;
	v15 =	vbroadcast v2, $0x6;
	v3 =	vbroadcast v4, $0x0;
	v10 =	vld [tilespmem:s28+$0x30]  }
0x54: {  	v21 =	vld [tilespmem:s11+$0xFFFFFF80];
	v18 =	vbroadcast v6, $0x4;
	[tilespmem:s30+$0x0] =	vst v8;
	v7 =	vmul.f32 v11, v7  }
0x55: {  	v8 =	vld [tilespmem:s29+$0x10];
	v1 =	vmul.f32 v1, v3;
	v3 =	vbroadcast v5, $0x5  }
0x56: {  	[tilespmem:s25+$0xFFFFFFB0] =	vst v7;
	v7 =	vmul.f32 v9, v14;
	v9 =	vbroadcast v13, $0x3  }
0x57: {  	v19 =	vbroadcast v6, $0x5;
	[tilespmem:s30+$0xFFFFFF80] =	vst v1;
	v1 =	vmul.f32 v12, v3  }
0x58: {  	v14 =	vld [tilespmem:s7+$0xFFFFFFC0];
	v3 =	vbroadcast v0, $0x1;
	[tilespmem:s26+$0xFFFFFFA0] =	vst v7;
	v7 =	vmul.f32 v10, v9  }
0x59: {  	v16 =	vbroadcast v6, $0x6;
	v26 =	vbroadcast v21, $0x2;
	v12 =	vld [tilespmem:s29+$0xFFFFFF90]  }
0x5a: {  	v23 =	vbroadcast v0, $0x2;
	v10 =	vld [tilespmem:s28+$0xFFFFFFB0];
	v3 =	vmul.f32 v8, v3;
	[tilespmem:s26+$0x30] =	vst v7  }
0x5b: {  	v20 =	vbroadcast v4, $0x1;
	v11 =	vbroadcast v2, $0x4;
	[tilespmem:s25+$0x50] =	vst v1;
	v8 =	vld [tilespmem:s28+$0x40]  }
0x5c: {  	v9 =	vbroadcast v2, $0x5;
	v1 =	vbroadcast v2, $0x7;
	v2 =	vld [tilespmem:s11+$0x0];
	[tilespmem:s30+$0x10] =	vst v3  }
0x5d: {  	v7 =	vbroadcast v6, $0x3;
	v11 =	vmul.f32 v14, v11;
	v14 =	vld [tilespmem:s29+$0x20]  }
0x5e: {  	s31 =	simm.s32 $0x2C80;
	v17 =	vld [tilespmem:s7+$0x60];
	v3 =	vbroadcast v6, $0x7;
	v6 =	vbroadcast v13, $0x4  }
0x5f: {  	v22 =	vbroadcast v4, $0x2;
	[tilespmem:s25+$0xFFFFFFC0] =	vst v11;
	v11 =	vmul.f32 v12, v20;
	v12 =	vld [tilespmem:s31+$0x0]  }
0x60: {  	v7 =	vmul.f32 v10, v7;
	v20 =	vld [tilespmem:s7+$0xFFFFFFD0];
	v6 =	vmul.f32 v8, v6  }
0x61: {  	v10 =	vld [tilespmem:s31+$0xFFFFFF80];
	v8 =	vbroadcast v5, $0x6;
	[tilespmem:s30+$0xFFFFFF90] =	vst v11;
	v11 =	vbroadcast v2, $0x0  }
0x62: {  	v5 =	vbroadcast v5, $0x7;
	v24 =	vld [tilespmem:s29+$0xFFFFFFA0];
	v14 =	vmul.f32 v14, v23;
	[tilespmem:s26+$0x40] =	vst v6  }
0x63: {  	[tilespmem:s26+$0xFFFFFFB0] =	vst v7;
	v23 =	vbroadcast v4, $0x3;
	v6 =	vmul.f32 v17, v8;
	v7 =	vld [tilespmem:s28+$0x50]  }
0x64: {  	v8 =	vbroadcast v21, $0x0;
	v11 =	vmul.f32 v12, v11;
	[tilespmem:s30+$0x20] =	vst v14;
	v12 =	vld [tilespmem:s28+$0xFFFFFFC0]  }
0x65: {  	s0 =	simm.s32 $0x5480;
	v14 =	vbroadcast v4, $0x4;
	v9 =	vmul.f32 v20, v9;
	[tilespmem:s25+$0x60] =	vst v6;
	v17 =	vld [tilespmem:s29+$0x30]  }
0x66: {  	v6 =	vmul.f32 v10, v8;
	v10 =	vbroadcast v13, $0x5;
	v20 =	vld [tilespmem:s7+$0x70];
	[tilespmem:s0+$0x0] =	vst v11  }
0x67: {  	v8 =	vbroadcast v4, $0x5;
	[tilespmem:s25+$0xFFFFFFD0] =	vst v9;
	v9 =	vld [tilespmem:s31+$0x10];
	v11 =	vmul.f32 v24, v22  }
0x68: {  	[tilespmem:s0+$0xFFFFFF80] =	vst v6;
	v24 =	vbroadcast v0, $0x3;
	v22 =	vld [tilespmem:s7+$0xFFFFFFE0];
	v7 =	vmul.f32 v7, v10  }
0x69: {  	v6 =	vbroadcast v4, $0x6;
	v25 =	vld [tilespmem:s31+$0xFFFFFF90];
	[tilespmem:s30+$0xFFFFFFA0] =	vst v11;
	v10 =	vmul.f32 v12, v18  }
0x6a: {  	v11 =	vbroadcast v2, $0x1;
	v18 =	vld [tilespmem:s29+$0xFFFFFFB0];
	v12 =	vmul.f32 v17, v24;
	[tilespmem:s26+$0x50] =	vst v7  }
0x6b: {  	s12 =	simm.s32 $0x580;
	v4 =	vbroadcast v4, $0x7;
	v17 =	vbroadcast v21, $0x1;
	v7 =	vld [tilespmem:s28+$0x60]  }
0x6c: {  	v20 =	vmul.f32 v20, v5;
	v5 =	vld [tilespmem:s12+$0x0];
	v9 =	vmul.f32 v9, v11;
	[tilespmem:s30+$0x30] =	vst v12  }
0x6d: {  	[tilespmem:s26+$0xFFFFFFC0] =	vst v10;
	v10 =	vbroadcast v21, $0x5;
	v12 =	vbroadcast v21, $0x3;
	v27 =	vld [tilespmem:s29+$0x40]  }
0x6e: {  	v24 =	vld [tilespmem:s28+$0xFFFFFFD0];
	v11 =	vbroadcast v21, $0x4;
	[tilespmem:s0+$0x10] =	vst v9;
	v9 =	vbroadcast v13, $0x6  }
0x6f: {  	v22 =	vmul.f32 v22, v15;
	v15 =	vmul.f32 v25, v17;
	v28 =	vld [tilespmem:s31+$0x20]  }
0x70: {  	v29 =	vld [tilespmem:s12+$0xFFFFFF80];
	s10 =	simm.s32 $0x2D80;
	v17 =	vbroadcast v0, $0x4;
	v25 =	vmul.f32 v7, v9  }
0x71: {  	v30 =	vld [tilespmem:s10+$0x0];
	[tilespmem:s25+$0x70] =	vst v20;
	v9 =	vbroadcast v21, $0x6;
	v7 =	vbroadcast v21, $0x7  }
0x72: {  	v20 =	vld [tilespmem:s10+$0xFFFFFF80];
	[tilespmem:s0+$0xFFFFFF90] =	vst v15;
	v21 =	vbroadcast v2, $0x2;
	v17 =	vmul.f32 v27, v17  }
0x73: {  	v15 =	vmul.f32 v18, v23;
	v19 =	vmul.f32 v24, v19;
	v24 =	vld [tilespmem:s31+$0xFFFFFFA0];
	[tilespmem:s26+$0x60] =	vst v25  }
0x74: {  	v23 =	vbroadcast v5, $0x0;
	v18 =	vld [tilespmem:s28+$0x70];
	v21 =	vmul.f32 v28, v21;
	[tilespmem:s30+$0x40] =	vst v17  }
0x75: {  	v13 =	vbroadcast v13, $0x7;
	[tilespmem:s30+$0xFFFFFFB0] =	vst v15;
	v15 =	vbroadcast v29, $0x0;
	v17 =	vld [tilespmem:s29+$0x50]  }
0x76: {  	v23 =	vmul.f32 v30, v23;
	v27 =	vbroadcast v29, $0x1;
	[tilespmem:s0+$0x20] =	vst v21;
	v21 =	vld [tilespmem:s29+$0xFFFFFFC0]  }
0x77: {  	s8 =	simm.s32 $0x5580;
	v20 =	vmul.f32 v20, v15;
	v15 =	vbroadcast v29, $0x2;
	[tilespmem:s26+$0xFFFFFFD0] =	vst v19;
	v25 =	vld [tilespmem:s31+$0x30]  }
0x78: {  	v19 =	vbroadcast v29, $0x3;
	[tilespmem:s8+$0x0] =	vst v23;
	v23 =	vbroadcast v0, $0x5;
	v63 =	vld [tilespmem:s28+$0xFFFFFFE0]  }
0x79: {  	[tilespmem:s8+$0xFFFFFF80] =	vst v20;
	v62 =	vmul.f32 v18, v13;
	v13 =	vld [tilespmem:s10+$0x10];
	v18 =	vmul.f32 v24, v26  }
0x7a: {  	[tilespmem:s25+$0xFFFFFFE0] =	vst v22;
	v20 =	vbroadcast v2, $0x3;
	v24 =	vld [tilespmem:s10+$0xFFFFFF90];
	v22 =	vmul.f32 v17, v23  }
0x7b: {  	v26 =	vbroadcast v5, $0x1;
	v17 =	vld [tilespmem:s7+$0xFFFFFFF0];
	[tilespmem:s0+$0xFFFFFFA0] =	vst v18;
	v21 =	vmul.f32 v21, v14  }
0x7c: {  	v14 =	vbroadcast v29, $0x4;
	v31 =	vmul.f32 v25, v20;
	v23 =	vld [tilespmem:s31+$0xFFFFFFB0];
	[tilespmem:s30+$0x50] =	vst v22  }
0x7d: {  	v18 =	vbroadcast v29, $0x5;
	[tilespmem:s30+$0xFFFFFFC0] =	vst v21;
	v20 =	vld [tilespmem:s29+$0x60];
	v21 =	vmul.f32 v63, v16  }
0x7e: {  	v16 =	vbroadcast v29, $0x7;
	v25 =	vmul.f32 v13, v26;
	[tilespmem:s0+$0x30] =	vst v31;
	v22 =	vld [tilespmem:s29+$0xFFFFFFD0]  }
0x7f: {  	s11 =	simm.s32 $0x8;
	s12 =	simm.s32 $0x680;
	s7 =	simm.s32 $0x2D80;
	[tilespmem:s26+$0x70] =	vst v62;
	v13 =	vbroadcast v29, $0x6;
	v26 =	vmul.f32 v24, v27;
	v24 =	vld [tilespmem:s31+$0x40]  }
.LBB2_3:
0x80: {  	v27 =	vld [tilespmem:s12+$0x0];
	[tilespmem:s8+$0x10] =	vst v25;
	v25 =	vbroadcast v0, $0x6;
	v17 =	vmul.f32 v17, v1;
	v1 =	vmovc v3;
	v3 =	vmovc v4;
	v4 =	vmov v7  }
0x81: {  	s11 =	sadd.s32 $0x2, s11;
	[tilespmem:s8+$0xFFFFFF90] =	vst v26;
	v26 =	vld [tilespmem:s10+$0x20];
	v23 =	vmul.f32 v23, v12;
	v12 =	vmov v19;
	v7 =	vmov v16  }
0x82: {  	p2 =	slt.u32 s11, $0x4E;
	s10 =	sadd.s32 $0x100, s10;
	v19 =	vbroadcast v2, $0x4;
	v16 =	vld [tilespmem:s12+$0xFFFFFF80];
	v20 =	vmul.f32 v20, v25;
	[tilespmem:s26+$0xFFFFFFE0] =	vst v21  }
0x83: {  	v21 =	vld [tilespmem:s10+$0x0];
	[tilespmem:s0+$0xFFFFFFB0] =	vst v23;
	v22 =	vmul.f32 v22, v8;
	v8 =	vmov v10;
	v10 =	vmov v18  }
0x84: {  	v23 =	vbroadcast v5, $0x2;
	v18 =	vld [tilespmem:s10+$0xFFFFFF80];
	v19 =	vmul.f32 v24, v19;
	[tilespmem:s30+$0x60] =	vst v20  }
0x85: {  	[tilespmem:s30+$0xFFFFFFD0] =	vst v22;
	v20 =	vld [tilespmem:s29+$0x70]  }
0x86: {  	v22 =	vbroadcast v27, $0x0;
	v24 =	vld [tilespmem:s7+$0xFFFFFFA0];
	v23 =	vmul.f32 v26, v23;
	[tilespmem:s0+$0x40] =	vst v19  }
0x87: {  	v19 =	vbroadcast v16, $0x0;
	v26 =	vbroadcast v16, $0x1;
	v25 =	vld [tilespmem:s31+$0x50];
	[tilespmem:s25+$0xFFFFFFF0] =	vst v17;
	s25 =	smov.u32 s26;
	s26 =	smov.u32 s30;
	s30 =	smov.u32 s0  }
0x88: {  	s0 =	smov.u32 s8;
	v17 =	vmul.f32 v21, v22;
	[tilespmem:s8+$0x20] =	vst v23;
	v21 =	vld [tilespmem:s31+$0xFFFFFFC0];
	v22 =	vbroadcast v0, $0x7;
	v0 =	vmovc v2;
	v2 =	vmovc v5;
	v5 =	vmov v27  }
0x89: {  	v23 =	vbroadcast v16, $0x2;
	s8 =	sadd.s32 $0x100, s8;
	v18 =	vmul.f32 v18, v19;
	v27 =	vld [tilespmem:s7+$0x30]  }
0x8a: {  	[tilespmem:s8+$0x0] =	vst v17;
	v17 =	vbroadcast v0, $0x5;
	v28 =	vld [tilespmem:s29+$0xFFFFFFE0];
	v20 =	vmul.f32 v20, v22  }
0x8b: {  	v19 =	vbroadcast v16, $0x3;
	[tilespmem:s8+$0xFFFFFF80] =	vst v18;
	v22 =	vld [tilespmem:s10+$0x10];
	v18 =	vmul.f32 v24, v15;
	v15 =	vmov v23  }
0x8c: {  	v29 =	vbroadcast v2, $0x3;
	v24 =	vld [tilespmem:s10+$0xFFFFFF90];
	v25 =	vmul.f32 v25, v17;
	[tilespmem:s26+$0x70] =	vst v20  }
.Ltmp0:
0x8d: {  	[tilespmem:s0+$0xFFFFFFA0] =	vst v18;
	v20 =	vmul.f32 v21, v11;
	v17 =	vld [tilespmem:s28+$0xFFFFFFF0];
	v11 =	vmov v14;
	v14 =	vbroadcast v16, $0x4;
	s28 =	smov.u32 s29;
	s29 =	smov.u32 s31;
	(pc) =	sbr.rel @p2 .LBB2_3-.Ltmp0, $4  }
0x8e: {  	v21 =	vbroadcast v5, $0x1;
	s31 =	smov.u32 s7;
	v23 =	vld [tilespmem:s7+$0xFFFFFFB0];
	v27 =	vmul.f32 v27, v29;
	[tilespmem:s30+$0x50] =	vst v25;
	s7 =	smov.u32 s10  }
0x8f: {  	v18 =	vbroadcast v16, $0x5;
	v29 =	vbroadcast v16, $0x6;
	[tilespmem:s30+$0xFFFFFFC0] =	vst v20;
	v20 =	vld [tilespmem:s29+$0x60]  }
0x90: {  	v25 =	vmul.f32 v22, v21;
	[tilespmem:s0+$0x30] =	vst v27;
	v22 =	vld [tilespmem:s29+$0xFFFFFFD0];
	v21 =	vmul.f32 v28, v6;
	v6 =	vmovc v9;
	v9 =	vmov v13  }
0x91: {  	s12 =	sadd.s32 $0x100, s12;
	v16 =	vbroadcast v16, $0x7;
	v13 =	vmov v29;
	v26 =	vmul.f32 v24, v26;
	v24 =	vld [tilespmem:s31+$0x40]  }
0x92: {  	[tilespmem:s8+$0x10] =	vst v25  }
0x93: {  	v25 =	vld [tilespmem:s10+$0x20];
	[tilespmem:s8+$0xFFFFFF90] =	vst v26  }
0x94: {  	v26 =	vld [tilespmem:s7+$0xFFFFFFA0];
	_ =	sdelay $0x1  }
0x95: {  	v27 =	vbroadcast v5, $0x2;
	_ =	sdelay $0x1  }
0x96: {  	v25 =	vmul.f32 v25, v27  }
0x97: {  	v15 =	vmul.f32 v26, v15  }
0x98: {  	[tilespmem:s8+$0x20] =	vst v25  }
0x99: {  	v25 =	vld [tilespmem:s7+$0x30];
	[tilespmem:s8+$0xFFFFFFA0] =	vst v15  }
0x9a: {  	v15 =	vld [tilespmem:s7+$0xFFFFFFB0];
	_ =	sdelay $0x1  }
0x9b: {  	v63 =	vbroadcast v5, $0x3;
	v12 =	vmul.f32 v23, v12;
	_ =	sdelay $0x1  }
0x9c: {  	[tilespmem:s0+$0xFFFFFFB0] =	vst v12;
	v25 =	vmul.f32 v25, v63  }
0x9d: {  	v30 =	vld [tilespmem:s31+$0xFFFFFFC0];
	v15 =	vmul.f32 v15, v19  }
0x9e: {  	[tilespmem:s8+$0x30] =	vst v25  }
0x9f: {  	v28 =	vld [tilespmem:s7+$0x40];
	[tilespmem:s8+$0xFFFFFFB0] =	vst v15  }
0xa0: {  	v15 =	vld [tilespmem:s7+$0xFFFFFFC0]  }
0xa1: {  	v29 =	vbroadcast v2, $0x4  }
0xa2: {  	v31 =	vbroadcast v5, $0x4;
	v11 =	vmul.f32 v30, v11  }
0xa3: {  	v19 =	vmul.f32 v24, v29  }
0xa4: {  	[tilespmem:s0+$0xFFFFFFC0] =	vst v11;
	v12 =	vmul.f32 v28, v31  }
0xa5: {  	v35 =	vld [tilespmem:s31+$0xFFFFFFD0];
	[tilespmem:s0+$0x40] =	vst v19;
	v32 =	vmul.f32 v15, v14  }
0xa6: {  	v19 =	vld [tilespmem:s31+$0x50];
	[tilespmem:s8+$0x40] =	vst v12  }
0xa7: {  	v33 =	vld [tilespmem:s7+$0x50];
	[tilespmem:s8+$0xFFFFFFC0] =	vst v32  }
0xa8: {  	v12 =	vld [tilespmem:s7+$0xFFFFFFD0]  }
0xa9: {  	v34 =	vbroadcast v2, $0x5;
	v8 =	vmul.f32 v22, v8  }
0xaa: {  	v36 =	vbroadcast v5, $0x5;
	v10 =	vmul.f32 v35, v10  }
0xab: {  	[tilespmem:s30+$0xFFFFFFD0] =	vst v8;
	v14 =	vmul.f32 v19, v34  }
0xac: {  	v39 =	vld [tilespmem:s29+$0xFFFFFFE0];
	[tilespmem:s0+$0xFFFFFFD0] =	vst v10;
	v11 =	vmul.f32 v33, v36  }
0xad: {  	v44 =	vld [tilespmem:s31+$0xFFFFFFE0];
	[tilespmem:s0+$0x50] =	vst v14;
	v40 =	vmul.f32 v12, v18  }
0xae: {  	v38 =	vbroadcast v0, $0x6;
	v37 =	vld [tilespmem:s31+$0x60];
	[tilespmem:s8+$0x50] =	vst v11  }
0xaf: {  	v41 =	vld [tilespmem:s7+$0x60];
	[tilespmem:s8+$0xFFFFFFD0] =	vst v40  }
0xb0: {  	v42 =	vmul.f32 v20, v38;
	v11 =	vld [tilespmem:s7+$0xFFFFFFE0]  }
0xb1: {  	v43 =	vbroadcast v2, $0x6;
	[tilespmem:s26+$0xFFFFFFE0] =	vst v21;
	v6 =	vmul.f32 v39, v6  }
0xb2: {  	v45 =	vbroadcast v5, $0x6;
	v47 =	vld [tilespmem:s28+$0xFFFFFFF0];
	[tilespmem:s30+$0x60] =	vst v42;
	v9 =	vmul.f32 v44, v9  }
0xb3: {  	v46 =	vld [tilespmem:s29+$0x70];
	[tilespmem:s30+$0xFFFFFFE0] =	vst v6;
	v8 =	vmul.f32 v37, v43  }
0xb4: {  	v51 =	vld [tilespmem:s29+$0xFFFFFFF0];
	[tilespmem:s0+$0xFFFFFFE0] =	vst v9;
	v48 =	vmul.f32 v41, v45  }
0xb5: {  	v55 =	vld [tilespmem:s31+$0xFFFFFFF0];
	[tilespmem:s0+$0x60] =	vst v8;
	v52 =	vmul.f32 v11, v13  }
0xb6: {  	v50 =	vbroadcast v0, $0x7;
	v1 =	vmul.f32 v17, v1;
	v49 =	vld [tilespmem:s31+$0x70];
	[tilespmem:s8+$0x60] =	vst v48  }
0xb7: {  	v56 =	vmul.f32 v47, v3;
	v53 =	vld [tilespmem:s7+$0x70];
	[tilespmem:s8+$0xFFFFFFE0] =	vst v52  }
0xb8: {  	[tilespmem:s25+$0xFFFFFFF0] =	vst v1;
	v0 =	vmul.f32 v46, v50;
	v57 =	vld [tilespmem:s7+$0xFFFFFFF0]  }
0xb9: {  	v54 =	vbroadcast v2, $0x7;
	[tilespmem:s26+$0xFFFFFFF0] =	vst v56;
	v60 =	vmul.f32 v51, v4  }
0xba: {  	v59 =	vbroadcast v5, $0x7;
	[tilespmem:s30+$0x70] =	vst v0;
	v62 =	vmul.f32 v55, v7  }
0xbb: {  	[tilespmem:s30+$0xFFFFFFF0] =	vst v60;
	v58 =	vmul.f32 v49, v54  }
0xbc: {  	[tilespmem:s0+$0xFFFFFFF0] =	vst v62;
	v61 =	vmul.f32 v53, v59  }
0xbd: {  	s24 =	sadd.s32 $0x1, s24;
	[tilespmem:s0+$0x70] =	vst v58;
	v63 =	vmul.f32 v57, v16  }
0xbe: {  	p2 =	sne.s32 s24, $0x7D;
	[tilespmem:s8+$0x70] =	vst v61  }
.Ltmp1:
0xbf: {  	[tilespmem:s8+$0xFFFFFFF0] =	vst v63;
	(pc) =	sbr.rel @p2 .LBB2_2-.Ltmp1, $4  }
0xc0: {  	[spmem:s1] =	stream.indirect.scatter.add.f32 [tilespmem:s20], [sflag:$0x2], $0x80, s15, s17, $0xb8;
	[tilespmem:$0x1B180] =	vst v63  }
0xc1: {  	_ =	swait.ge [sflag:s14], $0x2800  }
0xc2: {  	[sflag:s14] =	ssyncset.done $0x0  }
0xc3: {  	[sflag:s14] =	ssyncadd.s32 $0xFFFFD800  }
0xc4: {  	s0 =	stileid.u32  }
0xc5: {  	[bflag:$0x0] =	sbarrier.arrive $0xFFFF;
	s0 =	sshll.u32 s0, $0x6  }
0xc6: {  	s7 =	rddreg [dreg:$0x4];
	s0 =	sor.u32 $0x1C02, s0  }
0xc7: {  	[hbm:s7], [sflag:s0] =	dma.local [spmem:s21], $0x2700  }
0xc8: {  	_ =	swait.ge [sflag:s14], $0x2700  }
0xc9: {  	[sflag:s14] =	ssyncset.done $0x0  }
0xca: {  	s7 =	rddreg [dreg:$0x5];
	[sflag:s14] =	ssyncadd.s32 $0xFFFFD900  }
0xcb: {  	[hbm:s7], [sflag:s0] =	dma.local @!p1 [spmem:s22], $0x100  }
0xcc: {  	s0 =	simm.s32 @!p1 $0x2  }
0xcd: {  	_ =	swait.ge @!p1 [sflag:s0], $0x100  }
0xce: {  	s23 =	sadd.s32 $0x1, s23;
	s31 =	rddreg [dreg:$0x6]  }
0xcf: {  	p2 =	sne.s32 s23, s31  }
.Ltmp2:
0xd0: {  	_ = 	snop;
	(pc) =	sbr.rel @p2 .LBB2_1-.Ltmp2, $3  }
0xd1: {  	_ =	sdelay $0x1  }
0xd2: {  	[sflag:s0] =	ssyncset.done @!p1 $0x0  }
0xd3: {  	[sflag:s0] =	ssyncadd.s32 @!p1 $0xFFFFFF00  }
0xd4: {  	_ =	sfence.sel $0x180000  }
0xd5: {  	[bflag:$0x0] =	sbarrier.arrive $0xFFFF  }
0xd6: {  	_ =	strace $0x9000004A  }
0xd7: {  	[bflag:$0x2] =	sbarrier.arrive $0xFFFF  }
0xd8: {  	s0 =	rddreg [dreg:$0x2]  }
0xd9: {  	s0 =	sadd.s32 @!p0 $0x100000, s0  }
0xda: {  	[sflag:s0] =	ssyncadd.tile.s32 @!p0 $0x1;
	_ =	shalt  }
.Lfunc_end2:
_tile_overlayer_lowered:
.L_overlay_start_2:
0xdb: {  	(tag) =	ssettag $0x2  }
0xdc: {  	s0 =	rddreg [dreg:$0x0];
	s2 =	stileid.u32  }
0xdd: {  	s1 =	rddreg [dreg:$0x1];
	p0 =	sne.s32 s2, $0x0  }
0xde: {  	s3 =	rddreg [dreg:$0x2];
	[bflag:$0x3] =	sbarrier.arrive $0xFFFF;
	s2 =	simm.s32 @!p0 $0x1C02  }
0xdf: {  	[timem:s3], [sflag:s2] =	dma.local @!p0 [hbm:s0], s1  }
0xe0: {  	s0 =	simm.s32 @!p0 $0x2  }
0xe1: {  	_ =	swait.ge @!p0 [sflag:s0], s1  }
0xe2: {  	s1 =	ssub.s32 @!p0 $0x0, s1;
	[sflag:s0] =	ssyncset.done @!p0 $0x0  }
0xe3: {  	[sflag:s0] =	ssyncadd.s32 @!p0 s1  }
0xe4: {  	[bflag:$0x3] =	sbarrier.arrive $0xFFFF  }
0xe5: {  	_ =	shalt  }

// kernel: kernel.16.cloned.1.call-start
scs
__scs_entry_jumppad:
0x0: {  	(pc) =	sbr.rel $0x88, $3  }
0x1: {  	(tag) =	ssettag $0x0;
	lr =	simm.s32 $0x1  }
0x2: {  	[smem:$0x3F96] =	sst lr;
	_ =	strace $0xD0000000  }
0x3: {  	_ = 	snop  }
0x4: {  	_ = 	snop  }
0x5: {  	_ = 	snop  }
0x6: {  	_ = 	snop  }
0x7: {  	_ = 	snop  }
__scs_overlays_trampoline_lowered:
0x8: {  	[smem:$0x3FA5] =	sst s0  }
0x9: {  	[smem:$0x3FA6] =	sst s1  }
0xa: {  	[smem:$0x3FA7] =	sst s2  }
0xb: {  	[smem:$0x3FA8] =	sst s3  }
0xc: {  	[smem:$0x3FA9] =	sst s4  }
0xd: {  	[smem:$0x3FAA] =	sst s5  }
0xe: {  	[smem:$0x3FAB] =	sst s6  }
0xf: {  	[smem:$0x3FAC] =	sst s7  }
0x10: {  	[smem:$0x3FAD] =	sst s8  }
0x11: {  	[smem:$0x3FAE] =	sst s9;
	s0 =	simm.s32 @!p0 $0x0  }
0x12: {  	s1 =	sld [smem:$0x3F94];
	s0 =	simm.s32 @p0 $0x1  }
0x13: {  	[smem:$0x3FAF] =	sst s0;
	s0 =	simm.s32 @!p1 $0x0  }
0x14: {  	s2 =	sld [smem:$0x3F93];
	s0 =	simm.s32 @p1 $0x1  }
0x15: {  	[smem:$0x3FB0] =	sst s0;
	s0 =	simm.s32 @!p2 $0x0  }
0x16: {  	s3 =	sld [smem:$0x3FDB];
	s0 =	simm.s32 @p2 $0x1  }
0x17: {  	s4 =	simm.s32 $0x1BF5;
	[smem:$0x3FB2] =	sst s0  }
0x18: {  	s0 =	sld [smem:$0x3F95];
	_ =	swait.ge [sflag:s4], $0x0  }
0x19: {  	s7 =	sld [smem:$0x3F96]  }
0x1a: {  	s8 =	sadd.s32 $0xFFFFE003, lr  }
0x1b: {  	s9 =	sadd.s32 $0xFFFFFEF7, lr;
	s5 =	simm.s32 $0xFFFFFFFF;
	p2 =	slt.u32 s8, $0xFFFFF086  }
0x1c: {  	p1 =	slt.u32 s9, $0xF7A;
	s5 =	simm.s32 @!p2 $0x0  }
0x1d: {  	s5 =	simm.s32 @p1 $0x1;
	p0 =	seq.s32 s7, s2  }
0x1e: {  	s7 =	smul.u32 @!p0 $0xF7A, s2;
	p2 =	seq.s32 @!p0 s5, $0x0  }
0x1f: {  	s9 =	smul.u32 $0xF7A, s1;
	s8 =	simm.s32 @!p0 $0x1BF5;
	p2 =	por !p2, p0  }
0x20: {  	[sflag:s8] =	ssyncset.s32 @!p0 $0xFFFFF086;
	s6 =	sadd.s32 @!p0 s3, s7;
	s7 =	simm.s32 @!p0 $0x108  }
0x21: {  	s3 =	sadd.s32 s3, s9;
	s6 =	sadd.s32 @!p0 $0x88, s6;
	s7 =	simm.s32 @p2 $0x1082  }
0x22: {  	[simem:s7], [sflag:s8] =	dma.local @!p0 [hbm:s6], $0xF7A  }
0x23: {  	s9 =	sor.u32 $0xD0000000, s2;
	s6 =	simm.s32 $0x108;
	_ =	swait.ge @!p0 [sflag:s8], $0x0  }
0x24: {  	s3 =	sadd.s32 $0x88, s3;
	s6 =	simm.s32 @!p1 $0x1082;
	[sflag:s4] =	ssyncset.s32 $0xFFFFF086  }
0x25: {  	[simem:s6], [sflag:s4] =	dma.local [hbm:s3], $0xF7A  }
0x26: {  	[smem:$0x3F96] =	sst s1;
	(tag) =	ssettag s2;
	_ =	strace s9  }
0x27: {  	s1 =	sld [smem:$0x3FA6]  }
0x28: {  	s2 =	sld [smem:$0x3FA7]  }
0x29: {  	s4 =	sld [smem:$0x3FA9]  }
0x2a: {  	p0 =	seq.s32 s5, $0x0;
	s5 =	sld [smem:$0x3FAA]  }
0x2b: {  	s6 =	sld [smem:$0x3FAB]  }
0x2c: {  	s7 =	sld [smem:$0x3FAC]  }
0x2d: {  	s3 =	simm.s32 $0x108;
	s8 =	sld [smem:$0x3FAD]  }
0x2e: {  	s3 =	simm.s32 @!p0 $0x1082;
	s9 =	sld [smem:$0x3FAE]  }
0x2f: {  	lr =	sadd.s32 s0, s3;
	s0 =	sld [smem:$0x3FA5]  }
0x30: {  	s3 =	sld [smem:$0x3FA8]  }
0x31: {  	[smem:$0x3FB1] =	sst s10  }
0x32: {  	s10 =	sld [smem:$0x3FAF];
	_ =	sdelay $0x3  }
0x33: {  	p0 =	seq.s32 s10, $0x1;
	s10 =	sld [smem:$0x3FB1];
	_ =	sdelay $0x3  }
0x34: {  	[smem:$0x3FB1] =	sst s10  }
0x35: {  	s10 =	sld [smem:$0x3FB0];
	_ =	sdelay $0x3  }
0x36: {  	p1 =	seq.s32 s10, $0x1;
	s10 =	sld [smem:$0x3FB1];
	_ =	sdelay $0x3  }
0x37: {  	[smem:$0x3FB1] =	sst s10  }
0x38: {  	s10 =	sld [smem:$0x3FB2]  }
0x39: {  	_ = 	snop;
	(pc) =	sbr.ind lr, $3  }
0x3a: {  	_ = 	snop  }
0x3b: {  	_ = 	snop  }
0x3c: {  	p2 =	seq.s32 s10, $0x1;
	s10 =	sld [smem:$0x3FB1]  }
0x3d: {  	_ =	shalt  }
0x3e: {  	_ =	shalt  }
0x3f: {  	_ =	shalt  }
0x40: {  	_ =	shalt  }
0x41: {  	_ =	shalt  }
0x42: {  	_ =	shalt  }
0x43: {  	_ =	shalt  }
0x44: {  	_ =	shalt  }
0x45: {  	_ =	shalt  }
0x46: {  	_ =	shalt  }
0x47: {  	_ =	shalt  }
0x48: {  	_ =	shalt  }
0x49: {  	_ =	shalt  }
0x4a: {  	_ =	shalt  }
0x4b: {  	_ =	shalt  }
0x4c: {  	_ =	shalt  }
0x4d: {  	_ =	shalt  }
0x4e: {  	_ =	shalt  }
0x4f: {  	_ =	shalt  }
0x50: {  	_ =	shalt  }
0x51: {  	_ =	shalt  }
0x52: {  	_ =	shalt  }
0x53: {  	_ =	shalt  }
0x54: {  	_ =	shalt  }
0x55: {  	_ =	shalt  }
0x56: {  	_ =	shalt  }
0x57: {  	_ =	shalt  }
0x58: {  	_ =	shalt  }
0x59: {  	_ =	shalt  }
0x5a: {  	_ =	shalt  }
0x5b: {  	_ =	shalt  }
0x5c: {  	_ =	shalt  }
0x5d: {  	_ =	shalt  }
0x5e: {  	_ =	shalt  }
0x5f: {  	_ =	shalt  }
0x60: {  	_ =	shalt  }
0x61: {  	_ =	shalt  }
0x62: {  	_ =	shalt  }
0x63: {  	_ =	shalt  }
0x64: {  	_ =	shalt  }
0x65: {  	_ =	shalt  }
0x66: {  	_ =	shalt  }
0x67: {  	_ =	shalt  }
0x68: {  	_ =	shalt  }
0x69: {  	_ =	shalt  }
0x6a: {  	_ =	shalt  }
0x6b: {  	_ =	shalt  }
0x6c: {  	_ =	shalt  }
0x6d: {  	_ =	shalt  }
0x6e: {  	_ =	shalt  }
0x6f: {  	_ =	shalt  }
0x70: {  	_ =	shalt  }
0x71: {  	_ =	shalt  }
0x72: {  	_ =	shalt  }
0x73: {  	_ =	shalt  }
0x74: {  	_ =	shalt  }
0x75: {  	_ =	shalt  }
0x76: {  	_ =	shalt  }
0x77: {  	_ =	shalt  }
0x78: {  	_ =	shalt  }
0x79: {  	_ =	shalt  }
0x7a: {  	_ =	shalt  }
0x7b: {  	_ =	shalt  }
0x7c: {  	_ =	shalt  }
0x7d: {  	_ =	shalt  }
0x7e: {  	_ =	shalt  }
0x7f: {  	_ =	shalt  }
0x80: {  	_ =	shalt  }
0x81: {  	_ =	shalt  }
0x82: {  	_ =	shalt  }
0x83: {  	_ =	shalt  }
0x84: {  	_ =	shalt  }
0x85: {  	_ =	shalt  }
0x86: {  	_ =	shalt  }
0x87: {  	_ =	shalt  }
.Lfunc_end0:
.L_simem_size_0:
called_computation.2_lowered:
.L_overlay_start_0:
0x88: {  	s2 =	sld [smem:$0x3FD9]  }
0x89: {  	s3 =	sld [smem:$0x3FFE];
	_ =	sdelay $0x1  }
0x8a: {  	s1 =	srdreg.scid  }
0x8b: {  	s0 =	sand.u32 $0x1, s1  }
0x8c: {  	s16 =	sshll.u32 s0, $0xA;
	s2 =	sadd.s32 s3, s2  }
0x8d: {  	s2 =	sadd.s32 s2, s16  }
0x8e: {  	[smem:$0x3FBD] =	sst s2  }
0x8f: {  	_ = 	snop  }
0x90: {  	(tm) =	ssettm $0x1  }
0x91: {  	s17 =	sld [smem:$0x3FFB];
	_ =	sdelay $0x3  }
0x92: {  	_ =	strace s17  }
0x93: {  	s2 =	sld [smem:$0x3FFC];
	_ =	sdelay $0x3  }
0x94: {  	_ =	strace s2  }
0x95: {  	s2 =	sld [smem:$0x3FFD];
	_ =	sdelay $0x3  }
0x96: {  	_ =	strace s2  }
0x97: {  	_ =	strace $0x8FFFFFFF  }
0x98: {  	s18 =	sld [smem:$0x3FDB];
	_ =	sdelay $0x1  }
0x99: {  	s19 =	simm.s32 $_scs_section_size  }
0x9a: {  	s4 =	simm.s32 $_size__tile_overlayer_lowered;
	s5 =	simm.s32 $_tile_overlayer_lowered  }
0x9b: {  	s22 =	simm.s32 $0x1BFF;
	s21 =	sshll.u32 s5, $0x1;
	s2 =	sadd.s32 s19, s18  }
0x9c: {  	s6 =	simm.s32 $0x0;
	s20 =	sshll.u32 s4, $0x1;
	s4 =	sadd.s32 s21, s2  }
0x9d: {  	[timem:s6], [sflag:s22] =	dma.local [hbm:s4], s20  }
0x9e: {  	_ =	swait.ge [sflag:s22], s20  }
0x9f: {  	s3 =	ssub.s32 $0x0, s20;
	[sflag:s22] =	ssyncset.done $0x0  }
0xa0: {  	[sflag:s22] =	ssyncadd.s32 s3;
	_ =	sdelay $0x1  }
0xa1: {  	s23 =	simm.s32 $0x1B8B  }
0xa2: {  	_ =	swait.ge [sflag:s23], $0x1  }
0xa3: {  	[sflag:s23] =	ssyncset.done $0x0  }
0xa4: {  	s25 =	simm.s32 $0x1B8E;
	s24 =	sld [smem:$0x3FFE];
	[sflag:s23] =	ssyncadd.s32 $0xFFFFFFFF  }
0xa5: {  	s26 =	simm.s32 $execute0_lowered;
	[smem:$0x3FD2] =	sst s25  }
0xa6: {  	s4 =	sshll.u32 s26, $0x1;
	_ =	strace $0x8000004C;
	[dreg:$0x1] =	wrdreg $0xFFFFFFFF  }
0xa7: {  	s28 =	simm.s32 $_size_execute0_lowered;
	s2 =	sadd.s32 s2, s4;
	[dreg:$0x0] =	wrdreg $0x0  }
0xa8: {  	s4 =	sshll.u32 s28, $0x1;
	[dreg:$0x2] =	wrdreg s2  }
0xa9: {  	[dreg:$0x3] =	wrdreg s4  }
0xaa: {  	[dreg:$0x4] =	wrdreg $0xC0  }
0xab: {  	_ =	task [dreg:s6], $0x5FFFF  }
0xac: {  	[dreg:$0x1] =	wrdreg $0xFFFFFFFF  }
0xad: {  	[dreg:$0x0] =	wrdreg $0x60  }
0xae: {  	[dreg:$0x2] =	wrdreg s24  }
0xaf: {  	[dreg:$0x3] =	wrdreg $0x79000  }
0xb0: {  	[dreg:$0x4] =	wrdreg $0x9  }
0xb1: {  	_ =	task.clear_ibuf [dreg:s6], $0x5FFFF;
	_ =	strace $0x9000004C  }
0xb2: {  	s29 =	simm.s32 $0x9;
	_ =	strace $0x8000004E  }
0xb3: {  	_ =	swait.ge [sflag:s29], $0x1  }
0xb4: {  	[sflag:s29] =	ssyncadd.s32 $0xFFFFFFFF  }
0xb5: {  	_ =	strace $0x9000004E  }
0xb6: {  	_ =	sfence  }
0xb7: {  	s30 =	sld [smem:$0x0];
	_ =	sdelay $0x2  }
0xb8: {  	s31 =	sshll.u32 s1, $0xD;
	s1 =	sshrl.u32 s1, $0x2  }
0xb9: {  	s3 =	sand.u32 $0x4000, s31;
	s1 =	sadd.s32 s1, s30  }
0xba: {  	s0 =	sor.u32 s3, s0;
	s1 =	sshll.u32 s1, $0x11  }
0xbb: {  	s0 =	sor.u32 s1, s0  }
0xbc: {  	s0 =	sadd.s32 $0x8F2B, s0  }
0xbd: {  	[sflag:s0] =	ssyncadd.remote.s32 $0x1  }
0xbe: {  	_ =	sfence.sel $0xFFFF  }
0xbf: {  	[dreg:$0x0] =	wrdreg $0xFFFFFFFF;
	(pc) =	sbr.abs _section_cstart, $3  }
0xc0: {  	[dreg:$0x1] =	wrdreg $0xFFFFFFFF  }
0xc1: {  	_ =	task.clear_ibuf [dreg:s6], $0x2FFFF;
	_ =	strace $0x9FFFFFFF  }
0xc2: {  	(tm) =	ssettm $0x7FFFFFFF  }
0xc3: {  	_ =	shalt  }
tec
execute0_lowered:
.L_overlay_start_1:
0x0: {  	(tag) =	ssettag $0x1  }
0x1: {  	s0 =	rddreg [dreg:$0x0]  }
0x2: {  	s1 =	rddreg [dreg:$0x1];
	s2 =	simm.s32 $0x0  }
0x3: {  	s8 =	srdreg.scid;
	s16 =	simm.s32 $0x80;
	s17 =	simm.s32 $0x50  }
0x4: {  	s18 =	simm.s32 $0x100;
	s19 =	simm.s32 $0x2900;
	s20 =	simm.s32 $0x1  }
0x5: {  	s21 =	simm.s32 $0x2;
	s22 =	simm.s32 $0x5100;
	s25 =	simm.s32 $0x0  }
0x6: {  	[smem:$0x7FF] =	sst s2;
	s3 =	sadd.s32 $0xD400, s0;
	s4 =	sadd.s32 $0x3600, s0  }
0x7: {  	s5 =	sadd.s32 $0x17200, s0;
	s6 =	sadd.s32 $0x3E400, s0;
	s7 =	sadd.s32 $0x8C800, s0  }
0x8: {  	s10 =	sand.u32 $0x1, s8;
	s13 =	sadd.s32 $0x1EC200, s0;
	s9 =	sadd.s32 $0x60AE00, s0  }
0x9: {  	s8 =	stileid.u32;
	s24 =	sadd.s32 $0x138000, s1;
	s12 =	smul.u32 $0x138800, s10  }
0xa: {  	_ =	strace $0x8000004D;
	s11 =	ssub.s32 $0x2, s10;
	s15 =	smul.u32 $0x13800, s8  }
0xb: {  	s10 =	sshll.u32 s10, $0x4;
	s31 =	smul.u32 $0x4E000, s8;
	p0 =	sne.s32 s8, $0x0  }
0xc: {  	p1 =	sne.s32 s8, $0xF;
	s14 =	sshrl.u32 s11, $0x1;
	s10 =	sor.u32 s8, s10  }
0xd: {  	s24 =	sshrl.u32 @!p1 s24, $0x3;
	s29 =	ssub.s32 s11, s14;
	s30 =	sadd.s32 s15, s12  }
0xe: {  	s10 =	smul.u32 $0x2710, s10;
	s12 =	sshrl.u32 s12, $0x3;
	s14 =	sshrl.u32 s31, $0x2  }
0xf: {  	s15 =	simm.s32 $0x3;
	s11 =	sshrl.u32 s30, $0x3;
	s12 =	sadd.s32 s13, s12  }
0x10: {  	s23 =	sadd.s32 s14, s1;
	s14 =	sshrl.u32 @!p0 s1, $0x3;
	s11 =	sadd.s32 s13, s11  }
0x11: {  	s12 =	sadd.s32 $0x27000, s12;
	s13 =	smax.u32 s29, $0x1;
	s23 =	sshrl.u32 s23, $0x3  }
.LBB2_1:
0x12: {  	s0 =	simm.s32 @!p0 $0x1C03  }
0x13: {  	[spmem:s14], [sflag:s0] =	dma.local @!p0 [hbm:s7], $0x27100  }
0x14: {  	s0 =	simm.s32 @!p0 $0x3  }
0x15: {  	_ =	swait.ge @!p0 [sflag:s0], $0x27100  }
0x16: {  	[sflag:s0] =	ssyncset.done @!p0 $0x0  }
0x17: {  	[sflag:s0] =	ssyncadd.s32 @!p0 $0xFFFD8F00  }
0x18: {  	s26 =	simm.s32 $0x0;
	[bflag:$0x0] =	sbarrier.arrive $0xFFFF  }
.LBB2_2:
0x19: {  	s0 =	smul.u32 $0x50, s26;
	_ =	sdelay $0x1  }
0x1a: {  	s28 =	sadd.s32 s10, s0  }
0x1b: {  	s0 =	sshrl.u32 s28, $0x3  }
0x1c: {  	s29 =	sadd.s32 s3, s0  }
0x1d: {  	[tilespmem:s2], [sflag:$0x3] =	stream.linear.gather [hbm4b:s29+s2], $0x50, $0x38;
	[tilespmem:$0xA010] =	vst v63  }
0x1e: {  	_ =	swait.ge [sflag:s15], $0x50  }
0x1f: {  	[sflag:s15] =	ssyncset.done $0x0  }
0x20: {  	s0 =	sadd.s32 s4, s0;
	[sflag:s15] =	ssyncadd.s32 $0xFFFFFFB0  }
0x21: {  	[tilespmem:s16], [sflag:$0x3] =	stream.linear.gather [hbm4b:s0+s2], $0x50, $0x38;
	[tilespmem:$0xA010] =	vst v63  }
0x22: {  	_ =	swait.ge [sflag:s15], $0x50  }
0x23: {  	[sflag:s15] =	ssyncset.done $0x0  }
0x24: {  	[sflag:s15] =	ssyncadd.s32 $0xFFFFFFB0  }
0x25: {  	[tilespmem:s18], [sflag:$0x1] =	stream.indirect.gather [hbm4b:s5+s17], $0x80, s2, s17, $0xb8;
	[tilespmem:$0xA010] =	vst v63  }
0x26: {  	_ = 	snop  }
0x27: {  	[tilespmem:s19], [sflag:$0x2] =	stream.indirect.gather [hbm4b:s6+s17], $0x80, s16, s17, $0xb8;
	[tilespmem:$0xA010] =	vst v63  }
0x28: {  	_ =	swait.ge [sflag:s20], $0x2800  }
0x29: {  	[sflag:s20] =	ssyncset.done $0x0  }
0x2a: {  	[sflag:s20] =	ssyncadd.s32 $0xFFFFD800  }
0x2b: {  	_ =	swait.ge [sflag:s21], $0x2800  }
0x2c: {  	[sflag:s21] =	ssyncset.done $0x0  }
0x2d: {  	s0 =	simm.s32 $0x200;
	[sflag:s21] =	ssyncadd.s32 $0xFFFFD800  }
0x2e: {  	s29 =	simm.s32 $0x2A00;
	v0 =	vld [tilespmem:s0+$0x80]  }
0x2f: {  	v1 =	vld [tilespmem:s29+$0x80]  }
0x30: {  	v2 =	vld [tilespmem:s29+$0xFFFFFF00]  }
0x31: {  	v5 =	vld [tilespmem:s0+$0x0]  }
0x32: {  	v6 =	vld [tilespmem:s29+$0x0]  }
0x33: {  	v3 =	vld [tilespmem:s0+$0xFFFFFF80]  }
0x34: {  	v4 =	vld [tilespmem:s29+$0xFFFFFF80];
	s29 =	simm.s32 $0x2C00;
	v0 =	vadd.f32 v1, v0  }
0x35: {  	v9 =	vld [tilespmem:s29+$0x80]  }
0x36: {  	v1 =	vld [tilespmem:s0+$0xFFFFFF00];
	v8 =	vmul.f32 $2.000000030e-01, v0  }
0x37: {  	s0 =	simm.s32 $0x400;
	v5 =	vadd.f32 v6, v5;
	v6 =	vld [tilespmem:s29+$0xFFFFFF80]  }
0x38: {  	v7 =	vld [tilespmem:s0+$0x80];
	v0 =	vmax.f32 v0, v8  }
0x39: {  	v3 =	vadd.f32 v4, v3;
	v4 =	vld [tilespmem:s0+$0xFFFFFF80];
	v0 =	vmul.f32 $1.442695020e+00, v0  }
0x3a: {  	v11 =	vld [tilespmem:s29+$0x0]  }
0x3b: {  	v8 =	vmul.f32 $2.000000030e-01, v3;
	v1 =	vadd.f32 v2, v1;
	v2 =	vld [tilespmem:s0+$0x0];
	(erf) = vpow2.f32 v0  }
0x3c: {  	v10 =	vld [tilespmem:s29+$0xFFFFFF00];
	v0 =	vmul.f32 $2.000000030e-01, v5  }
0x3d: {  	v3 =	vmax.f32 v3, v8;
	v7 =	vadd.f32 v9, v7;
	v9 =	vld [tilespmem:s0+$0xFFFFFF00];
	s0 =	simm.s32 $0x600;
	v8 =	vmul.f32 $2.000000030e-01, v1  }
0x3e: {  	s30 =	simm.s32 $0x2E00;
	v4 =	vadd.f32 v6, v4;
	v3 =	vmul.f32 $1.442695020e+00, v3;
	v12 =	vld [tilespmem:s0+$0x80];
	v0 =	vmax.f32 v5, v0  }
0x3f: {  	v5 =	vmul.f32 $2.000000030e-01, v7;
	v1 =	vmax.f32 v1, v8;
	v8 =	vld [tilespmem:s30+$0x80];
	v0 =	vmul.f32 $1.442695020e+00, v0  }
0x40: {  	(erf) = vpow2.f32 v3;
	v6 =	vmul.f32 $1.442695020e+00, v1;
	v1 =	vld [tilespmem:s30+$0xFFFFFF00];
	v11 =	vadd.f32 v11, v2  }
0x41: {  	v3 =	vmax.f32 v7, v5;
	v7 =	vmul.f32 $2.000000030e-01, v4;
	(erf) = vpow2.f32 v0;
	v0 =	vld [tilespmem:s0+$0xFFFFFF80]  }
0x42: {  	v5 =	vadd.f32 v10, v9;
	v13 =	vmul.f32 $1.442695020e+00, v3;
	v3 =	vld [tilespmem:s30+$0xFFFFFF80]  }
0x43: {  	v2 =	vld [tilespmem:s0+$0x0];
	v10 =	vmul.f32 $2.000000030e-01, v11;
	(erf) = vpow2.f32 v6;
	v6 =	vmax.f32 v4, v7  }
0x44: {  	s29 =	simm.s32 $0x5200;
	v4 =	vld [tilespmem:s30+$0x0];
	v9 =	vmul.f32 $2.000000030e-01, v5;
	(erf) = vpow2.f32 v13;
	v7 =	vadd.f32 v8, v12;
	v63 =	vpop (erf)  }
0x45: {  	s31 =	simm.s32 $0x8;
	v8 =	vmul.f32 $1.442695020e+00, v6;
	v6 =	vld [tilespmem:s0+$0xFFFFFF00];
	s0 =	simm.s32 $0x800;
	v10 =	vmax.f32 v11, v10;
	[tilespmem:s29+$0x80] =	vst v63  }
.LBB2_3:
0x46: {  	v12 =	vmul.f32 $2.000000030e-01, v7  }
0x47: {  	v11 =	vld [tilespmem:s0+$0x80];
	s30 =	sadd.s32 $0x200, s30;
	v16 =	vmax.f32 v5, v9;
	v9 =	vmul.f32 $1.442695020e+00, v10;
	v13 =	vadd.f32 v3, v0  }
0x48: {  	s31 =	sadd.s32 $0x4, s31;
	v10 =	vld [tilespmem:s30+$0x80];
	v14 =	vmul.f32 $1.442695020e+00, v16;
	(erf) = vpow2.f32 v8;
	v3 =	vmax.f32 v7, v12  }
0x49: {  	p2 =	slt.u32 s31, $0x4C;
	v15 =	vld [tilespmem:s30+$0xFFFFFF00];
	(erf) = vpow2.f32 v9;
	v5 =	vpop (erf);
	v7 =	vmul.f32 $2.000000030e-01, v13;
	v12 =	vadd.f32 v4, v2  }
.Ltmp0:
0x4a: {  	v0 =	vld [tilespmem:s0+$0xFFFFFF80];
	v4 =	vmul.f32 $1.442695020e+00, v3;
	[tilespmem:s29+$0xFFFFFF80] =	vst v5;
	v2 =	vpop (erf);
	v5 =	vadd.f32 v1, v6;
	(pc) =	sbr.rel @p2 .LBB2_3-.Ltmp0, $4  }
0x4b: {  	v3 =	vld [tilespmem:s30+$0xFFFFFF80];
	(erf) = vpow2.f32 v14;
	[tilespmem:s29+$0x0] =	vst v2;
	v14 =	vmax.f32 v13, v7;
	v13 =	vmul.f32 $2.000000030e-01, v12  }
0x4c: {  	v2 =	vld [tilespmem:s0+$0x0];
	(erf) = vpow2.f32 v4;
	v6 =	vpop (erf);
	v9 =	vmul.f32 $2.000000030e-01, v5  }
0x4d: {  	v4 =	vld [tilespmem:s30+$0x0];
	v7 =	vadd.f32 v10, v11;
	v8 =	vmul.f32 $1.442695020e+00, v14;
	v1 =	vpop (erf);
	[tilespmem:s29+$0xFFFFFF00] =	vst v6;
	s29 =	sadd.s32 $0x200, s29  }
0x4e: {  	v6 =	vld [tilespmem:s0+$0xFFFFFF00];
	s0 =	sadd.s32 $0x200, s0;
	v10 =	vmax.f32 v12, v13;
	[tilespmem:s29+$0x80] =	vst v1;
	v1 =	vmov v15  }
0x4f: {  	_ =	sdelay $0x1  }
0x50: {  	v11 =	vmul.f32 $2.000000030e-01, v7;
	v5 =	vmax.f32 v5, v9;
	v0 =	vadd.f32 v3, v0  }
0x51: {  	v48 =	vmul.f32 $1.442695020e+00, v10;
	(erf) = vpow2.f32 v8;
	v2 =	vadd.f32 v4, v2  }
0x52: {  	v5 =	vmul.f32 $1.442695020e+00, v5;
	v49 =	vmul.f32 $2.000000030e-01, v0;
	v1 =	vadd.f32 v1, v6  }
0x53: {  	v50 =	vmax.f32 v7, v11;
	(erf) = vpow2.f32 v48;
	v51 =	vmul.f32 $2.000000030e-01, v2  }
0x54: {  	v6 =	vmul.f32 $1.442695020e+00, v50;
	v0 =	vmax.f32 v0, v49;
	v52 =	vmul.f32 $2.000000030e-01, v1  }
0x55: {  	(erf) = vpow2.f32 v5;
	v0 =	vmul.f32 $1.442695020e+00, v0;
	v2 =	vmax.f32 v2, v51  }
0x56: {  	(erf) = vpow2.f32 v6;
	v1 =	vmax.f32 v1, v52;
	v2 =	vmul.f32 $1.442695020e+00, v2  }
0x57: {  	(erf) = vpow2.f32 v0;
	v1 =	vmul.f32 $1.442695020e+00, v1  }
0x58: {  	v53 =	vpop (erf);
	(erf) = vpow2.f32 v2  }
0x59: {  	[tilespmem:s29+$0xFFFFFF80] =	vst v53;
	v54 =	vpop (erf);
	(erf) = vpow2.f32 v1  }
0x5a: {  	[tilespmem:s29+$0x0] =	vst v54;
	v55 =	vpop (erf)  }
0x5b: {  	s0 =	sadd.s32 $0x200, s29;
	v56 =	vpop (erf);
	[tilespmem:s29+$0xFFFFFF00] =	vst v55  }
0x5c: {  	[tilespmem:s0+$0x80] =	vst v56;
	v57 =	vpop (erf)  }
0x5d: {  	[tilespmem:s0+$0xFFFFFF80] =	vst v57;
	v58 =	vpop (erf)  }
0x5e: {  	[tilespmem:s0+$0x0] =	vst v58;
	v59 =	vpop (erf)  }
0x5f: {  	[tilespmem:s0+$0xFFFFFF00] =	vst v59;
	s0 =	sadd.s32 $0x200, s0;
	v60 =	vpop (erf)  }
0x60: {  	[tilespmem:s0+$0x80] =	vst v60;
	v61 =	vpop (erf)  }
0x61: {  	[tilespmem:s0+$0xFFFFFF80] =	vst v61;
	v62 =	vpop (erf)  }
0x62: {  	[tilespmem:s0+$0x0] =	vst v62;
	v63 =	vpop (erf)  }
0x63: {  	[tilespmem:s0+$0xFFFFFF00] =	vst v63  }
0x64: {  	[spmem:s1] =	stream.indirect.scatter.add.f32 [tilespmem:s22], [sflag:$0x3], $0x10, s16, s17, $0xb8;
	[tilespmem:$0xA010] =	vst v63  }
0x65: {  	s26 =	sadd.s32 $0x1, s26;
	_ =	swait.ge [sflag:s15], $0x500  }
0x66: {  	s31 =	sshll.u32 s28, $0x4;
	p2 =	sne.s32 s26, $0x7D;
	[sflag:s15] =	ssyncset.done $0x0  }
.Ltmp1:
0x67: {  	s0 =	sadd.s32 s9, s31;
	[sflag:s15] =	ssyncadd.s32 $0xFFFFFB00;
	(pc) =	sbr.rel @p2 .LBB2_2-.Ltmp1, $4  }
0x68: {  	[hbm4b:s0+s2] =	stream.linear.scatter [tilespmem:s22], [sflag:$0x3], $0x2800, $0x38;
	[tilespmem:$0xA010] =	vst v63  }
0x69: {  	_ =	swait.ge [sflag:s15], $0x2800  }
0x6a: {  	[sflag:s15] =	ssyncset.done $0x0  }
0x6b: {  	[sflag:s15] =	ssyncadd.s32 $0xFFFFD800  }
0x6c: {  	s0 =	sshll.u32 s8, $0x6  }
0x6d: {  	[bflag:$0x0] =	sbarrier.arrive $0xFFFF;
	s0 =	sor.u32 $0x1C03, s0  }
0x6e: {  	[hbm:s11], [sflag:s0] =	dma.local [spmem:s23], $0x2700  }
0x6f: {  	_ =	swait.ge [sflag:s15], $0x2700  }
0x70: {  	s25 =	sadd.s32 $0x1, s25;
	[sflag:s15] =	ssyncset.done $0x0  }
0x71: {  	p2 =	sne.s32 s25, s13;
	[sflag:s15] =	ssyncadd.s32 $0xFFFFD900  }
0x72: {  	[hbm:s12], [sflag:s0] =	dma.local @!p1 [spmem:s24], $0x100  }
.Ltmp2:
0x73: {  	_ = 	snop;
	(pc) =	sbr.rel @p2 .LBB2_1-.Ltmp2, $4  }
0x74: {  	s0 =	simm.s32 @!p1 $0x3  }
0x75: {  	_ =	swait.ge @!p1 [sflag:s0], $0x100  }
0x76: {  	[sflag:s0] =	ssyncset.done @!p1 $0x0  }
0x77: {  	[sflag:s0] =	ssyncadd.s32 @!p1 $0xFFFFFF00  }
0x78: {  	_ =	sfence.sel $0x180000  }
0x79: {  	[bflag:$0x0] =	sbarrier.arrive $0xFFFF  }
0x7a: {  	_ =	strace $0x9000004D  }
0x7b: {  	[bflag:$0x2] =	sbarrier.arrive $0xFFFF  }
0x7c: {  	s0 =	rddreg [dreg:$0x2]  }
0x7d: {  	s0 =	sadd.s32 @!p0 $0x100000, s0  }
0x7e: {  	[sflag:s0] =	ssyncadd.tile.s32 @!p0 $0x1;
	_ =	shalt  }
.Lfunc_end2:
_tile_overlayer_lowered:
.L_overlay_start_2:
0x7f: {  	(tag) =	ssettag $0x2  }
0x80: {  	s0 =	rddreg [dreg:$0x0];
	s2 =	stileid.u32  }
0x81: {  	s1 =	rddreg [dreg:$0x1];
	p0 =	sne.s32 s2, $0x0  }
0x82: {  	s3 =	rddreg [dreg:$0x2];
	[bflag:$0x3] =	sbarrier.arrive $0xFFFF;
	s2 =	simm.s32 @!p0 $0x1C03  }
0x83: {  	[timem:s3], [sflag:s2] =	dma.local @!p0 [hbm:s0], s1  }
0x84: {  	s0 =	simm.s32 @!p0 $0x3  }
0x85: {  	_ =	swait.ge @!p0 [sflag:s0], s1  }
0x86: {  	s1 =	ssub.s32 @!p0 $0x0, s1;
	[sflag:s0] =	ssyncset.done @!p0 $0x0  }
0x87: {  	[sflag:s0] =	ssyncadd.s32 @!p0 s1  }
0x88: {  	[bflag:$0x3] =	sbarrier.arrive $0xFFFF  }
0x89: {  	_ =	shalt  }

// kernel: kernel.19.cloned.1.call-start
scs
__scs_entry_jumppad:
0x0: {  	(pc) =	sbr.rel $0x88, $3  }
0x1: {  	(tag) =	ssettag $0x0;
	lr =	simm.s32 $0x1  }
0x2: {  	[smem:$0x3F96] =	sst lr;
	_ =	strace $0xD0000000  }
0x3: {  	_ = 	snop  }
0x4: {  	_ = 	snop  }
0x5: {  	_ = 	snop  }
0x6: {  	_ = 	snop  }
0x7: {  	_ = 	snop  }
__scs_overlays_trampoline_lowered:
0x8: {  	[smem:$0x3FA5] =	sst s0  }
0x9: {  	[smem:$0x3FA6] =	sst s1  }
0xa: {  	[smem:$0x3FA7] =	sst s2  }
0xb: {  	[smem:$0x3FA8] =	sst s3  }
0xc: {  	[smem:$0x3FA9] =	sst s4  }
0xd: {  	[smem:$0x3FAA] =	sst s5  }
0xe: {  	[smem:$0x3FAB] =	sst s6  }
0xf: {  	[smem:$0x3FAC] =	sst s7  }
0x10: {  	[smem:$0x3FAD] =	sst s8  }
0x11: {  	[smem:$0x3FAE] =	sst s9;
	s0 =	simm.s32 @!p0 $0x0  }
0x12: {  	s1 =	sld [smem:$0x3F94];
	s0 =	simm.s32 @p0 $0x1  }
0x13: {  	[smem:$0x3FAF] =	sst s0;
	s0 =	simm.s32 @!p1 $0x0  }
0x14: {  	s2 =	sld [smem:$0x3F93];
	s0 =	simm.s32 @p1 $0x1  }
0x15: {  	[smem:$0x3FB0] =	sst s0;
	s0 =	simm.s32 @!p2 $0x0  }
0x16: {  	s3 =	sld [smem:$0x3FDB];
	s0 =	simm.s32 @p2 $0x1  }
0x17: {  	s4 =	simm.s32 $0x1BF5;
	[smem:$0x3FB2] =	sst s0  }
0x18: {  	s0 =	sld [smem:$0x3F95];
	_ =	swait.ge [sflag:s4], $0x0  }
0x19: {  	s7 =	sld [smem:$0x3F96]  }
0x1a: {  	s8 =	sadd.s32 $0xFFFFE003, lr  }
0x1b: {  	s9 =	sadd.s32 $0xFFFFFEF7, lr;
	s5 =	simm.s32 $0xFFFFFFFF;
	p2 =	slt.u32 s8, $0xFFFFF086  }
0x1c: {  	p1 =	slt.u32 s9, $0xF7A;
	s5 =	simm.s32 @!p2 $0x0  }
0x1d: {  	s5 =	simm.s32 @p1 $0x1;
	p0 =	seq.s32 s7, s2  }
0x1e: {  	s7 =	smul.u32 @!p0 $0xF7A, s2;
	p2 =	seq.s32 @!p0 s5, $0x0  }
0x1f: {  	s9 =	smul.u32 $0xF7A, s1;
	s8 =	simm.s32 @!p0 $0x1BF5;
	p2 =	por !p2, p0  }
0x20: {  	[sflag:s8] =	ssyncset.s32 @!p0 $0xFFFFF086;
	s6 =	sadd.s32 @!p0 s3, s7;
	s7 =	simm.s32 @!p0 $0x108  }
0x21: {  	s3 =	sadd.s32 s3, s9;
	s6 =	sadd.s32 @!p0 $0x88, s6;
	s7 =	simm.s32 @p2 $0x1082  }
0x22: {  	[simem:s7], [sflag:s8] =	dma.local @!p0 [hbm:s6], $0xF7A  }
0x23: {  	s9 =	sor.u32 $0xD0000000, s2;
	s6 =	simm.s32 $0x108;
	_ =	swait.ge @!p0 [sflag:s8], $0x0  }
0x24: {  	s3 =	sadd.s32 $0x88, s3;
	s6 =	simm.s32 @!p1 $0x1082;
	[sflag:s4] =	ssyncset.s32 $0xFFFFF086  }
0x25: {  	[simem:s6], [sflag:s4] =	dma.local [hbm:s3], $0xF7A  }
0x26: {  	[smem:$0x3F96] =	sst s1;
	(tag) =	ssettag s2;
	_ =	strace s9  }
0x27: {  	s1 =	sld [smem:$0x3FA6]  }
0x28: {  	s2 =	sld [smem:$0x3FA7]  }
0x29: {  	s4 =	sld [smem:$0x3FA9]  }
0x2a: {  	p0 =	seq.s32 s5, $0x0;
	s5 =	sld [smem:$0x3FAA]  }
0x2b: {  	s6 =	sld [smem:$0x3FAB]  }
0x2c: {  	s7 =	sld [smem:$0x3FAC]  }
0x2d: {  	s3 =	simm.s32 $0x108;
	s8 =	sld [smem:$0x3FAD]  }
0x2e: {  	s3 =	simm.s32 @!p0 $0x1082;
	s9 =	sld [smem:$0x3FAE]  }
0x2f: {  	lr =	sadd.s32 s0, s3;
	s0 =	sld [smem:$0x3FA5]  }
0x30: {  	s3 =	sld [smem:$0x3FA8]  }
0x31: {  	[smem:$0x3FB1] =	sst s10  }
0x32: {  	s10 =	sld [smem:$0x3FAF];
	_ =	sdelay $0x3  }
0x33: {  	p0 =	seq.s32 s10, $0x1;
	s10 =	sld [smem:$0x3FB1];
	_ =	sdelay $0x3  }
0x34: {  	[smem:$0x3FB1] =	sst s10  }
0x35: {  	s10 =	sld [smem:$0x3FB0];
	_ =	sdelay $0x3  }
0x36: {  	p1 =	seq.s32 s10, $0x1;
	s10 =	sld [smem:$0x3FB1];
	_ =	sdelay $0x3  }
0x37: {  	[smem:$0x3FB1] =	sst s10  }
0x38: {  	s10 =	sld [smem:$0x3FB2]  }
0x39: {  	_ = 	snop;
	(pc) =	sbr.ind lr, $3  }
0x3a: {  	_ = 	snop  }
0x3b: {  	_ = 	snop  }
0x3c: {  	p2 =	seq.s32 s10, $0x1;
	s10 =	sld [smem:$0x3FB1]  }
0x3d: {  	_ =	shalt  }
0x3e: {  	_ =	shalt  }
0x3f: {  	_ =	shalt  }
0x40: {  	_ =	shalt  }
0x41: {  	_ =	shalt  }
0x42: {  	_ =	shalt  }
0x43: {  	_ =	shalt  }
0x44: {  	_ =	shalt  }
0x45: {  	_ =	shalt  }
0x46: {  	_ =	shalt  }
0x47: {  	_ =	shalt  }
0x48: {  	_ =	shalt  }
0x49: {  	_ =	shalt  }
0x4a: {  	_ =	shalt  }
0x4b: {  	_ =	shalt  }
0x4c: {  	_ =	shalt  }
0x4d: {  	_ =	shalt  }
0x4e: {  	_ =	shalt  }
0x4f: {  	_ =	shalt  }
0x50: {  	_ =	shalt  }
0x51: {  	_ =	shalt  }
0x52: {  	_ =	shalt  }
0x53: {  	_ =	shalt  }
0x54: {  	_ =	shalt  }
0x55: {  	_ =	shalt  }
0x56: {  	_ =	shalt  }
0x57: {  	_ =	shalt  }
0x58: {  	_ =	shalt  }
0x59: {  	_ =	shalt  }
0x5a: {  	_ =	shalt  }
0x5b: {  	_ =	shalt  }
0x5c: {  	_ =	shalt  }
0x5d: {  	_ =	shalt  }
0x5e: {  	_ =	shalt  }
0x5f: {  	_ =	shalt  }
0x60: {  	_ =	shalt  }
0x61: {  	_ =	shalt  }
0x62: {  	_ =	shalt  }
0x63: {  	_ =	shalt  }
0x64: {  	_ =	shalt  }
0x65: {  	_ =	shalt  }
0x66: {  	_ =	shalt  }
0x67: {  	_ =	shalt  }
0x68: {  	_ =	shalt  }
0x69: {  	_ =	shalt  }
0x6a: {  	_ =	shalt  }
0x6b: {  	_ =	shalt  }
0x6c: {  	_ =	shalt  }
0x6d: {  	_ =	shalt  }
0x6e: {  	_ =	shalt  }
0x6f: {  	_ =	shalt  }
0x70: {  	_ =	shalt  }
0x71: {  	_ =	shalt  }
0x72: {  	_ =	shalt  }
0x73: {  	_ =	shalt  }
0x74: {  	_ =	shalt  }
0x75: {  	_ =	shalt  }
0x76: {  	_ =	shalt  }
0x77: {  	_ =	shalt  }
0x78: {  	_ =	shalt  }
0x79: {  	_ =	shalt  }
0x7a: {  	_ =	shalt  }
0x7b: {  	_ =	shalt  }
0x7c: {  	_ =	shalt  }
0x7d: {  	_ =	shalt  }
0x7e: {  	_ =	shalt  }
0x7f: {  	_ =	shalt  }
0x80: {  	_ =	shalt  }
0x81: {  	_ =	shalt  }
0x82: {  	_ =	shalt  }
0x83: {  	_ =	shalt  }
0x84: {  	_ =	shalt  }
0x85: {  	_ =	shalt  }
0x86: {  	_ =	shalt  }
0x87: {  	_ =	shalt  }
.Lfunc_end0:
.L_simem_size_0:
called_computation.3_lowered:
.L_overlay_start_0:
0x88: {  	s2 =	sld [smem:$0x3FD9]  }
0x89: {  	s3 =	sld [smem:$0x3FFE];
	_ =	sdelay $0x1  }
0x8a: {  	s1 =	srdreg.scid  }
0x8b: {  	s0 =	sand.u32 $0x1, s1  }
0x8c: {  	s16 =	sshll.u32 s0, $0xA;
	s2 =	sadd.s32 s3, s2  }
0x8d: {  	s2 =	sadd.s32 s2, s16  }
0x8e: {  	[smem:$0x3FBD] =	sst s2  }
0x8f: {  	_ = 	snop  }
0x90: {  	(tm) =	ssettm $0x1  }
0x91: {  	s17 =	sld [smem:$0x3FFB];
	_ =	sdelay $0x3  }
0x92: {  	_ =	strace s17  }
0x93: {  	s2 =	sld [smem:$0x3FFC];
	_ =	sdelay $0x3  }
0x94: {  	_ =	strace s2  }
0x95: {  	s2 =	sld [smem:$0x3FFD];
	_ =	sdelay $0x3  }
0x96: {  	_ =	strace s2  }
0x97: {  	_ =	strace $0x8FFFFFFF  }
0x98: {  	s18 =	sld [smem:$0x3FDB];
	_ =	sdelay $0x1  }
0x99: {  	s19 =	simm.s32 $_scs_section_size  }
0x9a: {  	s4 =	simm.s32 $_size__tile_overlayer_lowered;
	s5 =	simm.s32 $_tile_overlayer_lowered  }
0x9b: {  	s22 =	simm.s32 $0x1BFF;
	s21 =	sshll.u32 s5, $0x1;
	s2 =	sadd.s32 s19, s18  }
0x9c: {  	s6 =	simm.s32 $0x0;
	s20 =	sshll.u32 s4, $0x1;
	s4 =	sadd.s32 s21, s2  }
0x9d: {  	[timem:s6], [sflag:s22] =	dma.local [hbm:s4], s20  }
0x9e: {  	_ =	swait.ge [sflag:s22], s20  }
0x9f: {  	s3 =	ssub.s32 $0x0, s20;
	[sflag:s22] =	ssyncset.done $0x0  }
0xa0: {  	[sflag:s22] =	ssyncadd.s32 s3;
	_ =	sdelay $0x1  }
0xa1: {  	s23 =	simm.s32 $0x1B8B  }
0xa2: {  	_ =	swait.ge [sflag:s23], $0x1  }
0xa3: {  	[sflag:s23] =	ssyncset.done $0x0  }
0xa4: {  	s25 =	simm.s32 $0x1B8E;
	s24 =	sld [smem:$0x3FFE];
	[sflag:s23] =	ssyncadd.s32 $0xFFFFFFFF  }
0xa5: {  	s26 =	simm.s32 $execute0_lowered;
	[smem:$0x3FD2] =	sst s25  }
0xa6: {  	s4 =	sshll.u32 s26, $0x1;
	_ =	strace $0x8000004F;
	[dreg:$0x1] =	wrdreg $0xFFFFFFFF  }
0xa7: {  	s28 =	simm.s32 $_size_execute0_lowered;
	s2 =	sadd.s32 s2, s4;
	[dreg:$0x0] =	wrdreg $0x0  }
0xa8: {  	s4 =	sshll.u32 s28, $0x1;
	[dreg:$0x2] =	wrdreg s2  }
0xa9: {  	[dreg:$0x3] =	wrdreg s4  }
0xaa: {  	[dreg:$0x4] =	wrdreg $0xC0  }
0xab: {  	_ =	task [dreg:s6], $0x5FFFF  }
0xac: {  	[dreg:$0x1] =	wrdreg $0xFFFFFFFF  }
0xad: {  	[dreg:$0x0] =	wrdreg $0x60  }
0xae: {  	[dreg:$0x2] =	wrdreg s24  }
0xaf: {  	[dreg:$0x3] =	wrdreg $0xB1000  }
0xb0: {  	[dreg:$0x4] =	wrdreg $0x9  }
0xb1: {  	_ =	task.clear_ibuf [dreg:s6], $0x5FFFF;
	_ =	strace $0x9000004F  }
0xb2: {  	s29 =	simm.s32 $0x9;
	_ =	strace $0x80000051  }
0xb3: {  	_ =	swait.ge [sflag:s29], $0x1  }
0xb4: {  	[sflag:s29] =	ssyncadd.s32 $0xFFFFFFFF  }
0xb5: {  	_ =	strace $0x90000051  }
0xb6: {  	_ =	sfence  }
0xb7: {  	s30 =	sld [smem:$0x0];
	_ =	sdelay $0x2  }
0xb8: {  	s31 =	sshll.u32 s1, $0xD;
	s1 =	sshrl.u32 s1, $0x2  }
0xb9: {  	s3 =	sand.u32 $0x4000, s31;
	s1 =	sadd.s32 s1, s30  }
0xba: {  	s0 =	sor.u32 s3, s0;
	s1 =	sshll.u32 s1, $0x11  }
0xbb: {  	s0 =	sor.u32 s1, s0  }
0xbc: {  	s0 =	sadd.s32 $0x8F2B, s0  }
0xbd: {  	[sflag:s0] =	ssyncadd.remote.s32 $0x1  }
0xbe: {  	_ =	sfence.sel $0xFFFF  }
0xbf: {  	[dreg:$0x0] =	wrdreg $0xFFFFFFFF;
	(pc) =	sbr.abs _section_cstart, $3  }
0xc0: {  	[dreg:$0x1] =	wrdreg $0xFFFFFFFF  }
0xc1: {  	_ =	task.clear_ibuf [dreg:s6], $0x2FFFF;
	_ =	strace $0x9FFFFFFF  }
0xc2: {  	(tm) =	ssettm $0x7FFFFFFF  }
0xc3: {  	_ =	shalt  }
tec
execute0_lowered:
.L_overlay_start_1:
0x0: {  	(tag) =	ssettag $0x1  }
0x1: {  	s0 =	rddreg [dreg:$0x0]  }
0x2: {  	s7 =	rddreg [dreg:$0x1];
	s8 =	simm.s32 $0x0;
	s1 =	srdreg.scid  }
0x3: {  	s11 =	stileid.u32;
	[smem:$0x7FF] =	sst s8;
	s6 =	sadd.s32 $0xD400, s0  }
0x4: {  	s9 =	sadd.s32 $0x3600, s0;
	s10 =	sadd.s32 $0x60AE00, s0;
	s2 =	sadd.s32 $0x65600, s0  }
0x5: {  	s3 =	sadd.s32 $0xB3A00, s0;
	_ =	strace $0x80000050;
	[dreg:$0x1f] =	wrdreg s2  }
0x6: {  	s1 =	sand.u32 $0x1, s1;
	s4 =	sadd.s32 $0x5E3C00, s0;
	[smem:$0x7EF] =	sst s3  }
0x7: {  	s19 =	sadd.s32 $0x1EC200, s0;
	s20 =	sadd.s32 $0xB3B00, s0;
	[smem:$0x7F0] =	sst s4  }
0x8: {  	s21 =	sadd.s32 $0xB3C00, s0;
	s24 =	smul.u32 $0x13800, s11;
	[smem:$0x7F1] =	sst s20  }
0x9: {  	s0 =	sadd.s32 $0xB3D00, s0;
	s25 =	smul.u32 $0x4E000, s11;
	[smem:$0x7F2] =	sst s21  }
0xa: {  	p0 =	sne.s32 s11, $0x0;
	p1 =	sne.s32 s11, $0xF;
	[smem:$0x7F4] =	sst s0  }
0xb: {  	s16 =	sshll.u32 s1, $0x4;
	s17 =	ssub.s32 $0x2, s1;
	[dreg:$0x1c] =	wrdreg s6  }
0xc: {  	s1 =	smul.u32 $0x138800, s1;
	[dreg:$0x1d] =	wrdreg s9;
	s2 =	sor.u32 s11, s16  }
0xd: {  	[dreg:$0x1e] =	wrdreg s10;
	s18 =	sshrl.u32 s17, $0x1;
	s5 =	smul.u32 $0x2710, s2  }
0xe: {  	s28 =	sadd.s32 s24, s1;
	s1 =	sshrl.u32 s1, $0x3;
	s2 =	sshrl.u32 @!p0 s7, $0x3  }
0xf: {  	s3 =	ssub.s32 s17, s18;
	s1 =	sadd.s32 s19, s1;
	[smem:$0x7FB] =	sst s2  }
0x10: {  	s31 =	smax.u32 s3, $0x1;
	[smem:$0x7F3] =	sst s5;
	s22 =	sadd.s32 $0x2700, s5  }
0x11: {  	s1 =	sadd.s32 $0x27000, s1;
	[smem:$0x7FA] =	sst s31;
	s23 =	sshrl.u32 s22, $0x3  }
0x12: {  	s29 =	sshrl.u32 s25, $0x2;
	[smem:$0x7F9] =	sst s1;
	s6 =	sadd.s32 s6, s23  }
0x13: {  	s4 =	sshll.u32 s22, $0x4;
	s0 =	sadd.s32 s9, s23;
	[smem:$0x7F5] =	sst s6  }
0x14: {  	s26 =	sadd.s32 s10, s4;
	[smem:$0x7F6] =	sst s0;
	s0 =	sshrl.u32 s28, $0x3  }
0x15: {  	s30 =	sadd.s32 s29, s7;
	[smem:$0x7F7] =	sst s26;
	s0 =	sadd.s32 s19, s0  }
0x16: {  	v2 =	vlaneseq.u32;
	s1 =	sadd.s32 $0x138000, s7;
	[smem:$0x7F8] =	sst s0;
	s0 =	sshrl.u32 s30, $0x3  }
0x17: {  	vm0 =	vmmov $0xffff;
	v1 =	vshrl.u32 v2, $0x3;
	[smem:$0x7FC] =	sst s0;
	s0 =	sshrl.u32 @!p1 s1, $0x3  }
0x18: {  	v0 =	vand.u32 $0x7, v2;
	v2 =	vor.u32 $0x8, v2;
	v1 =	vmul.u32 $0x8, v1;
	s5 =	simm.s32 $0x20;
	s4 =	simm.s32 $0x3;
	[smem:$0x7FD] =	sst s0  }
.LBB2_1:
0x19: {  	s1 =	sld [smem:$0x7F0]  }
0x1a: {  	s2 =	sld [smem:$0x7FB];
	_ =	sdelay $0x1  }
0x1b: {  	[dreg:$0x1b] =	wrdreg s8;
	s0 =	simm.s32 @!p0 $0x1C03  }
0x1c: {  	[spmem:s2], [sflag:s0] =	dma.local @!p0 [hbm:s1], $0x27100  }
0x1d: {  	s0 =	simm.s32 @!p0 $0x3  }
0x1e: {  	_ =	swait.ge @!p0 [sflag:s0], $0x27100  }
0x1f: {  	[sflag:s0] =	ssyncset.done @!p0 $0x0  }
0x20: {  	[sflag:s0] =	ssyncadd.s32 @!p0 $0xFFFD8F00  }
0x21: {  	s0 =	simm.s32 $0x0;
	[bflag:$0x0] =	sbarrier.arrive $0xFFFF  }
.LBB2_2:
0x22: {  	s1 =	sld [smem:$0x7F3];
	_ =	sdelay $0x1  }
0x23: {  	s2 =	sshll.u32 s0, $0x5  }
0x24: {  	s1 =	sadd.s32 s1, s2  }
0x25: {  	s3 =	rddreg [dreg:$0x1c];
	s2 =	sshrl.u32 s1, $0x3  }
0x26: {  	[smem:$0x7EE] =	sst s0;
	s0 =	simm.s32 $0x0;
	s3 =	sadd.s32 s3, s2  }
0x27: {  	[tilespmem:s0], [sflag:$0x3] =	stream.linear.gather [hbm4b:s3+s0], $0x20, $0x38;
	[tilespmem:$0x1E980] =	vst v63  }
0x28: {  	_ =	swait.ge [sflag:s4], $0x20  }
0x29: {  	[sflag:s4] =	ssyncset.done $0x0;
	s6 =	rddreg [dreg:$0x1d]  }
0x2a: {  	s7 =	simm.s32 $0x80;
	[sflag:s4] =	ssyncadd.s32 $0xFFFFFFE0;
	s2 =	sadd.s32 s6, s2  }
0x2b: {  	[tilespmem:s7], [sflag:$0x3] =	stream.linear.gather [hbm4b:s2+s0], $0x20, $0x38;
	[tilespmem:$0x1E980] =	vst v63  }
0x2c: {  	_ =	swait.ge [sflag:s4], $0x20  }
0x2d: {  	s1 =	sshll.u32 s1, $0x4;
	[sflag:s4] =	ssyncset.done $0x0;
	s8 =	rddreg [dreg:$0x1e]  }
0x2e: {  	s9 =	simm.s32 $0x100;
	[sflag:s4] =	ssyncadd.s32 $0xFFFFFFE0;
	s1 =	sadd.s32 s8, s1  }
0x2f: {  	[tilespmem:s9], [sflag:$0x3] =	stream.linear.gather [hbm4b:s1+s0], $0x1000, $0x38;
	[tilespmem:$0x1E980] =	vst v63  }
0x30: {  	_ =	swait.ge [sflag:s4], $0x1000  }
0x31: {  	[sflag:s4] =	ssyncset.done $0x0  }
0x32: {  	s11 =	simm.s32 $0x1100;
	s10 =	rddreg [dreg:$0x1f];
	[sflag:s4] =	ssyncadd.s32 $0xFFFFF000  }
0x33: {  	[tilespmem:s11], [sflag:$0x2] =	stream.indirect.gather [hbm4b:s10+s5], $0x80, s7, s5, $0xb8;
	[tilespmem:$0x1E980] =	vst v63  }
0x34: {  	v3 =	vld [tilespmem:$0x0];
	_ =	sdelay $0x4  }
0x35: {  	v4 =	vshll.u32 v3, $0x3  }
0x36: {  	v3 =	vand.u32 $0x7, v3;
	v4 =	vand.u32 $0xFFFFFFC0, v4  }
0x37: {  	v3 =	vor.u32 v3, v4  }
0x38: {  	v4 =	vperm.xlane v3, v0;
	_ =	sdelay $0x1  }
0x39: {  	v4 =	vadd.s32 v1, v4;
	_ =	sdelay $0x1  }
0x3a: {  	s12 =	sld [smem:$0x7EF];
	_ =	sdelay $0x1  }
0x3b: {  	s13 =	simm.s32 $0x2100;
	s14 =	sld [smem:$0x7F1]  }
0x3c: {  	[tilespmem:s13], [sflag:$0x1] =	stream.indirect_vreg.gather [hbm4b:s12+s0], $0x80, v4, vm0, $0xb8;
	[tilespmem:$0x1E980] =	vst v63  }
0x3d: {  	s15 =	simm.s32 $0x2900;
	s16 =	sld [smem:$0x7F2];
	v3 =	vperm.xlane v3, v2  }
0x3e: {  	[tilespmem:s15], [sflag:$0x1] =	stream.indirect_vreg.gather [hbm4b:s14+s0], $0x80, v4, vm0, $0xb8;
	[tilespmem:$0x1E980] =	vst v63  }
0x3f: {  	s17 =	simm.s32 $0x3100;
	s18 =	sld [smem:$0x7F4];
	v3 =	vadd.s32 v1, v3  }
0x40: {  	[tilespmem:s17], [sflag:$0x1] =	stream.indirect_vreg.gather [hbm4b:s16+s0], $0x80, v4, vm0, $0xb8;
	[tilespmem:$0x1E980] =	vst v63  }
0x41: {  	s19 =	simm.s32 $0x3900  }
0x42: {  	[tilespmem:s19], [sflag:$0x1] =	stream.indirect_vreg.gather [hbm4b:s18+s0], $0x80, v4, vm0, $0xb8;
	[tilespmem:$0x1E980] =	vst v63  }
0x43: {  	s20 =	simm.s32 $0x4100  }
0x44: {  	[tilespmem:s20], [sflag:$0x1] =	stream.indirect_vreg.gather [hbm4b:s12+s0], $0x80, v3, vm0, $0xb8;
	[tilespmem:$0x1E980] =	vst v63  }
0x45: {  	s21 =	simm.s32 $0x4900  }
0x46: {  	[tilespmem:s21], [sflag:$0x1] =	stream.indirect_vreg.gather [hbm4b:s14+s0], $0x80, v3, vm0, $0xb8;
	[tilespmem:$0x1E980] =	vst v63  }
0x47: {  	s22 =	simm.s32 $0x5100  }
0x48: {  	[tilespmem:s22], [sflag:$0x1] =	stream.indirect_vreg.gather [hbm4b:s16+s0], $0x80, v3, vm0, $0xb8;
	[tilespmem:$0x1E980] =	vst v63  }
0x49: {  	s23 =	simm.s32 $0x5900  }
0x4a: {  	[tilespmem:s23], [sflag:$0x1] =	stream.indirect_vreg.gather [hbm4b:s18+s0], $0x80, v3, vm0, $0xb8;
	[tilespmem:$0x1E980] =	vst v63  }
0x4b: {  	v3 =	vld [tilespmem:$0x10];
	_ =	sdelay $0x4  }
0x4c: {  	v4 =	vshll.u32 v3, $0x3  }
0x4d: {  	v3 =	vand.u32 $0x7, v3;
	v4 =	vand.u32 $0xFFFFFFC0, v4  }
0x4e: {  	v3 =	vor.u32 v3, v4  }
0x4f: {  	v4 =	vperm.xlane v3, v0;
	_ =	sdelay $0x1  }
0x50: {  	v4 =	vadd.s32 v1, v4;
	_ =	sdelay $0x3  }
0x51: {  	s24 =	simm.s32 $0x6100  }
0x52: {  	[tilespmem:s24], [sflag:$0x1] =	stream.indirect_vreg.gather [hbm4b:s12+s0], $0x80, v4, vm0, $0xb8;
	[tilespmem:$0x1E980] =	vst v63  }
0x53: {  	s25 =	simm.s32 $0x6900;
	v3 =	vperm.xlane v3, v2  }
0x54: {  	[tilespmem:s25], [sflag:$0x1] =	stream.indirect_vreg.gather [hbm4b:s14+s0], $0x80, v4, vm0, $0xb8;
	[tilespmem:$0x1E980] =	vst v63  }
0x55: {  	s26 =	simm.s32 $0x7100;
	v3 =	vadd.s32 v1, v3  }
0x56: {  	[tilespmem:s26], [sflag:$0x1] =	stream.indirect_vreg.gather [hbm4b:s16+s0], $0x80, v4, vm0, $0xb8;
	[tilespmem:$0x1E980] =	vst v63  }
0x57: {  	s6 =	simm.s32 $0x7900  }
0x58: {  	[tilespmem:s6], [sflag:$0x1] =	stream.indirect_vreg.gather [hbm4b:s18+s0], $0x80, v4, vm0, $0xb8;
	[tilespmem:$0x1E980] =	vst v63  }
0x59: {  	s7 =	simm.s32 $0x8100  }
0x5a: {  	[tilespmem:s7], [sflag:$0x1] =	stream.indirect_vreg.gather [hbm4b:s12+s0], $0x80, v3, vm0, $0xb8;
	[tilespmem:$0x1E980] =	vst v63  }
0x5b: {  	s8 =	simm.s32 $0x8900  }
0x5c: {  	[tilespmem:s8], [sflag:$0x1] =	stream.indirect_vreg.gather [hbm4b:s14+s0], $0x80, v3, vm0, $0xb8;
	[tilespmem:$0x1E980] =	vst v63  }
0x5d: {  	s9 =	simm.s32 $0x9100  }
0x5e: {  	[tilespmem:s9], [sflag:$0x1] =	stream.indirect_vreg.gather [hbm4b:s16+s0], $0x80, v3, vm0, $0xb8;
	[tilespmem:$0x1E980] =	vst v63  }
0x5f: {  	s10 =	simm.s32 $0x9900;
	s11 =	simm.s32 $0x2  }
0x60: {  	[tilespmem:s10], [sflag:$0x1] =	stream.indirect_vreg.gather [hbm4b:s18+s0], $0x80, v3, vm0, $0xb8;
	[tilespmem:$0x1E980] =	vst v63  }
0x61: {  	_ =	swait.ge [sflag:s11], $0x1000  }
0x62: {  	[sflag:s11] =	ssyncset.done $0x0  }
0x63: {  	s12 =	simm.s32 $0x1;
	[sflag:s11] =	ssyncadd.s32 $0xFFFFF000  }
0x64: {  	_ =	swait.ge [sflag:s12], $0x8000  }
0x65: {  	[sflag:s12] =	ssyncset.done $0x0  }
0x66: {  	s13 =	simm.s32 $0x1180;
	[sflag:s12] =	ssyncadd.s32 $0xFFFF8000  }
0x67: {  	v3 =	vld [tilespmem:s13+$0x0];
	_ =	sdelay $0x4  }
0x68: {  	v3 =	vmul.f32 $8.000000000e+00, v3;
	_ =	sdelay $0x1  }
0x69: {  	(erf) = vrcp.f32 v3;
	_ =	sdelay $0x3  }
0x6a: {  	s14 =	simm.s32 $0x180  }
0x6b: {  	s15 =	sand.u32 $0x6000, s0;
	s16 =	simm.s32 $0x80;
	v3 =	vld [tilespmem:s14+$0x0]  }
0x6c: {  	s17 =	sadd.s32 $0x2100, s15;
	s18 =	sand.u32 $0x380, s16  }
0x6d: {  	s3 =	sadd.s32 s18, s17  }
0x6e: {  	v4 =	vld [tilespmem:s3+$0x0]  }
0x6f: {  	v5 =	vld [tilespmem:s3+$0x400];
	v6 =	vpop (erf)  }
0x70: {  	v3 =	vmul.f32 v6, v3  }
0x71: {  	v6 =	vld [tilespmem:s3+$0x800]  }
0x72: {  	v7 =	vld [tilespmem:s13+$0xFFFFFF80];
	v32 =	vbroadcast v3, $0x0;
	v33 =	vbroadcast v3, $0x1  }
0x73: {  	v8 =	vld [tilespmem:s3+$0xC00];
	v31 =	vbroadcast v3, $0x2  }
0x74: {  	v4 =	vmul.f32 v32, v4;
	v5 =	vmul.f32 v33, v5  }
0x75: {  	s19 =	sand.u32 $0x7, s0;
	v9 =	vld [tilespmem:s3+$0x1000]  }
0x76: {  	s1 =	sshll.u32 s19, $0x7;
	v34 =	vbroadcast v3, $0x3;
	v4 =	vadd.f32 v5, v4;
	v5 =	vmul.f32 v31, v6  }
0x77: {  	s4 =	sadd.s32 $0x80, s1;
	v6 =	vmul.f32 $8.000000000e+00, v7;
	v7 =	vld [tilespmem:s3+$0x1400]  }
0x78: {  	s1 =	sor.u32 $0x1800, s4;
	v30 =	vbroadcast v3, $0x4;
	v4 =	vadd.f32 v4, v5;
	v5 =	vmul.f32 v8, v34  }
0x79: {  	(erf) = vrcp.f32 v6;
	v6 =	vld [tilespmem:s1+$0x2100]  }
0x7a: {  	s20 =	sor.u32 $0x1C00, s4;
	v29 =	vbroadcast v3, $0x5;
	v8 =	vmul.f32 v9, v30;
	v4 =	vadd.f32 v4, v5  }
0x7b: {  	v5 =	vld [tilespmem:s20+$0x2100]  }
0x7c: {  	v28 =	vbroadcast v3, $0x6;
	v7 =	vmul.f32 v7, v29;
	v4 =	vadd.f32 v4, v8;
	_ =	sdelay $0x1  }
0x7d: {  	v27 =	vbroadcast v3, $0x7;
	v6 =	vmul.f32 v6, v28;
	v3 =	vadd.f32 v4, v7  }
0x7e: {  	v8 =	vld [tilespmem:s14+$0xFFFFFF80]  }
0x7f: {  	s21 =	sand.u32 $0x300, s0;
	v4 =	vmul.f32 v5, v27;
	v3 =	vadd.f32 v3, v6  }
0x80: {  	s20 =	sadd.s32 s21, s17  }
0x81: {  	v5 =	vld [tilespmem:s20+$0x0];
	v3 =	vadd.f32 v3, v4  }
0x82: {  	s7 =	simm.s32 $0xA180;
	v6 =	vpop (erf);
	v4 =	vld [tilespmem:s20+$0x400]  }
0x83: {  	v7 =	vld [tilespmem:s20+$0x800];
	v8 =	vmul.f32 v6, v8;
	[tilespmem:s7+$0x0] =	vst v3  }
0x84: {  	v11 =	vld [tilespmem:s3+$0x10]  }
0x85: {  	v9 =	vbroadcast v8, $0x0;
	v10 =	vbroadcast v8, $0x1;
	v12 =	vld [tilespmem:s3+$0x410]  }
0x86: {  	v13 =	vld [tilespmem:s20+$0xC00];
	v6 =	vbroadcast v8, $0x2  }
0x87: {  	v14 =	vld [tilespmem:s3+$0x810];
	v5 =	vmul.f32 v9, v5;
	v4 =	vmul.f32 v10, v4  }
0x88: {  	s0 =	sand.u32 $0x3, s0;
	v15 =	vld [tilespmem:s20+$0x1000]  }
0x89: {  	s0 =	sshll.u32 s0, $0x8;
	v3 =	vbroadcast v8, $0x3;
	v16 =	vld [tilespmem:s3+$0xC10];
	v7 =	vmul.f32 v6, v7;
	v5 =	vadd.f32 v4, v5  }
0x8a: {  	s0 =	sadd.s32 $0x0, s0;
	v17 =	vld [tilespmem:s20+$0x1400];
	v11 =	vmul.f32 v11, v32;
	v12 =	vmul.f32 v12, v33  }
0x8b: {  	s22 =	sor.u32 $0x1800, s0;
	v18 =	vld [tilespmem:s3+$0x1010];
	v13 =	vmul.f32 v13, v3;
	v4 =	vbroadcast v8, $0x4;
	v7 =	vadd.f32 v5, v7  }
0x8c: {  	v19 =	vld [tilespmem:s22+$0x2100];
	v11 =	vadd.f32 v12, v11;
	v12 =	vmul.f32 v14, v31  }
0x8d: {  	s23 =	sor.u32 $0x1C00, s0;
	v5 =	vbroadcast v8, $0x5;
	v14 =	vmul.f32 v15, v4;
	v15 =	vld [tilespmem:s3+$0x1410];
	v13 =	vadd.f32 v7, v13  }
0x8e: {  	s24 =	sor.u32 $0x1810, s4;
	v20 =	vld [tilespmem:s23+$0x2100];
	v11 =	vadd.f32 v12, v11;
	v12 =	vmul.f32 v16, v34  }
0x8f: {  	v7 =	vbroadcast v8, $0x6;
	v16 =	vmul.f32 v17, v5;
	v13 =	vadd.f32 v13, v14;
	v14 =	vld [tilespmem:s24+$0x2100]  }
0x90: {  	s25 =	sor.u32 $0x1C10, s4;
	v17 =	vmul.f32 v18, v30;
	v11 =	vadd.f32 v12, v11  }
0x91: {  	v8 =	vbroadcast v8, $0x7;
	v12 =	vmul.f32 v19, v7;
	v13 =	vadd.f32 v13, v16;
	v16 =	vld [tilespmem:s25+$0x2100]  }
0x92: {  	v15 =	vmul.f32 v15, v29;
	v11 =	vadd.f32 v17, v11  }
0x93: {  	v17 =	vmul.f32 v20, v8;
	v12 =	vadd.f32 v13, v12  }
0x94: {  	v13 =	vmul.f32 v14, v28;
	v11 =	vadd.f32 v15, v11  }
0x95: {  	v12 =	vadd.f32 v12, v17  }
0x96: {  	v14 =	vmul.f32 v16, v27;
	v11 =	vadd.f32 v13, v11  }
0x97: {  	[tilespmem:s7+$0xFFFFFF80] =	vst v12  }
0x98: {  	v12 =	vld [tilespmem:s20+$0x10];
	v11 =	vadd.f32 v14, v11  }
0x99: {  	v13 =	vld [tilespmem:s20+$0x410]  }
0x9a: {  	v14 =	vld [tilespmem:s20+$0x810];
	[tilespmem:s7+$0x10] =	vst v11  }
0x9b: {  	v11 =	vld [tilespmem:s3+$0x20]  }
0x9c: {  	v15 =	vld [tilespmem:s3+$0x420]  }
0x9d: {  	v16 =	vld [tilespmem:s20+$0xC10]  }
0x9e: {  	v17 =	vld [tilespmem:s3+$0x820];
	v12 =	vmul.f32 v12, v9;
	v13 =	vmul.f32 v13, v10  }
0x9f: {  	v18 =	vld [tilespmem:s20+$0x1010]  }
0xa0: {  	v12 =	vadd.f32 v13, v12;
	v13 =	vmul.f32 v14, v6;
	v14 =	vld [tilespmem:s3+$0xC20]  }
0xa1: {  	v19 =	vld [tilespmem:s20+$0x1410];
	v11 =	vmul.f32 v11, v32;
	v15 =	vmul.f32 v15, v33  }
0xa2: {  	s26 =	sor.u32 $0x1810, s0;
	v12 =	vadd.f32 v13, v12;
	v13 =	vmul.f32 v16, v3;
	v16 =	vld [tilespmem:s3+$0x1020]  }
0xa3: {  	v20 =	vld [tilespmem:s26+$0x2100];
	v11 =	vadd.f32 v15, v11;
	v15 =	vmul.f32 v17, v31  }
0xa4: {  	s2 =	sor.u32 $0x1C10, s0;
	v17 =	vmul.f32 v18, v4;
	v12 =	vadd.f32 v13, v12;
	v13 =	vld [tilespmem:s3+$0x1420]  }
0xa5: {  	s5 =	sor.u32 $0x1820, s4;
	v18 =	vld [tilespmem:s2+$0x2100];
	v11 =	vadd.f32 v15, v11;
	v14 =	vmul.f32 v14, v34  }
0xa6: {  	v15 =	vmul.f32 v19, v5;
	v12 =	vadd.f32 v17, v12;
	v17 =	vld [tilespmem:s5+$0x2100]  }
0xa7: {  	s6 =	sor.u32 $0x1C20, s4;
	v11 =	vadd.f32 v14, v11;
	v14 =	vmul.f32 v16, v30  }
0xa8: {  	v16 =	vmul.f32 v20, v7;
	v12 =	vadd.f32 v15, v12;
	v15 =	vld [tilespmem:s6+$0x2100]  }
0xa9: {  	v11 =	vadd.f32 v14, v11;
	v13 =	vmul.f32 v13, v29  }
0xaa: {  	v14 =	vmul.f32 v18, v8;
	v12 =	vadd.f32 v16, v12  }
0xab: {  	v11 =	vadd.f32 v13, v11;
	v13 =	vmul.f32 v17, v28  }
0xac: {  	v12 =	vadd.f32 v14, v12  }
0xad: {  	v11 =	vadd.f32 v13, v11;
	v13 =	vmul.f32 v15, v27  }
0xae: {  	[tilespmem:s7+$0xFFFFFF90] =	vst v12  }
0xaf: {  	v12 =	vld [tilespmem:s20+$0x20];
	v11 =	vadd.f32 v13, v11  }
0xb0: {  	v13 =	vld [tilespmem:s20+$0x420]  }
0xb1: {  	v14 =	vld [tilespmem:s20+$0x820];
	[tilespmem:s7+$0x20] =	vst v11  }
0xb2: {  	v11 =	vld [tilespmem:s3+$0x30]  }
0xb3: {  	v15 =	vld [tilespmem:s3+$0x430]  }
0xb4: {  	v16 =	vld [tilespmem:s20+$0xC20]  }
0xb5: {  	v17 =	vld [tilespmem:s3+$0x830];
	v12 =	vmul.f32 v12, v9;
	v13 =	vmul.f32 v13, v10  }
0xb6: {  	v18 =	vld [tilespmem:s20+$0x1020]  }
0xb7: {  	v14 =	vmul.f32 v14, v6;
	v12 =	vadd.f32 v13, v12;
	v13 =	vld [tilespmem:s3+$0xC30]  }
0xb8: {  	v19 =	vld [tilespmem:s20+$0x1420];
	v11 =	vmul.f32 v11, v32;
	v15 =	vmul.f32 v15, v33  }
0xb9: {  	s8 =	sor.u32 $0x1820, s0;
	v16 =	vmul.f32 v16, v3;
	v12 =	vadd.f32 v14, v12;
	v14 =	vld [tilespmem:s3+$0x1030]  }
0xba: {  	v20 =	vld [tilespmem:s8+$0x2100];
	v11 =	vadd.f32 v15, v11;
	v15 =	vmul.f32 v17, v31  }
0xbb: {  	s9 =	sor.u32 $0x1C20, s0;
	v17 =	vmul.f32 v18, v4;
	v12 =	vadd.f32 v16, v12;
	v16 =	vld [tilespmem:s3+$0x1430]  }
0xbc: {  	s10 =	sor.u32 $0x1830, s4;
	v18 =	vld [tilespmem:s9+$0x2100];
	v11 =	vadd.f32 v15, v11;
	v13 =	vmul.f32 v13, v34  }
0xbd: {  	v15 =	vmul.f32 v19, v5;
	v12 =	vadd.f32 v17, v12;
	v17 =	vld [tilespmem:s10+$0x2100]  }
0xbe: {  	s11 =	sor.u32 $0x1C30, s4;
	v11 =	vadd.f32 v13, v11;
	v13 =	vmul.f32 v14, v30  }
0xbf: {  	v12 =	vadd.f32 v15, v12;
	v15 =	vld [tilespmem:s11+$0x2100]  }
0xc0: {  	v14 =	vmul.f32 v20, v7;
	v11 =	vadd.f32 v13, v11;
	v13 =	vmul.f32 v16, v29  }
0xc1: {  	v16 =	vmul.f32 v18, v8  }
0xc2: {  	v12 =	vadd.f32 v14, v12;
	v11 =	vadd.f32 v13, v11;
	v13 =	vmul.f32 v17, v28;
	_ =	sdelay $0x1  }
0xc3: {  	v12 =	vadd.f32 v16, v12;
	v11 =	vadd.f32 v13, v11;
	v13 =	vmul.f32 v15, v27;
	_ =	sdelay $0x1  }
0xc4: {  	[tilespmem:s7+$0xFFFFFFA0] =	vst v12;
	v11 =	vadd.f32 v13, v11  }
0xc5: {  	v12 =	vld [tilespmem:s20+$0x30]  }
0xc6: {  	v13 =	vld [tilespmem:s20+$0x430];
	[tilespmem:s7+$0x30] =	vst v11  }
0xc7: {  	v11 =	vld [tilespmem:s3+$0x40]  }
0xc8: {  	v15 =	vld [tilespmem:s3+$0x440]  }
0xc9: {  	v16 =	vld [tilespmem:s20+$0xC30]  }
0xca: {  	v17 =	vld [tilespmem:s3+$0x840]  }
0xcb: {  	v14 =	vld [tilespmem:s20+$0x830];
	v12 =	vmul.f32 v12, v9;
	v13 =	vmul.f32 v13, v10  }
0xcc: {  	v19 =	vld [tilespmem:s3+$0xC40]  }
0xcd: {  	v12 =	vadd.f32 v13, v12;
	v11 =	vmul.f32 v11, v32;
	v13 =	vmul.f32 v15, v33  }
0xce: {  	v15 =	vmul.f32 v16, v3;
	v16 =	vld [tilespmem:s3+$0x1040]  }
0xcf: {  	v18 =	vld [tilespmem:s20+$0x1030];
	v11 =	vadd.f32 v13, v11;
	v13 =	vmul.f32 v17, v31  }
0xd0: {  	v17 =	vld [tilespmem:s3+$0x1440]  }
0xd1: {  	s14 =	sor.u32 $0x1840, s4;
	v20 =	vld [tilespmem:s20+$0x1430];
	v14 =	vmul.f32 v14, v6;
	v11 =	vadd.f32 v13, v11;
	v13 =	vmul.f32 v19, v34  }
0xd2: {  	s12 =	sor.u32 $0x1830, s0;
	v19 =	vld [tilespmem:s14+$0x2100]  }
0xd3: {  	s15 =	sor.u32 $0x1C40, s4;
	v21 =	vld [tilespmem:s12+$0x2100];
	v12 =	vadd.f32 v14, v12;
	v11 =	vadd.f32 v13, v11;
	v13 =	vmul.f32 v16, v30  }
0xd4: {  	v14 =	vmul.f32 v18, v4;
	v16 =	vld [tilespmem:s15+$0x2100]  }
0xd5: {  	s13 =	sor.u32 $0x1C30, s0;
	v12 =	vadd.f32 v15, v12;
	v11 =	vadd.f32 v13, v11;
	v13 =	vmul.f32 v17, v29  }
0xd6: {  	v18 =	vld [tilespmem:s13+$0x2100];
	v15 =	vmul.f32 v20, v5  }
0xd7: {  	v12 =	vadd.f32 v14, v12;
	v11 =	vadd.f32 v13, v11;
	v13 =	vmul.f32 v19, v28  }
0xd8: {  	v14 =	vmul.f32 v21, v7  }
0xd9: {  	v12 =	vadd.f32 v15, v12;
	v11 =	vadd.f32 v13, v11;
	v13 =	vmul.f32 v16, v27  }
0xda: {  	s26 =	simm.s32 $0x280  }
0xdb: {  	v23 =	vld [tilespmem:s26+$0x0];
	v15 =	vmul.f32 v18, v8;
	v12 =	vadd.f32 v14, v12;
	v11 =	vadd.f32 v13, v11  }
0xdc: {  	s16 =	simm.s32 $0x1280;
	s22 =	simm.s32 $0x800;
	v35 =	vld [tilespmem:s26+$0xFFFFFF80]  }
0xdd: {  	s23 =	simm.s32 $0x180;
	s21 =	sand.u32 $0x6000, s22;
	v12 =	vadd.f32 v15, v12;
	v15 =	vld [tilespmem:s16+$0x0];
	[tilespmem:s7+$0x40] =	vst v11  }
0xde: {  	s24 =	sadd.s32 $0x2100, s21;
	s5 =	sand.u32 $0x380, s23;
	v11 =	vld [tilespmem:s3+$0x50]  }
0xdf: {  	s25 =	sadd.s32 s5, s24;
	v14 =	vld [tilespmem:s3+$0x450]  }
0xe0: {  	v26 =	vld [tilespmem:s25+$0x400]  }
0xe1: {  	v16 =	vld [tilespmem:s3+$0x850]  }
0xe2: {  	v37 =	vld [tilespmem:s25+$0xC00]  }
0xe3: {  	s29 =	simm.s32 $0x2;
	v15 =	vmul.f32 $8.000000000e+00, v15;
	v17 =	vld [tilespmem:s3+$0xC50]  }
0xe4: {  	v38 =	vld [tilespmem:s25+$0x1000];
	s8 =	sand.u32 $0x7, s29;
	v11 =	vmul.f32 v11, v32;
	v14 =	vmul.f32 v14, v33  }
0xe5: {  	s1 =	sshll.u32 s8, $0x7;
	v18 =	vld [tilespmem:s3+$0x1050]  }
0xe6: {  	v41 =	vld [tilespmem:s25+$0x1400];
	s1 =	sadd.s32 $0x880, s1;
	(erf) = vrcp.f32 v15;
	v11 =	vadd.f32 v14, v11;
	v14 =	vmul.f32 v16, v31  }
0xe7: {  	s9 =	sor.u32 $0x1800, s1;
	v15 =	vld [tilespmem:s3+$0x1450]  }
0xe8: {  	s17 =	sor.u32 $0x1850, s4;
	v43 =	vld [tilespmem:s9+$0x2100];
	v11 =	vadd.f32 v14, v11;
	v14 =	vmul.f32 v17, v34  }
0xe9: {  	v17 =	vld [tilespmem:s17+$0x2100]  }
0xea: {  	s18 =	sor.u32 $0x1C50, s4;
	v16 =	vld [tilespmem:s16+$0xFFFFFF80];
	v11 =	vadd.f32 v14, v11;
	v14 =	vmul.f32 v18, v30  }
0xeb: {  	[tilespmem:s7+$0xFFFFFFB0] =	vst v12;
	v18 =	vld [tilespmem:s18+$0x2100]  }
0xec: {  	v12 =	vld [tilespmem:s20+$0x40];
	v11 =	vadd.f32 v14, v11;
	v14 =	vmul.f32 v15, v29  }
0xed: {  	v13 =	vld [tilespmem:s20+$0x440]  }
0xee: {  	v19 =	vld [tilespmem:s20+$0x840];
	v11 =	vadd.f32 v14, v11;
	v14 =	vmul.f32 v17, v28  }
0xef: {  	v16 =	vmul.f32 $8.000000000e+00, v16;
	v15 =	vld [tilespmem:s25+$0x0];
	v17 =	vpop (erf)  }
0xf0: {  	v20 =	vld [tilespmem:s20+$0xC40];
	v23 =	vmul.f32 v17, v23;
	v11 =	vadd.f32 v14, v11;
	v14 =	vmul.f32 v18, v27  }
0xf1: {  	(erf) = vrcp.f32 v16;
	v18 =	vld [tilespmem:s25+$0x800]  }
0xf2: {  	s19 =	sor.u32 $0x1840, s0;
	v21 =	vld [tilespmem:s20+$0x1040];
	v16 =	vbroadcast v23, $0x0;
	v17 =	vbroadcast v23, $0x1;
	v14 =	vadd.f32 v14, v11  }
0xf3: {  	s28 =	simm.s32 $0x100;
	s6 =	sor.u32 $0x1C40, s0;
	v24 =	vld [tilespmem:s19+$0x2100];
	v11 =	vbroadcast v23, $0x2  }
0xf4: {  	v25 =	vld [tilespmem:s6+$0x2100];
	s6 =	sand.u32 $0x300, s28;
	[tilespmem:s7+$0x50] =	vst v14;
	v14 =	vmul.f32 v16, v15;
	v15 =	vmul.f32 v17, v26  }
0xf5: {  	v22 =	vld [tilespmem:s20+$0x1440];
	s24 =	sadd.s32 s6, s24;
	v12 =	vmul.f32 v12, v9;
	v13 =	vmul.f32 v13, v10  }
0xf6: {  	v36 =	vld [tilespmem:s24+$0x0];
	v40 =	vmul.f32 v11, v18;
	v18 =	vbroadcast v23, $0x3;
	v15 =	vadd.f32 v15, v14  }
0xf7: {  	v45 =	vld [tilespmem:s24+$0x400];
	v19 =	vmul.f32 v19, v6;
	v12 =	vadd.f32 v13, v12  }
0xf8: {  	s10 =	sor.u32 $0x1C00, s1;
	v56 =	vld [tilespmem:s24+$0x800];
	v14 =	vbroadcast v23, $0x4;
	v37 =	vmul.f32 v37, v18;
	v40 =	vadd.f32 v15, v40  }
0xf9: {  	v20 =	vmul.f32 v20, v3;
	v12 =	vadd.f32 v19, v12;
	v19 =	vmul.f32 v24, v7;
	v24 =	vld [tilespmem:s10+$0x2100]  }
0xfa: {  	v26 =	vld [tilespmem:s3+$0x60];
	v13 =	vpop (erf);
	v38 =	vmul.f32 v38, v14;
	v15 =	vbroadcast v23, $0x5;
	v37 =	vadd.f32 v40, v37  }
0xfb: {  	v21 =	vmul.f32 v21, v4;
	v39 =	vld [tilespmem:s3+$0x460];
	v35 =	vmul.f32 v13, v35  }
0xfc: {  	v58 =	vld [tilespmem:s24+$0xC00];
	v13 =	vbroadcast v23, $0x6;
	v53 =	vmul.f32 v41, v15;
	v37 =	vadd.f32 v37, v38  }
0xfd: {  	v22 =	vmul.f32 v22, v5;
	v20 =	vadd.f32 v20, v12;
	v12 =	vbroadcast v23, $0x7;
	v42 =	vld [tilespmem:s3+$0x860]  }
0xfe: {  	v61 =	vld [tilespmem:s24+$0x1000];
	v55 =	vmul.f32 v25, v8;
	v43 =	vmul.f32 v43, v13;
	v37 =	vadd.f32 v37, v53  }
0xff: {  	v20 =	vadd.f32 v21, v20;
	v57 =	vmul.f32 v24, v12;
	v44 =	vld [tilespmem:s3+$0xC60];
	v25 =	vbroadcast v35, $0x0  }
0x100: {  	v54 =	vld [tilespmem:s3+$0x1060];
	v21 =	vmul.f32 v26, v32;
	v26 =	vmul.f32 v39, v33;
	v37 =	vadd.f32 v37, v43  }
0x101: {  	v20 =	vadd.f32 v22, v20;
	v46 =	vld [tilespmem:s3+$0x1460];
	v23 =	vbroadcast v35, $0x1;
	v24 =	vbroadcast v35, $0x2  }
0x102: {  	s31 =	simm.s32 $0x1;
	s11 =	sor.u32 $0x1860, s4;
	v62 =	vld [tilespmem:s24+$0x1400];
	v21 =	vadd.f32 v26, v21;
	v26 =	vmul.f32 v42, v31;
	v37 =	vadd.f32 v37, v57  }
0x103: {  	s30 =	simm.s32 $0xA280;
	s12 =	sor.u32 $0x1C60, s4;
	s13 =	sand.u32 $0x3, s31;
	v19 =	vadd.f32 v19, v20;
	v47 =	vld [tilespmem:s11+$0x2100];
	v36 =	vmul.f32 v25, v36;
	v59 =	vmul.f32 v23, v45  }
0x104: {  	s2 =	sshll.u32 s13, $0x8;
	v60 =	vld [tilespmem:s12+$0x2100];
	v22 =	vmul.f32 v44, v34;
	v20 =	vbroadcast v35, $0x4;
	v21 =	vadd.f32 v26, v21;
	[tilespmem:s30+$0x0] =	vst v37  }
0x105: {  	s2 =	sadd.s32 $0x800, s2;
	v39 =	vmul.f32 v24, v56;
	v26 =	vbroadcast v35, $0x3;
	v36 =	vadd.f32 v59, v36;
	v37 =	vld [tilespmem:s25+$0x10]  }
0x106: {  	s14 =	sor.u32 $0x1800, s2;
	v49 =	vmul.f32 v46, v29;
	v21 =	vadd.f32 v22, v21;
	v22 =	vmul.f32 v54, v30;
	v48 =	vld [tilespmem:s25+$0x410]  }
0x107: {  	v50 =	vld [tilespmem:s14+$0x2100];
	v38 =	vadd.f32 v55, v19;
	v36 =	vadd.f32 v36, v39;
	v63 =	vmul.f32 v58, v26  }
0x108: {  	s15 =	sor.u32 $0x1C00, s2;
	v51 =	vmul.f32 v61, v20;
	v19 =	vadd.f32 v22, v21;
	v22 =	vbroadcast v35, $0x5;
	v52 =	vld [tilespmem:s25+$0x810]  }
0x109: {  	v53 =	vmul.f32 v47, v28;
	v54 =	vld [tilespmem:s15+$0x2100];
	v36 =	vadd.f32 v36, v63;
	v21 =	vbroadcast v35, $0x6  }
0x10a: {  	v57 =	vmul.f32 v60, v27;
	v55 =	vmul.f32 v62, v22;
	v56 =	vld [tilespmem:s25+$0xC10]  }
0x10b: {  	v36 =	vadd.f32 v36, v51;
	v37 =	vmul.f32 v37, v16;
	v41 =	vmul.f32 v48, v17  }
0x10c: {  	s17 =	sor.u32 $0x1C10, s1;
	v42 =	vadd.f32 v49, v19;
	v19 =	vbroadcast v35, $0x7;
	v44 =	vmul.f32 v50, v21;
	v58 =	vld [tilespmem:s25+$0x1010]  }
0x10d: {  	v50 =	vld [tilespmem:s17+$0x2100];
	v35 =	vadd.f32 v36, v55;
	v60 =	vmul.f32 v52, v11;
	v59 =	vadd.f32 v41, v37  }
0x10e: {  	v63 =	vld [tilespmem:s25+$0x1410];
	v42 =	vadd.f32 v53, v42;
	v62 =	vmul.f32 v54, v19  }
0x10f: {  	s16 =	sor.u32 $0x1810, s1;
	v35 =	vadd.f32 v35, v44;
	v46 =	vmul.f32 v56, v18;
	v36 =	vadd.f32 v60, v59  }
0x110: {  	[tilespmem:s7+$0xFFFFFFC0] =	vst v38;
	v61 =	vadd.f32 v57, v42;
	v48 =	vld [tilespmem:s16+$0x2100]  }
0x111: {  	v42 =	vld [tilespmem:s20+$0x50];
	v47 =	vadd.f32 v35, v62;
	v49 =	vmul.f32 v58, v14;
	v36 =	vadd.f32 v46, v36  }
0x112: {  	[tilespmem:s7+$0x60] =	vst v61;
	v43 =	vmul.f32 v50, v12;
	v50 =	vld [tilespmem:s20+$0x1050]  }
0x113: {  	v51 =	vmul.f32 v63, v15;
	v35 =	vld [tilespmem:s3+$0x70];
	[tilespmem:s30+$0xFFFFFF80] =	vst v47;
	v36 =	vadd.f32 v49, v36  }
0x114: {  	v52 =	vld [tilespmem:s24+$0x10]  }
0x115: {  	v53 =	vld [tilespmem:s24+$0x410];
	v39 =	vmul.f32 v48, v13;
	v36 =	vadd.f32 v51, v36  }
0x116: {  	v38 =	vld [tilespmem:s3+$0x470]  }
0x117: {  	v54 =	vld [tilespmem:s24+$0x810];
	v36 =	vadd.f32 v39, v36  }
0x118: {  	v37 =	vld [tilespmem:s3+$0x870]  }
0x119: {  	v55 =	vld [tilespmem:s24+$0xC10];
	v36 =	vadd.f32 v43, v36  }
0x11a: {  	v56 =	vld [tilespmem:s24+$0x1010];
	v41 =	vmul.f32 v52, v25;
	v40 =	vmul.f32 v53, v23  }
0x11b: {  	v57 =	vld [tilespmem:s24+$0x1410];
	[tilespmem:s30+$0x10] =	vst v36  }
0x11c: {  	v59 =	vmul.f32 v54, v24;
	v58 =	vadd.f32 v40, v41;
	v60 =	vld [tilespmem:s25+$0x20]  }
0x11d: {  	s18 =	sor.u32 $0x1810, s2;
	v61 =	vld [tilespmem:s25+$0x420]  }
0x11e: {  	v63 =	vld [tilespmem:s18+$0x2100];
	v62 =	vmul.f32 v55, v26;
	v36 =	vadd.f32 v59, v58  }
0x11f: {  	s19 =	sor.u32 $0x1C10, s2;
	v52 =	vld [tilespmem:s25+$0x820]  }
0x120: {  	v53 =	vld [tilespmem:s19+$0x2100];
	v43 =	vmul.f32 v56, v20;
	v36 =	vadd.f32 v62, v36  }
0x121: {  	v46 =	vmul.f32 v57, v22;
	v48 =	vld [tilespmem:s25+$0xC20]  }
0x122: {  	v51 =	vld [tilespmem:s20+$0x1450];
	v43 =	vadd.f32 v43, v36;
	v41 =	vmul.f32 v60, v16;
	v44 =	vmul.f32 v61, v17  }
0x123: {  	v45 =	vmul.f32 v63, v21;
	v49 =	vld [tilespmem:s25+$0x1020]  }
0x124: {  	v39 =	vld [tilespmem:s3+$0xC70];
	v43 =	vadd.f32 v46, v43;
	v54 =	vmul.f32 v52, v11;
	v41 =	vadd.f32 v44, v41  }
0x125: {  	s21 =	sor.u32 $0x1820, s1;
	v40 =	vmul.f32 v53, v19;
	v55 =	vld [tilespmem:s25+$0x1420]  }
0x126: {  	s23 =	sor.u32 $0x1C20, s1;
	v57 =	vld [tilespmem:s21+$0x2100];
	v56 =	vmul.f32 v48, v18;
	v43 =	vadd.f32 v45, v43;
	v41 =	vadd.f32 v54, v41  }
0x127: {  	v59 =	vld [tilespmem:s23+$0x2100]  }
0x128: {  	v46 =	vld [tilespmem:s20+$0x450];
	v58 =	vmul.f32 v49, v14;
	v40 =	vadd.f32 v40, v43;
	v41 =	vadd.f32 v56, v41  }
0x129: {  	v45 =	vld [tilespmem:s20+$0x850]  }
0x12a: {  	v61 =	vmul.f32 v55, v15;
	v43 =	vld [tilespmem:s20+$0xC50];
	[tilespmem:s30+$0xFFFFFF90] =	vst v40;
	v60 =	vadd.f32 v58, v41  }
0x12b: {  	v62 =	vld [tilespmem:s24+$0x20]  }
0x12c: {  	v56 =	vmul.f32 v57, v13;
	v63 =	vld [tilespmem:s24+$0x420];
	v40 =	vadd.f32 v61, v60  }
0x12d: {  	v57 =	vld [tilespmem:s24+$0x820]  }
0x12e: {  	v52 =	vld [tilespmem:s24+$0x1020];
	v58 =	vmul.f32 v59, v12;
	v40 =	vadd.f32 v56, v40  }
0x12f: {  	v47 =	vld [tilespmem:s24+$0x1420]  }
0x130: {  	s6 =	sor.u32 $0x1820, s2;
	v42 =	vmul.f32 v42, v9;
	v46 =	vmul.f32 v46, v10;
	v59 =	vld [tilespmem:s24+$0xC20];
	v40 =	vadd.f32 v58, v40  }
0x131: {  	s8 =	sor.u32 $0x1C20, s2;
	v41 =	vld [tilespmem:s6+$0x2100];
	v44 =	vmul.f32 v62, v25;
	v60 =	vmul.f32 v63, v23  }
0x132: {  	v42 =	vadd.f32 v46, v42;
	v45 =	vmul.f32 v45, v6;
	v56 =	vld [tilespmem:s8+$0x2100];
	[tilespmem:s30+$0x20] =	vst v40  }
0x133: {  	v62 =	vmul.f32 v57, v24;
	v61 =	vadd.f32 v60, v44;
	v63 =	vld [tilespmem:s25+$0x30]  }
0x134: {  	s9 =	sor.u32 $0x1850, s0;
	v42 =	vadd.f32 v45, v42;
	v43 =	vmul.f32 v43, v3;
	v55 =	vld [tilespmem:s25+$0x430]  }
0x135: {  	v54 =	vmul.f32 v59, v26;
	v60 =	vld [tilespmem:s9+$0x2100];
	v40 =	vadd.f32 v62, v61  }
0x136: {  	s10 =	sor.u32 $0x1C50, s0;
	v42 =	vadd.f32 v43, v42;
	v59 =	vmul.f32 v50, v4;
	v58 =	vld [tilespmem:s25+$0x830]  }
0x137: {  	v57 =	vmul.f32 v52, v20;
	v62 =	vld [tilespmem:s10+$0x2100];
	v40 =	vadd.f32 v54, v40  }
0x138: {  	v51 =	vmul.f32 v51, v5;
	v47 =	vmul.f32 v47, v22;
	v42 =	vadd.f32 v59, v42;
	v61 =	vld [tilespmem:s25+$0xC30]  }
0x139: {  	v36 =	vld [tilespmem:s3+$0x1070];
	v40 =	vadd.f32 v57, v40;
	v46 =	vmul.f32 v63, v16;
	v44 =	vmul.f32 v55, v17  }
0x13a: {  	v41 =	vmul.f32 v41, v21;
	v42 =	vadd.f32 v51, v42;
	v53 =	vmul.f32 v60, v7;
	v63 =	vld [tilespmem:s25+$0x1030]  }
0x13b: {  	v51 =	vld [tilespmem:s3+$0x1470];
	v40 =	vadd.f32 v47, v40;
	v52 =	vmul.f32 v58, v11;
	v44 =	vadd.f32 v44, v46  }
0x13c: {  	s12 =	sor.u32 $0x1830, s1;
	v45 =	vmul.f32 v56, v19;
	v54 =	vld [tilespmem:s25+$0x1430];
	v42 =	vadd.f32 v53, v42;
	v43 =	vmul.f32 v62, v8  }
0x13d: {  	s13 =	sor.u32 $0x1C30, s1;
	v56 =	vld [tilespmem:s12+$0x2100];
	v55 =	vmul.f32 v61, v18;
	v40 =	vadd.f32 v41, v40;
	v44 =	vadd.f32 v52, v44  }
0x13e: {  	s11 =	sor.u32 $0x1870, s4;
	v58 =	vld [tilespmem:s13+$0x2100];
	v42 =	vadd.f32 v43, v42  }
0x13f: {  	s4 =	sor.u32 $0x1C70, s4;
	v41 =	vld [tilespmem:s11+$0x2100];
	v40 =	vadd.f32 v45, v40;
	v57 =	vmul.f32 v63, v14;
	v44 =	vadd.f32 v55, v44  }
0x140: {  	[tilespmem:s7+$0xFFFFFFD0] =	vst v42;
	v45 =	vld [tilespmem:s4+$0x2100]  }
0x141: {  	v60 =	vmul.f32 v54, v15;
	v47 =	vld [tilespmem:s20+$0x60];
	[tilespmem:s30+$0xFFFFFFA0] =	vst v40;
	v59 =	vadd.f32 v57, v44  }
0x142: {  	v61 =	vld [tilespmem:s24+$0x30]  }
0x143: {  	v63 =	vmul.f32 v56, v13;
	v62 =	vld [tilespmem:s24+$0x430];
	v40 =	vadd.f32 v60, v59  }
0x144: {  	v52 =	vld [tilespmem:s24+$0x830]  }
0x145: {  	v43 =	vmul.f32 v58, v12;
	v53 =	vld [tilespmem:s24+$0xC30];
	v40 =	vadd.f32 v63, v40  }
0x146: {  	v54 =	vld [tilespmem:s24+$0x1030]  }
0x147: {  	s14 =	sor.u32 $0x1830, s2;
	v55 =	vld [tilespmem:s24+$0x1430];
	v40 =	vadd.f32 v43, v40  }
0x148: {  	v56 =	vld [tilespmem:s14+$0x2100];
	v46 =	vmul.f32 v61, v25;
	v42 =	vmul.f32 v62, v23  }
0x149: {  	v59 =	vld [tilespmem:s20+$0x460];
	[tilespmem:s30+$0x30] =	vst v40  }
0x14a: {  	v48 =	vmul.f32 v52, v24;
	v42 =	vadd.f32 v42, v46;
	v57 =	vld [tilespmem:s25+$0x40]  }
0x14b: {  	v32 =	vmul.f32 v35, v32;
	v58 =	vld [tilespmem:s25+$0x440]  }
0x14c: {  	v33 =	vmul.f32 v38, v33;
	v49 =	vmul.f32 v53, v26;
	v63 =	vld [tilespmem:s20+$0x860];
	v42 =	vadd.f32 v48, v42  }
0x14d: {  	s15 =	sor.u32 $0x1C30, s2;
	v31 =	vmul.f32 v37, v31;
	v30 =	vmul.f32 v36, v30;
	v61 =	vld [tilespmem:s25+$0x840]  }
0x14e: {  	v60 =	vmul.f32 v54, v20;
	v62 =	vmul.f32 v39, v34;
	v40 =	vld [tilespmem:s15+$0x2100];
	v42 =	vadd.f32 v49, v42  }
0x14f: {  	v32 =	vadd.f32 v33, v32;
	v50 =	vmul.f32 v55, v22;
	v43 =	vmul.f32 v56, v21;
	v52 =	vld [tilespmem:s25+$0xC40]  }
0x150: {  	v55 =	vld [tilespmem:s20+$0xC60];
	v38 =	vadd.f32 v60, v42;
	v53 =	vmul.f32 v57, v16;
	v54 =	vmul.f32 v58, v17  }
0x151: {  	v31 =	vadd.f32 v31, v32;
	v35 =	vmul.f32 v59, v10;
	v56 =	vld [tilespmem:s25+$0x1040];
	v49 =	vmul.f32 v47, v9  }
0x152: {  	v60 =	vld [tilespmem:s25+$0x1440];
	v38 =	vadd.f32 v50, v38;
	v57 =	vmul.f32 v61, v11;
	v32 =	vadd.f32 v54, v53  }
0x153: {  	s16 =	sor.u32 $0x1840, s1;
	v34 =	vmul.f32 v63, v6;
	v35 =	vadd.f32 v35, v49;
	v40 =	vmul.f32 v40, v19;
	v58 =	vld [tilespmem:s20+$0x1060]  }
0x154: {  	v63 =	vld [tilespmem:s16+$0x2100];
	v61 =	vmul.f32 v52, v18;
	v59 =	vadd.f32 v43, v38;
	v32 =	vadd.f32 v57, v32  }
0x155: {  	s17 =	sor.u32 $0x1860, s0;
	v31 =	vadd.f32 v62, v31;
	v62 =	vld [tilespmem:s20+$0x1460];
	v46 =	vmul.f32 v55, v3;
	v34 =	vadd.f32 v34, v35  }
0x156: {  	s18 =	sor.u32 $0x1C40, s1;
	v48 =	vld [tilespmem:s17+$0x2100];
	v47 =	vmul.f32 v56, v14;
	v37 =	vadd.f32 v40, v59;
	v32 =	vadd.f32 v61, v32  }
0x157: {  	s19 =	sor.u32 $0x1C60, s0;
	v30 =	vadd.f32 v30, v31;
	v49 =	vld [tilespmem:s18+$0x2100];
	v34 =	vadd.f32 v46, v34  }
0x158: {  	v53 =	vld [tilespmem:s19+$0x2100];
	v52 =	vmul.f32 v60, v15;
	v50 =	vmul.f32 v58, v4;
	[tilespmem:s30+$0xFFFFFFB0] =	vst v37;
	v31 =	vadd.f32 v47, v32  }
0x159: {  	v29 =	vmul.f32 v51, v29;
	v56 =	vmul.f32 v63, v13;
	v37 =	vld [tilespmem:s24+$0x40]  }
0x15a: {  	v54 =	vmul.f32 v62, v5;
	v34 =	vadd.f32 v50, v34;
	v55 =	vld [tilespmem:s24+$0x440];
	v31 =	vadd.f32 v52, v31  }
0x15b: {  	v28 =	vmul.f32 v41, v28;
	v29 =	vadd.f32 v29, v30;
	v57 =	vmul.f32 v48, v7;
	v30 =	vld [tilespmem:s24+$0x840]  }
0x15c: {  	v59 =	vmul.f32 v49, v12;
	v58 =	vld [tilespmem:s24+$0xC40];
	v34 =	vadd.f32 v54, v34;
	v31 =	vadd.f32 v56, v31  }
0x15d: {  	v28 =	vadd.f32 v28, v29;
	v29 =	vmul.f32 v45, v27;
	v60 =	vld [tilespmem:s24+$0x1040]  }
0x15e: {  	s5 =	sor.u32 $0x1850, s2;
	s21 =	sor.u32 $0x1840, s2;
	v33 =	vmul.f32 v53, v8;
	v27 =	vld [tilespmem:s24+$0x1440];
	v34 =	vadd.f32 v57, v34;
	v31 =	vadd.f32 v59, v31  }
0x15f: {  	s23 =	sor.u32 $0x1C40, s2;
	s6 =	simm.s32 $0x1380;
	s8 =	sor.u32 $0x1C70, s0;
	v61 =	vadd.f32 v29, v28;
	v28 =	vld [tilespmem:s21+$0x2100]  }
0x160: {  	s9 =	simm.s32 $0xA280;
	s10 =	simm.s32 $0x2;
	s3 =	sor.u32 $0x1C60, s2;
	v29 =	vld [tilespmem:s23+$0x2100];
	v62 =	vmul.f32 v37, v25;
	v63 =	vmul.f32 v55, v23;
	v33 =	vadd.f32 v33, v34;
	[tilespmem:s30+$0x40] =	vst v31  }
0x161: {  	s12 =	sor.u32 $0x1870, s2;
	s13 =	sor.u32 $0x1860, s2;
	s11 =	sor.u32 $0x1870, s0;
	[tilespmem:s7+$0x70] =	vst v61;
	v32 =	vmul.f32 v30, v24;
	v30 =	vld [tilespmem:s25+$0x50]  }
0x162: {  	s4 =	sor.u32 $0x1C50, s2;
	s2 =	sor.u32 $0x1C70, s2;
	s23 =	simm.s32 $0x880;
	v34 =	vmul.f32 v58, v26;
	v35 =	vadd.f32 v63, v62;
	[tilespmem:s7+$0xFFFFFFE0] =	vst v33;
	v33 =	vmul.f32 v60, v20;
	v31 =	vld [tilespmem:s25+$0x450]  }
.LBB2_3:
0x163: {  	_ = 	snop  }
0x164: {  	v36 =	vld [tilespmem:s6+$0x0];
	v32 =	vadd.f32 v32, v35  }
0x165: {  	v42 =	vld [tilespmem:s25+$0x850]  }
0x166: {  	v37 =	vld [tilespmem:s6+$0xFFFFFF80];
	v32 =	vadd.f32 v34, v32  }
0x167: {  	v43 =	vld [tilespmem:s25+$0xC50];
	v27 =	vmul.f32 v27, v22  }
0x168: {  	v44 =	vld [tilespmem:s20+$0x70];
	v30 =	vmul.f32 v30, v16;
	v31 =	vmul.f32 v31, v17;
	v32 =	vadd.f32 v33, v32  }
0x169: {  	[dreg:$0x1a] =	wrdreg s11;
	v38 =	vld [tilespmem:s25+$0x1050];
	v28 =	vmul.f32 v28, v21;
	v36 =	vmul.f32 $8.000000000e+00, v36  }
0x16a: {  	[dreg:$0x8] =	wrdreg s13;
	v45 =	vld [tilespmem:s20+$0x470];
	s22 =	sadd.s32 $0x800, s22;
	s28 =	sadd.s32 $0x100, s28;
	v30 =	vadd.f32 v31, v30;
	v31 =	vmul.f32 v42, v11;
	v27 =	vadd.f32 v27, v32  }
0x16b: {  	v47 =	vld [tilespmem:s25+$0x1450];
	s0 =	sor.u32 $0x1850, s1;
	s11 =	sand.u32 $0x6000, s22;
	s13 =	sadd.s32 $0x80, s28;
	v29 =	vmul.f32 v29, v19;
	(erf) = vrcp.f32 v36  }
0x16c: {  	v48 =	vld [tilespmem:s0+$0x2100];
	s14 =	sadd.s32 $0x2100, s11;
	s15 =	sand.u32 $0x380, s13;
	v27 =	vadd.f32 v28, v27;
	v28 =	vadd.f32 v31, v30;
	v30 =	vmul.f32 v43, v18  }
0x16d: {  	s13 =	sadd.s32 s15, s14;
	v33 =	vmul.f32 v44, v9;
	v31 =	vld [tilespmem:s20+$0x870]  }
0x16e: {  	[dreg:$0x15] =	wrdreg s8;
	s8 =	sor.u32 $0x1C50, s1;
	v50 =	vld [tilespmem:s13+$0x0];
	v9 =	vmovc v25;
	v25 =	vadd.f32 v29, v27;
	v27 =	vadd.f32 v30, v28;
	v28 =	vmul.f32 v38, v14  }
0x16f: {  	v30 =	vld [tilespmem:s8+$0x2100]  }
0x170: {  	s26 =	sadd.s32 $0x100, s26;
	v29 =	vld [tilespmem:s20+$0xC70];
	[tilespmem:s30+$0xFFFFFFC0] =	vst v25;
	v25 =	vadd.f32 v28, v27;
	v27 =	vmul.f32 v47, v15  }
0x171: {  	v46 =	vmul.f32 $8.000000000e+00, v37;
	v32 =	vmul.f32 v45, v10;
	v10 =	vmov v23;
	v23 =	vld [tilespmem:s26+$0x0]  }
0x172: {  	v51 =	vld [tilespmem:s13+$0x1000];
	v49 =	vmul.f32 v31, v6;
	v6 =	vmovc v24;
	v24 =	vadd.f32 v27, v25;
	v25 =	vmul.f32 v48, v13  }
0x173: {  	s31 =	sadd.s32 $0x1, s31;
	v52 =	vld [tilespmem:s13+$0xC00];
	(erf) = vrcp.f32 v46;
	v33 =	vadd.f32 v32, v33  }
0x174: {  	[dreg:$0x18] =	wrdreg s12;
	s21 =	sand.u32 $0x3, s31;
	s12 =	sand.u32 $0x300, s28;
	v28 =	vld [tilespmem:s26+$0xFFFFFF80];
	v24 =	vadd.f32 v25, v24;
	v25 =	vmul.f32 v30, v12  }
0x175: {  	[dreg:$0xd] =	wrdreg s7;
	s7 =	sshll.u32 s21, $0x8;
	s21 =	sadd.s32 s12, s14;
	v27 =	vadd.f32 v49, v33;
	v29 =	vmul.f32 v29, v3;
	v3 =	vmov v26;
	v26 =	vld [tilespmem:s13+$0x400];
	v31 =	vpop (erf)  }
0x176: {  	v56 =	vld [tilespmem:s21+$0xC00];
	v31 =	vmul.f32 v31, v23;
	v24 =	vadd.f32 v25, v24  }
0x177: {  	v27 =	vadd.f32 v29, v27;
	v29 =	vld [tilespmem:s13+$0x800]  }
0x178: {  	s18 =	sadd.s32 s7, s22;
	v48 =	vld [tilespmem:s21+$0x400];
	v34 =	vbroadcast v31, $0x0;
	v35 =	vbroadcast v31, $0x1;
	[tilespmem:s30+$0x50] =	vst v24  }
0x179: {  	s17 =	sor.u32 $0x1830, s18;
	v33 =	vbroadcast v31, $0x2;
	v39 =	vld [tilespmem:s25+$0x60]  }
0x17a: {  	s29 =	sadd.s32 $0x2, s29;
	[dreg:$0x11] =	wrdreg s17;
	s17 =	sor.u32 $0x1860, s18;
	v24 =	vmul.f32 v34, v50;
	v26 =	vmul.f32 v35, v26;
	v41 =	vld [tilespmem:s25+$0x460]  }
0x17b: {  	s7 =	sor.u32 $0x1840, s18;
	[dreg:$0xb] =	wrdreg s17;
	s17 =	sand.u32 $0x7, s29;
	v30 =	vld [tilespmem:s21+$0x0]  }
0x17c: {  	s23 =	sadd.s32 $0x800, s23;
	[dreg:$0x5] =	wrdreg s7;
	s7 =	sshll.u32 s17, $0x7;
	v23 =	vpop (erf);
	v40 =	vbroadcast v31, $0x3;
	v43 =	vld [tilespmem:s25+$0x860];
	v26 =	vadd.f32 v26, v24;
	v29 =	vmul.f32 v33, v29  }
0x17d: {  	s7 =	sadd.s32 s7, s23;
	v28 =	vmul.f32 v23, v28;
	v36 =	vbroadcast v31, $0x4;
	v42 =	vld [tilespmem:s13+$0x1400]  }
0x17e: {  	s17 =	sor.u32 $0x1800, s7;
	v37 =	vbroadcast v31, $0x5;
	v46 =	vld [tilespmem:s25+$0xC60];
	v26 =	vadd.f32 v26, v29;
	v29 =	vmul.f32 v52, v40  }
0x17f: {  	v44 =	vld [tilespmem:s17+$0x2100];
	v39 =	vmul.f32 v39, v16;
	v41 =	vmul.f32 v41, v17  }
0x180: {  	v38 =	vbroadcast v31, $0x6;
	v45 =	vmul.f32 v51, v36;
	s17 =	sor.u32 $0x1C00, s7;
	v47 =	vld [tilespmem:s25+$0x1060];
	v26 =	vadd.f32 v26, v29  }
0x181: {  	v25 =	vbroadcast v28, $0x0;
	v29 =	vld [tilespmem:s17+$0x2100];
	v43 =	vmul.f32 v43, v11;
	v41 =	vadd.f32 v41, v39  }
0x182: {  	v23 =	vbroadcast v28, $0x1;
	v53 =	vld [tilespmem:s25+$0x1460];
	v42 =	vmul.f32 v42, v37;
	v26 =	vadd.f32 v26, v45  }
0x183: {  	v49 =	vld [tilespmem:s21+$0x800];
	v30 =	vmul.f32 v25, v30;
	v54 =	vmul.f32 v46, v18;
	s17 =	sor.u32 $0x1860, s1;
	v41 =	vadd.f32 v43, v41  }
0x184: {  	v44 =	vmul.f32 v44, v38;
	v55 =	vld [tilespmem:s17+$0x2100];
	s17 =	sor.u32 $0x1C60, s1;
	v39 =	vbroadcast v31, $0x7;
	v31 =	vadd.f32 v26, v42  }
0x185: {  	v58 =	vmul.f32 v23, v48;
	v57 =	vmul.f32 v47, v14;
	v59 =	vld [tilespmem:s17+$0x2100];
	v41 =	vadd.f32 v54, v41  }
0x186: {  	v32 =	vld [tilespmem:s24+$0x50];
	v24 =	vbroadcast v28, $0x2;
	v29 =	vmul.f32 v29, v39;
	v44 =	vadd.f32 v31, v44  }
0x187: {  	v50 =	vld [tilespmem:s21+$0x1000];
	v61 =	vadd.f32 v58, v30;
	v60 =	vmul.f32 v53, v15;
	v41 =	vadd.f32 v57, v41  }
0x188: {  	s16 =	sor.u32 $0x1800, s18;
	v63 =	vld [tilespmem:s21+$0x1400];
	v62 =	vmul.f32 v24, v49;
	v26 =	vbroadcast v28, $0x3;
	v44 =	vadd.f32 v44, v29  }
0x189: {  	s14 =	sor.u32 $0x1C00, s18;
	s30 =	sadd.s32 $0x100, s30;
	v51 =	vld [tilespmem:s16+$0x2100];
	v31 =	vbroadcast v28, $0x4;
	v52 =	vmul.f32 v55, v13;
	v41 =	vadd.f32 v60, v41  }
0x18a: {  	v53 =	vadd.f32 v61, v62;
	v54 =	vmul.f32 v56, v26;
	v57 =	vmul.f32 v59, v12;
	v59 =	vld [tilespmem:s14+$0x2100];
	[tilespmem:s30+$0x0] =	vst v44  }
0x18b: {  	v55 =	vld [tilespmem:s13+$0x10];
	v41 =	vadd.f32 v52, v41  }
0x18c: {  	v30 =	vbroadcast v28, $0x5;
	v43 =	vadd.f32 v53, v54;
	v58 =	vmul.f32 v50, v31;
	v56 =	vld [tilespmem:s13+$0x410]  }
0x18d: {  	v61 =	vld [tilespmem:s13+$0x810];
	v41 =	vadd.f32 v57, v41  }
0x18e: {  	v29 =	vbroadcast v28, $0x6;
	v60 =	vmul.f32 v63, v30;
	v62 =	vadd.f32 v43, v58;
	v53 =	vld [tilespmem:s13+$0xC10]  }
0x18f: {  	v52 =	vld [tilespmem:s13+$0x1010];
	[tilespmem:s9+$0x60] =	vst v41  }
0x190: {  	v28 =	vbroadcast v28, $0x7;
	v63 =	vmul.f32 v51, v29;
	v54 =	vadd.f32 v62, v60;
	v57 =	vld [tilespmem:s25+$0x70]  }
0x191: {  	v55 =	vmul.f32 v55, v34;
	v56 =	vmul.f32 v56, v35;
	v58 =	vld [tilespmem:s25+$0x470]  }
0x192: {  	v47 =	vmul.f32 v59, v28;
	v41 =	vadd.f32 v54, v63;
	v60 =	vld [tilespmem:s13+$0x1410]  }
0x193: {  	s16 =	sor.u32 $0x1810, s7;
	v59 =	vmul.f32 v61, v33;
	v61 =	vld [tilespmem:s25+$0x870];
	v42 =	vadd.f32 v56, v55  }
0x194: {  	v63 =	vld [tilespmem:s16+$0x2100];
	v41 =	vadd.f32 v41, v47  }
0x195: {  	s17 =	sor.u32 $0x1C10, s7;
	v62 =	vmul.f32 v53, v40;
	v44 =	vmul.f32 v52, v36;
	v52 =	vld [tilespmem:s25+$0xC70];
	v42 =	vadd.f32 v59, v42  }
0x196: {  	v54 =	vld [tilespmem:s17+$0x2100];
	[tilespmem:s30+$0xFFFFFF80] =	vst v41  }
0x197: {  	v49 =	vld [tilespmem:s21+$0x410];
	v53 =	vadd.f32 v62, v42  }
0x198: {  	v55 =	vmul.f32 v57, v16;
	v56 =	vmul.f32 v58, v17;
	v57 =	vld [tilespmem:s25+$0x1070]  }
0x199: {  	v45 =	vmul.f32 v60, v37;
	v58 =	vld [tilespmem:s21+$0x10];
	v59 =	vadd.f32 v44, v53  }
0x19a: {  	v61 =	vmul.f32 v61, v11;
	v62 =	vmul.f32 v63, v38;
	v63 =	vld [tilespmem:s25+$0x1470];
	v60 =	vadd.f32 v56, v55  }
0x19b: {  	s16 =	sor.u32 $0x1870, s1;
	v17 =	vmov v35;
	v53 =	vld [tilespmem:s21+$0x810];
	v35 =	vadd.f32 v45, v59  }
0x19c: {  	v50 =	vmul.f32 v52, v18;
	v52 =	vld [tilespmem:s16+$0x2100];
	v41 =	vadd.f32 v61, v60  }
0x19d: {  	s17 =	sor.u32 $0x1C70, s1;
	v11 =	vmovc v33;
	v51 =	vmul.f32 v54, v39;
	v55 =	vmul.f32 v57, v14;
	v57 =	vld [tilespmem:s21+$0xC10];
	v33 =	vadd.f32 v62, v35  }
0x19e: {  	v16 =	vmovc v34;
	v56 =	vld [tilespmem:s17+$0x2100];
	v59 =	vmul.f32 v49, v23;
	v34 =	vmul.f32 v58, v25;
	v54 =	vadd.f32 v50, v41  }
0x19f: {  	v60 =	vld [tilespmem:s21+$0x1010];
	v58 =	vmul.f32 v63, v15;
	v33 =	vadd.f32 v51, v33  }
0x1a0: {  	s12 =	sor.u32 $0x1810, s18;
	v61 =	vld [tilespmem:s21+$0x1410];
	v34 =	vadd.f32 v59, v34;
	v45 =	vmul.f32 v53, v24;
	v35 =	vadd.f32 v55, v54  }
0x1a1: {  	s25 =	smov.u32 s13;
	v63 =	vmul.f32 v52, v13;
	v50 =	vld [tilespmem:s12+$0x2100];
	[tilespmem:s30+$0x10] =	vst v33  }
0x1a2: {  	v34 =	vadd.f32 v45, v34;
	v62 =	vadd.f32 v58, v35;
	v49 =	vmul.f32 v57, v26;
	v46 =	vld [tilespmem:s25+$0x20]  }
0x1a3: {  	s11 =	sor.u32 $0x1C10, s18;
	v48 =	vmul.f32 v56, v12;
	v47 =	vld [tilespmem:s25+$0x420]  }
0x1a4: {  	v54 =	vld [tilespmem:s11+$0x2100];
	v51 =	vmul.f32 v60, v31;
	v33 =	vadd.f32 v63, v62;
	v34 =	vadd.f32 v49, v34  }
0x1a5: {  	v52 =	vld [tilespmem:s25+$0x820]  }
0x1a6: {  	v59 =	vld [tilespmem:s24+$0x450];
	v53 =	vmul.f32 v61, v30;
	v33 =	vadd.f32 v48, v33;
	v56 =	vadd.f32 v51, v34  }
0x1a7: {  	v15 =	vmov v37;
	v55 =	vld [tilespmem:s25+$0xC20];
	v37 =	vmul.f32 v50, v29  }
0x1a8: {  	v62 =	vld [tilespmem:s24+$0x850];
	[tilespmem:s9+$0x70] =	vst v33;
	v57 =	vmul.f32 v46, v16;
	v58 =	vmul.f32 v47, v17;
	v33 =	vadd.f32 v53, v56  }
0x1a9: {  	v14 =	vmov v36;
	v36 =	vmul.f32 v54, v28;
	v60 =	vld [tilespmem:s25+$0x1020]  }
0x1aa: {  	v49 =	vld [tilespmem:s24+$0x1050];
	v61 =	vmul.f32 v52, v11;
	v34 =	vadd.f32 v58, v57;
	v33 =	vadd.f32 v37, v33  }
0x1ab: {  	s1 =	smov.u32 s7;
	v18 =	vmov v40;
	v63 =	vld [tilespmem:s25+$0x1420]  }
0x1ac: {  	s7 =	sor.u32 $0x1820, s1;
	v45 =	vmul.f32 v55, v18;
	v46 =	vld [tilespmem:s24+$0xC50];
	v34 =	vadd.f32 v61, v34;
	v33 =	vadd.f32 v36, v33  }
0x1ad: {  	s12 =	sor.u32 $0x1C20, s1;
	v47 =	vld [tilespmem:s7+$0x2100]  }
0x1ae: {  	v50 =	vld [tilespmem:s12+$0x2100];
	v34 =	vadd.f32 v45, v34;
	v48 =	vmul.f32 v60, v14;
	[tilespmem:s30+$0xFFFFFF90] =	vst v33  }
0x1af: {  	v53 =	vld [tilespmem:s24+$0x1450]  }
0x1b0: {  	v52 =	vmul.f32 v63, v15;
	v54 =	vld [tilespmem:s21+$0x20];
	v51 =	vadd.f32 v48, v34  }
0x1b1: {  	v13 =	vmov v38;
	v55 =	vld [tilespmem:s21+$0x420]  }
0x1b2: {  	v56 =	vmul.f32 v47, v13;
	v57 =	vld [tilespmem:s21+$0x820];
	v33 =	vadd.f32 v52, v51  }
0x1b3: {  	v12 =	vmov v39;
	v58 =	vld [tilespmem:s21+$0xC20]  }
0x1b4: {  	v39 =	vmul.f32 v59, v10;
	v59 =	vmul.f32 v50, v12;
	v60 =	vld [tilespmem:s21+$0x1020];
	v33 =	vadd.f32 v56, v33  }
0x1b5: {  	s8 =	sor.u32 $0x1820, s18;
	v32 =	vmul.f32 v32, v9;
	v38 =	vmul.f32 v62, v6;
	v62 =	vld [tilespmem:s21+$0x1420]  }
0x1b6: {  	[dreg:$0xf] =	wrdreg s2;
	s2 =	sor.u32 $0x1C20, s18;
	v44 =	vld [tilespmem:s8+$0x2100];
	v61 =	vmul.f32 v54, v25;
	v63 =	vmul.f32 v55, v23;
	v33 =	vadd.f32 v59, v33  }
0x1b7: {  	v32 =	vadd.f32 v39, v32;
	v37 =	vmul.f32 v46, v3;
	v46 =	vld [tilespmem:s2+$0x2100]  }
0x1b8: {  	v35 =	vmul.f32 v53, v22;
	v45 =	vmul.f32 v57, v24;
	v53 =	vld [tilespmem:s5+$0x2100];
	v47 =	vadd.f32 v63, v61;
	[tilespmem:s30+$0x20] =	vst v33  }
0x1b9: {  	v32 =	vadd.f32 v38, v32;
	v36 =	vmul.f32 v49, v20;
	v49 =	vld [tilespmem:s25+$0x30]  }
0x1ba: {  	v48 =	vmul.f32 v58, v26;
	v33 =	vadd.f32 v45, v47;
	v51 =	vld [tilespmem:s25+$0x430]  }
0x1bb: {  	v32 =	vadd.f32 v37, v32;
	v56 =	vld [tilespmem:s4+$0x2100]  }
0x1bc: {  	v50 =	vmul.f32 v60, v31;
	v54 =	vld [tilespmem:s25+$0x830];
	v33 =	vadd.f32 v48, v33  }
0x1bd: {  	v32 =	vadd.f32 v36, v32;
	v52 =	vmul.f32 v62, v30  }
0x1be: {  	v38 =	vmul.f32 v44, v29;
	v57 =	vld [tilespmem:s25+$0xC30];
	v39 =	vmul.f32 v53, v21;
	v33 =	vadd.f32 v50, v33  }
0x1bf: {  	v32 =	vadd.f32 v35, v32;
	v59 =	vld [tilespmem:s20+$0x1070];
	v36 =	vmul.f32 v49, v16;
	v58 =	vmul.f32 v51, v17  }
0x1c0: {  	v55 =	vmul.f32 v46, v28;
	v60 =	vld [tilespmem:s25+$0x1030];
	v46 =	vmul.f32 v56, v19;
	v33 =	vadd.f32 v52, v33  }
0x1c1: {  	v63 =	vld [tilespmem:s20+$0x1470];
	v32 =	vadd.f32 v39, v32;
	v62 =	vmul.f32 v54, v11;
	v61 =	vadd.f32 v58, v36  }
0x1c2: {  	s14 =	rddreg [dreg:$0x1a];
	v45 =	vld [tilespmem:s25+$0x1430];
	v33 =	vadd.f32 v38, v33  }
0x1c3: {  	s13 =	sor.u32 $0x1830, s1;
	v48 =	vld [tilespmem:s14+$0x2100];
	v32 =	vadd.f32 v46, v32;
	v47 =	vmul.f32 v57, v18;
	v35 =	vadd.f32 v62, v61  }
0x1c4: {  	s17 =	rddreg [dreg:$0x15];
	v50 =	vmul.f32 v59, v4;
	v4 =	vmovc v20;
	v20 =	vmov v31;
	v49 =	vld [tilespmem:s13+$0x2100];
	v31 =	vadd.f32 v55, v33  }
0x1c5: {  	s16 =	sor.u32 $0x1C30, s1;
	v53 =	vld [tilespmem:s17+$0x2100];
	v52 =	vmul.f32 v60, v14;
	[tilespmem:s9+$0xFFFFFFD0] =	vst v32;
	v51 =	vadd.f32 v47, v35  }
0x1c6: {  	s20 =	smov.u32 s24;
	s24 =	smov.u32 s21;
	v54 =	vld [tilespmem:s16+$0x2100];
	v27 =	vadd.f32 v50, v27;
	v55 =	vmul.f32 v63, v5;
	[tilespmem:s30+$0xFFFFFFA0] =	vst v31  }
0x1c7: {  	v5 =	vmovc v22;
	v22 =	vmov v30;
	v31 =	vmul.f32 v45, v15;
	v57 =	vld [tilespmem:s24+$0x30];
	v30 =	vadd.f32 v52, v51  }
0x1c8: {  	v58 =	vmul.f32 v48, v7;
	v7 =	vmovc v21;
	v21 =	vmov v29;
	v27 =	vadd.f32 v55, v27;
	v29 =	vld [tilespmem:s24+$0x430]  }
0x1c9: {  	v56 =	vld [tilespmem:s20+$0x60];
	v30 =	vadd.f32 v31, v30;
	v31 =	vmul.f32 v49, v13  }
0x1ca: {  	s19 =	sor.u32 $0x1C30, s18;
	v60 =	vmul.f32 v53, v8;
	v59 =	vld [tilespmem:s24+$0x830];
	v27 =	vadd.f32 v58, v27  }
0x1cb: {  	[dreg:$0x13] =	wrdreg s19;
	v8 =	vmovc v19;
	v19 =	vmov v28;
	v28 =	vld [tilespmem:s24+$0xC30];
	v30 =	vadd.f32 v31, v30;
	v31 =	vmul.f32 v54, v12  }
0x1cc: {  	s7 =	rddreg [dreg:$0xd];
	v61 =	vld [tilespmem:s24+$0x1030];
	v27 =	vadd.f32 v60, v27  }
0x1cd: {  	s21 =	rddreg [dreg:$0x11];
	v63 =	vld [tilespmem:s24+$0x1430];
	v62 =	vmul.f32 v57, v25;
	v29 =	vmul.f32 v29, v23;
	v30 =	vadd.f32 v31, v30  }
0x1ce: {  	s13 =	rddreg [dreg:$0x13];
	v31 =	vld [tilespmem:s21+$0x2100];
	[tilespmem:s7+$0xFFFFFFF0] =	vst v27  }
0x1cf: {  	v27 =	vmul.f32 v59, v24;
	v29 =	vadd.f32 v29, v62;
	v40 =	vld [tilespmem:s13+$0x2100];
	[tilespmem:s30+$0x30] =	vst v30  }
0x1d0: {  	v30 =	vld [tilespmem:s25+$0x40]  }
0x1d1: {  	v28 =	vmul.f32 v28, v26;
	v27 =	vadd.f32 v27, v29;
	v42 =	vld [tilespmem:s25+$0x440]  }
0x1d2: {  	v43 =	vld [tilespmem:s20+$0x460]  }
0x1d3: {  	v41 =	vmul.f32 v61, v20;
	v44 =	vld [tilespmem:s25+$0x840];
	v27 =	vadd.f32 v28, v27  }
0x1d4: {  	v45 =	vld [tilespmem:s20+$0x860]  }
0x1d5: {  	v33 =	vmul.f32 v56, v9;
	v29 =	vmul.f32 v63, v22;
	v46 =	vld [tilespmem:s25+$0xC40];
	v27 =	vadd.f32 v41, v27  }
0x1d6: {  	v48 =	vld [tilespmem:s20+$0xC60];
	v30 =	vmul.f32 v30, v16;
	v47 =	vmul.f32 v42, v17  }
0x1d7: {  	v49 =	vld [tilespmem:s25+$0x1040];
	v31 =	vmul.f32 v31, v21;
	v34 =	vmul.f32 v43, v10;
	v27 =	vadd.f32 v29, v27  }
0x1d8: {  	s15 =	sor.u32 $0x1C40, s18;
	v50 =	vld [tilespmem:s20+$0x1060];
	v28 =	vmul.f32 v40, v19;
	v29 =	vadd.f32 v47, v30;
	v30 =	vmul.f32 v44, v11  }
0x1d9: {  	[dreg:$0x3] =	wrdreg s15;
	s15 =	sor.u32 $0x1850, s18;
	s14 =	sor.u32 $0x1840, s1;
	v51 =	vld [tilespmem:s25+$0x1440];
	v52 =	vmul.f32 v45, v6;
	v33 =	vadd.f32 v34, v33;
	v27 =	vadd.f32 v31, v27  }
0x1da: {  	s5 =	smov.u32 s15;
	s15 =	rddreg [dreg:$0x18];
	v53 =	vld [tilespmem:s14+$0x2100];
	v29 =	vadd.f32 v30, v29;
	v30 =	vmul.f32 v46, v18  }
0x1db: {  	s11 =	smov.u32 s15;
	s15 =	sor.u32 $0x1C40, s1;
	v54 =	vmul.f32 v48, v3;
	v31 =	vld [tilespmem:s20+$0x1460];
	v33 =	vadd.f32 v52, v33;
	v27 =	vadd.f32 v28, v27  }
0x1dc: {  	s16 =	rddreg [dreg:$0x8];
	v55 =	vld [tilespmem:s15+$0x2100];
	v28 =	vadd.f32 v30, v29;
	v29 =	vmul.f32 v49, v14  }
0x1dd: {  	v32 =	vmul.f32 v50, v4;
	v33 =	vadd.f32 v54, v33;
	v30 =	vld [tilespmem:s16+$0x2100];
	[tilespmem:s30+$0xFFFFFFB0] =	vst v27  }
0x1de: {  	v56 =	vld [tilespmem:s24+$0x40];
	v27 =	vadd.f32 v29, v28;
	v28 =	vmul.f32 v51, v15  }
0x1df: {  	v32 =	vadd.f32 v32, v33;
	v29 =	vld [tilespmem:s3+$0x2100]  }
0x1e0: {  	v31 =	vmul.f32 v31, v5;
	v57 =	vld [tilespmem:s24+$0x440];
	v27 =	vadd.f32 v28, v27;
	v28 =	vmul.f32 v53, v13  }
0x1e1: {  	s19 =	sor.u32 $0x1C60, s18;
	v60 =	vmul.f32 v55, v12;
	v58 =	vld [tilespmem:s24+$0x840]  }
0x1e2: {  	s10 =	sadd.s32 $0x2, s10;
	[dreg:$0x9] =	wrdreg s19;
	s19 =	sor.u32 $0x1870, s18;
	v59 =	vld [tilespmem:s24+$0xC40];
	v31 =	vadd.f32 v31, v32;
	v30 =	vmul.f32 v30, v7;
	v28 =	vadd.f32 v28, v27  }
0x1e3: {  	p2 =	slt.u32 s10, $0x1E;
	s12 =	smov.u32 s19;
	s19 =	rddreg [dreg:$0xf];
	v61 =	vld [tilespmem:s24+$0x1040]  }
.Ltmp0:
0x1e4: {  	s8 =	smov.u32 s19;
	s19 =	rddreg [dreg:$0x5];
	v27 =	vld [tilespmem:s24+$0x1440];
	v30 =	vadd.f32 v30, v31;
	v29 =	vmul.f32 v29, v8;
	v62 =	vadd.f32 v60, v28;
	(pc) =	sbr.rel @p2 .LBB2_3-.Ltmp0, $4  }
0x1e5: {  	s0 =	sor.u32 $0x1C50, s18;
	s18 =	sor.u32 $0x1C70, s18;
	s21 =	rddreg [dreg:$0x3];
	v28 =	vld [tilespmem:s19+$0x2100]  }
0x1e6: {  	s6 =	sadd.s32 $0x100, s6;
	s2 =	smov.u32 s18;
	s18 =	rddreg [dreg:$0x9];
	v33 =	vmul.f32 v57, v23;
	v31 =	vmul.f32 v56, v25;
	v63 =	vadd.f32 v29, v30;
	v29 =	vld [tilespmem:s21+$0x2100];
	[tilespmem:s30+$0x40] =	vst v62  }
0x1e7: {  	s4 =	smov.u32 s0;
	s17 =	rddreg [dreg:$0xb];
	s7 =	smov.u32 s9;
	v32 =	vmul.f32 v58, v24;
	v30 =	vld [tilespmem:s25+$0x50]  }
0x1e8: {  	s9 =	smov.u32 s30;
	s13 =	smov.u32 s17;
	s3 =	smov.u32 s18;
	v34 =	vmul.f32 v59, v26;
	v35 =	vadd.f32 v33, v31;
	v33 =	vmul.f32 v61, v20;
	[tilespmem:s7+$0xFFFFFFE0] =	vst v63;
	v31 =	vld [tilespmem:s25+$0x450]  }
0x1e9: {  	_ = 	snop  }
0x1ea: {  	v32 =	vadd.f32 v32, v35;
	_ =	sdelay $0x1  }
0x1eb: {  	v32 =	vadd.f32 v34, v32;
	_ =	sdelay $0x1  }
0x1ec: {  	v27 =	vmul.f32 v27, v22;
	v32 =	vadd.f32 v33, v32;
	_ =	sdelay $0x1  }
0x1ed: {  	v28 =	vmul.f32 v28, v21;
	v27 =	vadd.f32 v27, v32;
	_ =	sdelay $0x1  }
0x1ee: {  	v29 =	vmul.f32 v29, v19;
	v27 =	vadd.f32 v28, v27;
	_ =	sdelay $0x1  }
0x1ef: {  	v27 =	vadd.f32 v29, v27  }
0x1f0: {  	v37 =	vld [tilespmem:s25+$0x850]  }
0x1f1: {  	v38 =	vld [tilespmem:s25+$0xC50];
	[tilespmem:s30+$0xFFFFFFC0] =	vst v27  }
0x1f2: {  	v27 =	vld [tilespmem:s24+$0x50]  }
0x1f3: {  	v40 =	vld [tilespmem:s24+$0x450]  }
0x1f4: {  	v39 =	vld [tilespmem:s25+$0x1050];
	v30 =	vmul.f32 v30, v16;
	v31 =	vmul.f32 v31, v17  }
0x1f5: {  	v42 =	vld [tilespmem:s24+$0x850]  }
0x1f6: {  	v41 =	vld [tilespmem:s25+$0x1450];
	v30 =	vadd.f32 v31, v30;
	v28 =	vmul.f32 v37, v11  }
0x1f7: {  	s0 =	sor.u32 $0x1850, s1;
	v29 =	vmul.f32 v38, v18;
	v45 =	vld [tilespmem:s24+$0xC50]  }
0x1f8: {  	v43 =	vld [tilespmem:s0+$0x2100];
	v28 =	vadd.f32 v28, v30;
	v27 =	vmul.f32 v27, v25;
	v31 =	vmul.f32 v40, v23  }
0x1f9: {  	s21 =	sor.u32 $0x1C50, s1;
	v44 =	vmul.f32 v39, v14;
	v48 =	vld [tilespmem:s24+$0x1050]  }
0x1fa: {  	v46 =	vld [tilespmem:s21+$0x2100];
	v28 =	vadd.f32 v29, v28;
	v30 =	vmul.f32 v42, v24;
	v27 =	vadd.f32 v31, v27  }
0x1fb: {  	v47 =	vmul.f32 v41, v15;
	v50 =	vld [tilespmem:s24+$0x1450]  }
0x1fc: {  	v28 =	vadd.f32 v44, v28;
	v51 =	vmul.f32 v45, v26;
	v27 =	vadd.f32 v30, v27  }
0x1fd: {  	v49 =	vmul.f32 v43, v13;
	v53 =	vld [tilespmem:s5+$0x2100]  }
0x1fe: {  	v28 =	vadd.f32 v47, v28;
	v54 =	vmul.f32 v48, v20;
	v27 =	vadd.f32 v51, v27  }
0x1ff: {  	v52 =	vmul.f32 v46, v12;
	v55 =	vld [tilespmem:s4+$0x2100]  }
0x200: {  	v28 =	vadd.f32 v49, v28;
	v56 =	vmul.f32 v50, v22;
	v27 =	vadd.f32 v54, v27;
	_ =	sdelay $0x1  }
0x201: {  	v57 =	vmul.f32 v53, v21;
	v28 =	vadd.f32 v52, v28;
	v27 =	vadd.f32 v56, v27;
	_ =	sdelay $0x1  }
0x202: {  	v29 =	vmul.f32 v55, v19;
	[tilespmem:s30+$0x50] =	vst v28;
	v27 =	vadd.f32 v57, v27  }
0x203: {  	v28 =	vld [tilespmem:s25+$0x60]  }
0x204: {  	v58 =	vld [tilespmem:s25+$0x460];
	v27 =	vadd.f32 v29, v27  }
0x205: {  	v59 =	vld [tilespmem:s25+$0x860]  }
0x206: {  	v60 =	vld [tilespmem:s25+$0xC60];
	[tilespmem:s9+$0xFFFFFFD0] =	vst v27  }
0x207: {  	v27 =	vld [tilespmem:s24+$0x60]  }
0x208: {  	v62 =	vld [tilespmem:s24+$0x460]  }
0x209: {  	v61 =	vld [tilespmem:s25+$0x1060];
	v28 =	vmul.f32 v28, v16;
	v31 =	vmul.f32 v58, v17  }
0x20a: {  	v36 =	vld [tilespmem:s24+$0x860]  }
0x20b: {  	v63 =	vld [tilespmem:s25+$0x1460];
	v30 =	vmul.f32 v59, v11;
	v28 =	vadd.f32 v31, v28  }
0x20c: {  	s22 =	sor.u32 $0x1860, s1;
	v29 =	vmul.f32 v60, v18;
	v39 =	vld [tilespmem:s24+$0xC60]  }
0x20d: {  	v37 =	vld [tilespmem:s22+$0x2100];
	v28 =	vadd.f32 v30, v28;
	v27 =	vmul.f32 v27, v25;
	v31 =	vmul.f32 v62, v23  }
0x20e: {  	s23 =	sor.u32 $0x1C60, s1;
	v38 =	vmul.f32 v61, v14;
	v42 =	vld [tilespmem:s24+$0x1060]  }
0x20f: {  	v40 =	vld [tilespmem:s23+$0x2100];
	v28 =	vadd.f32 v29, v28;
	v30 =	vmul.f32 v36, v24;
	v27 =	vadd.f32 v31, v27  }
0x210: {  	v41 =	vmul.f32 v63, v15;
	v44 =	vld [tilespmem:s24+$0x1460]  }
0x211: {  	v53 =	vld [tilespmem:s20+$0x870];
	v28 =	vadd.f32 v38, v28;
	v45 =	vmul.f32 v39, v26;
	v27 =	vadd.f32 v30, v27  }
0x212: {  	v43 =	vmul.f32 v37, v13;
	v46 =	vld [tilespmem:s13+$0x2100]  }
0x213: {  	v28 =	vadd.f32 v41, v28;
	v49 =	vmul.f32 v42, v20;
	v27 =	vadd.f32 v45, v27  }
0x214: {  	v48 =	vmul.f32 v40, v12;
	v50 =	vld [tilespmem:s3+$0x2100]  }
0x215: {  	v47 =	vld [tilespmem:s20+$0x70];
	v28 =	vadd.f32 v43, v28;
	v52 =	vmul.f32 v44, v22;
	v27 =	vadd.f32 v49, v27  }
0x216: {  	v6 =	vmul.f32 v53, v6;
	v53 =	vld [tilespmem:s11+$0x2100]  }
0x217: {  	v51 =	vld [tilespmem:s20+$0x470];
	v55 =	vmul.f32 v46, v21;
	v28 =	vadd.f32 v48, v28;
	v27 =	vadd.f32 v52, v27  }
0x218: {  	v54 =	vld [tilespmem:s20+$0xC70]  }
0x219: {  	v58 =	vmul.f32 v50, v19;
	v44 =	vld [tilespmem:s20+$0x1070];
	[tilespmem:s9+$0x60] =	vst v28;
	v27 =	vadd.f32 v55, v27  }
0x21a: {  	v56 =	vld [tilespmem:s25+$0x70]  }
0x21b: {  	v57 =	vld [tilespmem:s25+$0x470];
	v27 =	vadd.f32 v58, v27  }
0x21c: {  	v59 =	vld [tilespmem:s25+$0x870]  }
0x21d: {  	v36 =	vld [tilespmem:s25+$0xC70];
	[tilespmem:s9+$0xFFFFFFE0] =	vst v27  }
0x21e: {  	v27 =	vld [tilespmem:s24+$0x70]  }
0x21f: {  	v63 =	vld [tilespmem:s24+$0x470]  }
0x220: {  	v9 =	vmul.f32 v47, v9;
	v10 =	vmul.f32 v51, v10;
	v60 =	vld [tilespmem:s25+$0x1070]  }
0x221: {  	v40 =	vld [tilespmem:s24+$0x870]  }
0x222: {  	v9 =	vadd.f32 v10, v9;
	v3 =	vmul.f32 v54, v3;
	v37 =	vld [tilespmem:s25+$0x1470]  }
0x223: {  	v61 =	vmul.f32 v56, v16;
	v62 =	vmul.f32 v57, v17;
	v43 =	vld [tilespmem:s24+$0xC70]  }
0x224: {  	v6 =	vadd.f32 v6, v9;
	v49 =	vld [tilespmem:s20+$0x1470];
	v45 =	vmul.f32 v27, v25;
	v46 =	vmul.f32 v63, v23  }
0x225: {  	s25 =	sor.u32 $0x1870, s1;
	v39 =	vmul.f32 v59, v11;
	v16 =	vadd.f32 v62, v61;
	v48 =	vld [tilespmem:s24+$0x1070]  }
0x226: {  	v3 =	vadd.f32 v3, v6;
	v38 =	vld [tilespmem:s25+$0x2100];
	v17 =	vmul.f32 v40, v24;
	v23 =	vadd.f32 v46, v45  }
0x227: {  	v4 =	vmul.f32 v44, v4;
	v42 =	vmul.f32 v36, v18;
	v11 =	vadd.f32 v39, v16;
	v51 =	vld [tilespmem:s24+$0x1470]  }
0x228: {  	v55 =	vld [tilespmem:s8+$0x2100];
	v18 =	vmul.f32 v43, v26;
	v17 =	vadd.f32 v17, v23  }
0x229: {  	s26 =	sor.u32 $0x1C70, s1;
	v3 =	vadd.f32 v4, v3;
	v47 =	vmul.f32 v60, v14;
	v11 =	vadd.f32 v42, v11;
	v54 =	vld [tilespmem:s12+$0x2100]  }
0x22a: {  	v41 =	vld [tilespmem:s26+$0x2100];
	v58 =	vmul.f32 v49, v5;
	v16 =	vmul.f32 v48, v20;
	v56 =	vadd.f32 v18, v17  }
0x22b: {  	v52 =	vmul.f32 v37, v15;
	v60 =	vmul.f32 v53, v7;
	v59 =	vld [tilespmem:s2+$0x2100];
	v50 =	vadd.f32 v47, v11  }
0x22c: {  	v3 =	vadd.f32 v58, v3;
	v11 =	vmul.f32 v51, v22;
	v14 =	vadd.f32 v16, v56  }
0x22d: {  	v57 =	vmul.f32 v38, v13;
	v62 =	vmul.f32 v55, v8;
	v9 =	vadd.f32 v52, v50  }
0x22e: {  	v3 =	vadd.f32 v60, v3;
	v6 =	vmul.f32 v54, v21;
	v11 =	vadd.f32 v11, v14  }
0x22f: {  	v61 =	vmul.f32 v41, v12;
	v9 =	vadd.f32 v57, v9  }
0x230: {  	v3 =	vadd.f32 v62, v3;
	v5 =	vmul.f32 v59, v19;
	v6 =	vadd.f32 v6, v11  }
0x231: {  	v7 =	vadd.f32 v61, v9  }
0x232: {  	[tilespmem:s7+$0xFFFFFFF0] =	vst v3;
	v63 =	vadd.f32 v5, v6  }
0x233: {  	s28 =	rddreg [dreg:$0x1];
	s29 =	simm.s32 $0x80;
	[tilespmem:s9+$0x70] =	vst v7  }
0x234: {  	s5 =	simm.s32 $0x20;
	s4 =	simm.s32 $0x3;
	s30 =	simm.s32 $0xA100;
	[tilespmem:s9+$0xFFFFFFF0] =	vst v63  }
0x235: {  	[spmem:s28] =	stream.indirect.scatter.add.f32 [tilespmem:s30], [sflag:$0x3], $0x80, s29, s5, $0xb8;
	[tilespmem:$0x1E980] =	vst v63  }
0x236: {  	_ =	swait.ge [sflag:s4], $0x1000  }
0x237: {  	s31 =	sld [smem:$0x7EE];
	_ =	sdelay $0x2  }
0x238: {  	s0 =	sadd.s32 $0x1, s31  }
0x239: {  	p2 =	sne.s32 s0, $0x138  }
.Ltmp1:
0x23a: {  	_ = 	snop;
	(pc) =	sbr.rel @p2 .LBB2_2-.Ltmp1, $3  }
0x23b: {  	_ =	sdelay $0x1  }
0x23c: {  	[sflag:s4] =	ssyncset.done $0x0  }
0x23d: {  	[sflag:s4] =	ssyncadd.s32 $0xFFFFF000  }
0x23e: {  	s1 =	sld [smem:$0x7F5];
	_ =	sdelay $0x1  }
0x23f: {  	s0 =	simm.s32 $0x0  }
0x240: {  	[tilespmem:s0], [sflag:$0x3] =	stream.linear.gather [hbm4b:s1+s0], $0x10, $0x38;
	[tilespmem:$0x1E980] =	vst v63  }
0x241: {  	_ =	swait.ge [sflag:s4], $0x10  }
0x242: {  	s2 =	sld [smem:$0x7F6]  }
0x243: {  	[sflag:s4] =	ssyncset.done $0x0  }
0x244: {  	s26 =	simm.s32 $0x80;
	[sflag:s4] =	ssyncadd.s32 $0xFFFFFFF0  }
0x245: {  	[tilespmem:s26], [sflag:$0x3] =	stream.linear.gather [hbm4b:s2+s0], $0x10, $0x38;
	[tilespmem:$0x1E980] =	vst v63  }
0x246: {  	_ =	swait.ge [sflag:s4], $0x10  }
0x247: {  	s31 =	sld [smem:$0x7F7]  }
0x248: {  	[sflag:s4] =	ssyncset.done $0x0  }
0x249: {  	s3 =	simm.s32 $0x100;
	[sflag:s4] =	ssyncadd.s32 $0xFFFFFFF0  }
0x24a: {  	[tilespmem:s3], [sflag:$0x3] =	stream.linear.gather [hbm4b:s31+s0], $0x800, $0x38;
	[tilespmem:$0x1E980] =	vst v63  }
0x24b: {  	_ =	swait.ge [sflag:s4], $0x800  }
0x24c: {  	s5 =	simm.s32 $0x10;
	[sflag:s4] =	ssyncset.done $0x0  }
0x24d: {  	s3 =	rddreg [dreg:$0x1f];
	[sflag:s4] =	ssyncadd.s32 $0xFFFFF800;
	s4 =	simm.s32 $0x1100  }
0x24e: {  	[tilespmem:s4], [sflag:$0x2] =	stream.indirect.gather [hbm4b:s3+s5], $0x80, s26, s5, $0xb8;
	[tilespmem:$0x1E980] =	vst v63  }
0x24f: {  	v3 =	vld [tilespmem:$0x0];
	_ =	sdelay $0x4  }
0x250: {  	v4 =	vshll.u32 v3, $0x3  }
0x251: {  	v3 =	vand.u32 $0x7, v3;
	v4 =	vand.u32 $0xFFFFFFC0, v4  }
0x252: {  	v3 =	vor.u32 v3, v4  }
0x253: {  	v4 =	vperm.xlane v3, v0;
	_ =	sdelay $0x1  }
0x254: {  	v4 =	vadd.s32 v1, v4;
	_ =	sdelay $0x1  }
0x255: {  	s6 =	sld [smem:$0x7EF];
	_ =	sdelay $0x1  }
0x256: {  	s7 =	simm.s32 $0x2100;
	s8 =	sld [smem:$0x7F1]  }
0x257: {  	[tilespmem:s7], [sflag:$0x1] =	stream.indirect_vreg.gather [hbm4b:s6+s0], $0x80, v4, vm0, $0xb8;
	[tilespmem:$0x1E980] =	vst v63  }
0x258: {  	s9 =	simm.s32 $0x2900;
	s10 =	sld [smem:$0x7F2];
	v3 =	vperm.xlane v3, v2  }
0x259: {  	[tilespmem:s9], [sflag:$0x1] =	stream.indirect_vreg.gather [hbm4b:s8+s0], $0x80, v4, vm0, $0xb8;
	[tilespmem:$0x1E980] =	vst v63  }
0x25a: {  	s11 =	simm.s32 $0x3100;
	s12 =	sld [smem:$0x7F4];
	v3 =	vadd.s32 v1, v3  }
0x25b: {  	[tilespmem:s11], [sflag:$0x1] =	stream.indirect_vreg.gather [hbm4b:s10+s0], $0x80, v4, vm0, $0xb8;
	[tilespmem:$0x1E980] =	vst v63  }
0x25c: {  	s5 =	simm.s32 $0x3900  }
0x25d: {  	[tilespmem:s5], [sflag:$0x1] =	stream.indirect_vreg.gather [hbm4b:s12+s0], $0x80, v4, vm0, $0xb8;
	[tilespmem:$0x1E980] =	vst v63  }
0x25e: {  	s13 =	simm.s32 $0x4100  }
0x25f: {  	[tilespmem:s13], [sflag:$0x1] =	stream.indirect_vreg.gather [hbm4b:s6+s0], $0x80, v3, vm0, $0xb8;
	[tilespmem:$0x1E980] =	vst v63  }
0x260: {  	s14 =	simm.s32 $0x4900  }
0x261: {  	[tilespmem:s14], [sflag:$0x1] =	stream.indirect_vreg.gather [hbm4b:s8+s0], $0x80, v3, vm0, $0xb8;
	[tilespmem:$0x1E980] =	vst v63  }
0x262: {  	s15 =	simm.s32 $0x5100  }
0x263: {  	[tilespmem:s15], [sflag:$0x1] =	stream.indirect_vreg.gather [hbm4b:s10+s0], $0x80, v3, vm0, $0xb8;
	[tilespmem:$0x1E980] =	vst v63  }
0x264: {  	s16 =	simm.s32 $0x5900;
	s17 =	simm.s32 $0x2  }
0x265: {  	[tilespmem:s16], [sflag:$0x1] =	stream.indirect_vreg.gather [hbm4b:s12+s0], $0x80, v3, vm0, $0xb8;
	[tilespmem:$0x1E980] =	vst v63  }
0x266: {  	_ =	swait.ge [sflag:s17], $0x800  }
0x267: {  	[sflag:s17] =	ssyncset.done $0x0  }
0x268: {  	s18 =	simm.s32 $0x1;
	[sflag:s17] =	ssyncadd.s32 $0xFFFFF800  }
0x269: {  	_ =	swait.ge [sflag:s18], $0x4000  }
0x26a: {  	[sflag:s18] =	ssyncset.done $0x0  }
0x26b: {  	s19 =	simm.s32 $0x1180;
	[sflag:s18] =	ssyncadd.s32 $0xFFFFC000  }
0x26c: {  	v3 =	vld [tilespmem:s19+$0x0];
	_ =	sdelay $0x4  }
0x26d: {  	v3 =	vmul.f32 $8.000000000e+00, v3;
	_ =	sdelay $0x1  }
0x26e: {  	(erf) = vrcp.f32 v3;
	_ =	sdelay $0x3  }
0x26f: {  	s20 =	simm.s32 $0x180  }
0x270: {  	s22 =	simm.s32 $0x80;
	s21 =	sand.u32 $0x2000, s0;
	v3 =	vld [tilespmem:s20+$0x0]  }
0x271: {  	s24 =	sand.u32 $0x380, s22;
	s23 =	sadd.s32 $0x2100, s21  }
0x272: {  	s3 =	sadd.s32 s24, s23  }
0x273: {  	v4 =	vld [tilespmem:s3+$0x0]  }
0x274: {  	v5 =	vld [tilespmem:s3+$0x400];
	v6 =	vpop (erf)  }
0x275: {  	v3 =	vmul.f32 v6, v3  }
0x276: {  	v6 =	vld [tilespmem:s3+$0x800]  }
0x277: {  	v7 =	vld [tilespmem:s19+$0xFFFFFF80];
	v32 =	vbroadcast v3, $0x0;
	v33 =	vbroadcast v3, $0x1  }
0x278: {  	v8 =	vld [tilespmem:s3+$0xC00];
	v31 =	vbroadcast v3, $0x2  }
0x279: {  	v4 =	vmul.f32 v32, v4;
	v5 =	vmul.f32 v33, v5  }
0x27a: {  	s25 =	sand.u32 $0x7, s0;
	v9 =	vld [tilespmem:s3+$0x1000]  }
0x27b: {  	s1 =	sshll.u32 s25, $0x7;
	v34 =	vbroadcast v3, $0x3;
	v4 =	vadd.f32 v5, v4;
	v5 =	vmul.f32 v31, v6  }
0x27c: {  	s4 =	sadd.s32 $0x80, s1;
	v6 =	vmul.f32 $8.000000000e+00, v7;
	v7 =	vld [tilespmem:s3+$0x1400]  }
0x27d: {  	s1 =	sor.u32 $0x1800, s4;
	v30 =	vbroadcast v3, $0x4;
	v4 =	vadd.f32 v4, v5;
	v5 =	vmul.f32 v8, v34  }
0x27e: {  	(erf) = vrcp.f32 v6;
	v6 =	vld [tilespmem:s1+$0x2100]  }
0x27f: {  	s26 =	sor.u32 $0x1C00, s4;
	v29 =	vbroadcast v3, $0x5;
	v8 =	vmul.f32 v9, v30;
	v4 =	vadd.f32 v4, v5  }
0x280: {  	v5 =	vld [tilespmem:s26+$0x2100]  }
0x281: {  	v28 =	vbroadcast v3, $0x6;
	v7 =	vmul.f32 v7, v29;
	v4 =	vadd.f32 v4, v8;
	_ =	sdelay $0x1  }
0x282: {  	v27 =	vbroadcast v3, $0x7;
	v6 =	vmul.f32 v6, v28;
	v3 =	vadd.f32 v4, v7  }
0x283: {  	v8 =	vld [tilespmem:s20+$0xFFFFFF80]  }
0x284: {  	s31 =	sand.u32 $0x300, s0;
	v4 =	vmul.f32 v5, v27;
	v3 =	vadd.f32 v3, v6  }
0x285: {  	s19 =	sadd.s32 s31, s23  }
0x286: {  	v5 =	vld [tilespmem:s19+$0x0];
	v3 =	vadd.f32 v3, v4  }
0x287: {  	s8 =	simm.s32 $0xA180;
	v6 =	vpop (erf);
	v4 =	vld [tilespmem:s19+$0x400]  }
0x288: {  	v11 =	vld [tilespmem:s19+$0x800];
	v7 =	vmul.f32 v6, v8;
	[tilespmem:s8+$0x0] =	vst v3  }
0x289: {  	v3 =	vld [tilespmem:s3+$0x10]  }
0x28a: {  	v9 =	vbroadcast v7, $0x0;
	v10 =	vbroadcast v7, $0x1;
	v12 =	vld [tilespmem:s3+$0x410]  }
0x28b: {  	v13 =	vld [tilespmem:s19+$0xC00];
	v8 =	vbroadcast v7, $0x2  }
0x28c: {  	v14 =	vld [tilespmem:s3+$0x810];
	v5 =	vmul.f32 v9, v5;
	v4 =	vmul.f32 v10, v4  }
0x28d: {  	s0 =	sand.u32 $0x3, s0;
	v15 =	vld [tilespmem:s19+$0x1000]  }
0x28e: {  	s0 =	sshll.u32 s0, $0x8;
	v6 =	vbroadcast v7, $0x3;
	v4 =	vadd.f32 v4, v5;
	v5 =	vmul.f32 v8, v11;
	v11 =	vld [tilespmem:s3+$0xC10]  }
0x28f: {  	s0 =	sadd.s32 $0x0, s0;
	v16 =	vld [tilespmem:s19+$0x1400];
	v17 =	vmul.f32 v3, v32;
	v12 =	vmul.f32 v12, v33  }
0x290: {  	s2 =	sor.u32 $0x1800, s0;
	v18 =	vld [tilespmem:s3+$0x1010];
	v13 =	vmul.f32 v13, v6;
	v3 =	vbroadcast v7, $0x4;
	v5 =	vadd.f32 v4, v5  }
0x291: {  	v19 =	vld [tilespmem:s2+$0x2100];
	v14 =	vmul.f32 v14, v31;
	v12 =	vadd.f32 v12, v17  }
0x292: {  	s5 =	sor.u32 $0x1C00, s0;
	v4 =	vbroadcast v7, $0x5;
	v15 =	vmul.f32 v15, v3;
	v17 =	vld [tilespmem:s3+$0x1410];
	v13 =	vadd.f32 v5, v13  }
0x293: {  	s6 =	sor.u32 $0x1810, s4;
	v20 =	vld [tilespmem:s5+$0x2100];
	v12 =	vadd.f32 v14, v12;
	v11 =	vmul.f32 v11, v34  }
0x294: {  	v5 =	vbroadcast v7, $0x6;
	v14 =	vmul.f32 v16, v4;
	v13 =	vadd.f32 v13, v15;
	v15 =	vld [tilespmem:s6+$0x2100]  }
0x295: {  	s7 =	sor.u32 $0x1C10, s4;
	v16 =	vmul.f32 v18, v30;
	v11 =	vadd.f32 v11, v12  }
0x296: {  	v7 =	vbroadcast v7, $0x7;
	v12 =	vmul.f32 v19, v5;
	v13 =	vadd.f32 v13, v14;
	v14 =	vld [tilespmem:s7+$0x2100]  }
0x297: {  	v17 =	vmul.f32 v17, v29;
	v11 =	vadd.f32 v16, v11  }
0x298: {  	v16 =	vmul.f32 v20, v7;
	v12 =	vadd.f32 v13, v12  }
0x299: {  	v13 =	vmul.f32 v15, v28;
	v11 =	vadd.f32 v17, v11  }
0x29a: {  	v12 =	vadd.f32 v12, v16  }
0x29b: {  	v14 =	vmul.f32 v14, v27;
	v11 =	vadd.f32 v13, v11  }
0x29c: {  	[tilespmem:s8+$0xFFFFFF80] =	vst v12  }
0x29d: {  	v12 =	vld [tilespmem:s19+$0x10];
	v11 =	vadd.f32 v14, v11  }
0x29e: {  	v13 =	vld [tilespmem:s19+$0x410]  }
0x29f: {  	v14 =	vld [tilespmem:s19+$0x810];
	[tilespmem:s8+$0x10] =	vst v11  }
0x2a0: {  	v11 =	vld [tilespmem:s3+$0x20]  }
0x2a1: {  	v15 =	vld [tilespmem:s3+$0x420]  }
0x2a2: {  	v16 =	vld [tilespmem:s19+$0xC10]  }
0x2a3: {  	v17 =	vld [tilespmem:s3+$0x820];
	v12 =	vmul.f32 v12, v9;
	v13 =	vmul.f32 v13, v10  }
0x2a4: {  	v18 =	vld [tilespmem:s19+$0x1010]  }
0x2a5: {  	v12 =	vadd.f32 v13, v12;
	v13 =	vmul.f32 v14, v8;
	v14 =	vld [tilespmem:s3+$0xC20]  }
0x2a6: {  	v19 =	vld [tilespmem:s19+$0x1410];
	v11 =	vmul.f32 v11, v32;
	v15 =	vmul.f32 v15, v33  }
0x2a7: {  	s9 =	sor.u32 $0x1810, s0;
	v12 =	vadd.f32 v13, v12;
	v13 =	vmul.f32 v16, v6;
	v16 =	vld [tilespmem:s3+$0x1020]  }
0x2a8: {  	v20 =	vld [tilespmem:s9+$0x2100];
	v11 =	vadd.f32 v15, v11;
	v15 =	vmul.f32 v17, v31  }
0x2a9: {  	s10 =	sor.u32 $0x1C10, s0;
	v17 =	vmul.f32 v18, v3;
	v12 =	vadd.f32 v13, v12;
	v13 =	vld [tilespmem:s3+$0x1420]  }
0x2aa: {  	s11 =	sor.u32 $0x1820, s4;
	v18 =	vld [tilespmem:s10+$0x2100];
	v11 =	vadd.f32 v15, v11;
	v14 =	vmul.f32 v14, v34  }
0x2ab: {  	v15 =	vmul.f32 v19, v4;
	v12 =	vadd.f32 v17, v12;
	v17 =	vld [tilespmem:s11+$0x2100]  }
0x2ac: {  	s12 =	sor.u32 $0x1C20, s4;
	v11 =	vadd.f32 v14, v11;
	v14 =	vmul.f32 v16, v30  }
0x2ad: {  	v16 =	vmul.f32 v20, v5;
	v12 =	vadd.f32 v15, v12;
	v15 =	vld [tilespmem:s12+$0x2100]  }
0x2ae: {  	v11 =	vadd.f32 v14, v11;
	v13 =	vmul.f32 v13, v29  }
0x2af: {  	v14 =	vmul.f32 v18, v7;
	v12 =	vadd.f32 v16, v12  }
0x2b0: {  	v11 =	vadd.f32 v13, v11;
	v13 =	vmul.f32 v17, v28  }
0x2b1: {  	v12 =	vadd.f32 v14, v12  }
0x2b2: {  	v11 =	vadd.f32 v13, v11;
	v13 =	vmul.f32 v15, v27  }
0x2b3: {  	[tilespmem:s8+$0xFFFFFF90] =	vst v12  }
0x2b4: {  	v12 =	vld [tilespmem:s19+$0x20];
	v11 =	vadd.f32 v13, v11  }
0x2b5: {  	v13 =	vld [tilespmem:s19+$0x420]  }
0x2b6: {  	v14 =	vld [tilespmem:s19+$0x820];
	[tilespmem:s8+$0x20] =	vst v11  }
0x2b7: {  	v11 =	vld [tilespmem:s3+$0x30]  }
0x2b8: {  	v15 =	vld [tilespmem:s3+$0x430]  }
0x2b9: {  	v16 =	vld [tilespmem:s19+$0xC20]  }
0x2ba: {  	v17 =	vld [tilespmem:s3+$0x830];
	v12 =	vmul.f32 v12, v9;
	v13 =	vmul.f32 v13, v10  }
0x2bb: {  	v18 =	vld [tilespmem:s19+$0x1020]  }
0x2bc: {  	v14 =	vmul.f32 v14, v8;
	v12 =	vadd.f32 v13, v12;
	v13 =	vld [tilespmem:s3+$0xC30]  }
0x2bd: {  	v19 =	vld [tilespmem:s19+$0x1420];
	v11 =	vmul.f32 v11, v32;
	v15 =	vmul.f32 v15, v33  }
0x2be: {  	s13 =	sor.u32 $0x1820, s0;
	v16 =	vmul.f32 v16, v6;
	v12 =	vadd.f32 v14, v12;
	v14 =	vld [tilespmem:s3+$0x1030]  }
0x2bf: {  	v20 =	vld [tilespmem:s13+$0x2100];
	v11 =	vadd.f32 v15, v11;
	v15 =	vmul.f32 v17, v31  }
0x2c0: {  	s14 =	sor.u32 $0x1C20, s0;
	v17 =	vmul.f32 v18, v3;
	v12 =	vadd.f32 v16, v12;
	v16 =	vld [tilespmem:s3+$0x1430]  }
0x2c1: {  	s15 =	sor.u32 $0x1830, s4;
	v18 =	vld [tilespmem:s14+$0x2100];
	v11 =	vadd.f32 v15, v11;
	v13 =	vmul.f32 v13, v34  }
0x2c2: {  	v15 =	vmul.f32 v19, v4;
	v12 =	vadd.f32 v17, v12;
	v17 =	vld [tilespmem:s15+$0x2100]  }
0x2c3: {  	s16 =	sor.u32 $0x1C30, s4;
	v11 =	vadd.f32 v13, v11;
	v13 =	vmul.f32 v14, v30  }
0x2c4: {  	v14 =	vmul.f32 v20, v5;
	v12 =	vadd.f32 v15, v12;
	v15 =	vld [tilespmem:s16+$0x2100]  }
0x2c5: {  	v11 =	vadd.f32 v13, v11;
	v13 =	vmul.f32 v16, v29  }
0x2c6: {  	v16 =	vmul.f32 v18, v7;
	v12 =	vadd.f32 v14, v12  }
0x2c7: {  	v11 =	vadd.f32 v13, v11;
	v13 =	vmul.f32 v17, v28  }
0x2c8: {  	v12 =	vadd.f32 v16, v12  }
0x2c9: {  	v11 =	vadd.f32 v13, v11;
	v13 =	vmul.f32 v15, v27  }
0x2ca: {  	[tilespmem:s8+$0xFFFFFFA0] =	vst v12  }
0x2cb: {  	v12 =	vld [tilespmem:s19+$0x30];
	v11 =	vadd.f32 v13, v11  }
0x2cc: {  	v13 =	vld [tilespmem:s19+$0x430]  }
0x2cd: {  	v14 =	vld [tilespmem:s19+$0x830];
	[tilespmem:s8+$0x30] =	vst v11  }
0x2ce: {  	v11 =	vld [tilespmem:s3+$0x40]  }
0x2cf: {  	v15 =	vld [tilespmem:s3+$0x440]  }
0x2d0: {  	v16 =	vld [tilespmem:s19+$0xC30]  }
0x2d1: {  	v17 =	vld [tilespmem:s3+$0x840]  }
0x2d2: {  	v18 =	vld [tilespmem:s19+$0x1030];
	v12 =	vmul.f32 v12, v9;
	v13 =	vmul.f32 v13, v10  }
0x2d3: {  	v19 =	vld [tilespmem:s3+$0xC40];
	v14 =	vmul.f32 v14, v8  }
0x2d4: {  	v20 =	vld [tilespmem:s19+$0x1430];
	v12 =	vadd.f32 v13, v12;
	v11 =	vmul.f32 v11, v32;
	v13 =	vmul.f32 v15, v33  }
0x2d5: {  	s17 =	sor.u32 $0x1830, s0;
	v15 =	vmul.f32 v16, v6;
	v16 =	vld [tilespmem:s3+$0x1040]  }
0x2d6: {  	v21 =	vld [tilespmem:s17+$0x2100];
	v12 =	vadd.f32 v14, v12;
	v11 =	vadd.f32 v13, v11;
	v13 =	vmul.f32 v17, v31  }
0x2d7: {  	s18 =	sor.u32 $0x1C30, s0;
	v14 =	vmul.f32 v18, v3;
	v17 =	vld [tilespmem:s3+$0x1440]  }
0x2d8: {  	s20 =	sor.u32 $0x1840, s4;
	v18 =	vld [tilespmem:s18+$0x2100];
	v12 =	vadd.f32 v15, v12;
	v11 =	vadd.f32 v13, v11;
	v13 =	vmul.f32 v19, v34  }
0x2d9: {  	v15 =	vmul.f32 v20, v4;
	v19 =	vld [tilespmem:s20+$0x2100]  }
0x2da: {  	s21 =	sor.u32 $0x1C40, s4;
	v12 =	vadd.f32 v14, v12;
	v11 =	vadd.f32 v13, v11;
	v13 =	vmul.f32 v16, v30  }
0x2db: {  	v14 =	vmul.f32 v21, v5;
	v16 =	vld [tilespmem:s21+$0x2100]  }
0x2dc: {  	v12 =	vadd.f32 v15, v12;
	v11 =	vadd.f32 v13, v11;
	v13 =	vmul.f32 v17, v29  }
0x2dd: {  	v15 =	vmul.f32 v18, v7  }
0x2de: {  	v12 =	vadd.f32 v14, v12;
	v11 =	vadd.f32 v13, v11;
	v13 =	vmul.f32 v19, v28;
	_ =	sdelay $0x1  }
0x2df: {  	v12 =	vadd.f32 v15, v12;
	v11 =	vadd.f32 v13, v11;
	v13 =	vmul.f32 v16, v27  }
0x2e0: {  	s22 =	simm.s32 $0x1280  }
0x2e1: {  	v15 =	vld [tilespmem:s22+$0x0];
	[tilespmem:s8+$0xFFFFFFB0] =	vst v12;
	v11 =	vadd.f32 v13, v11  }
0x2e2: {  	v12 =	vld [tilespmem:s19+$0x40]  }
0x2e3: {  	v13 =	vld [tilespmem:s19+$0x440];
	[tilespmem:s8+$0x40] =	vst v11  }
0x2e4: {  	v11 =	vld [tilespmem:s3+$0x50]  }
0x2e5: {  	v14 =	vld [tilespmem:s3+$0x450]  }
0x2e6: {  	v19 =	vld [tilespmem:s19+$0x840]  }
0x2e7: {  	v16 =	vld [tilespmem:s3+$0x850]  }
0x2e8: {  	v20 =	vld [tilespmem:s19+$0xC40]  }
0x2e9: {  	v15 =	vmul.f32 $8.000000000e+00, v15;
	v17 =	vld [tilespmem:s3+$0xC50]  }
0x2ea: {  	v21 =	vld [tilespmem:s19+$0x1040];
	v11 =	vmul.f32 v11, v32;
	v14 =	vmul.f32 v14, v33  }
0x2eb: {  	v18 =	vld [tilespmem:s3+$0x1050]  }
0x2ec: {  	v22 =	vld [tilespmem:s19+$0x1440];
	(erf) = vrcp.f32 v15;
	v11 =	vadd.f32 v14, v11;
	v14 =	vmul.f32 v16, v31  }
0x2ed: {  	v15 =	vld [tilespmem:s3+$0x1450]  }
0x2ee: {  	s23 =	sor.u32 $0x1850, s4;
	v16 =	vld [tilespmem:s22+$0xFFFFFF80];
	v11 =	vadd.f32 v14, v11;
	v14 =	vmul.f32 v17, v34  }
0x2ef: {  	s1 =	simm.s32 $0x800;
	s22 =	simm.s32 $0x280;
	v17 =	vld [tilespmem:s23+$0x2100]  }
0x2f0: {  	s24 =	sor.u32 $0x1C50, s4;
	s26 =	sand.u32 $0x2000, s1;
	s6 =	simm.s32 $0x180;
	v23 =	vld [tilespmem:s22+$0x0];
	v11 =	vadd.f32 v14, v11;
	v14 =	vmul.f32 v18, v30  }
0x2f1: {  	s25 =	sor.u32 $0x1840, s0;
	s31 =	sadd.s32 $0x2100, s26;
	s6 =	sand.u32 $0x380, s6;
	v18 =	vld [tilespmem:s24+$0x2100]  }
0x2f2: {  	v24 =	vld [tilespmem:s25+$0x2100];
	s25 =	sadd.s32 s6, s31;
	v11 =	vadd.f32 v14, v11;
	v14 =	vmul.f32 v15, v29  }
0x2f3: {  	v25 =	vld [tilespmem:s25+$0x0]  }
0x2f4: {  	v26 =	vld [tilespmem:s25+$0x400];
	v11 =	vadd.f32 v14, v11;
	v14 =	vmul.f32 v17, v28  }
0x2f5: {  	v37 =	vld [tilespmem:s25+$0xC00];
	v16 =	vmul.f32 $8.000000000e+00, v16;
	v17 =	vpop (erf)  }
0x2f6: {  	s28 =	simm.s32 $0x2;
	v38 =	vld [tilespmem:s25+$0x1000];
	v23 =	vmul.f32 v17, v23;
	v11 =	vadd.f32 v14, v11;
	v14 =	vmul.f32 v18, v27  }
0x2f7: {  	s9 =	sand.u32 $0x7, s28;
	v12 =	vmul.f32 v12, v9;
	(erf) = vrcp.f32 v16;
	v16 =	vld [tilespmem:s25+$0x800]  }
0x2f8: {  	s2 =	sshll.u32 s9, $0x7;
	v41 =	vld [tilespmem:s25+$0x1400];
	v17 =	vbroadcast v23, $0x0;
	v18 =	vbroadcast v23, $0x1;
	v14 =	vadd.f32 v14, v11  }
0x2f9: {  	s7 =	sor.u32 $0x1C40, s0;
	v19 =	vmul.f32 v19, v8;
	v35 =	vld [tilespmem:s22+$0xFFFFFF80];
	s24 =	sadd.s32 $0x880, s2;
	v11 =	vbroadcast v23, $0x2  }
0x2fa: {  	s26 =	simm.s32 $0x100;
	s2 =	sor.u32 $0x1800, s24;
	v15 =	vld [tilespmem:s7+$0x2100];
	[tilespmem:s8+$0x50] =	vst v14;
	v14 =	vmul.f32 v17, v25;
	v25 =	vmul.f32 v18, v26  }
0x2fb: {  	v20 =	vmul.f32 v20, v6;
	v45 =	vmul.f32 v24, v5;
	s10 =	sor.u32 $0x1C00, s24;
	s7 =	sand.u32 $0x300, s26;
	v55 =	vld [tilespmem:s2+$0x2100]  }
0x2fc: {  	v24 =	vld [tilespmem:s10+$0x2100];
	s20 =	sadd.s32 s7, s31;
	v14 =	vadd.f32 v25, v14;
	v25 =	vmul.f32 v11, v16;
	v16 =	vbroadcast v23, $0x3  }
0x2fd: {  	v21 =	vmul.f32 v21, v3;
	v36 =	vld [tilespmem:s20+$0x0];
	v26 =	vmul.f32 v13, v10  }
0x2fe: {  	v13 =	vbroadcast v23, $0x4;
	v40 =	vld [tilespmem:s3+$0x460];
	v14 =	vadd.f32 v14, v25;
	v25 =	vmul.f32 v37, v16  }
0x2ff: {  	v22 =	vmul.f32 v22, v4;
	v59 =	vld [tilespmem:s20+$0x800];
	v57 =	vmul.f32 v15, v7;
	v26 =	vadd.f32 v26, v12  }
0x300: {  	v42 =	vld [tilespmem:s3+$0x860];
	v38 =	vmul.f32 v38, v13;
	v12 =	vbroadcast v23, $0x5;
	v43 =	vpop (erf);
	v25 =	vadd.f32 v14, v25  }
0x301: {  	v15 =	vbroadcast v23, $0x7;
	v39 =	vld [tilespmem:s3+$0x60];
	v19 =	vadd.f32 v19, v26;
	v35 =	vmul.f32 v43, v35  }
0x302: {  	s12 =	sor.u32 $0x1C60, s4;
	v46 =	vld [tilespmem:s3+$0x1460];
	v26 =	vmul.f32 v41, v12;
	v14 =	vbroadcast v23, $0x6;
	v38 =	vadd.f32 v25, v38  }
0x303: {  	v60 =	vmul.f32 v24, v15;
	v63 =	vld [tilespmem:s12+$0x2100];
	v19 =	vadd.f32 v20, v19;
	v58 =	vmul.f32 v40, v33  }
0x304: {  	v20 =	vld [tilespmem:s20+$0x400];
	v23 =	vbroadcast v35, $0x1;
	v37 =	vmul.f32 v55, v14;
	v26 =	vadd.f32 v38, v26  }
0x305: {  	v44 =	vld [tilespmem:s3+$0xC60];
	v61 =	vmul.f32 v42, v31;
	v24 =	vbroadcast v35, $0x2  }
0x306: {  	v62 =	vld [tilespmem:s20+$0xC00];
	v19 =	vadd.f32 v21, v19;
	v21 =	vmul.f32 v39, v32;
	v26 =	vadd.f32 v26, v37  }
0x307: {  	v56 =	vld [tilespmem:s3+$0x1060];
	v52 =	vmul.f32 v46, v29;
	v25 =	vbroadcast v35, $0x0  }
0x308: {  	s30 =	simm.s32 $0x1;
	v48 =	vld [tilespmem:s20+$0x1000];
	v42 =	vmul.f32 v63, v27;
	v21 =	vadd.f32 v58, v21;
	v40 =	vadd.f32 v26, v60  }
0x309: {  	s29 =	simm.s32 $0xA280;
	s11 =	sor.u32 $0x1860, s4;
	s13 =	sand.u32 $0x3, s30;
	v49 =	vld [tilespmem:s20+$0x1400];
	v36 =	vmul.f32 v25, v36;
	v20 =	vmul.f32 v23, v20  }
0x30a: {  	s2 =	sshll.u32 s13, $0x8;
	v47 =	vld [tilespmem:s11+$0x2100];
	v19 =	vadd.f32 v22, v19;
	v22 =	vmul.f32 v44, v34;
	v21 =	vadd.f32 v61, v21;
	[tilespmem:s29+$0x0] =	vst v40  }
0x30b: {  	s2 =	sadd.s32 $0x800, s2;
	v39 =	vmul.f32 v24, v59;
	v36 =	vadd.f32 v20, v36;
	v26 =	vbroadcast v35, $0x3;
	v40 =	vld [tilespmem:s25+$0x10]  }
0x30c: {  	s14 =	sor.u32 $0x1800, s2;
	v19 =	vadd.f32 v45, v19;
	v21 =	vadd.f32 v22, v21;
	v22 =	vmul.f32 v56, v30;
	v50 =	vld [tilespmem:s25+$0x410]  }
0x30d: {  	v53 =	vld [tilespmem:s14+$0x2100];
	v20 =	vbroadcast v35, $0x4;
	v36 =	vadd.f32 v36, v39;
	v38 =	vmul.f32 v62, v26  }
0x30e: {  	s15 =	sor.u32 $0x1C00, s2;
	v51 =	vadd.f32 v57, v19;
	v19 =	vadd.f32 v22, v21;
	v22 =	vbroadcast v35, $0x5;
	v54 =	vld [tilespmem:s25+$0x810]  }
0x30f: {  	v55 =	vmul.f32 v47, v28;
	v56 =	vld [tilespmem:s15+$0x2100];
	v37 =	vmul.f32 v48, v20;
	v36 =	vadd.f32 v36, v38  }
0x310: {  	v21 =	vbroadcast v35, $0x6;
	v58 =	vld [tilespmem:s25+$0xC10];
	v43 =	vadd.f32 v52, v19;
	v57 =	vmul.f32 v49, v22  }
0x311: {  	v36 =	vadd.f32 v36, v37;
	v40 =	vmul.f32 v40, v17;
	v39 =	vmul.f32 v50, v18  }
0x312: {  	v60 =	vld [tilespmem:s25+$0x1010];
	v19 =	vbroadcast v35, $0x7;
	v59 =	vmul.f32 v53, v21;
	v43 =	vadd.f32 v55, v43  }
0x313: {  	v35 =	vadd.f32 v36, v57;
	v38 =	vmul.f32 v54, v11;
	v61 =	vadd.f32 v39, v40  }
0x314: {  	s16 =	sor.u32 $0x1810, s24;
	v46 =	vld [tilespmem:s25+$0x1410];
	v63 =	vmul.f32 v56, v19;
	v62 =	vadd.f32 v42, v43  }
0x315: {  	[tilespmem:s8+$0xFFFFFFC0] =	vst v51;
	v48 =	vld [tilespmem:s16+$0x2100];
	v37 =	vmul.f32 v58, v16;
	v35 =	vadd.f32 v35, v59;
	v36 =	vadd.f32 v38, v61  }
0x316: {  	s17 =	sor.u32 $0x1C10, s24;
	v42 =	vld [tilespmem:s19+$0x50]  }
0x317: {  	v49 =	vmul.f32 v60, v13;
	v50 =	vld [tilespmem:s17+$0x2100];
	[tilespmem:s8+$0x60] =	vst v62;
	v47 =	vadd.f32 v35, v63;
	v36 =	vadd.f32 v37, v36  }
0x318: {  	v35 =	vld [tilespmem:s3+$0x70]  }
0x319: {  	v51 =	vmul.f32 v46, v12;
	v38 =	vld [tilespmem:s3+$0x470];
	[tilespmem:s29+$0xFFFFFF80] =	vst v47;
	v36 =	vadd.f32 v49, v36  }
0x31a: {  	v52 =	vld [tilespmem:s20+$0x10]  }
0x31b: {  	v39 =	vmul.f32 v48, v14;
	v53 =	vld [tilespmem:s20+$0x410];
	v36 =	vadd.f32 v51, v36  }
0x31c: {  	v43 =	vmul.f32 v50, v15;
	v50 =	vld [tilespmem:s19+$0x1050]  }
0x31d: {  	v54 =	vld [tilespmem:s20+$0x810];
	v36 =	vadd.f32 v39, v36  }
0x31e: {  	v37 =	vld [tilespmem:s3+$0x870]  }
0x31f: {  	v55 =	vld [tilespmem:s20+$0xC10];
	v36 =	vadd.f32 v43, v36  }
0x320: {  	v56 =	vld [tilespmem:s20+$0x1010];
	v41 =	vmul.f32 v52, v25;
	v40 =	vmul.f32 v53, v23  }
0x321: {  	v57 =	vld [tilespmem:s20+$0x1410];
	[tilespmem:s29+$0x10] =	vst v36  }
0x322: {  	v59 =	vmul.f32 v54, v24;
	v58 =	vadd.f32 v40, v41;
	v60 =	vld [tilespmem:s25+$0x20]  }
0x323: {  	s18 =	sor.u32 $0x1810, s2;
	v61 =	vld [tilespmem:s25+$0x420]  }
0x324: {  	v63 =	vld [tilespmem:s18+$0x2100];
	v62 =	vmul.f32 v55, v26;
	v36 =	vadd.f32 v59, v58  }
0x325: {  	s21 =	sor.u32 $0x1C10, s2;
	v52 =	vld [tilespmem:s25+$0x820]  }
0x326: {  	v53 =	vld [tilespmem:s21+$0x2100];
	v43 =	vmul.f32 v56, v20;
	v36 =	vadd.f32 v62, v36  }
0x327: {  	v46 =	vmul.f32 v57, v22;
	v48 =	vld [tilespmem:s25+$0xC20]  }
0x328: {  	v51 =	vld [tilespmem:s19+$0x1450];
	v43 =	vadd.f32 v43, v36;
	v41 =	vmul.f32 v60, v17;
	v44 =	vmul.f32 v61, v18  }
0x329: {  	v45 =	vmul.f32 v63, v21;
	v49 =	vld [tilespmem:s25+$0x1020]  }
0x32a: {  	v39 =	vld [tilespmem:s3+$0xC70];
	v43 =	vadd.f32 v46, v43;
	v54 =	vmul.f32 v52, v11;
	v41 =	vadd.f32 v44, v41  }
0x32b: {  	s23 =	sor.u32 $0x1820, s24;
	v40 =	vmul.f32 v53, v19;
	v55 =	vld [tilespmem:s25+$0x1420]  }
0x32c: {  	s31 =	sor.u32 $0x1C20, s24;
	v57 =	vld [tilespmem:s23+$0x2100];
	v56 =	vmul.f32 v48, v16;
	v43 =	vadd.f32 v45, v43;
	v41 =	vadd.f32 v54, v41  }
0x32d: {  	v59 =	vld [tilespmem:s31+$0x2100]  }
0x32e: {  	v46 =	vld [tilespmem:s19+$0x450];
	v58 =	vmul.f32 v49, v13;
	v40 =	vadd.f32 v40, v43;
	v41 =	vadd.f32 v56, v41  }
0x32f: {  	v45 =	vld [tilespmem:s19+$0x850]  }
0x330: {  	v61 =	vmul.f32 v55, v12;
	v43 =	vld [tilespmem:s19+$0xC50];
	[tilespmem:s29+$0xFFFFFF90] =	vst v40;
	v60 =	vadd.f32 v58, v41  }
0x331: {  	v62 =	vld [tilespmem:s20+$0x20]  }
0x332: {  	v56 =	vmul.f32 v57, v14;
	v63 =	vld [tilespmem:s20+$0x420];
	v40 =	vadd.f32 v61, v60  }
0x333: {  	v57 =	vld [tilespmem:s20+$0x820]  }
0x334: {  	v52 =	vld [tilespmem:s20+$0x1020];
	v58 =	vmul.f32 v59, v15;
	v40 =	vadd.f32 v56, v40  }
0x335: {  	v47 =	vld [tilespmem:s20+$0x1420]  }
0x336: {  	s6 =	sor.u32 $0x1820, s2;
	v42 =	vmul.f32 v42, v9;
	v46 =	vmul.f32 v46, v10;
	v59 =	vld [tilespmem:s20+$0xC20];
	v40 =	vadd.f32 v58, v40  }
0x337: {  	s7 =	sor.u32 $0x1C20, s2;
	v41 =	vld [tilespmem:s6+$0x2100];
	v44 =	vmul.f32 v62, v25;
	v60 =	vmul.f32 v63, v23  }
0x338: {  	v42 =	vadd.f32 v46, v42;
	v45 =	vmul.f32 v45, v8;
	v56 =	vld [tilespmem:s7+$0x2100];
	[tilespmem:s29+$0x20] =	vst v40  }
0x339: {  	v62 =	vmul.f32 v57, v24;
	v61 =	vadd.f32 v60, v44;
	v63 =	vld [tilespmem:s25+$0x30]  }
0x33a: {  	s9 =	sor.u32 $0x1850, s0;
	v42 =	vadd.f32 v45, v42;
	v43 =	vmul.f32 v43, v6;
	v55 =	vld [tilespmem:s25+$0x430]  }
0x33b: {  	v54 =	vmul.f32 v59, v26;
	v60 =	vld [tilespmem:s9+$0x2100];
	v40 =	vadd.f32 v62, v61  }
0x33c: {  	s10 =	sor.u32 $0x1C50, s0;
	v42 =	vadd.f32 v43, v42;
	v59 =	vmul.f32 v50, v3;
	v58 =	vld [tilespmem:s25+$0x830]  }
0x33d: {  	v57 =	vmul.f32 v52, v20;
	v62 =	vld [tilespmem:s10+$0x2100];
	v40 =	vadd.f32 v54, v40  }
0x33e: {  	v51 =	vmul.f32 v51, v4;
	v47 =	vmul.f32 v47, v22;
	v42 =	vadd.f32 v59, v42;
	v61 =	vld [tilespmem:s25+$0xC30]  }
0x33f: {  	v36 =	vld [tilespmem:s3+$0x1070];
	v40 =	vadd.f32 v57, v40;
	v46 =	vmul.f32 v63, v17;
	v44 =	vmul.f32 v55, v18  }
0x340: {  	v41 =	vmul.f32 v41, v21;
	v42 =	vadd.f32 v51, v42;
	v53 =	vmul.f32 v60, v5;
	v63 =	vld [tilespmem:s25+$0x1030]  }
0x341: {  	v51 =	vld [tilespmem:s3+$0x1470];
	v40 =	vadd.f32 v47, v40;
	v52 =	vmul.f32 v58, v11;
	v44 =	vadd.f32 v44, v46  }
0x342: {  	s12 =	sor.u32 $0x1830, s24;
	v45 =	vmul.f32 v56, v19;
	v54 =	vld [tilespmem:s25+$0x1430];
	v42 =	vadd.f32 v53, v42;
	v43 =	vmul.f32 v62, v7  }
0x343: {  	s13 =	sor.u32 $0x1C30, s24;
	v56 =	vld [tilespmem:s12+$0x2100];
	v55 =	vmul.f32 v61, v16;
	v40 =	vadd.f32 v41, v40;
	v44 =	vadd.f32 v52, v44  }
0x344: {  	s11 =	sor.u32 $0x1870, s4;
	v58 =	vld [tilespmem:s13+$0x2100];
	v42 =	vadd.f32 v43, v42  }
0x345: {  	s4 =	sor.u32 $0x1C70, s4;
	v41 =	vld [tilespmem:s11+$0x2100];
	v40 =	vadd.f32 v45, v40;
	v57 =	vmul.f32 v63, v13;
	v44 =	vadd.f32 v55, v44  }
0x346: {  	[tilespmem:s8+$0xFFFFFFD0] =	vst v42;
	v45 =	vld [tilespmem:s4+$0x2100]  }
0x347: {  	v60 =	vmul.f32 v54, v12;
	v47 =	vld [tilespmem:s19+$0x60];
	[tilespmem:s29+$0xFFFFFFA0] =	vst v40;
	v59 =	vadd.f32 v57, v44  }
0x348: {  	v61 =	vld [tilespmem:s20+$0x30]  }
0x349: {  	v63 =	vmul.f32 v56, v14;
	v62 =	vld [tilespmem:s20+$0x430];
	v40 =	vadd.f32 v60, v59  }
0x34a: {  	v52 =	vld [tilespmem:s20+$0x830]  }
0x34b: {  	v43 =	vmul.f32 v58, v15;
	v53 =	vld [tilespmem:s20+$0xC30];
	v40 =	vadd.f32 v63, v40  }
0x34c: {  	v54 =	vld [tilespmem:s20+$0x1030]  }
0x34d: {  	s14 =	sor.u32 $0x1830, s2;
	v55 =	vld [tilespmem:s20+$0x1430];
	v40 =	vadd.f32 v43, v40  }
0x34e: {  	v56 =	vld [tilespmem:s14+$0x2100];
	v46 =	vmul.f32 v61, v25;
	v42 =	vmul.f32 v62, v23  }
0x34f: {  	v59 =	vld [tilespmem:s19+$0x460];
	[tilespmem:s29+$0x30] =	vst v40  }
0x350: {  	v48 =	vmul.f32 v52, v24;
	v42 =	vadd.f32 v42, v46;
	v57 =	vld [tilespmem:s25+$0x40]  }
0x351: {  	v32 =	vmul.f32 v35, v32;
	v58 =	vld [tilespmem:s25+$0x440]  }
0x352: {  	v33 =	vmul.f32 v38, v33;
	v49 =	vmul.f32 v53, v26;
	v63 =	vld [tilespmem:s19+$0x860];
	v42 =	vadd.f32 v48, v42  }
0x353: {  	s15 =	sor.u32 $0x1C30, s2;
	v31 =	vmul.f32 v37, v31;
	v30 =	vmul.f32 v36, v30;
	v61 =	vld [tilespmem:s25+$0x840]  }
0x354: {  	v60 =	vmul.f32 v54, v20;
	v62 =	vmul.f32 v39, v34;
	v40 =	vld [tilespmem:s15+$0x2100];
	v42 =	vadd.f32 v49, v42  }
0x355: {  	v32 =	vadd.f32 v33, v32;
	v50 =	vmul.f32 v55, v22;
	v43 =	vmul.f32 v56, v21;
	v52 =	vld [tilespmem:s25+$0xC40]  }
0x356: {  	v55 =	vld [tilespmem:s19+$0xC60];
	v38 =	vadd.f32 v60, v42;
	v53 =	vmul.f32 v57, v17;
	v54 =	vmul.f32 v58, v18  }
0x357: {  	v31 =	vadd.f32 v31, v32;
	v35 =	vmul.f32 v59, v10;
	v56 =	vld [tilespmem:s25+$0x1040];
	v49 =	vmul.f32 v47, v9  }
0x358: {  	v60 =	vld [tilespmem:s25+$0x1440];
	v38 =	vadd.f32 v50, v38;
	v57 =	vmul.f32 v61, v11;
	v32 =	vadd.f32 v54, v53  }
0x359: {  	s16 =	sor.u32 $0x1840, s24;
	v34 =	vmul.f32 v63, v8;
	v35 =	vadd.f32 v35, v49;
	v40 =	vmul.f32 v40, v19;
	v58 =	vld [tilespmem:s19+$0x1060]  }
0x35a: {  	v63 =	vld [tilespmem:s16+$0x2100];
	v61 =	vmul.f32 v52, v16;
	v59 =	vadd.f32 v43, v38;
	v32 =	vadd.f32 v57, v32  }
0x35b: {  	s17 =	sor.u32 $0x1860, s0;
	v31 =	vadd.f32 v62, v31;
	v62 =	vld [tilespmem:s19+$0x1460];
	v46 =	vmul.f32 v55, v6;
	v34 =	vadd.f32 v34, v35  }
0x35c: {  	s18 =	sor.u32 $0x1C40, s24;
	v48 =	vld [tilespmem:s17+$0x2100];
	v47 =	vmul.f32 v56, v13;
	v37 =	vadd.f32 v40, v59;
	v32 =	vadd.f32 v61, v32  }
0x35d: {  	s21 =	sor.u32 $0x1C60, s0;
	v30 =	vadd.f32 v30, v31;
	v49 =	vld [tilespmem:s18+$0x2100];
	v34 =	vadd.f32 v46, v34  }
0x35e: {  	v53 =	vld [tilespmem:s21+$0x2100];
	v52 =	vmul.f32 v60, v12;
	v50 =	vmul.f32 v58, v3;
	[tilespmem:s29+$0xFFFFFFB0] =	vst v37;
	v31 =	vadd.f32 v47, v32  }
0x35f: {  	v29 =	vmul.f32 v51, v29;
	v56 =	vmul.f32 v63, v14;
	v37 =	vld [tilespmem:s20+$0x40]  }
0x360: {  	v54 =	vmul.f32 v62, v4;
	v34 =	vadd.f32 v50, v34;
	v55 =	vld [tilespmem:s20+$0x440];
	v31 =	vadd.f32 v52, v31  }
0x361: {  	v28 =	vmul.f32 v41, v28;
	v29 =	vadd.f32 v29, v30;
	v57 =	vmul.f32 v48, v5;
	v30 =	vld [tilespmem:s20+$0x840]  }
0x362: {  	v59 =	vmul.f32 v49, v15;
	v58 =	vld [tilespmem:s20+$0xC40];
	v34 =	vadd.f32 v54, v34;
	v31 =	vadd.f32 v56, v31  }
0x363: {  	v28 =	vadd.f32 v28, v29;
	v29 =	vmul.f32 v45, v27;
	v60 =	vld [tilespmem:s20+$0x1040]  }
0x364: {  	s5 =	simm.s32 $0x2;
	s23 =	sor.u32 $0x1840, s2;
	v33 =	vmul.f32 v53, v7;
	v27 =	vld [tilespmem:s20+$0x1440];
	v34 =	vadd.f32 v57, v34;
	v31 =	vadd.f32 v59, v31  }
0x365: {  	s31 =	sor.u32 $0x1C40, s2;
	s6 =	simm.s32 $0x1380;
	s7 =	sor.u32 $0x1C70, s0;
	v61 =	vadd.f32 v29, v28;
	v28 =	vld [tilespmem:s23+$0x2100]  }
0x366: {  	s9 =	sor.u32 $0x1870, s0;
	s0 =	simm.s32 $0xA280;
	s10 =	simm.s32 $0x880;
	v29 =	vld [tilespmem:s31+$0x2100];
	v62 =	vmul.f32 v37, v25;
	v63 =	vmul.f32 v55, v23;
	v33 =	vadd.f32 v33, v34;
	[tilespmem:s29+$0x40] =	vst v31  }
0x367: {  	s3 =	sor.u32 $0x1C60, s2;
	s12 =	sor.u32 $0x1870, s2;
	s13 =	sor.u32 $0x1860, s2;
	[tilespmem:s8+$0x70] =	vst v61;
	v32 =	vmul.f32 v30, v24;
	v30 =	vld [tilespmem:s25+$0x50]  }
0x368: {  	s11 =	sor.u32 $0x1C70, s2;
	s4 =	sor.u32 $0x1850, s2;
	s17 =	sor.u32 $0x1C50, s2;
	v34 =	vmul.f32 v58, v26;
	v35 =	vadd.f32 v63, v62;
	[tilespmem:s8+$0xFFFFFFE0] =	vst v33;
	v33 =	vmul.f32 v60, v20;
	v31 =	vld [tilespmem:s25+$0x450]  }
.LBB2_6:
0x369: {  	_ = 	snop  }
0x36a: {  	v36 =	vld [tilespmem:s6+$0x0];
	v32 =	vadd.f32 v32, v35  }
0x36b: {  	v42 =	vld [tilespmem:s25+$0x850]  }
0x36c: {  	v37 =	vld [tilespmem:s6+$0xFFFFFF80];
	v32 =	vadd.f32 v34, v32  }
0x36d: {  	v43 =	vld [tilespmem:s25+$0xC50];
	v27 =	vmul.f32 v27, v22  }
0x36e: {  	v44 =	vld [tilespmem:s19+$0x70];
	v30 =	vmul.f32 v30, v17;
	v31 =	vmul.f32 v31, v18;
	v32 =	vadd.f32 v33, v32  }
0x36f: {  	[dreg:$0x19] =	wrdreg s12;
	v38 =	vld [tilespmem:s25+$0x1050];
	v28 =	vmul.f32 v28, v21;
	v36 =	vmul.f32 $8.000000000e+00, v36  }
0x370: {  	[dreg:$0x7] =	wrdreg s13;
	v45 =	vld [tilespmem:s19+$0x470];
	s1 =	sadd.s32 $0x800, s1;
	s26 =	sadd.s32 $0x100, s26;
	v30 =	vadd.f32 v31, v30;
	v31 =	vmul.f32 v42, v11;
	v27 =	vadd.f32 v27, v32  }
0x371: {  	v47 =	vld [tilespmem:s25+$0x1450];
	s2 =	sor.u32 $0x1850, s24;
	s12 =	sand.u32 $0x2000, s1;
	s14 =	sadd.s32 $0x80, s26;
	v29 =	vmul.f32 v29, v19;
	(erf) = vrcp.f32 v36  }
0x372: {  	v48 =	vld [tilespmem:s2+$0x2100];
	s13 =	sand.u32 $0x300, s26;
	s15 =	sadd.s32 $0x2100, s12;
	s18 =	sand.u32 $0x380, s14;
	v27 =	vadd.f32 v28, v27;
	v28 =	vadd.f32 v31, v30;
	v30 =	vmul.f32 v43, v16  }
0x373: {  	s21 =	sadd.s32 s13, s15;
	s13 =	sadd.s32 s18, s15;
	v33 =	vmul.f32 v44, v9;
	v31 =	vld [tilespmem:s19+$0x870]  }
0x374: {  	[dreg:$0x17] =	wrdreg s11;
	s11 =	sor.u32 $0x1C50, s24;
	v50 =	vld [tilespmem:s13+$0x0];
	v9 =	vmovc v25;
	v25 =	vadd.f32 v29, v27;
	v27 =	vadd.f32 v30, v28;
	v28 =	vmul.f32 v38, v13  }
0x375: {  	v30 =	vld [tilespmem:s11+$0x2100]  }
0x376: {  	s22 =	sadd.s32 $0x100, s22;
	v29 =	vld [tilespmem:s19+$0xC70];
	[tilespmem:s29+$0xFFFFFFC0] =	vst v25;
	v25 =	vadd.f32 v28, v27;
	v27 =	vmul.f32 v47, v12  }
0x377: {  	v46 =	vmul.f32 $8.000000000e+00, v37;
	v32 =	vmul.f32 v45, v10;
	v10 =	vmov v23;
	v23 =	vld [tilespmem:s22+$0x0]  }
0x378: {  	v51 =	vld [tilespmem:s13+$0x1000];
	v49 =	vmul.f32 v31, v8;
	v8 =	vmovc v24;
	v24 =	vadd.f32 v27, v25;
	v25 =	vmul.f32 v48, v14  }
0x379: {  	v52 =	vld [tilespmem:s13+$0xC00];
	(erf) = vrcp.f32 v46;
	v33 =	vadd.f32 v32, v33  }
0x37a: {  	v28 =	vld [tilespmem:s22+$0xFFFFFF80];
	v24 =	vadd.f32 v25, v24;
	v25 =	vmul.f32 v30, v15  }
0x37b: {  	s30 =	sadd.s32 $0x1, s30;
	v27 =	vadd.f32 v49, v33;
	v29 =	vmul.f32 v29, v6;
	v6 =	vmov v26;
	v26 =	vld [tilespmem:s13+$0x400];
	v31 =	vpop (erf)  }
0x37c: {  	[dreg:$0xe] =	wrdreg s8;
	s8 =	sand.u32 $0x3, s30;
	v56 =	vld [tilespmem:s21+$0xC00];
	v31 =	vmul.f32 v31, v23;
	v24 =	vadd.f32 v25, v24  }
0x37d: {  	[dreg:$0x16] =	wrdreg s9;
	s9 =	sshll.u32 s8, $0x8;
	v27 =	vadd.f32 v29, v27;
	v29 =	vld [tilespmem:s13+$0x800]  }
0x37e: {  	s23 =	sadd.s32 s9, s1;
	v48 =	vld [tilespmem:s21+$0x400];
	v34 =	vbroadcast v31, $0x0;
	v35 =	vbroadcast v31, $0x1;
	[tilespmem:s29+$0x50] =	vst v24  }
0x37f: {  	s31 =	sor.u32 $0x1830, s23;
	v33 =	vbroadcast v31, $0x2;
	v39 =	vld [tilespmem:s25+$0x60]  }
0x380: {  	s28 =	sadd.s32 $0x2, s28;
	[dreg:$0x12] =	wrdreg s31;
	s31 =	sor.u32 $0x1860, s23;
	v24 =	vmul.f32 v34, v50;
	v26 =	vmul.f32 v35, v26;
	v41 =	vld [tilespmem:s25+$0x460]  }
0x381: {  	s9 =	sor.u32 $0x1C30, s23;
	[dreg:$0xc] =	wrdreg s31;
	s31 =	sand.u32 $0x7, s28;
	v30 =	vld [tilespmem:s21+$0x0]  }
0x382: {  	s10 =	sadd.s32 $0x800, s10;
	[dreg:$0x14] =	wrdreg s9;
	s9 =	sshll.u32 s31, $0x7;
	v23 =	vpop (erf);
	v40 =	vbroadcast v31, $0x3;
	v43 =	vld [tilespmem:s25+$0x860];
	v26 =	vadd.f32 v26, v24;
	v29 =	vmul.f32 v33, v29  }
0x383: {  	s9 =	sadd.s32 s9, s10;
	v28 =	vmul.f32 v23, v28;
	v36 =	vbroadcast v31, $0x4;
	v42 =	vld [tilespmem:s13+$0x1400]  }
0x384: {  	s31 =	sor.u32 $0x1800, s9;
	v37 =	vbroadcast v31, $0x5;
	v46 =	vld [tilespmem:s25+$0xC60];
	v26 =	vadd.f32 v26, v29;
	v29 =	vmul.f32 v52, v40  }
0x385: {  	v44 =	vld [tilespmem:s31+$0x2100];
	v39 =	vmul.f32 v39, v17;
	v41 =	vmul.f32 v41, v18  }
0x386: {  	v38 =	vbroadcast v31, $0x6;
	v45 =	vmul.f32 v51, v36;
	s31 =	sor.u32 $0x1C00, s9;
	v47 =	vld [tilespmem:s25+$0x1060];
	v26 =	vadd.f32 v26, v29  }
0x387: {  	v25 =	vbroadcast v28, $0x0;
	v29 =	vld [tilespmem:s31+$0x2100];
	v43 =	vmul.f32 v43, v11;
	v41 =	vadd.f32 v41, v39  }
0x388: {  	v23 =	vbroadcast v28, $0x1;
	v53 =	vld [tilespmem:s25+$0x1460];
	v42 =	vmul.f32 v42, v37;
	v26 =	vadd.f32 v26, v45  }
0x389: {  	v49 =	vld [tilespmem:s21+$0x800];
	v30 =	vmul.f32 v25, v30;
	v54 =	vmul.f32 v46, v16;
	s31 =	sor.u32 $0x1860, s24;
	v41 =	vadd.f32 v43, v41  }
0x38a: {  	v44 =	vmul.f32 v44, v38;
	v55 =	vld [tilespmem:s31+$0x2100];
	s31 =	sor.u32 $0x1C60, s24;
	v39 =	vbroadcast v31, $0x7;
	v31 =	vadd.f32 v26, v42  }
0x38b: {  	v58 =	vmul.f32 v23, v48;
	v57 =	vmul.f32 v47, v13;
	v59 =	vld [tilespmem:s31+$0x2100];
	v41 =	vadd.f32 v54, v41  }
0x38c: {  	v32 =	vld [tilespmem:s20+$0x50];
	v24 =	vbroadcast v28, $0x2;
	v29 =	vmul.f32 v29, v39;
	v44 =	vadd.f32 v31, v44  }
0x38d: {  	v50 =	vld [tilespmem:s21+$0x1000];
	v61 =	vadd.f32 v58, v30;
	v60 =	vmul.f32 v53, v12;
	v41 =	vadd.f32 v57, v41  }
0x38e: {  	s16 =	sor.u32 $0x1800, s23;
	v63 =	vld [tilespmem:s21+$0x1400];
	v62 =	vmul.f32 v24, v49;
	v26 =	vbroadcast v28, $0x3;
	v44 =	vadd.f32 v44, v29  }
0x38f: {  	s14 =	sor.u32 $0x1C00, s23;
	s29 =	sadd.s32 $0x100, s29;
	v51 =	vld [tilespmem:s16+$0x2100];
	v31 =	vbroadcast v28, $0x4;
	v52 =	vmul.f32 v55, v14;
	v41 =	vadd.f32 v60, v41  }
0x390: {  	v53 =	vadd.f32 v61, v62;
	v54 =	vmul.f32 v56, v26;
	v57 =	vmul.f32 v59, v15;
	v59 =	vld [tilespmem:s14+$0x2100];
	[tilespmem:s29+$0x0] =	vst v44  }
0x391: {  	v55 =	vld [tilespmem:s13+$0x10];
	v41 =	vadd.f32 v52, v41  }
0x392: {  	v30 =	vbroadcast v28, $0x5;
	v43 =	vadd.f32 v53, v54;
	v58 =	vmul.f32 v50, v31;
	v56 =	vld [tilespmem:s13+$0x410]  }
0x393: {  	v61 =	vld [tilespmem:s13+$0x810];
	v41 =	vadd.f32 v57, v41  }
0x394: {  	v29 =	vbroadcast v28, $0x6;
	v60 =	vmul.f32 v63, v30;
	v62 =	vadd.f32 v43, v58;
	v53 =	vld [tilespmem:s13+$0xC10]  }
0x395: {  	v52 =	vld [tilespmem:s13+$0x1010];
	[tilespmem:s0+$0x60] =	vst v41  }
0x396: {  	v28 =	vbroadcast v28, $0x7;
	v63 =	vmul.f32 v51, v29;
	v54 =	vadd.f32 v62, v60;
	v57 =	vld [tilespmem:s25+$0x70]  }
0x397: {  	v55 =	vmul.f32 v55, v34;
	v56 =	vmul.f32 v56, v35;
	v58 =	vld [tilespmem:s25+$0x470]  }
0x398: {  	v47 =	vmul.f32 v59, v28;
	v41 =	vadd.f32 v54, v63;
	v60 =	vld [tilespmem:s13+$0x1410]  }
0x399: {  	s16 =	sor.u32 $0x1810, s9;
	v59 =	vmul.f32 v61, v33;
	v61 =	vld [tilespmem:s25+$0x870];
	v42 =	vadd.f32 v56, v55  }
0x39a: {  	v63 =	vld [tilespmem:s16+$0x2100];
	v41 =	vadd.f32 v41, v47  }
0x39b: {  	s31 =	sor.u32 $0x1C10, s9;
	v62 =	vmul.f32 v53, v40;
	v44 =	vmul.f32 v52, v36;
	v52 =	vld [tilespmem:s25+$0xC70];
	v42 =	vadd.f32 v59, v42  }
0x39c: {  	v54 =	vld [tilespmem:s31+$0x2100];
	[tilespmem:s29+$0xFFFFFF80] =	vst v41  }
0x39d: {  	v49 =	vld [tilespmem:s21+$0x410];
	v53 =	vadd.f32 v62, v42  }
0x39e: {  	v55 =	vmul.f32 v57, v17;
	v56 =	vmul.f32 v58, v18;
	v57 =	vld [tilespmem:s25+$0x1070]  }
0x39f: {  	v45 =	vmul.f32 v60, v37;
	v58 =	vld [tilespmem:s21+$0x10];
	v59 =	vadd.f32 v44, v53  }
0x3a0: {  	v61 =	vmul.f32 v61, v11;
	v62 =	vmul.f32 v63, v38;
	v63 =	vld [tilespmem:s25+$0x1470];
	v60 =	vadd.f32 v56, v55  }
0x3a1: {  	s16 =	sor.u32 $0x1870, s24;
	v18 =	vmov v35;
	v53 =	vld [tilespmem:s21+$0x810];
	v35 =	vadd.f32 v45, v59  }
0x3a2: {  	v50 =	vmul.f32 v52, v16;
	v52 =	vld [tilespmem:s16+$0x2100];
	v41 =	vadd.f32 v61, v60  }
0x3a3: {  	s31 =	sor.u32 $0x1C70, s24;
	v11 =	vmovc v33;
	v51 =	vmul.f32 v54, v39;
	v55 =	vmul.f32 v57, v13;
	v57 =	vld [tilespmem:s21+$0xC10];
	v33 =	vadd.f32 v62, v35  }
0x3a4: {  	v17 =	vmovc v34;
	v56 =	vld [tilespmem:s31+$0x2100];
	v59 =	vmul.f32 v49, v23;
	v34 =	vmul.f32 v58, v25;
	v54 =	vadd.f32 v50, v41  }
0x3a5: {  	v60 =	vld [tilespmem:s21+$0x1010];
	v58 =	vmul.f32 v63, v12;
	v33 =	vadd.f32 v51, v33  }
0x3a6: {  	s12 =	sor.u32 $0x1810, s23;
	v61 =	vld [tilespmem:s21+$0x1410];
	v34 =	vadd.f32 v59, v34;
	v45 =	vmul.f32 v53, v24;
	v35 =	vadd.f32 v55, v54  }
0x3a7: {  	s25 =	smov.u32 s13;
	v63 =	vmul.f32 v52, v14;
	v50 =	vld [tilespmem:s12+$0x2100];
	[tilespmem:s29+$0x10] =	vst v33  }
0x3a8: {  	v34 =	vadd.f32 v45, v34;
	v62 =	vadd.f32 v58, v35;
	v49 =	vmul.f32 v57, v26;
	v46 =	vld [tilespmem:s25+$0x20]  }
0x3a9: {  	s11 =	sor.u32 $0x1C10, s23;
	v48 =	vmul.f32 v56, v15;
	v47 =	vld [tilespmem:s25+$0x420]  }
0x3aa: {  	v54 =	vld [tilespmem:s11+$0x2100];
	v51 =	vmul.f32 v60, v31;
	v33 =	vadd.f32 v63, v62;
	v34 =	vadd.f32 v49, v34  }
0x3ab: {  	v52 =	vld [tilespmem:s25+$0x820]  }
0x3ac: {  	v59 =	vld [tilespmem:s20+$0x450];
	v53 =	vmul.f32 v61, v30;
	v33 =	vadd.f32 v48, v33;
	v56 =	vadd.f32 v51, v34  }
0x3ad: {  	v12 =	vmov v37;
	v55 =	vld [tilespmem:s25+$0xC20];
	v37 =	vmul.f32 v50, v29  }
0x3ae: {  	v62 =	vld [tilespmem:s20+$0x850];
	[tilespmem:s0+$0x70] =	vst v33;
	v57 =	vmul.f32 v46, v17;
	v58 =	vmul.f32 v47, v18;
	v33 =	vadd.f32 v53, v56  }
0x3af: {  	v13 =	vmov v36;
	v36 =	vmul.f32 v54, v28;
	v60 =	vld [tilespmem:s25+$0x1020]  }
0x3b0: {  	v49 =	vld [tilespmem:s20+$0x1050];
	v61 =	vmul.f32 v52, v11;
	v34 =	vadd.f32 v58, v57;
	v33 =	vadd.f32 v37, v33  }
0x3b1: {  	s24 =	smov.u32 s9;
	v16 =	vmov v40;
	v63 =	vld [tilespmem:s25+$0x1420]  }
0x3b2: {  	s9 =	sor.u32 $0x1820, s24;
	v45 =	vmul.f32 v55, v16;
	v46 =	vld [tilespmem:s20+$0xC50];
	v34 =	vadd.f32 v61, v34;
	v33 =	vadd.f32 v36, v33  }
0x3b3: {  	s12 =	sor.u32 $0x1C20, s24;
	v47 =	vld [tilespmem:s9+$0x2100]  }
0x3b4: {  	v50 =	vld [tilespmem:s12+$0x2100];
	v34 =	vadd.f32 v45, v34;
	v48 =	vmul.f32 v60, v13;
	[tilespmem:s29+$0xFFFFFF90] =	vst v33  }
0x3b5: {  	v53 =	vld [tilespmem:s20+$0x1450]  }
0x3b6: {  	v52 =	vmul.f32 v63, v12;
	v54 =	vld [tilespmem:s21+$0x20];
	v51 =	vadd.f32 v48, v34  }
0x3b7: {  	v14 =	vmov v38;
	v55 =	vld [tilespmem:s21+$0x420]  }
0x3b8: {  	v56 =	vmul.f32 v47, v14;
	v57 =	vld [tilespmem:s21+$0x820];
	v33 =	vadd.f32 v52, v51  }
0x3b9: {  	v15 =	vmov v39;
	v58 =	vld [tilespmem:s21+$0xC20]  }
0x3ba: {  	v39 =	vmul.f32 v59, v10;
	v59 =	vmul.f32 v50, v15;
	v60 =	vld [tilespmem:s21+$0x1020];
	v33 =	vadd.f32 v56, v33  }
0x3bb: {  	s8 =	sor.u32 $0x1820, s23;
	v32 =	vmul.f32 v32, v9;
	v38 =	vmul.f32 v62, v8;
	v62 =	vld [tilespmem:s21+$0x1420]  }
0x3bc: {  	[dreg:$0x10] =	wrdreg s7;
	s7 =	sor.u32 $0x1C20, s23;
	v44 =	vld [tilespmem:s8+$0x2100];
	v61 =	vmul.f32 v54, v25;
	v63 =	vmul.f32 v55, v23;
	v33 =	vadd.f32 v59, v33  }
0x3bd: {  	v32 =	vadd.f32 v39, v32;
	v37 =	vmul.f32 v46, v6;
	v46 =	vld [tilespmem:s7+$0x2100]  }
0x3be: {  	v35 =	vmul.f32 v53, v22;
	v45 =	vmul.f32 v57, v24;
	v53 =	vld [tilespmem:s4+$0x2100];
	v47 =	vadd.f32 v63, v61;
	[tilespmem:s29+$0x20] =	vst v33  }
0x3bf: {  	v32 =	vadd.f32 v38, v32;
	v36 =	vmul.f32 v49, v20;
	v49 =	vld [tilespmem:s25+$0x30]  }
0x3c0: {  	v48 =	vmul.f32 v58, v26;
	v33 =	vadd.f32 v45, v47;
	v51 =	vld [tilespmem:s25+$0x430]  }
0x3c1: {  	v32 =	vadd.f32 v37, v32;
	v56 =	vld [tilespmem:s17+$0x2100]  }
0x3c2: {  	v50 =	vmul.f32 v60, v31;
	v54 =	vld [tilespmem:s25+$0x830];
	v33 =	vadd.f32 v48, v33  }
0x3c3: {  	v32 =	vadd.f32 v36, v32;
	v52 =	vmul.f32 v62, v30  }
0x3c4: {  	v38 =	vmul.f32 v44, v29;
	v57 =	vld [tilespmem:s25+$0xC30];
	v39 =	vmul.f32 v53, v21;
	v33 =	vadd.f32 v50, v33  }
0x3c5: {  	v32 =	vadd.f32 v35, v32;
	v59 =	vld [tilespmem:s19+$0x1070];
	v36 =	vmul.f32 v49, v17;
	v58 =	vmul.f32 v51, v18  }
0x3c6: {  	s18 =	sor.u32 $0x1C40, s23;
	v55 =	vmul.f32 v46, v28;
	v60 =	vld [tilespmem:s25+$0x1030];
	v46 =	vmul.f32 v56, v19;
	v33 =	vadd.f32 v52, v33  }
0x3c7: {  	[dreg:$0x4] =	wrdreg s18;
	v63 =	vld [tilespmem:s19+$0x1470];
	v32 =	vadd.f32 v39, v32;
	v62 =	vmul.f32 v54, v11;
	v61 =	vadd.f32 v58, v36  }
0x3c8: {  	s18 =	sor.u32 $0x1C60, s23;
	s14 =	rddreg [dreg:$0x16];
	v45 =	vld [tilespmem:s25+$0x1430];
	v33 =	vadd.f32 v38, v33  }
0x3c9: {  	[dreg:$0xa] =	wrdreg s18;
	s18 =	sor.u32 $0x1870, s23;
	s13 =	sor.u32 $0x1830, s24;
	v48 =	vld [tilespmem:s14+$0x2100];
	v32 =	vadd.f32 v46, v32;
	v47 =	vmul.f32 v57, v16;
	v35 =	vadd.f32 v62, v61  }
0x3ca: {  	s12 =	smov.u32 s18;
	s18 =	rddreg [dreg:$0x10];
	v50 =	vmul.f32 v59, v3;
	v3 =	vmovc v20;
	v20 =	vmov v31;
	v49 =	vld [tilespmem:s13+$0x2100];
	v31 =	vadd.f32 v55, v33  }
0x3cb: {  	s16 =	sor.u32 $0x1C30, s24;
	v53 =	vld [tilespmem:s18+$0x2100];
	v52 =	vmul.f32 v60, v13;
	[tilespmem:s0+$0xFFFFFFD0] =	vst v32;
	v51 =	vadd.f32 v47, v35  }
0x3cc: {  	s19 =	smov.u32 s20;
	s20 =	smov.u32 s21;
	v54 =	vld [tilespmem:s16+$0x2100];
	v27 =	vadd.f32 v50, v27;
	v55 =	vmul.f32 v63, v4;
	[tilespmem:s29+$0xFFFFFFA0] =	vst v31  }
0x3cd: {  	v4 =	vmovc v22;
	v22 =	vmov v30;
	v31 =	vmul.f32 v45, v12;
	v57 =	vld [tilespmem:s20+$0x30];
	v30 =	vadd.f32 v52, v51  }
0x3ce: {  	v58 =	vmul.f32 v48, v5;
	v5 =	vmovc v21;
	v21 =	vmov v29;
	v27 =	vadd.f32 v55, v27;
	v29 =	vld [tilespmem:s20+$0x430]  }
0x3cf: {  	v56 =	vld [tilespmem:s19+$0x60];
	v30 =	vadd.f32 v31, v30;
	v31 =	vmul.f32 v49, v14  }
0x3d0: {  	v60 =	vmul.f32 v53, v7;
	v59 =	vld [tilespmem:s20+$0x830];
	v27 =	vadd.f32 v58, v27  }
0x3d1: {  	v7 =	vmovc v19;
	v19 =	vmov v28;
	v28 =	vld [tilespmem:s20+$0xC30];
	v30 =	vadd.f32 v31, v30;
	v31 =	vmul.f32 v54, v15  }
0x3d2: {  	s31 =	rddreg [dreg:$0x12];
	v61 =	vld [tilespmem:s20+$0x1030];
	v27 =	vadd.f32 v60, v27  }
0x3d3: {  	s8 =	rddreg [dreg:$0xe];
	v63 =	vld [tilespmem:s20+$0x1430];
	v62 =	vmul.f32 v57, v25;
	v29 =	vmul.f32 v29, v23;
	v30 =	vadd.f32 v31, v30  }
0x3d4: {  	s13 =	rddreg [dreg:$0x14];
	v31 =	vld [tilespmem:s31+$0x2100];
	[tilespmem:s8+$0xFFFFFFF0] =	vst v27  }
0x3d5: {  	v27 =	vmul.f32 v59, v24;
	v29 =	vadd.f32 v29, v62;
	v40 =	vld [tilespmem:s13+$0x2100];
	[tilespmem:s29+$0x30] =	vst v30  }
0x3d6: {  	v30 =	vld [tilespmem:s25+$0x40]  }
0x3d7: {  	v28 =	vmul.f32 v28, v26;
	v27 =	vadd.f32 v27, v29;
	v42 =	vld [tilespmem:s25+$0x440]  }
0x3d8: {  	v43 =	vld [tilespmem:s19+$0x460]  }
0x3d9: {  	v41 =	vmul.f32 v61, v20;
	v44 =	vld [tilespmem:s25+$0x840];
	v27 =	vadd.f32 v28, v27  }
0x3da: {  	v45 =	vld [tilespmem:s19+$0x860]  }
0x3db: {  	v33 =	vmul.f32 v56, v9;
	v29 =	vmul.f32 v63, v22;
	v46 =	vld [tilespmem:s25+$0xC40];
	v27 =	vadd.f32 v41, v27  }
0x3dc: {  	v48 =	vld [tilespmem:s19+$0xC60];
	v30 =	vmul.f32 v30, v17;
	v47 =	vmul.f32 v42, v18  }
0x3dd: {  	v49 =	vld [tilespmem:s25+$0x1040];
	v31 =	vmul.f32 v31, v21;
	v34 =	vmul.f32 v43, v10;
	v27 =	vadd.f32 v29, v27  }
0x3de: {  	s15 =	sor.u32 $0x1840, s23;
	v50 =	vld [tilespmem:s19+$0x1060];
	v28 =	vmul.f32 v40, v19;
	v29 =	vadd.f32 v47, v30;
	v30 =	vmul.f32 v44, v11  }
0x3df: {  	[dreg:$0x6] =	wrdreg s15;
	s15 =	sor.u32 $0x1850, s23;
	s14 =	sor.u32 $0x1840, s24;
	v51 =	vld [tilespmem:s25+$0x1440];
	v52 =	vmul.f32 v45, v8;
	v33 =	vadd.f32 v34, v33;
	v27 =	vadd.f32 v31, v27  }
0x3e0: {  	s4 =	smov.u32 s15;
	s15 =	rddreg [dreg:$0x19];
	v53 =	vld [tilespmem:s14+$0x2100];
	v29 =	vadd.f32 v30, v29;
	v30 =	vmul.f32 v46, v16  }
0x3e1: {  	s9 =	smov.u32 s15;
	s15 =	sor.u32 $0x1C40, s24;
	v54 =	vmul.f32 v48, v6;
	v31 =	vld [tilespmem:s19+$0x1460];
	v33 =	vadd.f32 v52, v33;
	v27 =	vadd.f32 v28, v27  }
0x3e2: {  	s16 =	rddreg [dreg:$0x7];
	v55 =	vld [tilespmem:s15+$0x2100];
	v28 =	vadd.f32 v30, v29;
	v29 =	vmul.f32 v49, v13  }
0x3e3: {  	v32 =	vmul.f32 v50, v3;
	v33 =	vadd.f32 v54, v33;
	v30 =	vld [tilespmem:s16+$0x2100];
	[tilespmem:s29+$0xFFFFFFB0] =	vst v27  }
0x3e4: {  	v56 =	vld [tilespmem:s20+$0x40];
	v27 =	vadd.f32 v29, v28;
	v28 =	vmul.f32 v51, v12  }
0x3e5: {  	v32 =	vadd.f32 v32, v33;
	v29 =	vld [tilespmem:s3+$0x2100]  }
0x3e6: {  	v31 =	vmul.f32 v31, v4;
	v57 =	vld [tilespmem:s20+$0x440];
	v27 =	vadd.f32 v28, v27;
	v28 =	vmul.f32 v53, v14  }
0x3e7: {  	v60 =	vmul.f32 v55, v15;
	v58 =	vld [tilespmem:s20+$0x840]  }
0x3e8: {  	s5 =	sadd.s32 $0x2, s5;
	s2 =	sor.u32 $0x1C50, s23;
	s23 =	sor.u32 $0x1C70, s23;
	v59 =	vld [tilespmem:s20+$0xC40];
	v31 =	vadd.f32 v31, v32;
	v30 =	vmul.f32 v30, v5;
	v28 =	vadd.f32 v28, v27  }
0x3e9: {  	p2 =	slt.u32 s5, $0xE;
	s11 =	smov.u32 s23;
	s23 =	rddreg [dreg:$0x6];
	v61 =	vld [tilespmem:s20+$0x1040]  }
.Ltmp2:
0x3ea: {  	s21 =	rddreg [dreg:$0x17];
	v27 =	vld [tilespmem:s20+$0x1440];
	v30 =	vadd.f32 v30, v31;
	v29 =	vmul.f32 v29, v7;
	v62 =	vadd.f32 v60, v28;
	(pc) =	sbr.rel @p2 .LBB2_6-.Ltmp2, $4  }
0x3eb: {  	s31 =	rddreg [dreg:$0x4];
	v28 =	vld [tilespmem:s23+$0x2100]  }
0x3ec: {  	s6 =	sadd.s32 $0x100, s6;
	s7 =	smov.u32 s21;
	s21 =	rddreg [dreg:$0xa];
	v33 =	vmul.f32 v57, v23;
	v31 =	vmul.f32 v56, v25;
	v63 =	vadd.f32 v29, v30;
	v29 =	vld [tilespmem:s31+$0x2100];
	[tilespmem:s29+$0x40] =	vst v62  }
0x3ed: {  	s17 =	smov.u32 s2;
	s18 =	rddreg [dreg:$0xc];
	s8 =	smov.u32 s0;
	v32 =	vmul.f32 v58, v24;
	v30 =	vld [tilespmem:s25+$0x50]  }
0x3ee: {  	s0 =	smov.u32 s29;
	s13 =	smov.u32 s18;
	s3 =	smov.u32 s21;
	v34 =	vmul.f32 v59, v26;
	v35 =	vadd.f32 v33, v31;
	v33 =	vmul.f32 v61, v20;
	[tilespmem:s8+$0xFFFFFFE0] =	vst v63;
	v31 =	vld [tilespmem:s25+$0x450]  }
0x3ef: {  	_ = 	snop  }
0x3f0: {  	v32 =	vadd.f32 v32, v35;
	_ =	sdelay $0x1  }
0x3f1: {  	v32 =	vadd.f32 v34, v32;
	_ =	sdelay $0x1  }
0x3f2: {  	v27 =	vmul.f32 v27, v22;
	v32 =	vadd.f32 v33, v32;
	_ =	sdelay $0x1  }
0x3f3: {  	v28 =	vmul.f32 v28, v21;
	v27 =	vadd.f32 v27, v32;
	_ =	sdelay $0x1  }
0x3f4: {  	v29 =	vmul.f32 v29, v19;
	v27 =	vadd.f32 v28, v27;
	_ =	sdelay $0x1  }
0x3f5: {  	v27 =	vadd.f32 v29, v27  }
0x3f6: {  	v63 =	vld [tilespmem:s25+$0x850]  }
0x3f7: {  	v36 =	vld [tilespmem:s25+$0xC50];
	[tilespmem:s29+$0xFFFFFFC0] =	vst v27  }
0x3f8: {  	v27 =	vld [tilespmem:s20+$0x50]  }
0x3f9: {  	v30 =	vmul.f32 v30, v17;
	v31 =	vmul.f32 v31, v18;
	v40 =	vld [tilespmem:s20+$0x450]  }
0x3fa: {  	v37 =	vld [tilespmem:s25+$0x1050]  }
0x3fb: {  	v38 =	vmul.f32 v63, v11;
	v30 =	vadd.f32 v31, v30;
	v42 =	vld [tilespmem:s20+$0x850]  }
0x3fc: {  	v39 =	vld [tilespmem:s25+$0x1450]  }
0x3fd: {  	s1 =	sor.u32 $0x1850, s24;
	v30 =	vadd.f32 v38, v30;
	v28 =	vmul.f32 v36, v16;
	v45 =	vld [tilespmem:s20+$0xC50]  }
0x3fe: {  	v41 =	vld [tilespmem:s1+$0x2100];
	v27 =	vmul.f32 v27, v25;
	v31 =	vmul.f32 v40, v23  }
0x3ff: {  	s16 =	sor.u32 $0x1C50, s24;
	v28 =	vadd.f32 v28, v30;
	v47 =	vld [tilespmem:s20+$0x1050]  }
0x400: {  	v43 =	vld [tilespmem:s16+$0x2100];
	v29 =	vmul.f32 v37, v13;
	v30 =	vmul.f32 v42, v24;
	v27 =	vadd.f32 v31, v27  }
0x401: {  	v44 =	vmul.f32 v39, v12;
	v49 =	vld [tilespmem:s20+$0x1450]  }
0x402: {  	v28 =	vadd.f32 v29, v28;
	v50 =	vmul.f32 v45, v26;
	v27 =	vadd.f32 v30, v27  }
0x403: {  	v46 =	vmul.f32 v41, v14;
	v51 =	vld [tilespmem:s4+$0x2100]  }
0x404: {  	v28 =	vadd.f32 v44, v28;
	v52 =	vmul.f32 v47, v20;
	v27 =	vadd.f32 v50, v27  }
0x405: {  	v48 =	vmul.f32 v43, v15;
	v53 =	vld [tilespmem:s17+$0x2100]  }
0x406: {  	v28 =	vadd.f32 v46, v28;
	v55 =	vmul.f32 v49, v22;
	v27 =	vadd.f32 v52, v27;
	_ =	sdelay $0x1  }
0x407: {  	v28 =	vadd.f32 v48, v28;
	v57 =	vmul.f32 v51, v21;
	v27 =	vadd.f32 v55, v27;
	_ =	sdelay $0x1  }
0x408: {  	[tilespmem:s29+$0x50] =	vst v28;
	v28 =	vmul.f32 v53, v19;
	v27 =	vadd.f32 v57, v27  }
0x409: {  	v54 =	vld [tilespmem:s25+$0x60]  }
0x40a: {  	v56 =	vld [tilespmem:s25+$0x460];
	v27 =	vadd.f32 v28, v27  }
0x40b: {  	v58 =	vld [tilespmem:s25+$0x860]  }
0x40c: {  	v59 =	vld [tilespmem:s25+$0xC60];
	[tilespmem:s0+$0xFFFFFFD0] =	vst v27  }
0x40d: {  	v27 =	vld [tilespmem:s20+$0x60]  }
0x40e: {  	v63 =	vld [tilespmem:s20+$0x460]  }
0x40f: {  	v30 =	vmul.f32 v54, v17;
	v31 =	vmul.f32 v56, v18  }
0x410: {  	v37 =	vld [tilespmem:s20+$0x860]  }
0x411: {  	v60 =	vld [tilespmem:s25+$0x1060];
	v61 =	vmul.f32 v58, v11;
	v30 =	vadd.f32 v31, v30  }
0x412: {  	v29 =	vmul.f32 v59, v16;
	v40 =	vld [tilespmem:s20+$0xC60]  }
0x413: {  	v62 =	vld [tilespmem:s25+$0x1460];
	v30 =	vadd.f32 v61, v30;
	v27 =	vmul.f32 v27, v25;
	v31 =	vmul.f32 v63, v23  }
0x414: {  	s17 =	sor.u32 $0x1860, s24;
	v42 =	vld [tilespmem:s20+$0x1060]  }
0x415: {  	v36 =	vld [tilespmem:s17+$0x2100];
	v29 =	vadd.f32 v29, v30;
	v30 =	vmul.f32 v37, v24;
	v27 =	vadd.f32 v31, v27  }
0x416: {  	s18 =	sor.u32 $0x1C60, s24;
	v28 =	vmul.f32 v60, v13;
	v43 =	vld [tilespmem:s20+$0x1460]  }
0x417: {  	v38 =	vld [tilespmem:s18+$0x2100];
	v45 =	vmul.f32 v40, v26;
	v27 =	vadd.f32 v30, v27  }
0x418: {  	v39 =	vmul.f32 v62, v12;
	v28 =	vadd.f32 v28, v29;
	v46 =	vld [tilespmem:s13+$0x2100]  }
0x419: {  	v49 =	vld [tilespmem:s19+$0x70];
	v48 =	vmul.f32 v42, v20;
	v27 =	vadd.f32 v45, v27  }
0x41a: {  	v41 =	vmul.f32 v36, v14;
	v47 =	vld [tilespmem:s3+$0x2100];
	v28 =	vadd.f32 v39, v28  }
0x41b: {  	v50 =	vld [tilespmem:s19+$0x470];
	v51 =	vmul.f32 v43, v22;
	v27 =	vadd.f32 v48, v27  }
0x41c: {  	v44 =	vmul.f32 v38, v15;
	v59 =	vld [tilespmem:s19+$0xC70];
	v28 =	vadd.f32 v41, v28  }
0x41d: {  	v39 =	vld [tilespmem:s19+$0x1470];
	v54 =	vmul.f32 v46, v21;
	v27 =	vadd.f32 v51, v27  }
0x41e: {  	v28 =	vadd.f32 v44, v28;
	v37 =	vld [tilespmem:s19+$0x870]  }
0x41f: {  	v57 =	vmul.f32 v47, v19;
	v63 =	vld [tilespmem:s19+$0x1070];
	v27 =	vadd.f32 v54, v27  }
0x420: {  	v44 =	vld [tilespmem:s9+$0x2100];
	[tilespmem:s0+$0x60] =	vst v28  }
0x421: {  	v52 =	vld [tilespmem:s25+$0x70];
	v27 =	vadd.f32 v57, v27  }
0x422: {  	v53 =	vld [tilespmem:s25+$0x470]  }
0x423: {  	v55 =	vld [tilespmem:s25+$0x870];
	[tilespmem:s0+$0xFFFFFFE0] =	vst v27  }
0x424: {  	v27 =	vld [tilespmem:s20+$0x70]  }
0x425: {  	v38 =	vld [tilespmem:s20+$0x470]  }
0x426: {  	v56 =	vld [tilespmem:s25+$0xC70]  }
0x427: {  	v9 =	vmul.f32 v49, v9;
	v62 =	vld [tilespmem:s20+$0x870]  }
0x428: {  	v10 =	vmul.f32 v50, v10;
	v58 =	vld [tilespmem:s25+$0x1070];
	v8 =	vmul.f32 v37, v8  }
0x429: {  	v60 =	vmul.f32 v52, v17;
	v61 =	vmul.f32 v53, v18;
	v37 =	vld [tilespmem:s20+$0xC70]  }
0x42a: {  	v9 =	vadd.f32 v10, v9;
	v36 =	vld [tilespmem:s25+$0x1470];
	v40 =	vmul.f32 v27, v25;
	v41 =	vmul.f32 v38, v23  }
0x42b: {  	s21 =	sor.u32 $0x1870, s24;
	v6 =	vmul.f32 v59, v6;
	v33 =	vmul.f32 v55, v11;
	v17 =	vadd.f32 v61, v60;
	v43 =	vld [tilespmem:s20+$0x1070]  }
0x42c: {  	v28 =	vld [tilespmem:s21+$0x2100];
	v8 =	vadd.f32 v8, v9;
	v45 =	vmul.f32 v62, v24;
	v9 =	vadd.f32 v41, v40  }
0x42d: {  	v3 =	vmul.f32 v63, v3;
	v42 =	vmul.f32 v56, v16;
	v11 =	vadd.f32 v33, v17;
	v46 =	vld [tilespmem:s20+$0x1470]  }
0x42e: {  	v48 =	vld [tilespmem:s7+$0x2100];
	v6 =	vadd.f32 v6, v8;
	v50 =	vmul.f32 v37, v26;
	v9 =	vadd.f32 v45, v9  }
0x42f: {  	s22 =	sor.u32 $0x1C70, s24;
	v4 =	vmul.f32 v39, v4;
	v49 =	vmul.f32 v58, v13;
	v47 =	vadd.f32 v42, v11;
	v51 =	vld [tilespmem:s12+$0x2100]  }
0x430: {  	v52 =	vld [tilespmem:s22+$0x2100];
	v3 =	vadd.f32 v3, v6;
	v53 =	vmul.f32 v43, v20;
	v9 =	vadd.f32 v50, v9  }
0x431: {  	v55 =	vmul.f32 v36, v12;
	v56 =	vmul.f32 v44, v5;
	v8 =	vadd.f32 v49, v47;
	v54 =	vld [tilespmem:s11+$0x2100]  }
0x432: {  	v3 =	vadd.f32 v4, v3;
	v58 =	vmul.f32 v46, v22;
	v57 =	vadd.f32 v53, v9  }
0x433: {  	v59 =	vmul.f32 v28, v14;
	v60 =	vmul.f32 v48, v7;
	v8 =	vadd.f32 v55, v8  }
0x434: {  	v3 =	vadd.f32 v56, v3;
	v61 =	vmul.f32 v51, v21;
	v5 =	vadd.f32 v58, v57  }
0x435: {  	v6 =	vmul.f32 v52, v15;
	v8 =	vadd.f32 v59, v8  }
0x436: {  	v3 =	vadd.f32 v60, v3;
	v63 =	vmul.f32 v54, v19;
	v62 =	vadd.f32 v61, v5  }
0x437: {  	v6 =	vadd.f32 v6, v8  }
0x438: {  	[tilespmem:s8+$0xFFFFFFF0] =	vst v3;
	v3 =	vadd.f32 v63, v62  }
0x439: {  	s23 =	rddreg [dreg:$0x1];
	s2 =	simm.s32 $0xA100;
	[tilespmem:s0+$0x70] =	vst v6  }
0x43a: {  	s24 =	simm.s32 $0x80;
	s4 =	simm.s32 $0x3;
	s25 =	simm.s32 $0x10;
	[tilespmem:s0+$0xFFFFFFF0] =	vst v3  }
0x43b: {  	[spmem:s23] =	stream.indirect.scatter.add.f32 [tilespmem:s2], [sflag:$0x3], $0x80, s24, s25, $0xb8;
	[tilespmem:$0x1E980] =	vst v63  }
0x43c: {  	_ =	swait.ge [sflag:s4], $0x800  }
0x43d: {  	[sflag:s4] =	ssyncset.done $0x0  }
0x43e: {  	[sflag:s4] =	ssyncadd.s32 $0xFFFFF800  }
0x43f: {  	[bflag:$0x0] =	sbarrier.arrive $0xFFFF  }
0x440: {  	s28 =	sld [smem:$0x7F8]  }
0x441: {  	s26 =	stileid.u32;
	s29 =	sld [smem:$0x7FC]  }
0x442: {  	s0 =	sshll.u32 s26, $0x6  }
0x443: {  	s0 =	sor.u32 $0x1C03, s0  }
0x444: {  	[hbm:s28], [sflag:s0] =	dma.local [spmem:s29], $0x2700  }
0x445: {  	_ =	swait.ge [sflag:s4], $0x2700  }
0x446: {  	s1 =	sld [smem:$0x7F9]  }
0x447: {  	s2 =	sld [smem:$0x7FD]  }
0x448: {  	[sflag:s4] =	ssyncset.done $0x0  }
0x449: {  	[sflag:s4] =	ssyncadd.s32 $0xFFFFD900  }
0x44a: {  	[hbm:s1], [sflag:s0] =	dma.local @!p1 [spmem:s2], $0x100  }
0x44b: {  	s0 =	simm.s32 @!p1 $0x3  }
0x44c: {  	_ =	swait.ge @!p1 [sflag:s0], $0x100  }
0x44d: {  	s31 =	sld [smem:$0x7FA]  }
0x44e: {  	s30 =	rddreg [dreg:$0x1b]  }
0x44f: {  	s8 =	sadd.s32 $0x1, s30  }
0x450: {  	p2 =	sne.s32 s8, s31  }
.Ltmp3:
0x451: {  	_ = 	snop;
	(pc) =	sbr.rel @p2 .LBB2_1-.Ltmp3, $3  }
0x452: {  	_ =	sdelay $0x1  }
0x453: {  	[sflag:s0] =	ssyncset.done @!p1 $0x0  }
0x454: {  	s5 =	simm.s32 $0x20;
	[sflag:s0] =	ssyncadd.s32 @!p1 $0xFFFFFF00  }
0x455: {  	_ =	sfence.sel $0x180000  }
0x456: {  	[bflag:$0x0] =	sbarrier.arrive $0xFFFF  }
0x457: {  	_ =	strace $0x90000050  }
0x458: {  	[bflag:$0x2] =	sbarrier.arrive $0xFFFF  }
0x459: {  	s0 =	rddreg [dreg:$0x2]  }
0x45a: {  	s0 =	sadd.s32 @!p0 $0x100000, s0  }
0x45b: {  	[sflag:s0] =	ssyncadd.tile.s32 @!p0 $0x1;
	_ =	shalt  }
.Lfunc_end2:
_tile_overlayer_lowered:
.L_overlay_start_2:
0x45c: {  	(tag) =	ssettag $0x2  }
0x45d: {  	s0 =	rddreg [dreg:$0x0];
	s2 =	stileid.u32  }
0x45e: {  	s1 =	rddreg [dreg:$0x1];
	p0 =	sne.s32 s2, $0x0  }
0x45f: {  	s3 =	rddreg [dreg:$0x2];
	[bflag:$0x3] =	sbarrier.arrive $0xFFFF;
	s2 =	simm.s32 @!p0 $0x1C03  }
0x460: {  	[timem:s3], [sflag:s2] =	dma.local @!p0 [hbm:s0], s1  }
0x461: {  	s0 =	simm.s32 @!p0 $0x3  }
0x462: {  	_ =	swait.ge @!p0 [sflag:s0], s1  }
0x463: {  	s1 =	ssub.s32 @!p0 $0x0, s1;
	[sflag:s0] =	ssyncset.done @!p0 $0x0  }
0x464: {  	[sflag:s0] =	ssyncadd.s32 @!p0 s1  }
0x465: {  	[bflag:$0x3] =	sbarrier.arrive $0xFFFF  }
0x466: {  	_ =	shalt  }

</sc_bundles>
